<compile_context>
chip_gen: v7x
topology: tpu7x:2x2x1
jax: 0.10.2.dev20260603
libtpu: 0.0.44.dev20260713+nightly
codegen_flags: <defaults>
</compile_context>

<pallas_src>
import functools

import jax
import jax.numpy as jnp
from jax import lax
from jax.experimental import pallas as pl
from jax.experimental.pallas import tpu as pltpu
from jax.experimental.pallas import tpu_sc as plsc

_D = 64
_N = 1000000
_B = 16384
_CW = 512
_NFULL = _N // _CW
_TAIL = _N - _NFULL * _CW
_PAD_ROWS = 32


def _make_gather():
    info = plsc.get_sparse_core_info()
    nw = info.num_cores * info.num_subcores
    per = _NFULL // nw
    rem = _NFULL % nw
    mesh = plsc.VectorSubcoreMesh(core_axis_name="c", subcore_axis_name="s")

    @functools.partial(
        pl.kernel,
        out_type=jax.ShapeDtypeStruct((_B + _PAD_ROWS, 128), jnp.float32),
        mesh=mesh,
        scratch_types=[
            pltpu.VMEM((_B,), jnp.int32),
            pltpu.VMEM((_B,), jnp.int32),
            pltpu.VMEM((_B,), jnp.int32),
            pltpu.VMEM((_D, _CW), jnp.float32),
            pltpu.VMEM((_D, _CW), jnp.float32),
            pltpu.VMEM((16, 128), jnp.float32),
            pltpu.SemaphoreType.DMA,
            pltpu.SemaphoreType.DMA,
        ],
        compiler_params=pltpu.CompilerParams(needs_layout_passes=False),
    )
    def gather_kernel(table_hbm, tail_hbm, idx_hbm, out_hbm, pidx, pb,
                      cpos, slab0, slab1, rows, sem_s, sem_w):
        wid = lax.axis_index("s") * info.num_cores + lax.axis_index("c")
        nc = per + jnp.where(wid < rem, 1, 0)
        c0 = wid * per + jnp.minimum(wid, rem)
        nct = nc + jnp.where(wid == nw - 1, 1, 0)
        lo = c0 * _CW
        hi = jnp.where(wid == nw - 1, _N, (c0 + nc) * _CW)
        dummy = _B + wid
        lanes = lax.iota(jnp.int32, 16)

        pltpu.sync_copy(idx_hbm, pidx)

        def fire(k, slab):
            is_tail = (wid == nw - 1) & (k == nc)

            @pl.when((k < nct) & ~is_tail)
            def _():
                cbase = pl.multiple_of((c0 + k) * _CW, _CW)
                pltpu.async_copy(
                    table_hbm.at[:, pl.ds(cbase, _CW)], slab, sem_s)

            @pl.when(is_tail)
            def _():
                pltpu.async_copy(
                    tail_hbm, slab.at[:, pl.ds(0, 128)], sem_s)

        def wait_slab(k):
            is_tail = (wid == nw - 1) & (k == nc)

            @pl.when((k < nct) & ~is_tail)
            def _():
                pltpu.make_async_copy(
                    table_hbm.at[:, pl.ds(0, _CW)], slab0, sem_s).wait()

            @pl.when(is_tail)
            def _():
                pltpu.make_async_copy(
                    tail_hbm, slab0.at[:, pl.ds(0, 128)], sem_s).wait()

        def wait_scat():
            pltpu.make_async_copy(
                rows, out_hbm.at[pl.ds(0, 16)], sem_w).wait()

        fire(jnp.int32(0), slab0)
        fire(jnp.int32(1), slab1)

        def scan_body(q, cw):
            v = pidx[pl.ds(q * 16, 16)]
            m = (v >= lo) & (v < hi)
            cs = plsc.cumsum(m.astype(jnp.int32))
            pos = jnp.clip(cw + cs - 1, 0, _B - 1)
            plsc.store_scatter(pidx, [pos], v, mask=m)
            plsc.store_scatter(pb, [pos], lanes + q * 16, mask=m)
            return cw + cs[15]

        cw = lax.fori_loop(0, _B // 16, scan_body, jnp.int32(0))

        def proc(k, slab, gcount):
            is_tail = (wid == nw - 1) & (k == nc)
            cbase = (c0 + k) * _CW
            col_base = jnp.where(is_tail, _N - 128, cbase)
            mlo = jnp.where(is_tail, _N - _TAIL, cbase)
            mhi = jnp.where(is_tail, _N, cbase + _CW)
            wmax = jnp.where(is_tail, 127, _CW - 1)
            valid_chunk = k < nct

            def rs(q, cc):
                v = pidx[pl.ds(q * 16, 16)]
                m = ((lanes < (cw - q * 16)) & (v >= mlo)
                     & (v < mhi) & valid_chunk)
                cs = plsc.cumsum(m.astype(jnp.int32))
                pos = jnp.clip(cc + cs - 1, 0, _B - 1)
                plsc.store_scatter(cpos, [pos], lanes + q * 16, mask=m)
                return cc + cs[15]

            cc = lax.fori_loop(0, (cw + 15) // 16, rs, jnp.int32(0))

            def eg(g, gcnt):
                slot = jnp.clip(cpos[pl.ds(g * 16, 16)], 0, _B - 1)
                iv = plsc.load_gather(pidx, [slot])
                bv = plsc.load_gather(pb, [slot])
                lanem = lanes < (cc - g * 16)
                cols = jnp.clip(iv - col_base, 0, wmax)
                bsafe = jnp.where(lanem, bv, dummy)

                @pl.when(gcnt > 0)
                def _():
                    wait_scat()

                for j in range(16):
                    csp = jnp.full((16,), cols[j], dtype=jnp.int32)
                    for t in range(4):
                        vals = plsc.load_gather(
                            slab, [lanes + t * 16, csp])
                        rows[j, pl.ds(t * 16, 16)] = vals
                pltpu.async_copy(rows, out_hbm.at[bsafe], sem_w)
                return gcnt + 1

            return lax.fori_loop(0, (cc + 15) // 16, eg, gcount)

        def chunk_body(k2, gcount):
            a = k2 * 2
            b = a + 1
            wait_slab(a)
            gcount = proc(a, slab0, gcount)
            fire(a + 2, slab0)
            wait_slab(b)
            gcount = proc(b, slab1, gcount)
            fire(b + 2, slab1)
            return gcount

        nk2 = (per + 3) // 2
        gcount = lax.fori_loop(0, nk2, chunk_body, jnp.int32(0))

        @pl.when(gcount > 0)
        def _():
            wait_scat()

    return gather_kernel


def kernel(region_id, embedding):
    idx = region_id.astype(jnp.int32)
    tail_t = embedding[_N - 128:, :].T
    out2 = _make_gather()(embedding.T, tail_t, idx)
    return out2[:_B, :_D]

# --- scband reference (transcript-rebuilt; emitter-appended) ---
"""Pipeline reference for scband-region-condition-encoder-43894565765664 (READ-ONLY COPY).

The authoritative reference and input builder live on the scoring server;
editing this copy changes nothing except your own understanding.
"""

import jax, jax.numpy as jnp
import numpy as np

NUM_REGIONS = 1000000
EMB_DIM = 64
BATCH = 16384

def setup_inputs(seed: int = 0) -> dict:
    key = jax.random.key(seed)
    k_idx, k_emb = jax.random.split(key)
    region_id = jax.random.randint(k_idx, (BATCH,), 0, NUM_REGIONS, dtype=jnp.int64)
    embedding = jax.random.normal(k_emb, (NUM_REGIONS, EMB_DIM), dtype=jnp.float32)
    return {"region_id": region_id, "embedding": embedding}

def reference(region_id, embedding):
    # mode == 'embedding': simple embedding lookup
    idx = region_id.astype(jnp.int32)
    return jnp.take(embedding, idx, axis=0)

if __name__ == "__main__":
    import jax
    _d = setup_inputs()
    print(jax.jit(kernel)(*tuple(_d.values())))

</pallas_src>

<mosaic_0001>
#map = affine_map<(d0, d1) -> (0, 0)>
#map1 = affine_map<(d0, d1) -> (0)>
module attributes {stable_mosaic.version = 14 : i64} {
  func.func @gather_kernel(%arg0: i32, %arg1: i32, %arg2: memref<64x1000000xf32, #tpu.memory_space<hbm>>, %arg3: memref<64x128xf32, #tpu.memory_space<hbm>>, %arg4: memref<16384xi32, #tpu.memory_space<hbm>>, %arg5: memref<16416x128xf32, #tpu.memory_space<hbm>>, %arg6: memref<16384xi32, #tpu.memory_space<vmem>>, %arg7: memref<16384xi32, #tpu.memory_space<vmem>>, %arg8: memref<16384xi32, #tpu.memory_space<vmem>>, %arg9: memref<64x512xf32, #tpu.memory_space<vmem>>, %arg10: memref<64x512xf32, #tpu.memory_space<vmem>>, %arg11: memref<16x128xf32, #tpu.memory_space<vmem>>, %arg12: memref<!tpu.dma_semaphore, #tpu.memory_space<semaphore_mem>>, %arg13: memref<!tpu.dma_semaphore, #tpu.memory_space<semaphore_mem>>) attributes {dimension_semantics = [#tpu.dimension_semantics<core_parallel>, #tpu.dimension_semantics<subcore_parallel>], iteration_bounds = array<i64: 2, 16>, scalar_prefetch = 0 : i64, scratch_operands = 8 : i64, tpu.core_type = #tpu.core_type<sc_vector_subcore>, window_params = [{transform_indices = #map}, {transform_indices = #map}, {transform_indices = #map1}, {transform_indices = #map}]} {
    %mul3A = arith.constant 2 : i32
    %mul3A_0 = arith.muli %arg1, %mul3A : i32
    %add3A = arith.addi %mul3A_0, %arg0 : i32
    %lt3A = arith.constant 1 : i32
    %lt3A_1 = arith.cmpi slt, %add3A, %lt3A : i32
    %jit3A = arith.constant 1 : i32
    %jit3A_2 = arith.constant 0 : i32
    %select_n3A = arith.select %lt3A_1, %jit3A, %jit3A_2 : i32
    %add3A_3 = arith.constant 61 : i32
    %add3A_4 = arith.addi %add3A_3, %select_n3A : i32
    %mul3A_5 = arith.constant 61 : i32
    %mul3A_6 = arith.muli %add3A, %mul3A_5 : i32
    %min3A = arith.constant 1 : i32
    %min3A_7 = arith.minsi %add3A, %min3A : i32
    %add3A_8 = arith.addi %mul3A_6, %min3A_7 : i32
    %eq3A = arith.constant 31 : i32
    %eq3A_9 = arith.cmpi eq, %add3A, %eq3A : i32
    %jit3A_10 = arith.constant 1 : i32
    %jit3A_11 = arith.constant 0 : i32
    %select_n3A_12 = arith.select %eq3A_9, %jit3A_10, %jit3A_11 : i32
    %add3A_13 = arith.addi %add3A_4, %select_n3A_12 : i32
    %mul3A_14 = arith.constant 512 : i32
    %mul3A_15 = arith.muli %add3A_8, %mul3A_14 : i32
    %eq3A_16 = arith.constant 31 : i32
    %eq3A_17 = arith.cmpi eq, %add3A, %eq3A_16 : i32
    %add3A_18 = arith.addi %add3A_8, %add3A_4 : i32
    %mul3A_19 = arith.constant 512 : i32
    %mul3A_20 = arith.muli %add3A_18, %mul3A_19 : i32
    %jit3A_21 = arith.constant 1000000 : i32
    %select_n3A_22 = arith.select %eq3A_17, %jit3A_21, %mul3A_20 : i32
    %add3A_23 = arith.constant 16384 : i32
    %add3A_24 = arith.addi %add3A_23, %add3A : i32
    %iota3A = tpu.iota {dimensions = array<i32: 0>} : vector<16xi32>
    "tpu.region"() ({
      %run_scoped3A = tpu.sem_alloc : memref<!tpu.dma_semaphore, #tpu.memory_space<semaphore_mem>>
      tpu.enqueue_dma source(%arg4 : memref<16384xi32, #tpu.memory_space<hbm>>) target(%arg6 : memref<16384xi32, #tpu.memory_space<vmem>>) target_semaphore(%run_scoped3A : memref<!tpu.dma_semaphore, #tpu.memory_space<semaphore_mem>>)
      tpu.wait_dma2 semaphore(%run_scoped3A : memref<!tpu.dma_semaphore, #tpu.memory_space<semaphore_mem>>) src(%arg4 : memref<16384xi32, #tpu.memory_space<hbm>>) dst(%arg6 : memref<16384xi32, #tpu.memory_space<vmem>>)
      tpu.yield
    }) : () -> ()
    %eq3A_25 = arith.constant 31 : i32
    %eq3A_26 = arith.cmpi eq, %add3A, %eq3A_25 : i32
    %eq3A_27 = arith.constant 0 : i32
    %eq3A_28 = arith.cmpi eq, %eq3A_27, %add3A_4 : i32
    %and3A = arith.andi %eq3A_26, %eq3A_28 : i1
    %lt3A_29 = arith.constant 0 : i32
    %lt3A_30 = arith.cmpi slt, %lt3A_29, %add3A_13 : i32
    %not3A = arith.constant true
    %not3A_31 = arith.xori %and3A, %not3A : i1
    %and3A_32 = arith.andi %lt3A_30, %not3A_31 : i1
    %convert_element_type3A = arith.extui %and3A_32 : i1 to i32
    %cond3A = arith.constant 0 : i32
    %cond3A_33 = arith.constant 0 : i32
    %cond3A_34 = arith.cmpi ne, %convert_element_type3A, %cond3A_33 : i32
    scf.if %cond3A_34 {
      %add3A_72 = arith.addi %add3A_8, %cond3A : i32
      %mul3A_73 = arith.constant 512 : i32
      %mul3A_74 = arith.muli %add3A_72, %mul3A_73 : i32
      %multiple_of3A = tpu.assume_multiple %mul3A_74, 512 : i32
      %dma_start3A = arith.constant 0 : i32
      %dma_start3A_75 = tpu.memref_slice %arg2[%dma_start3A, %multiple_of3A] : memref<64x1000000xf32, #tpu.memory_space<hbm>> -> memref<64x512xf32, #tpu.memory_space<hbm>>
      %dma_start3A_76 = arith.constant 0 : i32
      %dma_start3A_77 = tpu.memref_slice %arg2[%dma_start3A_76, %multiple_of3A] : memref<64x1000000xf32, #tpu.memory_space<hbm>> -> memref<64x512xf32, #tpu.memory_space<hbm>>
      tpu.enqueue_dma source(%dma_start3A_77 : memref<64x512xf32, #tpu.memory_space<hbm>>) target(%arg9 : memref<64x512xf32, #tpu.memory_space<vmem>>) target_semaphore(%arg12 : memref<!tpu.dma_semaphore, #tpu.memory_space<semaphore_mem>>)
    } else {
    }
    %convert_element_type3A_35 = arith.extui %and3A : i1 to i32
    %cond3A_36 = arith.constant 0 : i32
    %cond3A_37 = arith.cmpi ne, %convert_element_type3A_35, %cond3A_36 : i32
    scf.if %cond3A_37 {
      %dma_start3A = arith.constant 0 : i32
      %dma_start3A_72 = arith.constant 0 : i32
      %dma_start3A_73 = tpu.memref_slice %arg9[%dma_start3A, %dma_start3A_72] : memref<64x512xf32, #tpu.memory_space<vmem>> -> memref<64x128xf32, #tpu.memory_space<vmem>>
      %dma_start3A_74 = arith.constant 0 : i32
      %dma_start3A_75 = arith.constant 0 : i32
      %dma_start3A_76 = tpu.memref_slice %arg9[%dma_start3A_74, %dma_start3A_75] : memref<64x512xf32, #tpu.memory_space<vmem>> -> memref<64x128xf32, #tpu.memory_space<vmem>>
      tpu.enqueue_dma source(%arg3 : memref<64x128xf32, #tpu.memory_space<hbm>>) target(%dma_start3A_76 : memref<64x128xf32, #tpu.memory_space<vmem>>) target_semaphore(%arg12 : memref<!tpu.dma_semaphore, #tpu.memory_space<semaphore_mem>>)
    } else {
    }
    %eq3A_38 = arith.constant 31 : i32
    %eq3A_39 = arith.cmpi eq, %add3A, %eq3A_38 : i32
    %eq3A_40 = arith.constant 1 : i32
    %eq3A_41 = arith.cmpi eq, %eq3A_40, %add3A_4 : i32
    %and3A_42 = arith.andi %eq3A_39, %eq3A_41 : i1
    %lt3A_43 = arith.constant 1 : i32
    %lt3A_44 = arith.cmpi slt, %lt3A_43, %add3A_13 : i32
    %not3A_45 = arith.constant true
    %not3A_46 = arith.xori %and3A_42, %not3A_45 : i1
    %and3A_47 = arith.andi %lt3A_44, %not3A_46 : i1
    %convert_element_type3A_48 = arith.extui %and3A_47 : i1 to i32
    %cond3A_49 = arith.constant 1 : i32
    %cond3A_50 = arith.constant 0 : i32
    %cond3A_51 = arith.cmpi ne, %convert_element_type3A_48, %cond3A_50 : i32
    scf.if %cond3A_51 {
      %add3A_72 = arith.addi %add3A_8, %cond3A_49 : i32
      %mul3A_73 = arith.constant 512 : i32
      %mul3A_74 = arith.muli %add3A_72, %mul3A_73 : i32
      %multiple_of3A = tpu.assume_multiple %mul3A_74, 512 : i32
      %dma_start3A = arith.constant 0 : i32
      %dma_start3A_75 = tpu.memref_slice %arg2[%dma_start3A, %multiple_of3A] : memref<64x1000000xf32, #tpu.memory_space<hbm>> -> memref<64x512xf32, #tpu.memory_space<hbm>>
      %dma_start3A_76 = arith.constant 0 : i32
      %dma_start3A_77 = tpu.memref_slice %arg2[%dma_start3A_76, %multiple_of3A] : memref<64x1000000xf32, #tpu.memory_space<hbm>> -> memref<64x512xf32, #tpu.memory_space<hbm>>
      tpu.enqueue_dma source(%dma_start3A_77 : memref<64x512xf32, #tpu.memory_space<hbm>>) target(%arg10 : memref<64x512xf32, #tpu.memory_space<vmem>>) target_semaphore(%arg12 : memref<!tpu.dma_semaphore, #tpu.memory_space<semaphore_mem>>)
    } else {
    }
    %convert_element_type3A_52 = arith.extui %and3A_42 : i1 to i32
    %cond3A_53 = arith.constant 0 : i32
    %cond3A_54 = arith.cmpi ne, %convert_element_type3A_52, %cond3A_53 : i32
    scf.if %cond3A_54 {
      %dma_start3A = arith.constant 0 : i32
      %dma_start3A_72 = arith.constant 0 : i32
      %dma_start3A_73 = tpu.memref_slice %arg10[%dma_start3A, %dma_start3A_72] : memref<64x512xf32, #tpu.memory_space<vmem>> -> memref<64x128xf32, #tpu.memory_space<vmem>>
      %dma_start3A_74 = arith.constant 0 : i32
      %dma_start3A_75 = arith.constant 0 : i32
      %dma_start3A_76 = tpu.memref_slice %arg10[%dma_start3A_74, %dma_start3A_75] : memref<64x512xf32, #tpu.memory_space<vmem>> -> memref<64x128xf32, #tpu.memory_space<vmem>>
      tpu.enqueue_dma source(%arg3 : memref<64x128xf32, #tpu.memory_space<hbm>>) target(%dma_start3A_76 : memref<64x128xf32, #tpu.memory_space<vmem>>) target_semaphore(%arg12 : memref<!tpu.dma_semaphore, #tpu.memory_space<semaphore_mem>>)
    } else {
    }
    %scan3A = arith.constant 0 : i32
    %scan3A_55 = arith.constant 0 : i32
    %scan3A_56 = arith.constant 1024 : i32
    %scan3A_57 = arith.addi %scan3A_55, %scan3A_56 : i32
    %scan3A_58 = arith.constant 1 : i32
    %scan3A_59 = scf.for %scan3A_72 = %scan3A_55 to %scan3A_57 step %scan3A_58 iter_args(%scan3A_73 = %scan3A) -> (i32)  : i32 {
      %mul3A_74 = arith.constant 16 : i32
      %mul3A_75 = arith.muli %scan3A_72, %mul3A_74 : i32
      %get3A = arith.index_cast %mul3A_75 : i32 to index
      %get3A_76 = tpu.vector_load %arg6[%get3A] {strides = array<i32>} : memref<16384xi32, #tpu.memory_space<vmem>>, vector<16xi32>,
      %ge3A = vector.broadcast %mul3A_15 : i32 to vector<16xi32>
      %ge3A_77 = arith.cmpi sge, %get3A_76, %ge3A : vector<16xi32>
      %lt3A_78 = vector.broadcast %select_n3A_22 : i32 to vector<16xi32>
      %lt3A_79 = arith.cmpi slt, %get3A_76, %lt3A_78 : vector<16xi32>
      %and3A_80 = arith.andi %ge3A_77, %lt3A_79 : vector<16xi1>
      %convert_element_type3A_81 = arith.extui %and3A_80 : vector<16xi1> to vector<16xi32>
      %broadcast_in_dim3A = arith.constant true
      %broadcast_in_dim3A_82 = vector.broadcast %broadcast_in_dim3A : i1 to vector<16xi1>
      %masked_cumsum3A = tpu.scan <sum>, %convert_element_type3A_81 masked %broadcast_in_dim3A_82 : vector<16xi32>, vector<16xi1> -> vector<16xi32>
      %add3A_83 = vector.broadcast %scan3A_73 : i32 to vector<16xi32>
      %add3A_84 = arith.addi %add3A_83, %masked_cumsum3A : vector<16xi32>
      %sub3A = arith.constant 1 : i32
      %sub3A_85 = vector.broadcast %sub3A : i32 to vector<16xi32>
      %sub3A_86 = arith.subi %add3A_84, %sub3A_85 : vector<16xi32>
      %jit3A_87 = arith.constant 0 : i32
      %jit3A_88 = arith.constant 16383 : i32
      %max3A = vector.broadcast %jit3A_87 : i32 to vector<16xi32>
      %max3A_89 = arith.maxsi %max3A, %sub3A_86 : vector<16xi32>
      %min3A_90 = vector.broadcast %jit3A_88 : i32 to vector<16xi32>
      %min3A_91 = arith.minsi %min3A_90, %max3A_89 : vector<16xi32>
      tpu.vector_store_idx %arg6[%min3A_91], %get3A_76 masked %and3A_80 : memref<16384xi32, #tpu.memory_space<vmem>>[vector<16xi32>], vector<16xi32>, vector<16xi1>
      %mul3A_92 = arith.constant 16 : i32
      %mul3A_93 = arith.muli %scan3A_72, %mul3A_92 : i32
      %add3A_94 = vector.broadcast %mul3A_93 : i32 to vector<16xi32>
      %add3A_95 = arith.addi %iota3A, %add3A_94 : vector<16xi32>
      tpu.vector_store_idx %arg7[%min3A_91], %add3A_95 masked %and3A_80 : memref<16384xi32, #tpu.memory_space<vmem>>[vector<16xi32>], vector<16xi32>, vector<16xi1>
      %slice3A = vector.extract_strided_slice %masked_cumsum3A {offsets = [15], sizes = [1], strides = [1]} : vector<16xi32> to vector<1xi32>
      %squeeze3A = vector.extract %slice3A[0] : i32 from vector<1xi32>
      %add3A_96 = arith.addi %scan3A_73, %squeeze3A : i32
      scf.yield %add3A_96 : i32
    }
    %scan3A_60 = arith.constant 1024 : i32
    %scan3A_61 = arith.constant 0 : i32
    %scan3A_62 = arith.constant 0 : i32
    %scan3A_63 = arith.constant 32 : i32
    %scan3A_64 = arith.addi %scan3A_62, %scan3A_63 : i32
    %scan3A_65 = arith.constant 1 : i32
    %scan3A_66 = scf.for %scan3A_72 = %scan3A_62 to %scan3A_64 step %scan3A_65 iter_args(%scan3A_73 = %scan3A_61) -> (i32)  : i32 {
      %mul3A_74 = arith.constant 2 : i32
      %mul3A_75 = arith.muli %scan3A_72, %mul3A_74 : i32
      %add3A_76 = arith.constant 1 : i32
      %add3A_77 = arith.addi %mul3A_75, %add3A_76 : i32
      %eq3A_78 = arith.constant 31 : i32
      %eq3A_79 = arith.cmpi eq, %add3A, %eq3A_78 : i32
      %eq3A_80 = arith.cmpi eq, %mul3A_75, %add3A_4 : i32
      %and3A_81 = arith.andi %eq3A_79, %eq3A_80 : i1
      %lt3A_82 = arith.cmpi slt, %mul3A_75, %add3A_13 : i32
      %not3A_83 = arith.constant true
      %not3A_84 = arith.xori %and3A_81, %not3A_83 : i1
      %and3A_85 = arith.andi %lt3A_82, %not3A_84 : i1
      %convert_element_type3A_86 = arith.extui %and3A_85 : i1 to i32
      %cond3A_87 = arith.constant 0 : i32
      %cond3A_88 = arith.cmpi ne, %convert_element_type3A_86, %cond3A_87 : i32
      scf.if %cond3A_88 {
        %dma_wait3A = arith.constant 0 : i32
        %dma_wait3A_320 = arith.constant 0 : i32
        %dma_wait3A_321 = tpu.memref_slice %arg2[%dma_wait3A, %dma_wait3A_320] : memref<64x1000000xf32, #tpu.memory_space<hbm>> -> memref<64x512xf32, #tpu.memory_space<hbm>>
        %dma_wait3A_322 = arith.constant 0 : i32
        %dma_wait3A_323 = arith.constant 0 : i32
        %dma_wait3A_324 = tpu.memref_slice %arg2[%dma_wait3A_322, %dma_wait3A_323] : memref<64x1000000xf32, #tpu.memory_space<hbm>> -> memref<64x512xf32, #tpu.memory_space<hbm>>
        tpu.wait_dma2 semaphore(%arg12 : memref<!tpu.dma_semaphore, #tpu.memory_space<semaphore_mem>>) src(%dma_wait3A_324 : memref<64x512xf32, #tpu.memory_space<hbm>>) dst(%arg9 : memref<64x512xf32, #tpu.memory_space<vmem>>)
      } else {
      }
      %convert_element_type3A_89 = arith.extui %and3A_81 : i1 to i32
      %cond3A_90 = arith.constant 0 : i32
      %cond3A_91 = arith.cmpi ne, %convert_element_type3A_89, %cond3A_90 : i32
      scf.if %cond3A_91 {
        %dma_wait3A = arith.constant 0 : i32
        %dma_wait3A_320 = arith.constant 0 : i32
        %dma_wait3A_321 = tpu.memref_slice %arg9[%dma_wait3A, %dma_wait3A_320] : memref<64x512xf32, #tpu.memory_space<vmem>> -> memref<64x128xf32, #tpu.memory_space<vmem>>
        %dma_wait3A_322 = arith.constant 0 : i32
        %dma_wait3A_323 = arith.constant 0 : i32
        %dma_wait3A_324 = tpu.memref_slice %arg9[%dma_wait3A_322, %dma_wait3A_323] : memref<64x512xf32, #tpu.memory_space<vmem>> -> memref<64x128xf32, #tpu.memory_space<vmem>>
        tpu.wait_dma2 semaphore(%arg12 : memref<!tpu.dma_semaphore, #tpu.memory_space<semaphore_mem>>) src(%arg3 : memref<64x128xf32, #tpu.memory_space<hbm>>) dst(%dma_wait3A_324 : memref<64x128xf32, #tpu.memory_space<vmem>>)
      } else {
      }
      %eq3A_92 = arith.constant 31 : i32
      %eq3A_93 = arith.cmpi eq, %add3A, %eq3A_92 : i32
      %eq3A_94 = arith.cmpi eq, %mul3A_75, %add3A_4 : i32
      %and3A_95 = arith.andi %eq3A_93, %eq3A_94 : i1
      %add3A_96 = arith.addi %add3A_8, %mul3A_75 : i32
      %mul3A_97 = arith.constant 512 : i32
      %mul3A_98 = arith.muli %add3A_96, %mul3A_97 : i32
      %jit3A_99 = arith.constant 999872 : i32
      %select_n3A_100 = arith.select %and3A_95, %jit3A_99, %mul3A_98 : i32
      %jit3A_101 = arith.constant 999936 : i32
      %select_n3A_102 = arith.select %and3A_95, %jit3A_101, %mul3A_98 : i32
      %add3A_103 = arith.constant 512 : i32
      %add3A_104 = arith.addi %mul3A_98, %add3A_103 : i32
      %jit3A_105 = arith.constant 1000000 : i32
      %select_n3A_106 = arith.select %and3A_95, %jit3A_105, %add3A_104 : i32
      %jit3A_107 = arith.constant 127 : i32
      %jit3A_108 = arith.constant 511 : i32
      %select_n3A_109 = arith.select %and3A_95, %jit3A_107, %jit3A_108 : i32
      %lt3A_110 = arith.cmpi slt, %mul3A_75, %add3A_13 : i32
      %add3A_111 = arith.constant 15 : i32
      %add3A_112 = arith.addi %scan3A_59, %add3A_111 : i32
      %jit3A_113 = arith.constant 16 : i32
      %div3A = arith.divsi %add3A_112, %jit3A_113 : i32
      %sign3A = arith.constant 0 : i32
      %sign3A_114 = arith.cmpi sgt, %add3A_112, %sign3A : i32
      %sign3A_115 = arith.extui %sign3A_114 : i1 to i32
      %sign3A_116 = arith.constant 0 : i32
      %sign3A_117 = arith.cmpi slt, %add3A_112, %sign3A_116 : i32
      %sign3A_118 = arith.extui %sign3A_117 : i1 to i32
      %sign3A_119 = arith.subi %sign3A_115, %sign3A_118 : i32
      %sign3A_120 = arith.constant 0 : i32
      %sign3A_121 = arith.cmpi sgt, %jit3A_113, %sign3A_120 : i32
      %sign3A_122 = arith.extui %sign3A_121 : i1 to i32
      %sign3A_123 = arith.constant 0 : i32
      %sign3A_124 = arith.cmpi slt, %jit3A_113, %sign3A_123 : i32
      %sign3A_125 = arith.extui %sign3A_124 : i1 to i32
      %sign3A_126 = arith.subi %sign3A_122, %sign3A_125 : i32
      %ne3A = arith.cmpi ne, %sign3A_119, %sign3A_126 : i32
      %rem3A = arith.remsi %add3A_112, %jit3A_113 : i32
      %ne3A_127 = arith.constant 0 : i32
      %ne3A_128 = arith.cmpi ne, %rem3A, %ne3A_127 : i32
      %and3A_129 = arith.andi %ne3A, %ne3A_128 : i1
      %sub3A = arith.constant 1 : i32
      %sub3A_130 = arith.subi %div3A, %sub3A : i32
      %select_n3A_131 = arith.select %and3A_129, %sub3A_130, %div3A : i32
      %while3A = arith.constant 0 : i32
      %while3A_132 = arith.constant 0 : i32
      %while3A_133 = arith.subi %select_n3A_131, %while3A : i32
      %while3A_134 = arith.addi %while3A, %while3A_133 : i32
      %while3A_135 = arith.constant 1 : i32
      %while3A_136 = arith.divsi %while3A_133, %while3A_135 : i32
      %while3A_137 = arith.muli %while3A_136, %while3A_135 : i32
      %while3A_138 = arith.addi %while3A, %while3A_137 : i32
      %while3A_139 = arith.constant 1 : i32
      %while3A_140 = scf.for %while3A_320 = %while3A to %while3A_138 step %while3A_139 iter_args(%while3A_321 = %while3A_132) -> (i32)  : i32 {
        %mul3A_322 = arith.constant 16 : i32
        %mul3A_323 = arith.muli %while3A_320, %mul3A_322 : i32
        %get3A = arith.index_cast %mul3A_323 : i32 to index
        %get3A_324 = tpu.vector_load %arg6[%get3A] {strides = array<i32>} : memref<16384xi32, #tpu.memory_space<vmem>>, vector<16xi32>,
        %mul3A_325 = arith.constant 16 : i32
        %mul3A_326 = arith.muli %while3A_320, %mul3A_325 : i32
        %sub3A_327 = arith.subi %scan3A_59, %mul3A_326 : i32
        %lt3A_328 = vector.broadcast %sub3A_327 : i32 to vector<16xi32>
        %lt3A_329 = arith.cmpi slt, %iota3A, %lt3A_328 : vector<16xi32>
        %ge3A = vector.broadcast %select_n3A_102 : i32 to vector<16xi32>
        %ge3A_330 = arith.cmpi sge, %get3A_324, %ge3A : vector<16xi32>
        %and3A_331 = arith.andi %lt3A_329, %ge3A_330 : vector<16xi1>
        %lt3A_332 = vector.broadcast %select_n3A_106 : i32 to vector<16xi32>
        %lt3A_333 = arith.cmpi slt, %get3A_324, %lt3A_332 : vector<16xi32>
        %and3A_334 = arith.andi %and3A_331, %lt3A_333 : vector<16xi1>
        %and3A_335 = vector.broadcast %lt3A_110 : i1 to vector<16xi1>
        %and3A_336 = arith.andi %and3A_334, %and3A_335 : vector<16xi1>
        %convert_element_type3A_337 = arith.extui %and3A_336 : vector<16xi1> to vector<16xi32>
        %broadcast_in_dim3A = arith.constant true
        %broadcast_in_dim3A_338 = vector.broadcast %broadcast_in_dim3A : i1 to vector<16xi1>
        %masked_cumsum3A = tpu.scan <sum>, %convert_element_type3A_337 masked %broadcast_in_dim3A_338 : vector<16xi32>, vector<16xi1> -> vector<16xi32>
        %add3A_339 = vector.broadcast %while3A_321 : i32 to vector<16xi32>
        %add3A_340 = arith.addi %add3A_339, %masked_cumsum3A : vector<16xi32>
        %sub3A_341 = arith.constant 1 : i32
        %sub3A_342 = vector.broadcast %sub3A_341 : i32 to vector<16xi32>
        %sub3A_343 = arith.subi %add3A_340, %sub3A_342 : vector<16xi32>
        %jit3A_344 = arith.constant 0 : i32
        %jit3A_345 = arith.constant 16383 : i32
        %max3A = vector.broadcast %jit3A_344 : i32 to vector<16xi32>
        %max3A_346 = arith.maxsi %max3A, %sub3A_343 : vector<16xi32>
        %min3A_347 = vector.broadcast %jit3A_345 : i32 to vector<16xi32>
        %min3A_348 = arith.minsi %min3A_347, %max3A_346 : vector<16xi32>
        %mul3A_349 = arith.constant 16 : i32
        %mul3A_350 = arith.muli %while3A_320, %mul3A_349 : i32
        %add3A_351 = vector.broadcast %mul3A_350 : i32 to vector<16xi32>
        %add3A_352 = arith.addi %iota3A, %add3A_351 : vector<16xi32>
        tpu.vector_store_idx %arg8[%min3A_348], %add3A_352 masked %and3A_336 : memref<16384xi32, #tpu.memory_space<vmem>>[vector<16xi32>], vector<16xi32>, vector<16xi1>
        %slice3A = vector.extract_strided_slice %masked_cumsum3A {offsets = [15], sizes = [1], strides = [1]} : vector<16xi32> to vector<1xi32>
        %squeeze3A = vector.extract %slice3A[0] : i32 from vector<1xi32>
        %add3A_353 = arith.addi %while3A_321, %squeeze3A : i32
        scf.yield %add3A_353 : i32
      }
      %while3A_141 = arith.constant 1 : i32
      %while3A_142 = scf.for %while3A_320 = %while3A_138 to %while3A_134 step %while3A_141 iter_args(%while3A_321 = %while3A_140) -> (i32)  : i32 {
        %mul3A_322 = arith.constant 16 : i32
        %mul3A_323 = arith.muli %while3A_320, %mul3A_322 : i32
        %get3A = arith.index_cast %mul3A_323 : i32 to index
        %get3A_324 = tpu.vector_load %arg6[%get3A] {strides = array<i32>} : memref<16384xi32, #tpu.memory_space<vmem>>, vector<16xi32>,
        %mul3A_325 = arith.constant 16 : i32
        %mul3A_326 = arith.muli %while3A_320, %mul3A_325 : i32
        %sub3A_327 = arith.subi %scan3A_59, %mul3A_326 : i32
        %lt3A_328 = vector.broadcast %sub3A_327 : i32 to vector<16xi32>
        %lt3A_329 = arith.cmpi slt, %iota3A, %lt3A_328 : vector<16xi32>
        %ge3A = vector.broadcast %select_n3A_102 : i32 to vector<16xi32>
        %ge3A_330 = arith.cmpi sge, %get3A_324, %ge3A : vector<16xi32>
        %and3A_331 = arith.andi %lt3A_329, %ge3A_330 : vector<16xi1>
        %lt3A_332 = vector.broadcast %select_n3A_106 : i32 to vector<16xi32>
        %lt3A_333 = arith.cmpi slt, %get3A_324, %lt3A_332 : vector<16xi32>
        %and3A_334 = arith.andi %and3A_331, %lt3A_333 : vector<16xi1>
        %and3A_335 = vector.broadcast %lt3A_110 : i1 to vector<16xi1>
        %and3A_336 = arith.andi %and3A_334, %and3A_335 : vector<16xi1>
        %convert_element_type3A_337 = arith.extui %and3A_336 : vector<16xi1> to vector<16xi32>
        %broadcast_in_dim3A = arith.constant true
        %broadcast_in_dim3A_338 = vector.broadcast %broadcast_in_dim3A : i1 to vector<16xi1>
        %masked_cumsum3A = tpu.scan <sum>, %convert_element_type3A_337 masked %broadcast_in_dim3A_338 : vector<16xi32>, vector<16xi1> -> vector<16xi32>
        %add3A_339 = vector.broadcast %while3A_321 : i32 to vector<16xi32>
        %add3A_340 = arith.addi %add3A_339, %masked_cumsum3A : vector<16xi32>
        %sub3A_341 = arith.constant 1 : i32
        %sub3A_342 = vector.broadcast %sub3A_341 : i32 to vector<16xi32>
        %sub3A_343 = arith.subi %add3A_340, %sub3A_342 : vector<16xi32>
        %jit3A_344 = arith.constant 0 : i32
        %jit3A_345 = arith.constant 16383 : i32
        %max3A = vector.broadcast %jit3A_344 : i32 to vector<16xi32>
        %max3A_346 = arith.maxsi %max3A, %sub3A_343 : vector<16xi32>
        %min3A_347 = vector.broadcast %jit3A_345 : i32 to vector<16xi32>
        %min3A_348 = arith.minsi %min3A_347, %max3A_346 : vector<16xi32>
        %mul3A_349 = arith.constant 16 : i32
        %mul3A_350 = arith.muli %while3A_320, %mul3A_349 : i32
        %add3A_351 = vector.broadcast %mul3A_350 : i32 to vector<16xi32>
        %add3A_352 = arith.addi %iota3A, %add3A_351 : vector<16xi32>
        tpu.vector_store_idx %arg8[%min3A_348], %add3A_352 masked %and3A_336 : memref<16384xi32, #tpu.memory_space<vmem>>[vector<16xi32>], vector<16xi32>, vector<16xi1>
        %slice3A = vector.extract_strided_slice %masked_cumsum3A {offsets = [15], sizes = [1], strides = [1]} : vector<16xi32> to vector<1xi32>
        %squeeze3A = vector.extract %slice3A[0] : i32 from vector<1xi32>
        %add3A_353 = arith.addi %while3A_321, %squeeze3A : i32
        scf.yield %add3A_353 : i32
      }
      %add3A_143 = arith.constant 15 : i32
      %add3A_144 = arith.addi %while3A_142, %add3A_143 : i32
      %jit3A_145 = arith.constant 16 : i32
      %div3A_146 = arith.divsi %add3A_144, %jit3A_145 : i32
      %sign3A_147 = arith.constant 0 : i32
      %sign3A_148 = arith.cmpi sgt, %add3A_144, %sign3A_147 : i32
      %sign3A_149 = arith.extui %sign3A_148 : i1 to i32
      %sign3A_150 = arith.constant 0 : i32
      %sign3A_151 = arith.cmpi slt, %add3A_144, %sign3A_150 : i32
      %sign3A_152 = arith.extui %sign3A_151 : i1 to i32
      %sign3A_153 = arith.subi %sign3A_149, %sign3A_152 : i32
      %sign3A_154 = arith.constant 0 : i32
      %sign3A_155 = arith.cmpi sgt, %jit3A_145, %sign3A_154 : i32
      %sign3A_156 = arith.extui %sign3A_155 : i1 to i32
      %sign3A_157 = arith.constant 0 : i32
      %sign3A_158 = arith.cmpi slt, %jit3A_145, %sign3A_157 : i32
      %sign3A_159 = arith.extui %sign3A_158 : i1 to i32
      %sign3A_160 = arith.subi %sign3A_156, %sign3A_159 : i32
      %ne3A_161 = arith.cmpi ne, %sign3A_153, %sign3A_160 : i32
      %rem3A_162 = arith.remsi %add3A_144, %jit3A_145 : i32
      %ne3A_163 = arith.constant 0 : i32
      %ne3A_164 = arith.cmpi ne, %rem3A_162, %ne3A_163 : i32
      %and3A_165 = arith.andi %ne3A_161, %ne3A_164 : i1
      %sub3A_166 = arith.constant 1 : i32
      %sub3A_167 = arith.subi %div3A_146, %sub3A_166 : i32
      %select_n3A_168 = arith.select %and3A_165, %sub3A_167, %div3A_146 : i32
      %while3A_169 = arith.constant 0 : i32
      %while3A_170 = arith.subi %select_n3A_168, %while3A_169 : i32
      %while3A_171 = arith.addi %while3A_169, %while3A_170 : i32
      %while3A_172 = arith.constant 1 : i32
      %while3A_173 = arith.divsi %while3A_170, %while3A_172 : i32
      %while3A_174 = arith.muli %while3A_173, %while3A_172 : i32
      %while3A_175 = arith.addi %while3A_169, %while3A_174 : i32
      %while3A_176 = arith.constant 1 : i32
      %while3A_177 = scf.for %while3A_320 = %while3A_169 to %while3A_175 step %while3A_176 iter_args(%while3A_321 = %scan3A_73) -> (i32)  : i32 {
        %mul3A_322 = arith.constant 16 : i32
        %mul3A_323 = arith.muli %while3A_320, %mul3A_322 : i32
        %get3A = arith.index_cast %mul3A_323 : i32 to index
        %get3A_324 = tpu.vector_load %arg8[%get3A] {strides = array<i32>} : memref<16384xi32, #tpu.memory_space<vmem>>, vector<16xi32>,
        %jit3A_325 = arith.constant 0 : i32
        %jit3A_326 = arith.constant 16383 : i32
        %max3A = vector.broadcast %jit3A_325 : i32 to vector<16xi32>
        %max3A_327 = arith.maxsi %max3A, %get3A_324 : vector<16xi32>
        %min3A_328 = vector.broadcast %jit3A_326 : i32 to vector<16xi32>
        %min3A_329 = arith.minsi %min3A_328, %max3A_327 : vector<16xi32>
        %gather3A = tpu.vector_load_idx %arg6[%min3A_329] : memref<16384xi32, #tpu.memory_space<vmem>>[vector<16xi32>], vector<16xi32>,
        %gather3A_330 = tpu.vector_load_idx %arg7[%min3A_329] : memref<16384xi32, #tpu.memory_space<vmem>>[vector<16xi32>], vector<16xi32>,
        %mul3A_331 = arith.constant 16 : i32
        %mul3A_332 = arith.muli %while3A_320, %mul3A_331 : i32
        %sub3A_333 = arith.subi %while3A_142, %mul3A_332 : i32
        %lt3A_334 = vector.broadcast %sub3A_333 : i32 to vector<16xi32>
        %lt3A_335 = arith.cmpi slt, %iota3A, %lt3A_334 : vector<16xi32>
        %sub3A_336 = vector.broadcast %select_n3A_100 : i32 to vector<16xi32>
        %sub3A_337 = arith.subi %gather3A, %sub3A_336 : vector<16xi32>
        %jit3A_338 = arith.constant 0 : i32
        %max3A_339 = vector.broadcast %jit3A_338 : i32 to vector<16xi32>
        %max3A_340 = arith.maxsi %max3A_339, %sub3A_337 : vector<16xi32>
        %min3A_341 = vector.broadcast %select_n3A_109 : i32 to vector<16xi32>
        %min3A_342 = arith.minsi %min3A_341, %max3A_340 : vector<16xi32>
        %broadcast_in_dim3A = vector.broadcast %add3A_24 : i32 to vector<16xi32>
        %select_n3A_343 = arith.select %lt3A_335, %gather3A_330, %broadcast_in_dim3A : vector<16xi1>, vector<16xi32>
        %gt3A_344 = arith.constant 0 : i32
        %gt3A_345 = arith.cmpi sgt, %while3A_321, %gt3A_344 : i32
        %convert_element_type3A_346 = arith.extui %gt3A_345 : i1 to i32
        %cond3A_347 = arith.constant 0 : i32
        %cond3A_348 = arith.cmpi ne, %convert_element_type3A_346, %cond3A_347 : i32
        scf.if %cond3A_348 {
          %dma_wait3A = arith.constant 0 : i32
          %dma_wait3A_910 = arith.constant 0 : i32
          %dma_wait3A_911 = tpu.memref_slice %arg5[%dma_wait3A, %dma_wait3A_910] : memref<16416x128xf32, #tpu.memory_space<hbm>> -> memref<16x128xf32, #tpu.memory_space<hbm>>
          %dma_wait3A_912 = arith.constant 0 : i32
          %dma_wait3A_913 = arith.constant 0 : i32
          %dma_wait3A_914 = tpu.memref_slice %arg5[%dma_wait3A_912, %dma_wait3A_913] : memref<16416x128xf32, #tpu.memory_space<hbm>> -> memref<16x128xf32, #tpu.memory_space<hbm>>
          tpu.wait_dma2 semaphore(%arg13 : memref<!tpu.dma_semaphore, #tpu.memory_space<semaphore_mem>>) src(%arg11 : memref<16x128xf32, #tpu.memory_space<vmem>>) dst(%dma_wait3A_914 : memref<16x128xf32, #tpu.memory_space<hbm>>)
        } else {
        }
        %slice3A = vector.extract_strided_slice %min3A_342 {offsets = [0], sizes = [1], strides = [1]} : vector<16xi32> to vector<1xi32>
        %squeeze3A = vector.extract %slice3A[0] : i32 from vector<1xi32>
        %broadcast_in_dim3A_349 = vector.broadcast %squeeze3A : i32 to vector<16xi32>
        %add3A_350 = arith.constant 0 : i32
        %add3A_351 = vector.broadcast %add3A_350 : i32 to vector<16xi32>
        %add3A_352 = arith.addi %iota3A, %add3A_351 : vector<16xi32>
        %gather3A_353 = tpu.vector_load_idx %arg9[%add3A_352, %broadcast_in_dim3A_349] : memref<64x512xf32, #tpu.memory_space<vmem>>[vector<16xi32>, vector<16xi32>], vector<16xf32>,
        %swap3A = arith.constant 0 : i32
        %swap3A_354 = arith.index_cast %swap3A : i32 to index
        %swap3A_355 = arith.constant 0 : index
        %swap3A_356 = tpu.vector_load %arg11[%swap3A_354, %swap3A_355] {strides = array<i32>} : memref<16x128xf32, #tpu.memory_space<vmem>>, vector<16xf32>,
        tpu.vector_store %arg11[%swap3A_354, %swap3A_355], %gather3A_353 {strides = array<i32>} : memref<16x128xf32, #tpu.memory_space<vmem>>, vector<16xf32>,
        %add3A_357 = arith.constant 16 : i32
        %add3A_358 = vector.broadcast %add3A_357 : i32 to vector<16xi32>
        %add3A_359 = arith.addi %iota3A, %add3A_358 : vector<16xi32>
        %gather3A_360 = tpu.vector_load_idx %arg9[%add3A_359, %broadcast_in_dim3A_349] : memref<64x512xf32, #tpu.memory_space<vmem>>[vector<16xi32>, vector<16xi32>], vector<16xf32>,
        %swap3A_361 = arith.constant 0 : i32
        %swap3A_362 = arith.index_cast %swap3A_361 : i32 to index
        %swap3A_363 = arith.constant 16 : index
        %swap3A_364 = tpu.vector_load %arg11[%swap3A_362, %swap3A_363] {strides = array<i32>} : memref<16x128xf32, #tpu.memory_space<vmem>>, vector<16xf32>,
        tpu.vector_store %arg11[%swap3A_362, %swap3A_363], %gather3A_360 {strides = array<i32>} : memref<16x128xf32, #tpu.memory_space<vmem>>, vector<16xf32>,
        %add3A_365 = arith.constant 32 : i32
        %add3A_366 = vector.broadcast %add3A_365 : i32 to vector<16xi32>
        %add3A_367 = arith.addi %iota3A, %add3A_366 : vector<16xi32>
        %gather3A_368 = tpu.vector_load_idx %arg9[%add3A_367, %broadcast_in_dim3A_349] : memref<64x512xf32, #tpu.memory_space<vmem>>[vector<16xi32>, vector<16xi32>], vector<16xf32>,
        %swap3A_369 = arith.constant 0 : i32
        %swap3A_370 = arith.index_cast %swap3A_369 : i32 to index
        %swap3A_371 = arith.constant 32 : index
        %swap3A_372 = tpu.vector_load %arg11[%swap3A_370, %swap3A_371] {strides = array<i32>} : memref<16x128xf32, #tpu.memory_space<vmem>>, vector<16xf32>,
        tpu.vector_store %arg11[%swap3A_370, %swap3A_371], %gather3A_368 {strides = array<i32>} : memref<16x128xf32, #tpu.memory_space<vmem>>, vector<16xf32>,
        %add3A_373 = arith.constant 48 : i32
        %add3A_374 = vector.broadcast %add3A_373 : i32 to vector<16xi32>
        %add3A_375 = arith.addi %iota3A, %add3A_374 : vector<16xi32>
        %gather3A_376 = tpu.vector_load_idx %arg9[%add3A_375, %broadcast_in_dim3A_349] : memref<64x512xf32, #tpu.memory_space<vmem>>[vector<16xi32>, vector<16xi32>], vector<16xf32>,
        %swap3A_377 = arith.constant 0 : i32
        %swap3A_378 = arith.index_cast %swap3A_377 : i32 to index
        %swap3A_379 = arith.constant 48 : index
        %swap3A_380 = tpu.vector_load %arg11[%swap3A_378, %swap3A_379] {strides = array<i32>} : memref<16x128xf32, #tpu.memory_space<vmem>>, vector<16xf32>,
        tpu.vector_store %arg11[%swap3A_378, %swap3A_379], %gather3A_376 {strides = array<i32>} : memref<16x128xf32, #tpu.memory_space<vmem>>, vector<16xf32>,
        %slice3A_381 = vector.extract_strided_slice %min3A_342 {offsets = [1], sizes = [1], strides = [1]} : vector<16xi32> to vector<1xi32>
        %squeeze3A_382 = vector.extract %slice3A_381[0] : i32 from vector<1xi32>
        %broadcast_in_dim3A_383 = vector.broadcast %squeeze3A_382 : i32 to vector<16xi32>
        %add3A_384 = arith.constant 0 : i32
        %add3A_385 = vector.broadcast %add3A_384 : i32 to vector<16xi32>
        %add3A_386 = arith.addi %iota3A, %add3A_385 : vector<16xi32>
        %gather3A_387 = tpu.vector_load_idx %arg9[%add3A_386, %broadcast_in_dim3A_383] : memref<64x512xf32, #tpu.memory_space<vmem>>[vector<16xi32>, vector<16xi32>], vector<16xf32>,
        %swap3A_388 = arith.constant 1 : i32
        %swap3A_389 = arith.index_cast %swap3A_388 : i32 to index
        %swap3A_390 = arith.constant 0 : index
        %swap3A_391 = tpu.vector_load %arg11[%swap3A_389, %swap3A_390] {strides = array<i32>} : memref<16x128xf32, #tpu.memory_space<vmem>>, vector<16xf32>,
        tpu.vector_store %arg11[%swap3A_389, %swap3A_390], %gather3A_387 {strides = array<i32>} : memref<16x128xf32, #tpu.memory_space<vmem>>, vector<16xf32>,
        %add3A_392 = arith.constant 16 : i32
        %add3A_393 = vector.broadcast %add3A_392 : i32 to vector<16xi32>
        %add3A_394 = arith.addi %iota3A, %add3A_393 : vector<16xi32>
        %gather3A_395 = tpu.vector_load_idx %arg9[%add3A_394, %broadcast_in_dim3A_383] : memref<64x512xf32, #tpu.memory_space<vmem>>[vector<16xi32>, vector<16xi32>], vector<16xf32>,
        %swap3A_396 = arith.constant 1 : i32
        %swap3A_397 = arith.index_cast %swap3A_396 : i32 to index
        %swap3A_398 = arith.constant 16 : index
        %swap3A_399 = tpu.vector_load %arg11[%swap3A_397, %swap3A_398] {strides = array<i32>} : memref<16x128xf32, #tpu.memory_space<vmem>>, vector<16xf32>,
        tpu.vector_store %arg11[%swap3A_397, %swap3A_398], %gather3A_395 {strides = array<i32>} : memref<16x128xf32, #tpu.memory_space<vmem>>, vector<16xf32>,
        %add3A_400 = arith.constant 32 : i32
        %add3A_401 = vector.broadcast %add3A_400 : i32 to vector<16xi32>
        %add3A_402 = arith.addi %iota3A, %add3A_401 : vector<16xi32>
        %gather3A_403 = tpu.vector_load_idx %arg9[%add3A_402, %broadcast_in_dim3A_383] : memref<64x512xf32, #tpu.memory_space<vmem>>[vector<16xi32>, vector<16xi32>], vector<16xf32>,
        %swap3A_404 = arith.constant 1 : i32
        %swap3A_405 = arith.index_cast %swap3A_404 : i32 to index
        %swap3A_406 = arith.constant 32 : index
        %swap3A_407 = tpu.vector_load %arg11[%swap3A_405, %swap3A_406] {strides = array<i32>} : memref<16x128xf32, #tpu.memory_space<vmem>>, vector<16xf32>,
        tpu.vector_store %arg11[%swap3A_405, %swap3A_406], %gather3A_403 {strides = array<i32>} : memref<16x128xf32, #tpu.memory_space<vmem>>, vector<16xf32>,
        %add3A_408 = arith.constant 48 : i32
        %add3A_409 = vector.broadcast %add3A_408 : i32 to vector<16xi32>
        %add3A_410 = arith.addi %iota3A, %add3A_409 : vector<16xi32>
        %gather3A_411 = tpu.vector_load_idx %arg9[%add3A_410, %broadcast_in_dim3A_383] : memref<64x512xf32, #tpu.memory_space<vmem>>[vector<16xi32>, vector<16xi32>], vector<16xf32>,
        %swap3A_412 = arith.constant 1 : i32
        %swap3A_413 = arith.index_cast %swap3A_412 : i32 to index
        %swap3A_414 = arith.constant 48 : index
        %swap3A_415 = tpu.vector_load %arg11[%swap3A_413, %swap3A_414] {strides = array<i32>} : memref<16x128xf32, #tpu.memory_space<vmem>>, vector<16xf32>,
        tpu.vector_store %arg11[%swap3A_413, %swap3A_414], %gather3A_411 {strides = array<i32>} : memref<16x128xf32, #tpu.memory_space<vmem>>, vector<16xf32>,
        %slice3A_416 = vector.extract_strided_slice %min3A_342 {offsets = [2], sizes = [1], strides = [1]} : vector<16xi32> to vector<1xi32>
        %squeeze3A_417 = vector.extract %slice3A_416[0] : i32 from vector<1xi32>
        %broadcast_in_dim3A_418 = vector.broadcast %squeeze3A_417 : i32 to vector<16xi32>
        %add3A_419 = arith.constant 0 : i32
        %add3A_420 = vector.broadcast %add3A_419 : i32 to vector<16xi32>
        %add3A_421 = arith.addi %iota3A, %add3A_420 : vector<16xi32>
        %gather3A_422 = tpu.vector_load_idx %arg9[%add3A_421, %broadcast_in_dim3A_418] : memref<64x512xf32, #tpu.memory_space<vmem>>[vector<16xi32>, vector<16xi32>], vector<16xf32>,
        %swap3A_423 = arith.constant 2 : i32
        %swap3A_424 = arith.index_cast %swap3A_423 : i32 to index
        %swap3A_425 = arith.constant 0 : index
        %swap3A_426 = tpu.vector_load %arg11[%swap3A_424, %swap3A_425] {strides = array<i32>} : memref<16x128xf32, #tpu.memory_space<vmem>>, vector<16xf32>,
        tpu.vector_store %arg11[%swap3A_424, %swap3A_425], %gather3A_422 {strides = array<i32>} : memref<16x128xf32, #tpu.memory_space<vmem>>, vector<16xf32>,
        %add3A_427 = arith.constant 16 : i32
        %add3A_428 = vector.broadcast %add3A_427 : i32 to vector<16xi32>
        %add3A_429 = arith.addi %iota3A, %add3A_428 : vector<16xi32>
        %gather3A_430 = tpu.vector_load_idx %arg9[%add3A_429, %broadcast_in_dim3A_418] : memref<64x512xf32, #tpu.memory_space<vmem>>[vector<16xi32>, vector<16xi32>], vector<16xf32>,
        %swap3A_431 = arith.constant 2 : i32
        %swap3A_432 = arith.index_cast %swap3A_431 : i32 to index
        %swap3A_433 = arith.constant 16 : index
        %swap3A_434 = tpu.vector_load %arg11[%swap3A_432, %swap3A_433] {strides = array<i32>} : memref<16x128xf32, #tpu.memory_space<vmem>>, vector<16xf32>,
        tpu.vector_store %arg11[%swap3A_432, %swap3A_433], %gather3A_430 {strides = array<i32>} : memref<16x128xf32, #tpu.memory_space<vmem>>, vector<16xf32>,
        %add3A_435 = arith.constant 32 : i32
        %add3A_436 = vector.broadcast %add3A_435 : i32 to vector<16xi32>
        %add3A_437 = arith.addi %iota3A, %add3A_436 : vector<16xi32>
        %gather3A_438 = tpu.vector_load_idx %arg9[%add3A_437, %broadcast_in_dim3A_418] : memref<64x512xf32, #tpu.memory_space<vmem>>[vector<16xi32>, vector<16xi32>], vector<16xf32>,
        %swap3A_439 = arith.constant 2 : i32
        %swap3A_440 = arith.index_cast %swap3A_439 : i32 to index
        %swap3A_441 = arith.constant 32 : index
        %swap3A_442 = tpu.vector_load %arg11[%swap3A_440, %swap3A_441] {strides = array<i32>} : memref<16x128xf32, #tpu.memory_space<vmem>>, vector<16xf32>,
        tpu.vector_store %arg11[%swap3A_440, %swap3A_441], %gather3A_438 {strides = array<i32>} : memref<16x128xf32, #tpu.memory_space<vmem>>, vector<16xf32>,
        %add3A_443 = arith.constant 48 : i32
        %add3A_444 = vector.broadcast %add3A_443 : i32 to vector<16xi32>
        %add3A_445 = arith.addi %iota3A, %add3A_444 : vector<16xi32>
        %gather3A_446 = tpu.vector_load_idx %arg9[%add3A_445, %broadcast_in_dim3A_418] : memref<64x512xf32, #tpu.memory_space<vmem>>[vector<16xi32>, vector<16xi32>], vector<16xf32>,
        %swap3A_447 = arith.constant 2 : i32
        %swap3A_448 = arith.index_cast %swap3A_447 : i32 to index
        %swap3A_449 = arith.constant 48 : index
        %swap3A_450 = tpu.vector_load %arg11[%swap3A_448, %swap3A_449] {strides = array<i32>} : memref<16x128xf32, #tpu.memory_space<vmem>>, vector<16xf32>,
        tpu.vector_store %arg11[%swap3A_448, %swap3A_449], %gather3A_446 {strides = array<i32>} : memref<16x128xf32, #tpu.memory_space<vmem>>, vector<16xf32>,
        %slice3A_451 = vector.extract_strided_slice %min3A_342 {offsets = [3], sizes = [1], strides = [1]} : vector<16xi32> to vector<1xi32>
        %squeeze3A_452 = vector.extract %slice3A_451[0] : i32 from vector<1xi32>
        %broadcast_in_dim3A_453 = vector.broadcast %squeeze3A_452 : i32 to vector<16xi32>
        %add3A_454 = arith.constant 0 : i32
        %add3A_455 = vector.broadcast %add3A_454 : i32 to vector<16xi32>
        %add3A_456 = arith.addi %iota3A, %add3A_455 : vector<16xi32>
        %gather3A_457 = tpu.vector_load_idx %arg9[%add3A_456, %broadcast_in_dim3A_453] : memref<64x512xf32, #tpu.memory_space<vmem>>[vector<16xi32>, vector<16xi32>], vector<16xf32>,
        %swap3A_458 = arith.constant 3 : i32
        %swap3A_459 = arith.index_cast %swap3A_458 : i32 to index
        %swap3A_460 = arith.constant 0 : index
        %swap3A_461 = tpu.vector_load %arg11[%swap3A_459, %swap3A_460] {strides = array<i32>} : memref<16x128xf32, #tpu.memory_space<vmem>>, vector<16xf32>,
        tpu.vector_store %arg11[%swap3A_459, %swap3A_460], %gather3A_457 {strides = array<i32>} : memref<16x128xf32, #tpu.memory_space<vmem>>, vector<16xf32>,
        %add3A_462 = arith.constant 16 : i32
        %add3A_463 = vector.broadcast %add3A_462 : i32 to vector<16xi32>
        %add3A_464 = arith.addi %iota3A, %add3A_463 : vector<16xi32>
        %gather3A_465 = tpu.vector_load_idx %arg9[%add3A_464, %broadcast_in_dim3A_453] : memref<64x512xf32, #tpu.memory_space<vmem>>[vector<16xi32>, vector<16xi32>], vector<16xf32>,
        %swap3A_466 = arith.constant 3 : i32
        %swap3A_467 = arith.index_cast %swap3A_466 : i32 to index
        %swap3A_468 = arith.constant 16 : index
        %swap3A_469 = tpu.vector_load %arg11[%swap3A_467, %swap3A_468] {strides = array<i32>} : memref<16x128xf32, #tpu.memory_space<vmem>>, vector<16xf32>,
        tpu.vector_store %arg11[%swap3A_467, %swap3A_468], %gather3A_465 {strides = array<i32>} : memref<16x128xf32, #tpu.memory_space<vmem>>, vector<16xf32>,
        %add3A_470 = arith.constant 32 : i32
        %add3A_471 = vector.broadcast %add3A_470 : i32 to vector<16xi32>
        %add3A_472 = arith.addi %iota3A, %add3A_471 : vector<16xi32>
        %gather3A_473 = tpu.vector_load_idx %arg9[%add3A_472, %broadcast_in_dim3A_453] : memref<64x512xf32, #tpu.memory_space<vmem>>[vector<16xi32>, vector<16xi32>], vector<16xf32>,
        %swap3A_474 = arith.constant 3 : i32
        %swap3A_475 = arith.index_cast %swap3A_474 : i32 to index
        %swap3A_476 = arith.constant 32 : index
        %swap3A_477 = tpu.vector_load %arg11[%swap3A_475, %swap3A_476] {strides = array<i32>} : memref<16x128xf32, #tpu.memory_space<vmem>>, vector<16xf32>,
        tpu.vector_store %arg11[%swap3A_475, %swap3A_476], %gather3A_473 {strides = array<i32>} : memref<16x128xf32, #tpu.memory_space<vmem>>, vector<16xf32>,
        %add3A_478 = arith.constant 48 : i32
        %add3A_479 = vector.broadcast %add3A_478 : i32 to vector<16xi32>
        %add3A_480 = arith.addi %iota3A, %add3A_479 : vector<16xi32>
        %gather3A_481 = tpu.vector_load_idx %arg9[%add3A_480, %broadcast_in_dim3A_453] : memref<64x512xf32, #tpu.memory_space<vmem>>[vector<16xi32>, vector<16xi32>], vector<16xf32>,
        %swap3A_482 = arith.constant 3 : i32
        %swap3A_483 = arith.index_cast %swap3A_482 : i32 to index
        %swap3A_484 = arith.constant 48 : index
        %swap3A_485 = tpu.vector_load %arg11[%swap3A_483, %swap3A_484] {strides = array<i32>} : memref<16x128xf32, #tpu.memory_space<vmem>>, vector<16xf32>,
        tpu.vector_store %arg11[%swap3A_483, %swap3A_484], %gather3A_481 {strides = array<i32>} : memref<16x128xf32, #tpu.memory_space<vmem>>, vector<16xf32>,
        %slice3A_486 = vector.extract_strided_slice %min3A_342 {offsets = [4], sizes = [1], strides = [1]} : vector<16xi32> to vector<1xi32>
        %squeeze3A_487 = vector.extract %slice3A_486[0] : i32 from vector<1xi32>
        %broadcast_in_dim3A_488 = vector.broadcast %squeeze3A_487 : i32 to vector<16xi32>
        %add3A_489 = arith.constant 0 : i32
        %add3A_490 = vector.broadcast %add3A_489 : i32 to vector<16xi32>
        %add3A_491 = arith.addi %iota3A, %add3A_490 : vector<16xi32>
        %gather3A_492 = tpu.vector_load_idx %arg9[%add3A_491, %broadcast_in_dim3A_488] : memref<64x512xf32, #tpu.memory_space<vmem>>[vector<16xi32>, vector<16xi32>], vector<16xf32>,
        %swap3A_493 = arith.constant 4 : i32
        %swap3A_494 = arith.index_cast %swap3A_493 : i32 to index
        %swap3A_495 = arith.constant 0 : index
        %swap3A_496 = tpu.vector_load %arg11[%swap3A_494, %swap3A_495] {strides = array<i32>} : memref<16x128xf32, #tpu.memory_space<vmem>>, vector<16xf32>,
        tpu.vector_store %arg11[%swap3A_494, %swap3A_495], %gather3A_492 {strides = array<i32>} : memref<16x128xf32, #tpu.memory_space<vmem>>, vector<16xf32>,
        %add3A_497 = arith.constant 16 : i32
        %add3A_498 = vector.broadcast %add3A_497 : i32 to vector<16xi32>
        %add3A_499 = arith.addi %iota3A, %add3A_498 : vector<16xi32>
        %gather3A_500 = tpu.vector_load_idx %arg9[%add3A_499, %broadcast_in_dim3A_488] : memref<64x512xf32, #tpu.memory_space<vmem>>[vector<16xi32>, vector<16xi32>], vector<16xf32>,
        %swap3A_501 = arith.constant 4 : i32
        %swap3A_502 = arith.index_cast %swap3A_501 : i32 to index
        %swap3A_503 = arith.constant 16 : index
        %swap3A_504 = tpu.vector_load %arg11[%swap3A_502, %swap3A_503] {strides = array<i32>} : memref<16x128xf32, #tpu.memory_space<vmem>>, vector<16xf32>,
        tpu.vector_store %arg11[%swap3A_502, %swap3A_503], %gather3A_500 {strides = array<i32>} : memref<16x128xf32, #tpu.memory_space<vmem>>, vector<16xf32>,
        %add3A_505 = arith.constant 32 : i32
        %add3A_506 = vector.broadcast %add3A_505 : i32 to vector<16xi32>
        %add3A_507 = arith.addi %iota3A, %add3A_506 : vector<16xi32>
        %gather3A_508 = tpu.vector_load_idx %arg9[%add3A_507, %broadcast_in_dim3A_488] : memref<64x512xf32, #tpu.memory_space<vmem>>[vector<16xi32>, vector<16xi32>], vector<16xf32>,
        %swap3A_509 = arith.constant 4 : i32
        %swap3A_510 = arith.index_cast %swap3A_509 : i32 to index
        %swap3A_511 = arith.constant 32 : index
        %swap3A_512 = tpu.vector_load %arg11[%swap3A_510, %swap3A_511] {strides = array<i32>} : memref<16x128xf32, #tpu.memory_space<vmem>>, vector<16xf32>,
        tpu.vector_store %arg11[%swap3A_510, %swap3A_511], %gather3A_508 {strides = array<i32>} : memref<16x128xf32, #tpu.memory_space<vmem>>, vector<16xf32>,
        %add3A_513 = arith.constant 48 : i32
        %add3A_514 = vector.broadcast %add3A_513 : i32 to vector<16xi32>
        %add3A_515 = arith.addi %iota3A, %add3A_514 : vector<16xi32>
        %gather3A_516 = tpu.vector_load_idx %arg9[%add3A_515, %broadcast_in_dim3A_488] : memref<64x512xf32, #tpu.memory_space<vmem>>[vector<16xi32>, vector<16xi32>], vector<16xf32>,
        %swap3A_517 = arith.constant 4 : i32
        %swap3A_518 = arith.index_cast %swap3A_517 : i32 to index
        %swap3A_519 = arith.constant 48 : index
        %swap3A_520 = tpu.vector_load %arg11[%swap3A_518, %swap3A_519] {strides = array<i32>} : memref<16x128xf32, #tpu.memory_space<vmem>>, vector<16xf32>,
        tpu.vector_store %arg11[%swap3A_518, %swap3A_519], %gather3A_516 {strides = array<i32>} : memref<16x128xf32, #tpu.memory_space<vmem>>, vector<16xf32>,
        %slice3A_521 = vector.extract_strided_slice %min3A_342 {offsets = [5], sizes = [1], strides = [1]} : vector<16xi32> to vector<1xi32>
        %squeeze3A_522 = vector.extract %slice3A_521[0] : i32 from vector<1xi32>
        %broadcast_in_dim3A_523 = vector.broadcast %squeeze3A_522 : i32 to vector<16xi32>
        %add3A_524 = arith.constant 0 : i32
        %add3A_525 = vector.broadcast %add3A_524 : i32 to vector<16xi32>
        %add3A_526 = arith.addi %iota3A, %add3A_525 : vector<16xi32>
        %gather3A_527 = tpu.vector_load_idx %arg9[%add3A_526, %broadcast_in_dim3A_523] : memref<64x512xf32, #tpu.memory_space<vmem>>[vector<16xi32>, vector<16xi32>], vector<16xf32>,
        %swap3A_528 = arith.constant 5 : i32
        %swap3A_529 = arith.index_cast %swap3A_528 : i32 to index
        %swap3A_530 = arith.constant 0 : index
        %swap3A_531 = tpu.vector_load %arg11[%swap3A_529, %swap3A_530] {strides = array<i32>} : memref<16x128xf32, #tpu.memory_space<vmem>>, vector<16xf32>,
        tpu.vector_store %arg11[%swap3A_529, %swap3A_530], %gather3A_527 {strides = array<i32>} : memref<16x128xf32, #tpu.memory_space<vmem>>, vector<16xf32>,
        %add3A_532 = arith.constant 16 : i32
        %add3A_533 = vector.broadcast %add3A_532 : i32 to vector<16xi32>
        %add3A_534 = arith.addi %iota3A, %add3A_533 : vector<16xi32>
        %gather3A_535 = tpu.vector_load_idx %arg9[%add3A_534, %broadcast_in_dim3A_523] : memref<64x512xf32, #tpu.memory_space<vmem>>[vector<16xi32>, vector<16xi32>], vector<16xf32>,
        %swap3A_536 = arith.constant 5 : i32
        %swap3A_537 = arith.index_cast %swap3A_536 : i32 to index
        %swap3A_538 = arith.constant 16 : index
        %swap3A_539 = tpu.vector_load %arg11[%swap3A_537, %swap3A_538] {strides = array<i32>} : memref<16x128xf32, #tpu.memory_space<vmem>>, vector<16xf32>,
        tpu.vector_store %arg11[%swap3A_537, %swap3A_538], %gather3A_535 {strides = array<i32>} : memref<16x128xf32, #tpu.memory_space<vmem>>, vector<16xf32>,
        %add3A_540 = arith.constant 32 : i32
        %add3A_541 = vector.broadcast %add3A_540 : i32 to vector<16xi32>
        %add3A_542 = arith.addi %iota3A, %add3A_541 : vector<16xi32>
        %gather3A_543 = tpu.vector_load_idx %arg9[%add3A_542, %broadcast_in_dim3A_523] : memref<64x512xf32, #tpu.memory_space<vmem>>[vector<16xi32>, vector<16xi32>], vector<16xf32>,
        %swap3A_544 = arith.constant 5 : i32
        %swap3A_545 = arith.index_cast %swap3A_544 : i32 to index
        %swap3A_546 = arith.constant 32 : index
        %swap3A_547 = tpu.vector_load %arg11[%swap3A_545, %swap3A_546] {strides = array<i32>} : memref<16x128xf32, #tpu.memory_space<vmem>>, vector<16xf32>,
        tpu.vector_store %arg11[%swap3A_545, %swap3A_546], %gather3A_543 {strides = array<i32>} : memref<16x128xf32, #tpu.memory_space<vmem>>, vector<16xf32>,
        %add3A_548 = arith.constant 48 : i32
        %add3A_549 = vector.broadcast %add3A_548 : i32 to vector<16xi32>
        %add3A_550 = arith.addi %iota3A, %add3A_549 : vector<16xi32>
        %gather3A_551 = tpu.vector_load_idx %arg9[%add3A_550, %broadcast_in_dim3A_523] : memref<64x512xf32, #tpu.memory_space<vmem>>[vector<16xi32>, vector<16xi32>], vector<16xf32>,
        %swap3A_552 = arith.constant 5 : i32
        %swap3A_553 = arith.index_cast %swap3A_552 : i32 to index
        %swap3A_554 = arith.constant 48 : index
        %swap3A_555 = tpu.vector_load %arg11[%swap3A_553, %swap3A_554] {strides = array<i32>} : memref<16x128xf32, #tpu.memory_space<vmem>>, vector<16xf32>,
        tpu.vector_store %arg11[%swap3A_553, %swap3A_554], %gather3A_551 {strides = array<i32>} : memref<16x128xf32, #tpu.memory_space<vmem>>, vector<16xf32>,
        %slice3A_556 = vector.extract_strided_slice %min3A_342 {offsets = [6], sizes = [1], strides = [1]} : vector<16xi32> to vector<1xi32>
        %squeeze3A_557 = vector.extract %slice3A_556[0] : i32 from vector<1xi32>
        %broadcast_in_dim3A_558 = vector.broadcast %squeeze3A_557 : i32 to vector<16xi32>
        %add3A_559 = arith.constant 0 : i32
        %add3A_560 = vector.broadcast %add3A_559 : i32 to vector<16xi32>
        %add3A_561 = arith.addi %iota3A, %add3A_560 : vector<16xi32>
        %gather3A_562 = tpu.vector_load_idx %arg9[%add3A_561, %broadcast_in_dim3A_558] : memref<64x512xf32, #tpu.memory_space<vmem>>[vector<16xi32>, vector<16xi32>], vector<16xf32>,
        %swap3A_563 = arith.constant 6 : i32
        %swap3A_564 = arith.index_cast %swap3A_563 : i32 to index
        %swap3A_565 = arith.constant 0 : index
        %swap3A_566 = tpu.vector_load %arg11[%swap3A_564, %swap3A_565] {strides = array<i32>} : memref<16x128xf32, #tpu.memory_space<vmem>>, vector<16xf32>,
        tpu.vector_store %arg11[%swap3A_564, %swap3A_565], %gather3A_562 {strides = array<i32>} : memref<16x128xf32, #tpu.memory_space<vmem>>, vector<16xf32>,
        %add3A_567 = arith.constant 16 : i32
        %add3A_568 = vector.broadcast %add3A_567 : i32 to vector<16xi32>
        %add3A_569 = arith.addi %iota3A, %add3A_568 : vector<16xi32>
        %gather3A_570 = tpu.vector_load_idx %arg9[%add3A_569, %broadcast_in_dim3A_558] : memref<64x512xf32, #tpu.memory_space<vmem>>[vector<16xi32>, vector<16xi32>], vector<16xf32>,
        %swap3A_571 = arith.constant 6 : i32
        %swap3A_572 = arith.index_cast %swap3A_571 : i32 to index
        %swap3A_573 = arith.constant 16 : index
        %swap3A_574 = tpu.vector_load %arg11[%swap3A_572, %swap3A_573] {strides = array<i32>} : memref<16x128xf32, #tpu.memory_space<vmem>>, vector<16xf32>,
        tpu.vector_store %arg11[%swap3A_572, %swap3A_573], %gather3A_570 {strides = array<i32>} : memref<16x128xf32, #tpu.memory_space<vmem>>, vector<16xf32>,
        %add3A_575 = arith.constant 32 : i32
        %add3A_576 = vector.broadcast %add3A_575 : i32 to vector<16xi32>
        %add3A_577 = arith.addi %iota3A, %add3A_576 : vector<16xi32>
        %gather3A_578 = tpu.vector_load_idx %arg9[%add3A_577, %broadcast_in_dim3A_558] : memref<64x512xf32, #tpu.memory_space<vmem>>[vector<16xi32>, vector<16xi32>], vector<16xf32>,
        %swap3A_579 = arith.constant 6 : i32
        %swap3A_580 = arith.index_cast %swap3A_579 : i32 to index
        %swap3A_581 = arith.constant 32 : index
        %swap3A_582 = tpu.vector_load %arg11[%swap3A_580, %swap3A_581] {strides = array<i32>} : memref<16x128xf32, #tpu.memory_space<vmem>>, vector<16xf32>,
        tpu.vector_store %arg11[%swap3A_580, %swap3A_581], %gather3A_578 {strides = array<i32>} : memref<16x128xf32, #tpu.memory_space<vmem>>, vector<16xf32>,
        %add3A_583 = arith.constant 48 : i32
        %add3A_584 = vector.broadcast %add3A_583 : i32 to vector<16xi32>
        %add3A_585 = arith.addi %iota3A, %add3A_584 : vector<16xi32>
        %gather3A_586 = tpu.vector_load_idx %arg9[%add3A_585, %broadcast_in_dim3A_558] : memref<64x512xf32, #tpu.memory_space<vmem>>[vector<16xi32>, vector<16xi32>], vector<16xf32>,
        %swap3A_587 = arith.constant 6 : i32
        %swap3A_588 = arith.index_cast %swap3A_587 : i32 to index
        %swap3A_589 = arith.constant 48 : index
        %swap3A_590 = tpu.vector_load %arg11[%swap3A_588, %swap3A_589] {strides = array<i32>} : memref<16x128xf32, #tpu.memory_space<vmem>>, vector<16xf32>,
        tpu.vector_store %arg11[%swap3A_588, %swap3A_589], %gather3A_586 {strides = array<i32>} : memref<16x128xf32, #tpu.memory_space<vmem>>, vector<16xf32>,
        %slice3A_591 = vector.extract_strided_slice %min3A_342 {offsets = [7], sizes = [1], strides = [1]} : vector<16xi32> to vector<1xi32>
        %squeeze3A_592 = vector.extract %slice3A_591[0] : i32 from vector<1xi32>
        %broadcast_in_dim3A_593 = vector.broadcast %squeeze3A_592 : i32 to vector<16xi32>
        %add3A_594 = arith.constant 0 : i32
        %add3A_595 = vector.broadcast %add3A_594 : i32 to vector<16xi32>
        %add3A_596 = arith.addi %iota3A, %add3A_595 : vector<16xi32>
        %gather3A_597 = tpu.vector_load_idx %arg9[%add3A_596, %broadcast_in_dim3A_593] : memref<64x512xf32, #tpu.memory_space<vmem>>[vector<16xi32>, vector<16xi32>], vector<16xf32>,
        %swap3A_598 = arith.constant 7 : i32
        %swap3A_599 = arith.index_cast %swap3A_598 : i32 to index
        %swap3A_600 = arith.constant 0 : index
        %swap3A_601 = tpu.vector_load %arg11[%swap3A_599, %swap3A_600] {strides = array<i32>} : memref<16x128xf32, #tpu.memory_space<vmem>>, vector<16xf32>,
        tpu.vector_store %arg11[%swap3A_599, %swap3A_600], %gather3A_597 {strides = array<i32>} : memref<16x128xf32, #tpu.memory_space<vmem>>, vector<16xf32>,
        %add3A_602 = arith.constant 16 : i32
        %add3A_603 = vector.broadcast %add3A_602 : i32 to vector<16xi32>
        %add3A_604 = arith.addi %iota3A, %add3A_603 : vector<16xi32>
        %gather3A_605 = tpu.vector_load_idx %arg9[%add3A_604, %broadcast_in_dim3A_593] : memref<64x512xf32, #tpu.memory_space<vmem>>[vector<16xi32>, vector<16xi32>], vector<16xf32>,
        %swap3A_606 = arith.constant 7 : i32
        %swap3A_607 = arith.index_cast %swap3A_606 : i32 to index
        %swap3A_608 = arith.constant 16 : index
        %swap3A_609 = tpu.vector_load %arg11[%swap3A_607, %swap3A_608] {strides = array<i32>} : memref<16x128xf32, #tpu.memory_space<vmem>>, vector<16xf32>,
        tpu.vector_store %arg11[%swap3A_607, %swap3A_608], %gather3A_605 {strides = array<i32>} : memref<16x128xf32, #tpu.memory_space<vmem>>, vector<16xf32>,
        %add3A_610 = arith.constant 32 : i32
        %add3A_611 = vector.broadcast %add3A_610 : i32 to vector<16xi32>
        %add3A_612 = arith.addi %iota3A, %add3A_611 : vector<16xi32>
        %gather3A_613 = tpu.vector_load_idx %arg9[%add3A_612, %broadcast_in_dim3A_593] : memref<64x512xf32, #tpu.memory_space<vmem>>[vector<16xi32>, vector<16xi32>], vector<16xf32>,
        %swap3A_614 = arith.constant 7 : i32
        %swap3A_615 = arith.index_cast %swap3A_614 : i32 to index
        %swap3A_616 = arith.constant 32 : index
        %swap3A_617 = tpu.vector_load %arg11[%swap3A_615, %swap3A_616] {strides = array<i32>} : memref<16x128xf32, #tpu.memory_space<vmem>>, vector<16xf32>,
        tpu.vector_store %arg11[%swap3A_615, %swap3A_616], %gather3A_613 {strides = array<i32>} : memref<16x128xf32, #tpu.memory_space<vmem>>, vector<16xf32>,
        %add3A_618 = arith.constant 48 : i32
        %add3A_619 = vector.broadcast %add3A_618 : i32 to vector<16xi32>
        %add3A_620 = arith.addi %iota3A, %add3A_619 : vector<16xi32>
        %gather3A_621 = tpu.vector_load_idx %arg9[%add3A_620, %broadcast_in_dim3A_593] : memref<64x512xf32, #tpu.memory_space<vmem>>[vector<16xi32>, vector<16xi32>], vector<16xf32>,
        %swap3A_622 = arith.constant 7 : i32
        %swap3A_623 = arith.index_cast %swap3A_622 : i32 to index
        %swap3A_624 = arith.constant 48 : index
        %swap3A_625 = tpu.vector_load %arg11[%swap3A_623, %swap3A_624] {strides = array<i32>} : memref<16x128xf32, #tpu.memory_space<vmem>>, vector<16xf32>,
        tpu.vector_store %arg11[%swap3A_623, %swap3A_624], %gather3A_621 {strides = array<i32>} : memref<16x128xf32, #tpu.memory_space<vmem>>, vector<16xf32>,
        %slice3A_626 = vector.extract_strided_slice %min3A_342 {offsets = [8], sizes = [1], strides = [1]} : vector<16xi32> to vector<1xi32>
        %squeeze3A_627 = vector.extract %slice3A_626[0] : i32 from vector<1xi32>
        %broadcast_in_dim3A_628 = vector.broadcast %squeeze3A_627 : i32 to vector<16xi32>
        %add3A_629 = arith.constant 0 : i32
        %add3A_630 = vector.broadcast %add3A_629 : i32 to vector<16xi32>
        %add3A_631 = arith.addi %iota3A, %add3A_630 : vector<16xi32>
        %gather3A_632 = tpu.vector_load_idx %arg9[%add3A_631, %broadcast_in_dim3A_628] : memref<64x512xf32, #tpu.memory_space<vmem>>[vector<16xi32>, vector<16xi32>], vector<16xf32>,
        %swap3A_633 = arith.constant 8 : i32
        %swap3A_634 = arith.index_cast %swap3A_633 : i32 to index
        %swap3A_635 = arith.constant 0 : index
        %swap3A_636 = tpu.vector_load %arg11[%swap3A_634, %swap3A_635] {strides = array<i32>} : memref<16x128xf32, #tpu.memory_space<vmem>>, vector<16xf32>,
        tpu.vector_store %arg11[%swap3A_634, %swap3A_635], %gather3A_632 {strides = array<i32>} : memref<16x128xf32, #tpu.memory_space<vmem>>, vector<16xf32>,
        %add3A_637 = arith.constant 16 : i32
        %add3A_638 = vector.broadcast %add3A_637 : i32 to vector<16xi32>
        %add3A_639 = arith.addi %iota3A, %add3A_638 : vector<16xi32>
        %gather3A_640 = tpu.vector_load_idx %arg9[%add3A_639, %broadcast_in_dim3A_628] : memref<64x512xf32, #tpu.memory_space<vmem>>[vector<16xi32>, vector<16xi32>], vector<16xf32>,
        %swap3A_641 = arith.constant 8 : i32
        %swap3A_642 = arith.index_cast %swap3A_641 : i32 to index
        %swap3A_643 = arith.constant 16 : index
        %swap3A_644 = tpu.vector_load %arg11[%swap3A_642, %swap3A_643] {strides = array<i32>} : memref<16x128xf32, #tpu.memory_space<vmem>>, vector<16xf32>,
        tpu.vector_store %arg11[%swap3A_642, %swap3A_643], %gather3A_640 {strides = array<i32>} : memref<16x128xf32, #tpu.memory_space<vmem>>, vector<16xf32>,
        %add3A_645 = arith.constant 32 : i32
        %add3A_646 = vector.broadcast %add3A_645 : i32 to vector<16xi32>
        %add3A_647 = arith.addi %iota3A, %add3A_646 : vector<16xi32>
        %gather3A_648 = tpu.vector_load_idx %arg9[%add3A_647, %broadcast_in_dim3A_628] : memref<64x512xf32, #tpu.memory_space<vmem>>[vector<16xi32>, vector<16xi32>], vector<16xf32>,
        %swap3A_649 = arith.constant 8 : i32
        %swap3A_650 = arith.index_cast %swap3A_649 : i32 to index
        %swap3A_651 = arith.constant 32 : index
        %swap3A_652 = tpu.vector_load %arg11[%swap3A_650, %swap3A_651] {strides = array<i32>} : memref<16x128xf32, #tpu.memory_space<vmem>>, vector<16xf32>,
        tpu.vector_store %arg11[%swap3A_650, %swap3A_651], %gather3A_648 {strides = array<i32>} : memref<16x128xf32, #tpu.memory_space<vmem>>, vector<16xf32>,
        %add3A_653 = arith.constant 48 : i32
        %add3A_654 = vector.broadcast %add3A_653 : i32 to vector<16xi32>
        %add3A_655 = arith.addi %iota3A, %add3A_654 : vector<16xi32>
        %gather3A_656 = tpu.vector_load_idx %arg9[%add3A_655, %broadcast_in_dim3A_628] : memref<64x512xf32, #tpu.memory_space<vmem>>[vector<16xi32>, vector<16xi32>], vector<16xf32>,
        %swap3A_657 = arith.constant 8 : i32
        %swap3A_658 = arith.index_cast %swap3A_657 : i32 to index
        %swap3A_659 = arith.constant 48 : index
        %swap3A_660 = tpu.vector_load %arg11[%swap3A_658, %swap3A_659] {strides = array<i32>} : memref<16x128xf32, #tpu.memory_space<vmem>>, vector<16xf32>,
        tpu.vector_store %arg11[%swap3A_658, %swap3A_659], %gather3A_656 {strides = array<i32>} : memref<16x128xf32, #tpu.memory_space<vmem>>, vector<16xf32>,
        %slice3A_661 = vector.extract_strided_slice %min3A_342 {offsets = [9], sizes = [1], strides = [1]} : vector<16xi32> to vector<1xi32>
        %squeeze3A_662 = vector.extract %slice3A_661[0] : i32 from vector<1xi32>
        %broadcast_in_dim3A_663 = vector.broadcast %squeeze3A_662 : i32 to vector<16xi32>
        %add3A_664 = arith.constant 0 : i32
        %add3A_665 = vector.broadcast %add3A_664 : i32 to vector<16xi32>
        %add3A_666 = arith.addi %iota3A, %add3A_665 : vector<16xi32>
        %gather3A_667 = tpu.vector_load_idx %arg9[%add3A_666, %broadcast_in_dim3A_663] : memref<64x512xf32, #tpu.memory_space<vmem>>[vector<16xi32>, vector<16xi32>], vector<16xf32>,
        %swap3A_668 = arith.constant 9 : i32
        %swap3A_669 = arith.index_cast %swap3A_668 : i32 to index
        %swap3A_670 = arith.constant 0 : index
        %swap3A_671 = tpu.vector_load %arg11[%swap3A_669, %swap3A_670] {strides = array<i32>} : memref<16x128xf32, #tpu.memory_space<vmem>>, vector<16xf32>,
        tpu.vector_store %arg11[%swap3A_669, %swap3A_670], %gather3A_667 {strides = array<i32>} : memref<16x128xf32, #tpu.memory_space<vmem>>, vector<16xf32>,
        %add3A_672 = arith.constant 16 : i32
        %add3A_673 = vector.broadcast %add3A_672 : i32 to vector<16xi32>
        %add3A_674 = arith.addi %iota3A, %add3A_673 : vector<16xi32>
        %gather3A_675 = tpu.vector_load_idx %arg9[%add3A_674, %broadcast_in_dim3A_663] : memref<64x512xf32, #tpu.memory_space<vmem>>[vector<16xi32>, vector<16xi32>], vector<16xf32>,
        %swap3A_676 = arith.constant 9 : i32
        %swap3A_677 = arith.index_cast %swap3A_676 : i32 to index
        %swap3A_678 = arith.constant 16 : index
        %swap3A_679 = tpu.vector_load %arg11[%swap3A_677, %swap3A_678] {strides = array<i32>} : memref<16x128xf32, #tpu.memory_space<vmem>>, vector<16xf32>,
        tpu.vector_store %arg11[%swap3A_677, %swap3A_678], %gather3A_675 {strides = array<i32>} : memref<16x128xf32, #tpu.memory_space<vmem>>, vector<16xf32>,
        %add3A_680 = arith.constant 32 : i32
        %add3A_681 = vector.broadcast %add3A_680 : i32 to vector<16xi32>
        %add3A_682 = arith.addi %iota3A, %add3A_681 : vector<16xi32>
        %gather3A_683 = tpu.vector_load_idx %arg9[%add3A_682, %broadcast_in_dim3A_663] : memref<64x512xf32, #tpu.memory_space<vmem>>[vector<16xi32>, vector<16xi32>], vector<16xf32>,
        %swap3A_684 = arith.constant 9 : i32
        %swap3A_685 = arith.index_cast %swap3A_684 : i32 to index
        %swap3A_686 = arith.constant 32 : index
        %swap3A_687 = tpu.vector_load %arg11[%swap3A_685, %swap3A_686] {strides = array<i32>} : memref<16x128xf32, #tpu.memory_space<vmem>>, vector<16xf32>,
        tpu.vector_store %arg11[%swap3A_685, %swap3A_686], %gather3A_683 {strides = array<i32>} : memref<16x128xf32, #tpu.memory_space<vmem>>, vector<16xf32>,
        %add3A_688 = arith.constant 48 : i32
        %add3A_689 = vector.broadcast %add3A_688 : i32 to vector<16xi32>
        %add3A_690 = arith.addi %iota3A, %add3A_689 : vector<16xi32>
        %gather3A_691 = tpu.vector_load_idx %arg9[%add3A_690, %broadcast_in_dim3A_663] : memref<64x512xf32, #tpu.memory_space<vmem>>[vector<16xi32>, vector<16xi32>], vector<16xf32>,
        %swap3A_692 = arith.constant 9 : i32
        %swap3A_693 = arith.index_cast %swap3A_692 : i32 to index
        %swap3A_694 = arith.constant 48 : index
        %swap3A_695 = tpu.vector_load %arg11[%swap3A_693, %swap3A_694] {strides = array<i32>} : memref<16x128xf32, #tpu.memory_space<vmem>>, vector<16xf32>,
        tpu.vector_store %arg11[%swap3A_693, %swap3A_694], %gather3A_691 {strides = array<i32>} : memref<16x128xf32, #tpu.memory_space<vmem>>, vector<16xf32>,
        %slice3A_696 = vector.extract_strided_slice %min3A_342 {offsets = [10], sizes = [1], strides = [1]} : vector<16xi32> to vector<1xi32>
        %squeeze3A_697 = vector.extract %slice3A_696[0] : i32 from vector<1xi32>
        %broadcast_in_dim3A_698 = vector.broadcast %squeeze3A_697 : i32 to vector<16xi32>
        %add3A_699 = arith.constant 0 : i32
        %add3A_700 = vector.broadcast %add3A_699 : i32 to vector<16xi32>
        %add3A_701 = arith.addi %iota3A, %add3A_700 : vector<16xi32>
        %gather3A_702 = tpu.vector_load_idx %arg9[%add3A_701, %broadcast_in_dim3A_698] : memref<64x512xf32, #tpu.memory_space<vmem>>[vector<16xi32>, vector<16xi32>], vector<16xf32>,
        %swap3A_703 = arith.constant 10 : i32
        %swap3A_704 = arith.index_cast %swap3A_703 : i32 to index
        %swap3A_705 = arith.constant 0 : index
        %swap3A_706 = tpu.vector_load %arg11[%swap3A_704, %swap3A_705] {strides = array<i32>} : memref<16x128xf32, #tpu.memory_space<vmem>>, vector<16xf32>,
        tpu.vector_store %arg11[%swap3A_704, %swap3A_705], %gather3A_702 {strides = array<i32>} : memref<16x128xf32, #tpu.memory_space<vmem>>, vector<16xf32>,
        %add3A_707 = arith.constant 16 : i32
        %add3A_708 = vector.broadcast %add3A_707 : i32 to vector<16xi32>
        %add3A_709 = arith.addi %iota3A, %add3A_708 : vector<16xi32>
        %gather3A_710 = tpu.vector_load_idx %arg9[%add3A_709, %broadcast_in_dim3A_698] : memref<64x512xf32, #tpu.memory_space<vmem>>[vector<16xi32>, vector<16xi32>], vector<16xf32>,
        %swap3A_711 = arith.constant 10 : i32
        %swap3A_712 = arith.index_cast %swap3A_711 : i32 to index
        %swap3A_713 = arith.constant 16 : index
        %swap3A_714 = tpu.vector_load %arg11[%swap3A_712, %swap3A_713] {strides = array<i32>} : memref<16x128xf32, #tpu.memory_space<vmem>>, vector<16xf32>,
        tpu.vector_store %arg11[%swap3A_712, %swap3A_713], %gather3A_710 {strides = array<i32>} : memref<16x128xf32, #tpu.memory_space<vmem>>, vector<16xf32>,
        %add3A_715 = arith.constant 32 : i32
        %add3A_716 = vector.broadcast %add3A_715 : i32 to vector<16xi32>
        %add3A_717 = arith.addi %iota3A, %add3A_716 : vector<16xi32>
        %gather3A_718 = tpu.vector_load_idx %arg9[%add3A_717, %broadcast_in_dim3A_698] : memref<64x512xf32, #tpu.memory_space<vmem>>[vector<16xi32>, vector<16xi32>], vector<16xf32>,
        %swap3A_719 = arith.constant 10 : i32
        %swap3A_720 = arith.index_cast %swap3A_719 : i32 to index
        %swap3A_721 = arith.constant 32 : index
        %swap3A_722 = tpu.vector_load %arg11[%swap3A_720, %swap3A_721] {strides = array<i32>} : memref<16x128xf32, #tpu.memory_space<vmem>>, vector<16xf32>,
        tpu.vector_store %arg11[%swap3A_720, %swap3A_721], %gather3A_718 {strides = array<i32>} : memref<16x128xf32, #tpu.memory_space<vmem>>, vector<16xf32>,
        %add3A_723 = arith.constant 48 : i32
        %add3A_724 = vector.broadcast %add3A_723 : i32 to vector<16xi32>
        %add3A_725 = arith.addi %iota3A, %add3A_724 : vector<16xi32>
        %gather3A_726 = tpu.vector_load_idx %arg9[%add3A_725, %broadcast_in_dim3A_698] : memref<64x512xf32, #tpu.memory_space<vmem>>[vector<16xi32>, vector<16xi32>], vector<16xf32>,
        %swap3A_727 = arith.constant 10 : i32
        %swap3A_728 = arith.index_cast %swap3A_727 : i32 to index
        %swap3A_729 = arith.constant 48 : index
        %swap3A_730 = tpu.vector_load %arg11[%swap3A_728, %swap3A_729] {strides = array<i32>} : memref<16x128xf32, #tpu.memory_space<vmem>>, vector<16xf32>,
        tpu.vector_store %arg11[%swap3A_728, %swap3A_729], %gather3A_726 {strides = array<i32>} : memref<16x128xf32, #tpu.memory_space<vmem>>, vector<16xf32>,
        %slice3A_731 = vector.extract_strided_slice %min3A_342 {offsets = [11], sizes = [1], strides = [1]} : vector<16xi32> to vector<1xi32>
        %squeeze3A_732 = vector.extract %slice3A_731[0] : i32 from vector<1xi32>
        %broadcast_in_dim3A_733 = vector.broadcast %squeeze3A_732 : i32 to vector<16xi32>
        %add3A_734 = arith.constant 0 : i32
        %add3A_735 = vector.broadcast %add3A_734 : i32 to vector<16xi32>
        %add3A_736 = arith.addi %iota3A, %add3A_735 : vector<16xi32>
        %gather3A_737 = tpu.vector_load_idx %arg9[%add3A_736, %broadcast_in_dim3A_733] : memref<64x512xf32, #tpu.memory_space<vmem>>[vector<16xi32>, vector<16xi32>], vector<16xf32>,
        %swap3A_738 = arith.constant 11 : i32
        %swap3A_739 = arith.index_cast %swap3A_738 : i32 to index
        %swap3A_740 = arith.constant 0 : index
        %swap3A_741 = tpu.vector_load %arg11[%swap3A_739, %swap3A_740] {strides = array<i32>} : memref<16x128xf32, #tpu.memory_space<vmem>>, vector<16xf32>,
        tpu.vector_store %arg11[%swap3A_739, %swap3A_740], %gather3A_737 {strides = array<i32>} : memref<16x128xf32, #tpu.memory_space<vmem>>, vector<16xf32>,
        %add3A_742 = arith.constant 16 : i32
        %add3A_743 = vector.broadcast %add3A_742 : i32 to vector<16xi32>
        %add3A_744 = arith.addi %iota3A, %add3A_743 : vector<16xi32>
        %gather3A_745 = tpu.vector_load_idx %arg9[%add3A_744, %broadcast_in_dim3A_733] : memref<64x512xf32, #tpu.memory_space<vmem>>[vector<16xi32>, vector<16xi32>], vector<16xf32>,
        %swap3A_746 = arith.constant 11 : i32
        %swap3A_747 = arith.index_cast %swap3A_746 : i32 to index
        %swap3A_748 = arith.constant 16 : index
        %swap3A_749 = tpu.vector_load %arg11[%swap3A_747, %swap3A_748] {strides = array<i32>} : memref<16x128xf32, #tpu.memory_space<vmem>>, vector<16xf32>,
        tpu.vector_store %arg11[%swap3A_747, %swap3A_748], %gather3A_745 {strides = array<i32>} : memref<16x128xf32, #tpu.memory_space<vmem>>, vector<16xf32>,
        %add3A_750 = arith.constant 32 : i32
        %add3A_751 = vector.broadcast %add3A_750 : i32 to vector<16xi32>
        %add3A_752 = arith.addi %iota3A, %add3A_751 : vector<16xi32>
        %gather3A_753 = tpu.vector_load_idx %arg9[%add3A_752, %broadcast_in_dim3A_733] : memref<64x512xf32, #tpu.memory_space<vmem>>[vector<16xi32>, vector<16xi32>], vector<16xf32>,
        %swap3A_754 = arith.constant 11 : i32
        %swap3A_755 = arith.index_cast %swap3A_754 : i32 to index
        %swap3A_756 = arith.constant 32 : index
        %swap3A_757 = tpu.vector_load %arg11[%swap3A_755, %swap3A_756] {strides = array<i32>} : memref<16x128xf32, #tpu.memory_space<vmem>>, vector<16xf32>,
        tpu.vector_store %arg11[%swap3A_755, %swap3A_756], %gather3A_753 {strides = array<i32>} : memref<16x128xf32, #tpu.memory_space<vmem>>, vector<16xf32>,
        %add3A_758 = arith.constant 48 : i32
        %add3A_759 = vector.broadcast %add3A_758 : i32 to vector<16xi32>
        %add3A_760 = arith.addi %iota3A, %add3A_759 : vector<16xi32>
        %gather3A_761 = tpu.vector_load_idx %arg9[%add3A_760, %broadcast_in_dim3A_733] : memref<64x512xf32, #tpu.memory_space<vmem>>[vector<16xi32>, vector<16xi32>], vector<16xf32>,
        %swap3A_762 = arith.constant 11 : i32
        %swap3A_763 = arith.index_cast %swap3A_762 : i32 to index
        %swap3A_764 = arith.constant 48 : index
        %swap3A_765 = tpu.vector_load %arg11[%swap3A_763, %swap3A_764] {strides = array<i32>} : memref<16x128xf32, #tpu.memory_space<vmem>>, vector<16xf32>,
        tpu.vector_store %arg11[%swap3A_763, %swap3A_764], %gather3A_761 {strides = array<i32>} : memref<16x128xf32, #tpu.memory_space<vmem>>, vector<16xf32>,
        %slice3A_766 = vector.extract_strided_slice %min3A_342 {offsets = [12], sizes = [1], strides = [1]} : vector<16xi32> to vector<1xi32>
        %squeeze3A_767 = vector.extract %slice3A_766[0] : i32 from vector<1xi32>
        %broadcast_in_dim3A_768 = vector.broadcast %squeeze3A_767 : i32 to vector<16xi32>
        %add3A_769 = arith.constant 0 : i32
        %add3A_770 = vector.broadcast %add3A_769 : i32 to vector<16xi32>
        %add3A_771 = arith.addi %iota3A, %add3A_770 : vector<16xi32>
        %gather3A_772 = tpu.vector_load_idx %arg9[%add3A_771, %broadcast_in_dim3A_768] : memref<64x512xf32, #tpu.memory_space<vmem>>[vector<16xi32>, vector<16xi32>], vector<16xf32>,
        %swap3A_773 = arith.constant 12 : i32
        %swap3A_774 = arith.index_cast %swap3A_773 : i32 to index
        %swap3A_775 = arith.constant 0 : index
        %swap3A_776 = tpu.vector_load %arg11[%swap3A_774, %swap3A_775] {strides = array<i32>} : memref<16x128xf32, #tpu.memory_space<vmem>>, vector<16xf32>,
        tpu.vector_store %arg11[%swap3A_774, %swap3A_775], %gather3A_772 {strides = array<i32>} : memref<16x128xf32, #tpu.memory_space<vmem>>, vector<16xf32>,
        %add3A_777 = arith.constant 16 : i32
        %add3A_778 = vector.broadcast %add3A_777 : i32 to vector<16xi32>
        %add3A_779 = arith.addi %iota3A, %add3A_778 : vector<16xi32>
        %gather3A_780 = tpu.vector_load_idx %arg9[%add3A_779, %broadcast_in_dim3A_768] : memref<64x512xf32, #tpu.memory_space<vmem>>[vector<16xi32>, vector<16xi32>], vector<16xf32>,
        %swap3A_781 = arith.constant 12 : i32
        %swap3A_782 = arith.index_cast %swap3A_781 : i32 to index
        %swap3A_783 = arith.constant 16 : index
        %swap3A_784 = tpu.vector_load %arg11[%swap3A_782, %swap3A_783] {strides = array<i32>} : memref<16x128xf32, #tpu.memory_space<vmem>>, vector<16xf32>,
        tpu.vector_store %arg11[%swap3A_782, %swap3A_783], %gather3A_780 {strides = array<i32>} : memref<16x128xf32, #tpu.memory_space<vmem>>, vector<16xf32>,
        %add3A_785 = arith.constant 32 : i32
        %add3A_786 = vector.broadcast %add3A_785 : i32 to vector<16xi32>
        %add3A_787 = arith.addi %iota3A, %add3A_786 : vector<16xi32>
        %gather3A_788 = tpu.vector_load_idx %arg9[%add3A_787, %broadcast_in_dim3A_768] : memref<64x512xf32, #tpu.memory_space<vmem>>[vector<16xi32>, vector<16xi32>], vector<16xf32>,
        %swap3A_789 = arith.constant 12 : i32
        %swap3A_790 = arith.index_cast %swap3A_789 : i32 to index
        %swap3A_791 = arith.constant 32 : index
        %swap3A_792 = tpu.vector_load %arg11[%swap3A_790, %swap3A_791] {strides = array<i32>} : memref<16x128xf32, #tpu.memory_space<vmem>>, vector<16xf32>,
        tpu.vector_store %arg11[%swap3A_790, %swap3A_791], %gather3A_788 {strides = array<i32>} : memref<16x128xf32, #tpu.memory_space<vmem>>, vector<16xf32>,
        %add3A_793 = arith.constant 48 : i32
        %add3A_794 = vector.broadcast %add3A_793 : i32 to vector<16xi32>
        %add3A_795 = arith.addi %iota3A, %add3A_794 : vector<16xi32>
        %gather3A_796 = tpu.vector_load_idx %arg9[%add3A_795, %broadcast_in_dim3A_768] : memref<64x512xf32, #tpu.memory_space<vmem>>[vector<16xi32>, vector<16xi32>], vector<16xf32>,
        %swap3A_797 = arith.constant 12 : i32
        %swap3A_798 = arith.index_cast %swap3A_797 : i32 to index
        %swap3A_799 = arith.constant 48 : index
        %swap3A_800 = tpu.vector_load %arg11[%swap3A_798, %swap3A_799] {strides = array<i32>} : memref<16x128xf32, #tpu.memory_space<vmem>>, vector<16xf32>,
        tpu.vector_store %arg11[%swap3A_798, %swap3A_799], %gather3A_796 {strides = array<i32>} : memref<16x128xf32, #tpu.memory_space<vmem>>, vector<16xf32>,
        %slice3A_801 = vector.extract_strided_slice %min3A_342 {offsets = [13], sizes = [1], strides = [1]} : vector<16xi32> to vector<1xi32>
        %squeeze3A_802 = vector.extract %slice3A_801[0] : i32 from vector<1xi32>
        %broadcast_in_dim3A_803 = vector.broadcast %squeeze3A_802 : i32 to vector<16xi32>
        %add3A_804 = arith.constant 0 : i32
        %add3A_805 = vector.broadcast %add3A_804 : i32 to vector<16xi32>
        %add3A_806 = arith.addi %iota3A, %add3A_805 : vector<16xi32>
        %gather3A_807 = tpu.vector_load_idx %arg9[%add3A_806, %broadcast_in_dim3A_803] : memref<64x512xf32, #tpu.memory_space<vmem>>[vector<16xi32>, vector<16xi32>], vector<16xf32>,
        %swap3A_808 = arith.constant 13 : i32
        %swap3A_809 = arith.index_cast %swap3A_808 : i32 to index
        %swap3A_810 = arith.constant 0 : index
        %swap3A_811 = tpu.vector_load %arg11[%swap3A_809, %swap3A_810] {strides = array<i32>} : memref<16x128xf32, #tpu.memory_space<vmem>>, vector<16xf32>,
        tpu.vector_store %arg11[%swap3A_809, %swap3A_810], %gather3A_807 {strides = array<i32>} : memref<16x128xf32, #tpu.memory_space<vmem>>, vector<16xf32>,
        %add3A_812 = arith.constant 16 : i32
        %add3A_813 = vector.broadcast %add3A_812 : i32 to vector<16xi32>
        %add3A_814 = arith.addi %iota3A, %add3A_813 : vector<16xi32>
        %gather3A_815 = tpu.vector_load_idx %arg9[%add3A_814, %broadcast_in_dim3A_803] : memref<64x512xf32, #tpu.memory_space<vmem>>[vector<16xi32>, vector<16xi32>], vector<16xf32>,
        %swap3A_816 = arith.constant 13 : i32
        %swap3A_817 = arith.index_cast %swap3A_816 : i32 to index
        %swap3A_818 = arith.constant 16 : index
        %swap3A_819 = tpu.vector_load %arg11[%swap3A_817, %swap3A_818] {strides = array<i32>} : memref<16x128xf32, #tpu.memory_space<vmem>>, vector<16xf32>,
        tpu.vector_store %arg11[%swap3A_817, %swap3A_818], %gather3A_815 {strides = array<i32>} : memref<16x128xf32, #tpu.memory_space<vmem>>, vector<16xf32>,
        %add3A_820 = arith.constant 32 : i32
        %add3A_821 = vector.broadcast %add3A_820 : i32 to vector<16xi32>
        %add3A_822 = arith.addi %iota3A, %add3A_821 : vector<16xi32>
        %gather3A_823 = tpu.vector_load_idx %arg9[%add3A_822, %broadcast_in_dim3A_803] : memref<64x512xf32, #tpu.memory_space<vmem>>[vector<16xi32>, vector<16xi32>], vector<16xf32>,
        %swap3A_824 = arith.constant 13 : i32
        %swap3A_825 = arith.index_cast %swap3A_824 : i32 to index
        %swap3A_826 = arith.constant 32 : index
        %swap3A_827 = tpu.vector_load %arg11[%swap3A_825, %swap3A_826] {strides = array<i32>} : memref<16x128xf32, #tpu.memory_space<vmem>>, vector<16xf32>,
        tpu.vector_store %arg11[%swap3A_825, %swap3A_826], %gather3A_823 {strides = array<i32>} : memref<16x128xf32, #tpu.memory_space<vmem>>, vector<16xf32>,
        %add3A_828 = arith.constant 48 : i32
        %add3A_829 = vector.broadcast %add3A_828 : i32 to vector<16xi32>
        %add3A_830 = arith.addi %iota3A, %add3A_829 : vector<16xi32>
        %gather3A_831 = tpu.vector_load_idx %arg9[%add3A_830, %broadcast_in_dim3A_803] : memref<64x512xf32, #tpu.memory_space<vmem>>[vector<16xi32>, vector<16xi32>], vector<16xf32>,
        %swap3A_832 = arith.constant 13 : i32
        %swap3A_833 = arith.index_cast %swap3A_832 : i32 to index
        %swap3A_834 = arith.constant 48 : index
        %swap3A_835 = tpu.vector_load %arg11[%swap3A_833, %swap3A_834] {strides = array<i32>} : memref<16x128xf32, #tpu.memory_space<vmem>>, vector<16xf32>,
        tpu.vector_store %arg11[%swap3A_833, %swap3A_834], %gather3A_831 {strides = array<i32>} : memref<16x128xf32, #tpu.memory_space<vmem>>, vector<16xf32>,
        %slice3A_836 = vector.extract_strided_slice %min3A_342 {offsets = [14], sizes = [1], strides = [1]} : vector<16xi32> to vector<1xi32>
        %squeeze3A_837 = vector.extract %slice3A_836[0] : i32 from vector<1xi32>
        %broadcast_in_dim3A_838 = vector.broadcast %squeeze3A_837 : i32 to vector<16xi32>
        %add3A_839 = arith.constant 0 : i32
        %add3A_840 = vector.broadcast %add3A_839 : i32 to vector<16xi32>
        %add3A_841 = arith.addi %iota3A, %add3A_840 : vector<16xi32>
        %gather3A_842 = tpu.vector_load_idx %arg9[%add3A_841, %broadcast_in_dim3A_838] : memref<64x512xf32, #tpu.memory_space<vmem>>[vector<16xi32>, vector<16xi32>], vector<16xf32>,
        %swap3A_843 = arith.constant 14 : i32
        %swap3A_844 = arith.index_cast %swap3A_843 : i32 to index
        %swap3A_845 = arith.constant 0 : index
        %swap3A_846 = tpu.vector_load %arg11[%swap3A_844, %swap3A_845] {strides = array<i32>} : memref<16x128xf32, #tpu.memory_space<vmem>>, vector<16xf32>,
        tpu.vector_store %arg11[%swap3A_844, %swap3A_845], %gather3A_842 {strides = array<i32>} : memref<16x128xf32, #tpu.memory_space<vmem>>, vector<16xf32>,
        %add3A_847 = arith.constant 16 : i32
        %add3A_848 = vector.broadcast %add3A_847 : i32 to vector<16xi32>
        %add3A_849 = arith.addi %iota3A, %add3A_848 : vector<16xi32>
        %gather3A_850 = tpu.vector_load_idx %arg9[%add3A_849, %broadcast_in_dim3A_838] : memref<64x512xf32, #tpu.memory_space<vmem>>[vector<16xi32>, vector<16xi32>], vector<16xf32>,
        %swap3A_851 = arith.constant 14 : i32
        %swap3A_852 = arith.index_cast %swap3A_851 : i32 to index
        %swap3A_853 = arith.constant 16 : index
        %swap3A_854 = tpu.vector_load %arg11[%swap3A_852, %swap3A_853] {strides = array<i32>} : memref<16x128xf32, #tpu.memory_space<vmem>>, vector<16xf32>,
        tpu.vector_store %arg11[%swap3A_852, %swap3A_853], %gather3A_850 {strides = array<i32>} : memref<16x128xf32, #tpu.memory_space<vmem>>, vector<16xf32>,
        %add3A_855 = arith.constant 32 : i32
        %add3A_856 = vector.broadcast %add3A_855 : i32 to vector<16xi32>
        %add3A_857 = arith.addi %iota3A, %add3A_856 : vector<16xi32>
        %gather3A_858 = tpu.vector_load_idx %arg9[%add3A_857, %broadcast_in_dim3A_838] : memref<64x512xf32, #tpu.memory_space<vmem>>[vector<16xi32>, vector<16xi32>], vector<16xf32>,
        %swap3A_859 = arith.constant 14 : i32
        %swap3A_860 = arith.index_cast %swap3A_859 : i32 to index
        %swap3A_861 = arith.constant 32 : index
        %swap3A_862 = tpu.vector_load %arg11[%swap3A_860, %swap3A_861] {strides = array<i32>} : memref<16x128xf32, #tpu.memory_space<vmem>>, vector<16xf32>,
        tpu.vector_store %arg11[%swap3A_860, %swap3A_861], %gather3A_858 {strides = array<i32>} : memref<16x128xf32, #tpu.memory_space<vmem>>, vector<16xf32>,
        %add3A_863 = arith.constant 48 : i32
        %add3A_864 = vector.broadcast %add3A_863 : i32 to vector<16xi32>
        %add3A_865 = arith.addi %iota3A, %add3A_864 : vector<16xi32>
        %gather3A_866 = tpu.vector_load_idx %arg9[%add3A_865, %broadcast_in_dim3A_838] : memref<64x512xf32, #tpu.memory_space<vmem>>[vector<16xi32>, vector<16xi32>], vector<16xf32>,
        %swap3A_867 = arith.constant 14 : i32
        %swap3A_868 = arith.index_cast %swap3A_867 : i32 to index
        %swap3A_869 = arith.constant 48 : index
        %swap3A_870 = tpu.vector_load %arg11[%swap3A_868, %swap3A_869] {strides = array<i32>} : memref<16x128xf32, #tpu.memory_space<vmem>>, vector<16xf32>,
        tpu.vector_store %arg11[%swap3A_868, %swap3A_869], %gather3A_866 {strides = array<i32>} : memref<16x128xf32, #tpu.memory_space<vmem>>, vector<16xf32>,
        %slice3A_871 = vector.extract_strided_slice %min3A_342 {offsets = [15], sizes = [1], strides = [1]} : vector<16xi32> to vector<1xi32>
        %squeeze3A_872 = vector.extract %slice3A_871[0] : i32 from vector<1xi32>
        %broadcast_in_dim3A_873 = vector.broadcast %squeeze3A_872 : i32 to vector<16xi32>
        %add3A_874 = arith.constant 0 : i32
        %add3A_875 = vector.broadcast %add3A_874 : i32 to vector<16xi32>
        %add3A_876 = arith.addi %iota3A, %add3A_875 : vector<16xi32>
        %gather3A_877 = tpu.vector_load_idx %arg9[%add3A_876, %broadcast_in_dim3A_873] : memref<64x512xf32, #tpu.memory_space<vmem>>[vector<16xi32>, vector<16xi32>], vector<16xf32>,
        %swap3A_878 = arith.constant 15 : i32
        %swap3A_879 = arith.index_cast %swap3A_878 : i32 to index
        %swap3A_880 = arith.constant 0 : index
        %swap3A_881 = tpu.vector_load %arg11[%swap3A_879, %swap3A_880] {strides = array<i32>} : memref<16x128xf32, #tpu.memory_space<vmem>>, vector<16xf32>,
        tpu.vector_store %arg11[%swap3A_879, %swap3A_880], %gather3A_877 {strides = array<i32>} : memref<16x128xf32, #tpu.memory_space<vmem>>, vector<16xf32>,
        %add3A_882 = arith.constant 16 : i32
        %add3A_883 = vector.broadcast %add3A_882 : i32 to vector<16xi32>
        %add3A_884 = arith.addi %iota3A, %add3A_883 : vector<16xi32>
        %gather3A_885 = tpu.vector_load_idx %arg9[%add3A_884, %broadcast_in_dim3A_873] : memref<64x512xf32, #tpu.memory_space<vmem>>[vector<16xi32>, vector<16xi32>], vector<16xf32>,
        %swap3A_886 = arith.constant 15 : i32
        %swap3A_887 = arith.index_cast %swap3A_886 : i32 to index
        %swap3A_888 = arith.constant 16 : index
        %swap3A_889 = tpu.vector_load %arg11[%swap3A_887, %swap3A_888] {strides = array<i32>} : memref<16x128xf32, #tpu.memory_space<vmem>>, vector<16xf32>,
        tpu.vector_store %arg11[%swap3A_887, %swap3A_888], %gather3A_885 {strides = array<i32>} : memref<16x128xf32, #tpu.memory_space<vmem>>, vector<16xf32>,
        %add3A_890 = arith.constant 32 : i32
        %add3A_891 = vector.broadcast %add3A_890 : i32 to vector<16xi32>
        %add3A_892 = arith.addi %iota3A, %add3A_891 : vector<16xi32>
        %gather3A_893 = tpu.vector_load_idx %arg9[%add3A_892, %broadcast_in_dim3A_873] : memref<64x512xf32, #tpu.memory_space<vmem>>[vector<16xi32>, vector<16xi32>], vector<16xf32>,
        %swap3A_894 = arith.constant 15 : i32
        %swap3A_895 = arith.index_cast %swap3A_894 : i32 to index
        %swap3A_896 = arith.constant 32 : index
        %swap3A_897 = tpu.vector_load %arg11[%swap3A_895, %swap3A_896] {strides = array<i32>} : memref<16x128xf32, #tpu.memory_space<vmem>>, vector<16xf32>,
        tpu.vector_store %arg11[%swap3A_895, %swap3A_896], %gather3A_893 {strides = array<i32>} : memref<16x128xf32, #tpu.memory_space<vmem>>, vector<16xf32>,
        %add3A_898 = arith.constant 48 : i32
        %add3A_899 = vector.broadcast %add3A_898 : i32 to vector<16xi32>
        %add3A_900 = arith.addi %iota3A, %add3A_899 : vector<16xi32>
        %gather3A_901 = tpu.vector_load_idx %arg9[%add3A_900, %broadcast_in_dim3A_873] : memref<64x512xf32, #tpu.memory_space<vmem>>[vector<16xi32>, vector<16xi32>], vector<16xf32>,
        %swap3A_902 = arith.constant 15 : i32
        %swap3A_903 = arith.index_cast %swap3A_902 : i32 to index
        %swap3A_904 = arith.constant 48 : index
        %swap3A_905 = tpu.vector_load %arg11[%swap3A_903, %swap3A_904] {strides = array<i32>} : memref<16x128xf32, #tpu.memory_space<vmem>>, vector<16xf32>,
        tpu.vector_store %arg11[%swap3A_903, %swap3A_904], %gather3A_901 {strides = array<i32>} : memref<16x128xf32, #tpu.memory_space<vmem>>, vector<16xf32>,
        %dma_start3A = arith.constant 0 : i32
        %dma_start3A_906 = arith.constant 0 : i32
        %dma_start3A_907 = tpu.memref_slice %arg5[%dma_start3A, %dma_start3A_906] : memref<16416x128xf32, #tpu.memory_space<hbm>> -> memref<16416x128xf32, #tpu.memory_space<hbm>>
        tpu.enqueue_indirect_dma source(%arg11 : memref<16x128xf32, #tpu.memory_space<vmem>>) target(%dma_start3A_907 : memref<16416x128xf32, #tpu.memory_space<hbm>>) offsets(%select_n3A_343 : vector<16xi32>) semaphore(%arg13 : memref<!tpu.dma_semaphore, #tpu.memory_space<semaphore_mem>>)
        %add3A_908 = arith.constant 1 : i32
        %add3A_909 = arith.addi %while3A_321, %add3A_908 : i32
        scf.yield %add3A_909 : i32
      }
      %while3A_178 = arith.constant 1 : i32
      %while3A_179 = scf.for %while3A_320 = %while3A_175 to %while3A_171 step %while3A_178 iter_args(%while3A_321 = %while3A_177) -> (i32)  : i32 {
        %mul3A_322 = arith.constant 16 : i32
        %mul3A_323 = arith.muli %while3A_320, %mul3A_322 : i32
        %get3A = arith.index_cast %mul3A_323 : i32 to index
        %get3A_324 = tpu.vector_load %arg8[%get3A] {strides = array<i32>} : memref<16384xi32, #tpu.memory_space<vmem>>, vector<16xi32>,
        %jit3A_325 = arith.constant 0 : i32
        %jit3A_326 = arith.constant 16383 : i32
        %max3A = vector.broadcast %jit3A_325 : i32 to vector<16xi32>
        %max3A_327 = arith.maxsi %max3A, %get3A_324 : vector<16xi32>
        %min3A_328 = vector.broadcast %jit3A_326 : i32 to vector<16xi32>
        %min3A_329 = arith.minsi %min3A_328, %max3A_327 : vector<16xi32>
        %gather3A = tpu.vector_load_idx %arg6[%min3A_329] : memref<16384xi32, #tpu.memory_space<vmem>>[vector<16xi32>], vector<16xi32>,
        %gather3A_330 = tpu.vector_load_idx %arg7[%min3A_329] : memref<16384xi32, #tpu.memory_space<vmem>>[vector<16xi32>], vector<16xi32>,
        %mul3A_331 = arith.constant 16 : i32
        %mul3A_332 = arith.muli %while3A_320, %mul3A_331 : i32
        %sub3A_333 = arith.subi %while3A_142, %mul3A_332 : i32
        %lt3A_334 = vector.broadcast %sub3A_333 : i32 to vector<16xi32>
        %lt3A_335 = arith.cmpi slt, %iota3A, %lt3A_334 : vector<16xi32>
        %sub3A_336 = vector.broadcast %select_n3A_100 : i32 to vector<16xi32>
        %sub3A_337 = arith.subi %gather3A, %sub3A_336 : vector<16xi32>
        %jit3A_338 = arith.constant 0 : i32
        %max3A_339 = vector.broadcast %jit3A_338 : i32 to vector<16xi32>
        %max3A_340 = arith.maxsi %max3A_339, %sub3A_337 : vector<16xi32>
        %min3A_341 = vector.broadcast %select_n3A_109 : i32 to vector<16xi32>
        %min3A_342 = arith.minsi %min3A_341, %max3A_340 : vector<16xi32>
        %broadcast_in_dim3A = vector.broadcast %add3A_24 : i32 to vector<16xi32>
        %select_n3A_343 = arith.select %lt3A_335, %gather3A_330, %broadcast_in_dim3A : vector<16xi1>, vector<16xi32>
        %gt3A_344 = arith.constant 0 : i32
        %gt3A_345 = arith.cmpi sgt, %while3A_321, %gt3A_344 : i32
        %convert_element_type3A_346 = arith.extui %gt3A_345 : i1 to i32
        %cond3A_347 = arith.constant 0 : i32
        %cond3A_348 = arith.cmpi ne, %convert_element_type3A_346, %cond3A_347 : i32
        scf.if %cond3A_348 {
          %dma_wait3A = arith.constant 0 : i32
          %dma_wait3A_910 = arith.constant 0 : i32
          %dma_wait3A_911 = tpu.memref_slice %arg5[%dma_wait3A, %dma_wait3A_910] : memref<16416x128xf32, #tpu.memory_space<hbm>> -> memref<16x128xf32, #tpu.memory_space<hbm>>
          %dma_wait3A_912 = arith.constant 0 : i32
          %dma_wait3A_913 = arith.constant 0 : i32
          %dma_wait3A_914 = tpu.memref_slice %arg5[%dma_wait3A_912, %dma_wait3A_913] : memref<16416x128xf32, #tpu.memory_space<hbm>> -> memref<16x128xf32, #tpu.memory_space<hbm>>
          tpu.wait_dma2 semaphore(%arg13 : memref<!tpu.dma_semaphore, #tpu.memory_space<semaphore_mem>>) src(%arg11 : memref<16x128xf32, #tpu.memory_space<vmem>>) dst(%dma_wait3A_914 : memref<16x128xf32, #tpu.memory_space<hbm>>)
        } else {
        }
        %slice3A = vector.extract_strided_slice %min3A_342 {offsets = [0], sizes = [1], strides = [1]} : vector<16xi32> to vector<1xi32>
        %squeeze3A = vector.extract %slice3A[0] : i32 from vector<1xi32>
        %broadcast_in_dim3A_349 = vector.broadcast %squeeze3A : i32 to vector<16xi32>
        %add3A_350 = arith.constant 0 : i32
        %add3A_351 = vector.broadcast %add3A_350 : i32 to vector<16xi32>
        %add3A_352 = arith.addi %iota3A, %add3A_351 : vector<16xi32>
        %gather3A_353 = tpu.vector_load_idx %arg9[%add3A_352, %broadcast_in_dim3A_349] : memref<64x512xf32, #tpu.memory_space<vmem>>[vector<16xi32>, vector<16xi32>], vector<16xf32>,
        %swap3A = arith.constant 0 : i32
        %swap3A_354 = arith.index_cast %swap3A : i32 to index
        %swap3A_355 = arith.constant 0 : index
        %swap3A_356 = tpu.vector_load %arg11[%swap3A_354, %swap3A_355] {strides = array<i32>} : memref<16x128xf32, #tpu.memory_space<vmem>>, vector<16xf32>,
        tpu.vector_store %arg11[%swap3A_354, %swap3A_355], %gather3A_353 {strides = array<i32>} : memref<16x128xf32, #tpu.memory_space<vmem>>, vector<16xf32>,
        %add3A_357 = arith.constant 16 : i32
        %add3A_358 = vector.broadcast %add3A_357 : i32 to vector<16xi32>
        %add3A_359 = arith.addi %iota3A, %add3A_358 : vector<16xi32>
        %gather3A_360 = tpu.vector_load_idx %arg9[%add3A_359, %broadcast_in_dim3A_349] : memref<64x512xf32, #tpu.memory_space<vmem>>[vector<16xi32>, vector<16xi32>], vector<16xf32>,
        %swap3A_361 = arith.constant 0 : i32
        %swap3A_362 = arith.index_cast %swap3A_361 : i32 to index
        %swap3A_363 = arith.constant 16 : index
        %swap3A_364 = tpu.vector_load %arg11[%swap3A_362, %swap3A_363] {strides = array<i32>} : memref<16x128xf32, #tpu.memory_space<vmem>>, vector<16xf32>,
        tpu.vector_store %arg11[%swap3A_362, %swap3A_363], %gather3A_360 {strides = array<i32>} : memref<16x128xf32, #tpu.memory_space<vmem>>, vector<16xf32>,
        %add3A_365 = arith.constant 32 : i32
        %add3A_366 = vector.broadcast %add3A_365 : i32 to vector<16xi32>
        %add3A_367 = arith.addi %iota3A, %add3A_366 : vector<16xi32>
        %gather3A_368 = tpu.vector_load_idx %arg9[%add3A_367, %broadcast_in_dim3A_349] : memref<64x512xf32, #tpu.memory_space<vmem>>[vector<16xi32>, vector<16xi32>], vector<16xf32>,
        %swap3A_369 = arith.constant 0 : i32
        %swap3A_370 = arith.index_cast %swap3A_369 : i32 to index
        %swap3A_371 = arith.constant 32 : index
        %swap3A_372 = tpu.vector_load %arg11[%swap3A_370, %swap3A_371] {strides = array<i32>} : memref<16x128xf32, #tpu.memory_space<vmem>>, vector<16xf32>,
        tpu.vector_store %arg11[%swap3A_370, %swap3A_371], %gather3A_368 {strides = array<i32>} : memref<16x128xf32, #tpu.memory_space<vmem>>, vector<16xf32>,
        %add3A_373 = arith.constant 48 : i32
        %add3A_374 = vector.broadcast %add3A_373 : i32 to vector<16xi32>
        %add3A_375 = arith.addi %iota3A, %add3A_374 : vector<16xi32>
        %gather3A_376 = tpu.vector_load_idx %arg9[%add3A_375, %broadcast_in_dim3A_349] : memref<64x512xf32, #tpu.memory_space<vmem>>[vector<16xi32>, vector<16xi32>], vector<16xf32>,
        %swap3A_377 = arith.constant 0 : i32
        %swap3A_378 = arith.index_cast %swap3A_377 : i32 to index
        %swap3A_379 = arith.constant 48 : index
        %swap3A_380 = tpu.vector_load %arg11[%swap3A_378, %swap3A_379] {strides = array<i32>} : memref<16x128xf32, #tpu.memory_space<vmem>>, vector<16xf32>,
        tpu.vector_store %arg11[%swap3A_378, %swap3A_379], %gather3A_376 {strides = array<i32>} : memref<16x128xf32, #tpu.memory_space<vmem>>, vector<16xf32>,
        %slice3A_381 = vector.extract_strided_slice %min3A_342 {offsets = [1], sizes = [1], strides = [1]} : vector<16xi32> to vector<1xi32>
        %squeeze3A_382 = vector.extract %slice3A_381[0] : i32 from vector<1xi32>
        %broadcast_in_dim3A_383 = vector.broadcast %squeeze3A_382 : i32 to vector<16xi32>
        %add3A_384 = arith.constant 0 : i32
        %add3A_385 = vector.broadcast %add3A_384 : i32 to vector<16xi32>
        %add3A_386 = arith.addi %iota3A, %add3A_385 : vector<16xi32>
        %gather3A_387 = tpu.vector_load_idx %arg9[%add3A_386, %broadcast_in_dim3A_383] : memref<64x512xf32, #tpu.memory_space<vmem>>[vector<16xi32>, vector<16xi32>], vector<16xf32>,
        %swap3A_388 = arith.constant 1 : i32
        %swap3A_389 = arith.index_cast %swap3A_388 : i32 to index
        %swap3A_390 = arith.constant 0 : index
        %swap3A_391 = tpu.vector_load %arg11[%swap3A_389, %swap3A_390] {strides = array<i32>} : memref<16x128xf32, #tpu.memory_space<vmem>>, vector<16xf32>,
        tpu.vector_store %arg11[%swap3A_389, %swap3A_390], %gather3A_387 {strides = array<i32>} : memref<16x128xf32, #tpu.memory_space<vmem>>, vector<16xf32>,
        %add3A_392 = arith.constant 16 : i32
        %add3A_393 = vector.broadcast %add3A_392 : i32 to vector<16xi32>
        %add3A_394 = arith.addi %iota3A, %add3A_393 : vector<16xi32>
        %gather3A_395 = tpu.vector_load_idx %arg9[%add3A_394, %broadcast_in_dim3A_383] : memref<64x512xf32, #tpu.memory_space<vmem>>[vector<16xi32>, vector<16xi32>], vector<16xf32>,
        %swap3A_396 = arith.constant 1 : i32
        %swap3A_397 = arith.index_cast %swap3A_396 : i32 to index
        %swap3A_398 = arith.constant 16 : index
        %swap3A_399 = tpu.vector_load %arg11[%swap3A_397, %swap3A_398] {strides = array<i32>} : memref<16x128xf32, #tpu.memory_space<vmem>>, vector<16xf32>,
        tpu.vector_store %arg11[%swap3A_397, %swap3A_398], %gather3A_395 {strides = array<i32>} : memref<16x128xf32, #tpu.memory_space<vmem>>, vector<16xf32>,
        %add3A_400 = arith.constant 32 : i32
        %add3A_401 = vector.broadcast %add3A_400 : i32 to vector<16xi32>
        %add3A_402 = arith.addi %iota3A, %add3A_401 : vector<16xi32>
        %gather3A_403 = tpu.vector_load_idx %arg9[%add3A_402, %broadcast_in_dim3A_383] : memref<64x512xf32, #tpu.memory_space<vmem>>[vector<16xi32>, vector<16xi32>], vector<16xf32>,
        %swap3A_404 = arith.constant 1 : i32
        %swap3A_405 = arith.index_cast %swap3A_404 : i32 to index
        %swap3A_406 = arith.constant 32 : index
        %swap3A_407 = tpu.vector_load %arg11[%swap3A_405, %swap3A_406] {strides = array<i32>} : memref<16x128xf32, #tpu.memory_space<vmem>>, vector<16xf32>,
        tpu.vector_store %arg11[%swap3A_405, %swap3A_406], %gather3A_403 {strides = array<i32>} : memref<16x128xf32, #tpu.memory_space<vmem>>, vector<16xf32>,
        %add3A_408 = arith.constant 48 : i32
        %add3A_409 = vector.broadcast %add3A_408 : i32 to vector<16xi32>
        %add3A_410 = arith.addi %iota3A, %add3A_409 : vector<16xi32>
        %gather3A_411 = tpu.vector_load_idx %arg9[%add3A_410, %broadcast_in_dim3A_383] : memref<64x512xf32, #tpu.memory_space<vmem>>[vector<16xi32>, vector<16xi32>], vector<16xf32>,
        %swap3A_412 = arith.constant 1 : i32
        %swap3A_413 = arith.index_cast %swap3A_412 : i32 to index
        %swap3A_414 = arith.constant 48 : index
        %swap3A_415 = tpu.vector_load %arg11[%swap3A_413, %swap3A_414] {strides = array<i32>} : memref<16x128xf32, #tpu.memory_space<vmem>>, vector<16xf32>,
        tpu.vector_store %arg11[%swap3A_413, %swap3A_414], %gather3A_411 {strides = array<i32>} : memref<16x128xf32, #tpu.memory_space<vmem>>, vector<16xf32>,
        %slice3A_416 = vector.extract_strided_slice %min3A_342 {offsets = [2], sizes = [1], strides = [1]} : vector<16xi32> to vector<1xi32>
        %squeeze3A_417 = vector.extract %slice3A_416[0] : i32 from vector<1xi32>
        %broadcast_in_dim3A_418 = vector.broadcast %squeeze3A_417 : i32 to vector<16xi32>
        %add3A_419 = arith.constant 0 : i32
        %add3A_420 = vector.broadcast %add3A_419 : i32 to vector<16xi32>
        %add3A_421 = arith.addi %iota3A, %add3A_420 : vector<16xi32>
        %gather3A_422 = tpu.vector_load_idx %arg9[%add3A_421, %broadcast_in_dim3A_418] : memref<64x512xf32, #tpu.memory_space<vmem>>[vector<16xi32>, vector<16xi32>], vector<16xf32>,
        %swap3A_423 = arith.constant 2 : i32
        %swap3A_424 = arith.index_cast %swap3A_423 : i32 to index
        %swap3A_425 = arith.constant 0 : index
        %swap3A_426 = tpu.vector_load %arg11[%swap3A_424, %swap3A_425] {strides = array<i32>} : memref<16x128xf32, #tpu.memory_space<vmem>>, vector<16xf32>,
        tpu.vector_store %arg11[%swap3A_424, %swap3A_425], %gather3A_422 {strides = array<i32>} : memref<16x128xf32, #tpu.memory_space<vmem>>, vector<16xf32>,
        %add3A_427 = arith.constant 16 : i32
        %add3A_428 = vector.broadcast %add3A_427 : i32 to vector<16xi32>
        %add3A_429 = arith.addi %iota3A, %add3A_428 : vector<16xi32>
        %gather3A_430 = tpu.vector_load_idx %arg9[%add3A_429, %broadcast_in_dim3A_418] : memref<64x512xf32, #tpu.memory_space<vmem>>[vector<16xi32>, vector<16xi32>], vector<16xf32>,
        %swap3A_431 = arith.constant 2 : i32
        %swap3A_432 = arith.index_cast %swap3A_431 : i32 to index
        %swap3A_433 = arith.constant 16 : index
        %swap3A_434 = tpu.vector_load %arg11[%swap3A_432, %swap3A_433] {strides = array<i32>} : memref<16x128xf32, #tpu.memory_space<vmem>>, vector<16xf32>,
        tpu.vector_store %arg11[%swap3A_432, %swap3A_433], %gather3A_430 {strides = array<i32>} : memref<16x128xf32, #tpu.memory_space<vmem>>, vector<16xf32>,
        %add3A_435 = arith.constant 32 : i32
        %add3A_436 = vector.broadcast %add3A_435 : i32 to vector<16xi32>
        %add3A_437 = arith.addi %iota3A, %add3A_436 : vector<16xi32>
        %gather3A_438 = tpu.vector_load_idx %arg9[%add3A_437, %broadcast_in_dim3A_418] : memref<64x512xf32, #tpu.memory_space<vmem>>[vector<16xi32>, vector<16xi32>], vector<16xf32>,
        %swap3A_439 = arith.constant 2 : i32
        %swap3A_440 = arith.index_cast %swap3A_439 : i32 to index
        %swap3A_441 = arith.constant 32 : index
        %swap3A_442 = tpu.vector_load %arg11[%swap3A_440, %swap3A_441] {strides = array<i32>} : memref<16x128xf32, #tpu.memory_space<vmem>>, vector<16xf32>,
        tpu.vector_store %arg11[%swap3A_440, %swap3A_441], %gather3A_438 {strides = array<i32>} : memref<16x128xf32, #tpu.memory_space<vmem>>, vector<16xf32>,
        %add3A_443 = arith.constant 48 : i32
        %add3A_444 = vector.broadcast %add3A_443 : i32 to vector<16xi32>
        %add3A_445 = arith.addi %iota3A, %add3A_444 : vector<16xi32>
        %gather3A_446 = tpu.vector_load_idx %arg9[%add3A_445, %broadcast_in_dim3A_418] : memref<64x512xf32, #tpu.memory_space<vmem>>[vector<16xi32>, vector<16xi32>], vector<16xf32>,
        %swap3A_447 = arith.constant 2 : i32
        %swap3A_448 = arith.index_cast %swap3A_447 : i32 to index
        %swap3A_449 = arith.constant 48 : index
        %swap3A_450 = tpu.vector_load %arg11[%swap3A_448, %swap3A_449] {strides = array<i32>} : memref<16x128xf32, #tpu.memory_space<vmem>>, vector<16xf32>,
        tpu.vector_store %arg11[%swap3A_448, %swap3A_449], %gather3A_446 {strides = array<i32>} : memref<16x128xf32, #tpu.memory_space<vmem>>, vector<16xf32>,
        %slice3A_451 = vector.extract_strided_slice %min3A_342 {offsets = [3], sizes = [1], strides = [1]} : vector<16xi32> to vector<1xi32>
        %squeeze3A_452 = vector.extract %slice3A_451[0] : i32 from vector<1xi32>
        %broadcast_in_dim3A_453 = vector.broadcast %squeeze3A_452 : i32 to vector<16xi32>
        %add3A_454 = arith.constant 0 : i32
        %add3A_455 = vector.broadcast %add3A_454 : i32 to vector<16xi32>
        %add3A_456 = arith.addi %iota3A, %add3A_455 : vector<16xi32>
        %gather3A_457 = tpu.vector_load_idx %arg9[%add3A_456, %broadcast_in_dim3A_453] : memref<64x512xf32, #tpu.memory_space<vmem>>[vector<16xi32>, vector<16xi32>], vector<16xf32>,
        %swap3A_458 = arith.constant 3 : i32
        %swap3A_459 = arith.index_cast %swap3A_458 : i32 to index
        %swap3A_460 = arith.constant 0 : index
        %swap3A_461 = tpu.vector_load %arg11[%swap3A_459, %swap3A_460] {strides = array<i32>} : memref<16x128xf32, #tpu.memory_space<vmem>>, vector<16xf32>,
        tpu.vector_store %arg11[%swap3A_459, %swap3A_460], %gather3A_457 {strides = array<i32>} : memref<16x128xf32, #tpu.memory_space<vmem>>, vector<16xf32>,
        %add3A_462 = arith.constant 16 : i32
        %add3A_463 = vector.broadcast %add3A_462 : i32 to vector<16xi32>
        %add3A_464 = arith.addi %iota3A, %add3A_463 : vector<16xi32>
        %gather3A_465 = tpu.vector_load_idx %arg9[%add3A_464, %broadcast_in_dim3A_453] : memref<64x512xf32, #tpu.memory_space<vmem>>[vector<16xi32>, vector<16xi32>], vector<16xf32>,
        %swap3A_466 = arith.constant 3 : i32
        %swap3A_467 = arith.index_cast %swap3A_466 : i32 to index
        %swap3A_468 = arith.constant 16 : index
        %swap3A_469 = tpu.vector_load %arg11[%swap3A_467, %swap3A_468] {strides = array<i32>} : memref<16x128xf32, #tpu.memory_space<vmem>>, vector<16xf32>,
        tpu.vector_store %arg11[%swap3A_467, %swap3A_468], %gather3A_465 {strides = array<i32>} : memref<16x128xf32, #tpu.memory_space<vmem>>, vector<16xf32>,
        %add3A_470 = arith.constant 32 : i32
        %add3A_471 = vector.broadcast %add3A_470 : i32 to vector<16xi32>
        %add3A_472 = arith.addi %iota3A, %add3A_471 : vector<16xi32>
        %gather3A_473 = tpu.vector_load_idx %arg9[%add3A_472, %broadcast_in_dim3A_453] : memref<64x512xf32, #tpu.memory_space<vmem>>[vector<16xi32>, vector<16xi32>], vector<16xf32>,
        %swap3A_474 = arith.constant 3 : i32
        %swap3A_475 = arith.index_cast %swap3A_474 : i32 to index
        %swap3A_476 = arith.constant 32 : index
        %swap3A_477 = tpu.vector_load %arg11[%swap3A_475, %swap3A_476] {strides = array<i32>} : memref<16x128xf32, #tpu.memory_space<vmem>>, vector<16xf32>,
        tpu.vector_store %arg11[%swap3A_475, %swap3A_476], %gather3A_473 {strides = array<i32>} : memref<16x128xf32, #tpu.memory_space<vmem>>, vector<16xf32>,
        %add3A_478 = arith.constant 48 : i32
        %add3A_479 = vector.broadcast %add3A_478 : i32 to vector<16xi32>
        %add3A_480 = arith.addi %iota3A, %add3A_479 : vector<16xi32>
        %gather3A_481 = tpu.vector_load_idx %arg9[%add3A_480, %broadcast_in_dim3A_453] : memref<64x512xf32, #tpu.memory_space<vmem>>[vector<16xi32>, vector<16xi32>], vector<16xf32>,
        %swap3A_482 = arith.constant 3 : i32
        %swap3A_483 = arith.index_cast %swap3A_482 : i32 to index
        %swap3A_484 = arith.constant 48 : index
        %swap3A_485 = tpu.vector_load %arg11[%swap3A_483, %swap3A_484] {strides = array<i32>} : memref<16x128xf32, #tpu.memory_space<vmem>>, vector<16xf32>,
        tpu.vector_store %arg11[%swap3A_483, %swap3A_484], %gather3A_481 {strides = array<i32>} : memref<16x128xf32, #tpu.memory_space<vmem>>, vector<16xf32>,
        %slice3A_486 = vector.extract_strided_slice %min3A_342 {offsets = [4], sizes = [1], strides = [1]} : vector<16xi32> to vector<1xi32>
        %squeeze3A_487 = vector.extract %slice3A_486[0] : i32 from vector<1xi32>
        %broadcast_in_dim3A_488 = vector.broadcast %squeeze3A_487 : i32 to vector<16xi32>
        %add3A_489 = arith.constant 0 : i32
        %add3A_490 = vector.broadcast %add3A_489 : i32 to vector<16xi32>
        %add3A_491 = arith.addi %iota3A, %add3A_490 : vector<16xi32>
        %gather3A_492 = tpu.vector_load_idx %arg9[%add3A_491, %broadcast_in_dim3A_488] : memref<64x512xf32, #tpu.memory_space<vmem>>[vector<16xi32>, vector<16xi32>], vector<16xf32>,
        %swap3A_493 = arith.constant 4 : i32
        %swap3A_494 = arith.index_cast %swap3A_493 : i32 to index
        %swap3A_495 = arith.constant 0 : index
        %swap3A_496 = tpu.vector_load %arg11[%swap3A_494, %swap3A_495] {strides = array<i32>} : memref<16x128xf32, #tpu.memory_space<vmem>>, vector<16xf32>,
        tpu.vector_store %arg11[%swap3A_494, %swap3A_495], %gather3A_492 {strides = array<i32>} : memref<16x128xf32, #tpu.memory_space<vmem>>, vector<16xf32>,
        %add3A_497 = arith.constant 16 : i32
        %add3A_498 = vector.broadcast %add3A_497 : i32 to vector<16xi32>
        %add3A_499 = arith.addi %iota3A, %add3A_498 : vector<16xi32>
        %gather3A_500 = tpu.vector_load_idx %arg9[%add3A_499, %broadcast_in_dim3A_488] : memref<64x512xf32, #tpu.memory_space<vmem>>[vector<16xi32>, vector<16xi32>], vector<16xf32>,
        %swap3A_501 = arith.constant 4 : i32
        %swap3A_502 = arith.index_cast %swap3A_501 : i32 to index
        %swap3A_503 = arith.constant 16 : index
        %swap3A_504 = tpu.vector_load %arg11[%swap3A_502, %swap3A_503] {strides = array<i32>} : memref<16x128xf32, #tpu.memory_space<vmem>>, vector<16xf32>,
        tpu.vector_store %arg11[%swap3A_502, %swap3A_503], %gather3A_500 {strides = array<i32>} : memref<16x128xf32, #tpu.memory_space<vmem>>, vector<16xf32>,
        %add3A_505 = arith.constant 32 : i32
        %add3A_506 = vector.broadcast %add3A_505 : i32 to vector<16xi32>
        %add3A_507 = arith.addi %iota3A, %add3A_506 : vector<16xi32>
        %gather3A_508 = tpu.vector_load_idx %arg9[%add3A_507, %broadcast_in_dim3A_488] : memref<64x512xf32, #tpu.memory_space<vmem>>[vector<16xi32>, vector<16xi32>], vector<16xf32>,
        %swap3A_509 = arith.constant 4 : i32
        %swap3A_510 = arith.index_cast %swap3A_509 : i32 to index
        %swap3A_511 = arith.constant 32 : index
        %swap3A_512 = tpu.vector_load %arg11[%swap3A_510, %swap3A_511] {strides = array<i32>} : memref<16x128xf32, #tpu.memory_space<vmem>>, vector<16xf32>,
        tpu.vector_store %arg11[%swap3A_510, %swap3A_511], %gather3A_508 {strides = array<i32>} : memref<16x128xf32, #tpu.memory_space<vmem>>, vector<16xf32>,
        %add3A_513 = arith.constant 48 : i32
        %add3A_514 = vector.broadcast %add3A_513 : i32 to vector<16xi32>
        %add3A_515 = arith.addi %iota3A, %add3A_514 : vector<16xi32>
        %gather3A_516 = tpu.vector_load_idx %arg9[%add3A_515, %broadcast_in_dim3A_488] : memref<64x512xf32, #tpu.memory_space<vmem>>[vector<16xi32>, vector<16xi32>], vector<16xf32>,
        %swap3A_517 = arith.constant 4 : i32
        %swap3A_518 = arith.index_cast %swap3A_517 : i32 to index
        %swap3A_519 = arith.constant 48 : index
        %swap3A_520 = tpu.vector_load %arg11[%swap3A_518, %swap3A_519] {strides = array<i32>} : memref<16x128xf32, #tpu.memory_space<vmem>>, vector<16xf32>,
        tpu.vector_store %arg11[%swap3A_518, %swap3A_519], %gather3A_516 {strides = array<i32>} : memref<16x128xf32, #tpu.memory_space<vmem>>, vector<16xf32>,
        %slice3A_521 = vector.extract_strided_slice %min3A_342 {offsets = [5], sizes = [1], strides = [1]} : vector<16xi32> to vector<1xi32>
        %squeeze3A_522 = vector.extract %slice3A_521[0] : i32 from vector<1xi32>
        %broadcast_in_dim3A_523 = vector.broadcast %squeeze3A_522 : i32 to vector<16xi32>
        %add3A_524 = arith.constant 0 : i32
        %add3A_525 = vector.broadcast %add3A_524 : i32 to vector<16xi32>
        %add3A_526 = arith.addi %iota3A, %add3A_525 : vector<16xi32>
        %gather3A_527 = tpu.vector_load_idx %arg9[%add3A_526, %broadcast_in_dim3A_523] : memref<64x512xf32, #tpu.memory_space<vmem>>[vector<16xi32>, vector<16xi32>], vector<16xf32>,
        %swap3A_528 = arith.constant 5 : i32
        %swap3A_529 = arith.index_cast %swap3A_528 : i32 to index
        %swap3A_530 = arith.constant 0 : index
        %swap3A_531 = tpu.vector_load %arg11[%swap3A_529, %swap3A_530] {strides = array<i32>} : memref<16x128xf32, #tpu.memory_space<vmem>>, vector<16xf32>,
        tpu.vector_store %arg11[%swap3A_529, %swap3A_530], %gather3A_527 {strides = array<i32>} : memref<16x128xf32, #tpu.memory_space<vmem>>, vector<16xf32>,
        %add3A_532 = arith.constant 16 : i32
        %add3A_533 = vector.broadcast %add3A_532 : i32 to vector<16xi32>
        %add3A_534 = arith.addi %iota3A, %add3A_533 : vector<16xi32>
        %gather3A_535 = tpu.vector_load_idx %arg9[%add3A_534, %broadcast_in_dim3A_523] : memref<64x512xf32, #tpu.memory_space<vmem>>[vector<16xi32>, vector<16xi32>], vector<16xf32>,
        %swap3A_536 = arith.constant 5 : i32
        %swap3A_537 = arith.index_cast %swap3A_536 : i32 to index
        %swap3A_538 = arith.constant 16 : index
        %swap3A_539 = tpu.vector_load %arg11[%swap3A_537, %swap3A_538] {strides = array<i32>} : memref<16x128xf32, #tpu.memory_space<vmem>>, vector<16xf32>,
        tpu.vector_store %arg11[%swap3A_537, %swap3A_538], %gather3A_535 {strides = array<i32>} : memref<16x128xf32, #tpu.memory_space<vmem>>, vector<16xf32>,
        %add3A_540 = arith.constant 32 : i32
        %add3A_541 = vector.broadcast %add3A_540 : i32 to vector<16xi32>
        %add3A_542 = arith.addi %iota3A, %add3A_541 : vector<16xi32>
        %gather3A_543 = tpu.vector_load_idx %arg9[%add3A_542, %broadcast_in_dim3A_523] : memref<64x512xf32, #tpu.memory_space<vmem>>[vector<16xi32>, vector<16xi32>], vector<16xf32>,
        %swap3A_544 = arith.constant 5 : i32
        %swap3A_545 = arith.index_cast %swap3A_544 : i32 to index
        %swap3A_546 = arith.constant 32 : index
        %swap3A_547 = tpu.vector_load %arg11[%swap3A_545, %swap3A_546] {strides = array<i32>} : memref<16x128xf32, #tpu.memory_space<vmem>>, vector<16xf32>,
        tpu.vector_store %arg11[%swap3A_545, %swap3A_546], %gather3A_543 {strides = array<i32>} : memref<16x128xf32, #tpu.memory_space<vmem>>, vector<16xf32>,
        %add3A_548 = arith.constant 48 : i32
        %add3A_549 = vector.broadcast %add3A_548 : i32 to vector<16xi32>
        %add3A_550 = arith.addi %iota3A, %add3A_549 : vector<16xi32>
        %gather3A_551 = tpu.vector_load_idx %arg9[%add3A_550, %broadcast_in_dim3A_523] : memref<64x512xf32, #tpu.memory_space<vmem>>[vector<16xi32>, vector<16xi32>], vector<16xf32>,
        %swap3A_552 = arith.constant 5 : i32
        %swap3A_553 = arith.index_cast %swap3A_552 : i32 to index
        %swap3A_554 = arith.constant 48 : index
        %swap3A_555 = tpu.vector_load %arg11[%swap3A_553, %swap3A_554] {strides = array<i32>} : memref<16x128xf32, #tpu.memory_space<vmem>>, vector<16xf32>,
        tpu.vector_store %arg11[%swap3A_553, %swap3A_554], %gather3A_551 {strides = array<i32>} : memref<16x128xf32, #tpu.memory_space<vmem>>, vector<16xf32>,
        %slice3A_556 = vector.extract_strided_slice %min3A_342 {offsets = [6], sizes = [1], strides = [1]} : vector<16xi32> to vector<1xi32>
        %squeeze3A_557 = vector.extract %slice3A_556[0] : i32 from vector<1xi32>
        %broadcast_in_dim3A_558 = vector.broadcast %squeeze3A_557 : i32 to vector<16xi32>
        %add3A_559 = arith.constant 0 : i32
        %add3A_560 = vector.broadcast %add3A_559 : i32 to vector<16xi32>
        %add3A_561 = arith.addi %iota3A, %add3A_560 : vector<16xi32>
        %gather3A_562 = tpu.vector_load_idx %arg9[%add3A_561, %broadcast_in_dim3A_558] : memref<64x512xf32, #tpu.memory_space<vmem>>[vector<16xi32>, vector<16xi32>], vector<16xf32>,
        %swap3A_563 = arith.constant 6 : i32
        %swap3A_564 = arith.index_cast %swap3A_563 : i32 to index
        %swap3A_565 = arith.constant 0 : index
        %swap3A_566 = tpu.vector_load %arg11[%swap3A_564, %swap3A_565] {strides = array<i32>} : memref<16x128xf32, #tpu.memory_space<vmem>>, vector<16xf32>,
        tpu.vector_store %arg11[%swap3A_564, %swap3A_565], %gather3A_562 {strides = array<i32>} : memref<16x128xf32, #tpu.memory_space<vmem>>, vector<16xf32>,
        %add3A_567 = arith.constant 16 : i32
        %add3A_568 = vector.broadcast %add3A_567 : i32 to vector<16xi32>
        %add3A_569 = arith.addi %iota3A, %add3A_568 : vector<16xi32>
        %gather3A_570 = tpu.vector_load_idx %arg9[%add3A_569, %broadcast_in_dim3A_558] : memref<64x512xf32, #tpu.memory_space<vmem>>[vector<16xi32>, vector<16xi32>], vector<16xf32>,
        %swap3A_571 = arith.constant 6 : i32
        %swap3A_572 = arith.index_cast %swap3A_571 : i32 to index
        %swap3A_573 = arith.constant 16 : index
        %swap3A_574 = tpu.vector_load %arg11[%swap3A_572, %swap3A_573] {strides = array<i32>} : memref<16x128xf32, #tpu.memory_space<vmem>>, vector<16xf32>,
        tpu.vector_store %arg11[%swap3A_572, %swap3A_573], %gather3A_570 {strides = array<i32>} : memref<16x128xf32, #tpu.memory_space<vmem>>, vector<16xf32>,
        %add3A_575 = arith.constant 32 : i32
        %add3A_576 = vector.broadcast %add3A_575 : i32 to vector<16xi32>
        %add3A_577 = arith.addi %iota3A, %add3A_576 : vector<16xi32>
        %gather3A_578 = tpu.vector_load_idx %arg9[%add3A_577, %broadcast_in_dim3A_558] : memref<64x512xf32, #tpu.memory_space<vmem>>[vector<16xi32>, vector<16xi32>], vector<16xf32>,
        %swap3A_579 = arith.constant 6 : i32
        %swap3A_580 = arith.index_cast %swap3A_579 : i32 to index
        %swap3A_581 = arith.constant 32 : index
        %swap3A_582 = tpu.vector_load %arg11[%swap3A_580, %swap3A_581] {strides = array<i32>} : memref<16x128xf32, #tpu.memory_space<vmem>>, vector<16xf32>,
        tpu.vector_store %arg11[%swap3A_580, %swap3A_581], %gather3A_578 {strides = array<i32>} : memref<16x128xf32, #tpu.memory_space<vmem>>, vector<16xf32>,
        %add3A_583 = arith.constant 48 : i32
        %add3A_584 = vector.broadcast %add3A_583 : i32 to vector<16xi32>
        %add3A_585 = arith.addi %iota3A, %add3A_584 : vector<16xi32>
        %gather3A_586 = tpu.vector_load_idx %arg9[%add3A_585, %broadcast_in_dim3A_558] : memref<64x512xf32, #tpu.memory_space<vmem>>[vector<16xi32>, vector<16xi32>], vector<16xf32>,
        %swap3A_587 = arith.constant 6 : i32
        %swap3A_588 = arith.index_cast %swap3A_587 : i32 to index
        %swap3A_589 = arith.constant 48 : index
        %swap3A_590 = tpu.vector_load %arg11[%swap3A_588, %swap3A_589] {strides = array<i32>} : memref<16x128xf32, #tpu.memory_space<vmem>>, vector<16xf32>,
        tpu.vector_store %arg11[%swap3A_588, %swap3A_589], %gather3A_586 {strides = array<i32>} : memref<16x128xf32, #tpu.memory_space<vmem>>, vector<16xf32>,
        %slice3A_591 = vector.extract_strided_slice %min3A_342 {offsets = [7], sizes = [1], strides = [1]} : vector<16xi32> to vector<1xi32>
        %squeeze3A_592 = vector.extract %slice3A_591[0] : i32 from vector<1xi32>
        %broadcast_in_dim3A_593 = vector.broadcast %squeeze3A_592 : i32 to vector<16xi32>
        %add3A_594 = arith.constant 0 : i32
        %add3A_595 = vector.broadcast %add3A_594 : i32 to vector<16xi32>
        %add3A_596 = arith.addi %iota3A, %add3A_595 : vector<16xi32>
        %gather3A_597 = tpu.vector_load_idx %arg9[%add3A_596, %broadcast_in_dim3A_593] : memref<64x512xf32, #tpu.memory_space<vmem>>[vector<16xi32>, vector<16xi32>], vector<16xf32>,
        %swap3A_598 = arith.constant 7 : i32
        %swap3A_599 = arith.index_cast %swap3A_598 : i32 to index
        %swap3A_600 = arith.constant 0 : index
        %swap3A_601 = tpu.vector_load %arg11[%swap3A_599, %swap3A_600] {strides = array<i32>} : memref<16x128xf32, #tpu.memory_space<vmem>>, vector<16xf32>,
        tpu.vector_store %arg11[%swap3A_599, %swap3A_600], %gather3A_597 {strides = array<i32>} : memref<16x128xf32, #tpu.memory_space<vmem>>, vector<16xf32>,
        %add3A_602 = arith.constant 16 : i32
        %add3A_603 = vector.broadcast %add3A_602 : i32 to vector<16xi32>
        %add3A_604 = arith.addi %iota3A, %add3A_603 : vector<16xi32>
        %gather3A_605 = tpu.vector_load_idx %arg9[%add3A_604, %broadcast_in_dim3A_593] : memref<64x512xf32, #tpu.memory_space<vmem>>[vector<16xi32>, vector<16xi32>], vector<16xf32>,
        %swap3A_606 = arith.constant 7 : i32
        %swap3A_607 = arith.index_cast %swap3A_606 : i32 to index
        %swap3A_608 = arith.constant 16 : index
        %swap3A_609 = tpu.vector_load %arg11[%swap3A_607, %swap3A_608] {strides = array<i32>} : memref<16x128xf32, #tpu.memory_space<vmem>>, vector<16xf32>,
        tpu.vector_store %arg11[%swap3A_607, %swap3A_608], %gather3A_605 {strides = array<i32>} : memref<16x128xf32, #tpu.memory_space<vmem>>, vector<16xf32>,
        %add3A_610 = arith.constant 32 : i32
        %add3A_611 = vector.broadcast %add3A_610 : i32 to vector<16xi32>
        %add3A_612 = arith.addi %iota3A, %add3A_611 : vector<16xi32>
        %gather3A_613 = tpu.vector_load_idx %arg9[%add3A_612, %broadcast_in_dim3A_593] : memref<64x512xf32, #tpu.memory_space<vmem>>[vector<16xi32>, vector<16xi32>], vector<16xf32>,
        %swap3A_614 = arith.constant 7 : i32
        %swap3A_615 = arith.index_cast %swap3A_614 : i32 to index
        %swap3A_616 = arith.constant 32 : index
        %swap3A_617 = tpu.vector_load %arg11[%swap3A_615, %swap3A_616] {strides = array<i32>} : memref<16x128xf32, #tpu.memory_space<vmem>>, vector<16xf32>,
        tpu.vector_store %arg11[%swap3A_615, %swap3A_616], %gather3A_613 {strides = array<i32>} : memref<16x128xf32, #tpu.memory_space<vmem>>, vector<16xf32>,
        %add3A_618 = arith.constant 48 : i32
        %add3A_619 = vector.broadcast %add3A_618 : i32 to vector<16xi32>
        %add3A_620 = arith.addi %iota3A, %add3A_619 : vector<16xi32>
        %gather3A_621 = tpu.vector_load_idx %arg9[%add3A_620, %broadcast_in_dim3A_593] : memref<64x512xf32, #tpu.memory_space<vmem>>[vector<16xi32>, vector<16xi32>], vector<16xf32>,
        %swap3A_622 = arith.constant 7 : i32
        %swap3A_623 = arith.index_cast %swap3A_622 : i32 to index
        %swap3A_624 = arith.constant 48 : index
        %swap3A_625 = tpu.vector_load %arg11[%swap3A_623, %swap3A_624] {strides = array<i32>} : memref<16x128xf32, #tpu.memory_space<vmem>>, vector<16xf32>,
        tpu.vector_store %arg11[%swap3A_623, %swap3A_624], %gather3A_621 {strides = array<i32>} : memref<16x128xf32, #tpu.memory_space<vmem>>, vector<16xf32>,
        %slice3A_626 = vector.extract_strided_slice %min3A_342 {offsets = [8], sizes = [1], strides = [1]} : vector<16xi32> to vector<1xi32>
        %squeeze3A_627 = vector.extract %slice3A_626[0] : i32 from vector<1xi32>
        %broadcast_in_dim3A_628 = vector.broadcast %squeeze3A_627 : i32 to vector<16xi32>
        %add3A_629 = arith.constant 0 : i32
        %add3A_630 = vector.broadcast %add3A_629 : i32 to vector<16xi32>
        %add3A_631 = arith.addi %iota3A, %add3A_630 : vector<16xi32>
        %gather3A_632 = tpu.vector_load_idx %arg9[%add3A_631, %broadcast_in_dim3A_628] : memref<64x512xf32, #tpu.memory_space<vmem>>[vector<16xi32>, vector<16xi32>], vector<16xf32>,
        %swap3A_633 = arith.constant 8 : i32
        %swap3A_634 = arith.index_cast %swap3A_633 : i32 to index
        %swap3A_635 = arith.constant 0 : index
        %swap3A_636 = tpu.vector_load %arg11[%swap3A_634, %swap3A_635] {strides = array<i32>} : memref<16x128xf32, #tpu.memory_space<vmem>>, vector<16xf32>,
        tpu.vector_store %arg11[%swap3A_634, %swap3A_635], %gather3A_632 {strides = array<i32>} : memref<16x128xf32, #tpu.memory_space<vmem>>, vector<16xf32>,
        %add3A_637 = arith.constant 16 : i32
        %add3A_638 = vector.broadcast %add3A_637 : i32 to vector<16xi32>
        %add3A_639 = arith.addi %iota3A, %add3A_638 : vector<16xi32>
        %gather3A_640 = tpu.vector_load_idx %arg9[%add3A_639, %broadcast_in_dim3A_628] : memref<64x512xf32, #tpu.memory_space<vmem>>[vector<16xi32>, vector<16xi32>], vector<16xf32>,
        %swap3A_641 = arith.constant 8 : i32
        %swap3A_642 = arith.index_cast %swap3A_641 : i32 to index
        %swap3A_643 = arith.constant 16 : index
        %swap3A_644 = tpu.vector_load %arg11[%swap3A_642, %swap3A_643] {strides = array<i32>} : memref<16x128xf32, #tpu.memory_space<vmem>>, vector<16xf32>,
        tpu.vector_store %arg11[%swap3A_642, %swap3A_643], %gather3A_640 {strides = array<i32>} : memref<16x128xf32, #tpu.memory_space<vmem>>, vector<16xf32>,
        %add3A_645 = arith.constant 32 : i32
        %add3A_646 = vector.broadcast %add3A_645 : i32 to vector<16xi32>
        %add3A_647 = arith.addi %iota3A, %add3A_646 : vector<16xi32>
        %gather3A_648 = tpu.vector_load_idx %arg9[%add3A_647, %broadcast_in_dim3A_628] : memref<64x512xf32, #tpu.memory_space<vmem>>[vector<16xi32>, vector<16xi32>], vector<16xf32>,
        %swap3A_649 = arith.constant 8 : i32
        %swap3A_650 = arith.index_cast %swap3A_649 : i32 to index
        %swap3A_651 = arith.constant 32 : index
        %swap3A_652 = tpu.vector_load %arg11[%swap3A_650, %swap3A_651] {strides = array<i32>} : memref<16x128xf32, #tpu.memory_space<vmem>>, vector<16xf32>,
        tpu.vector_store %arg11[%swap3A_650, %swap3A_651], %gather3A_648 {strides = array<i32>} : memref<16x128xf32, #tpu.memory_space<vmem>>, vector<16xf32>,
        %add3A_653 = arith.constant 48 : i32
        %add3A_654 = vector.broadcast %add3A_653 : i32 to vector<16xi32>
        %add3A_655 = arith.addi %iota3A, %add3A_654 : vector<16xi32>
        %gather3A_656 = tpu.vector_load_idx %arg9[%add3A_655, %broadcast_in_dim3A_628] : memref<64x512xf32, #tpu.memory_space<vmem>>[vector<16xi32>, vector<16xi32>], vector<16xf32>,
        %swap3A_657 = arith.constant 8 : i32
        %swap3A_658 = arith.index_cast %swap3A_657 : i32 to index
        %swap3A_659 = arith.constant 48 : index
        %swap3A_660 = tpu.vector_load %arg11[%swap3A_658, %swap3A_659] {strides = array<i32>} : memref<16x128xf32, #tpu.memory_space<vmem>>, vector<16xf32>,
        tpu.vector_store %arg11[%swap3A_658, %swap3A_659], %gather3A_656 {strides = array<i32>} : memref<16x128xf32, #tpu.memory_space<vmem>>, vector<16xf32>,
        %slice3A_661 = vector.extract_strided_slice %min3A_342 {offsets = [9], sizes = [1], strides = [1]} : vector<16xi32> to vector<1xi32>
        %squeeze3A_662 = vector.extract %slice3A_661[0] : i32 from vector<1xi32>
        %broadcast_in_dim3A_663 = vector.broadcast %squeeze3A_662 : i32 to vector<16xi32>
        %add3A_664 = arith.constant 0 : i32
        %add3A_665 = vector.broadcast %add3A_664 : i32 to vector<16xi32>
        %add3A_666 = arith.addi %iota3A, %add3A_665 : vector<16xi32>
        %gather3A_667 = tpu.vector_load_idx %arg9[%add3A_666, %broadcast_in_dim3A_663] : memref<64x512xf32, #tpu.memory_space<vmem>>[vector<16xi32>, vector<16xi32>], vector<16xf32>,
        %swap3A_668 = arith.constant 9 : i32
        %swap3A_669 = arith.index_cast %swap3A_668 : i32 to index
        %swap3A_670 = arith.constant 0 : index
        %swap3A_671 = tpu.vector_load %arg11[%swap3A_669, %swap3A_670] {strides = array<i32>} : memref<16x128xf32, #tpu.memory_space<vmem>>, vector<16xf32>,
        tpu.vector_store %arg11[%swap3A_669, %swap3A_670], %gather3A_667 {strides = array<i32>} : memref<16x128xf32, #tpu.memory_space<vmem>>, vector<16xf32>,
        %add3A_672 = arith.constant 16 : i32
        %add3A_673 = vector.broadcast %add3A_672 : i32 to vector<16xi32>
        %add3A_674 = arith.addi %iota3A, %add3A_673 : vector<16xi32>
        %gather3A_675 = tpu.vector_load_idx %arg9[%add3A_674, %broadcast_in_dim3A_663] : memref<64x512xf32, #tpu.memory_space<vmem>>[vector<16xi32>, vector<16xi32>], vector<16xf32>,
        %swap3A_676 = arith.constant 9 : i32
        %swap3A_677 = arith.index_cast %swap3A_676 : i32 to index
        %swap3A_678 = arith.constant 16 : index
        %swap3A_679 = tpu.vector_load %arg11[%swap3A_677, %swap3A_678] {strides = array<i32>} : memref<16x128xf32, #tpu.memory_space<vmem>>, vector<16xf32>,
        tpu.vector_store %arg11[%swap3A_677, %swap3A_678], %gather3A_675 {strides = array<i32>} : memref<16x128xf32, #tpu.memory_space<vmem>>, vector<16xf32>,
        %add3A_680 = arith.constant 32 : i32
        %add3A_681 = vector.broadcast %add3A_680 : i32 to vector<16xi32>
        %add3A_682 = arith.addi %iota3A, %add3A_681 : vector<16xi32>
        %gather3A_683 = tpu.vector_load_idx %arg9[%add3A_682, %broadcast_in_dim3A_663] : memref<64x512xf32, #tpu.memory_space<vmem>>[vector<16xi32>, vector<16xi32>], vector<16xf32>,
        %swap3A_684 = arith.constant 9 : i32
        %swap3A_685 = arith.index_cast %swap3A_684 : i32 to index
        %swap3A_686 = arith.constant 32 : index
        %swap3A_687 = tpu.vector_load %arg11[%swap3A_685, %swap3A_686] {strides = array<i32>} : memref<16x128xf32, #tpu.memory_space<vmem>>, vector<16xf32>,
        tpu.vector_store %arg11[%swap3A_685, %swap3A_686], %gather3A_683 {strides = array<i32>} : memref<16x128xf32, #tpu.memory_space<vmem>>, vector<16xf32>,
        %add3A_688 = arith.constant 48 : i32
        %add3A_689 = vector.broadcast %add3A_688 : i32 to vector<16xi32>
        %add3A_690 = arith.addi %iota3A, %add3A_689 : vector<16xi32>
        %gather3A_691 = tpu.vector_load_idx %arg9[%add3A_690, %broadcast_in_dim3A_663] : memref<64x512xf32, #tpu.memory_space<vmem>>[vector<16xi32>, vector<16xi32>], vector<16xf32>,
        %swap3A_692 = arith.constant 9 : i32
        %swap3A_693 = arith.index_cast %swap3A_692 : i32 to index
        %swap3A_694 = arith.constant 48 : index
        %swap3A_695 = tpu.vector_load %arg11[%swap3A_693, %swap3A_694] {strides = array<i32>} : memref<16x128xf32, #tpu.memory_space<vmem>>, vector<16xf32>,
        tpu.vector_store %arg11[%swap3A_693, %swap3A_694], %gather3A_691 {strides = array<i32>} : memref<16x128xf32, #tpu.memory_space<vmem>>, vector<16xf32>,
        %slice3A_696 = vector.extract_strided_slice %min3A_342 {offsets = [10], sizes = [1], strides = [1]} : vector<16xi32> to vector<1xi32>
        %squeeze3A_697 = vector.extract %slice3A_696[0] : i32 from vector<1xi32>
        %broadcast_in_dim3A_698 = vector.broadcast %squeeze3A_697 : i32 to vector<16xi32>
        %add3A_699 = arith.constant 0 : i32
        %add3A_700 = vector.broadcast %add3A_699 : i32 to vector<16xi32>
        %add3A_701 = arith.addi %iota3A, %add3A_700 : vector<16xi32>
        %gather3A_702 = tpu.vector_load_idx %arg9[%add3A_701, %broadcast_in_dim3A_698] : memref<64x512xf32, #tpu.memory_space<vmem>>[vector<16xi32>, vector<16xi32>], vector<16xf32>,
        %swap3A_703 = arith.constant 10 : i32
        %swap3A_704 = arith.index_cast %swap3A_703 : i32 to index
        %swap3A_705 = arith.constant 0 : index
        %swap3A_706 = tpu.vector_load %arg11[%swap3A_704, %swap3A_705] {strides = array<i32>} : memref<16x128xf32, #tpu.memory_space<vmem>>, vector<16xf32>,
        tpu.vector_store %arg11[%swap3A_704, %swap3A_705], %gather3A_702 {strides = array<i32>} : memref<16x128xf32, #tpu.memory_space<vmem>>, vector<16xf32>,
        %add3A_707 = arith.constant 16 : i32
        %add3A_708 = vector.broadcast %add3A_707 : i32 to vector<16xi32>
        %add3A_709 = arith.addi %iota3A, %add3A_708 : vector<16xi32>
        %gather3A_710 = tpu.vector_load_idx %arg9[%add3A_709, %broadcast_in_dim3A_698] : memref<64x512xf32, #tpu.memory_space<vmem>>[vector<16xi32>, vector<16xi32>], vector<16xf32>,
        %swap3A_711 = arith.constant 10 : i32
        %swap3A_712 = arith.index_cast %swap3A_711 : i32 to index
        %swap3A_713 = arith.constant 16 : index
        %swap3A_714 = tpu.vector_load %arg11[%swap3A_712, %swap3A_713] {strides = array<i32>} : memref<16x128xf32, #tpu.memory_space<vmem>>, vector<16xf32>,
        tpu.vector_store %arg11[%swap3A_712, %swap3A_713], %gather3A_710 {strides = array<i32>} : memref<16x128xf32, #tpu.memory_space<vmem>>, vector<16xf32>,
        %add3A_715 = arith.constant 32 : i32
        %add3A_716 = vector.broadcast %add3A_715 : i32 to vector<16xi32>
        %add3A_717 = arith.addi %iota3A, %add3A_716 : vector<16xi32>
        %gather3A_718 = tpu.vector_load_idx %arg9[%add3A_717, %broadcast_in_dim3A_698] : memref<64x512xf32, #tpu.memory_space<vmem>>[vector<16xi32>, vector<16xi32>], vector<16xf32>,
        %swap3A_719 = arith.constant 10 : i32
        %swap3A_720 = arith.index_cast %swap3A_719 : i32 to index
        %swap3A_721 = arith.constant 32 : index
        %swap3A_722 = tpu.vector_load %arg11[%swap3A_720, %swap3A_721] {strides = array<i32>} : memref<16x128xf32, #tpu.memory_space<vmem>>, vector<16xf32>,
        tpu.vector_store %arg11[%swap3A_720, %swap3A_721], %gather3A_718 {strides = array<i32>} : memref<16x128xf32, #tpu.memory_space<vmem>>, vector<16xf32>,
        %add3A_723 = arith.constant 48 : i32
        %add3A_724 = vector.broadcast %add3A_723 : i32 to vector<16xi32>
        %add3A_725 = arith.addi %iota3A, %add3A_724 : vector<16xi32>
        %gather3A_726 = tpu.vector_load_idx %arg9[%add3A_725, %broadcast_in_dim3A_698] : memref<64x512xf32, #tpu.memory_space<vmem>>[vector<16xi32>, vector<16xi32>], vector<16xf32>,
        %swap3A_727 = arith.constant 10 : i32
        %swap3A_728 = arith.index_cast %swap3A_727 : i32 to index
        %swap3A_729 = arith.constant 48 : index
        %swap3A_730 = tpu.vector_load %arg11[%swap3A_728, %swap3A_729] {strides = array<i32>} : memref<16x128xf32, #tpu.memory_space<vmem>>, vector<16xf32>,
        tpu.vector_store %arg11[%swap3A_728, %swap3A_729], %gather3A_726 {strides = array<i32>} : memref<16x128xf32, #tpu.memory_space<vmem>>, vector<16xf32>,
        %slice3A_731 = vector.extract_strided_slice %min3A_342 {offsets = [11], sizes = [1], strides = [1]} : vector<16xi32> to vector<1xi32>
        %squeeze3A_732 = vector.extract %slice3A_731[0] : i32 from vector<1xi32>
        %broadcast_in_dim3A_733 = vector.broadcast %squeeze3A_732 : i32 to vector<16xi32>
        %add3A_734 = arith.constant 0 : i32
        %add3A_735 = vector.broadcast %add3A_734 : i32 to vector<16xi32>
        %add3A_736 = arith.addi %iota3A, %add3A_735 : vector<16xi32>
        %gather3A_737 = tpu.vector_load_idx %arg9[%add3A_736, %broadcast_in_dim3A_733] : memref<64x512xf32, #tpu.memory_space<vmem>>[vector<16xi32>, vector<16xi32>], vector<16xf32>,
        %swap3A_738 = arith.constant 11 : i32
        %swap3A_739 = arith.index_cast %swap3A_738 : i32 to index
        %swap3A_740 = arith.constant 0 : index
        %swap3A_741 = tpu.vector_load %arg11[%swap3A_739, %swap3A_740] {strides = array<i32>} : memref<16x128xf32, #tpu.memory_space<vmem>>, vector<16xf32>,
        tpu.vector_store %arg11[%swap3A_739, %swap3A_740], %gather3A_737 {strides = array<i32>} : memref<16x128xf32, #tpu.memory_space<vmem>>, vector<16xf32>,
        %add3A_742 = arith.constant 16 : i32
        %add3A_743 = vector.broadcast %add3A_742 : i32 to vector<16xi32>
        %add3A_744 = arith.addi %iota3A, %add3A_743 : vector<16xi32>
        %gather3A_745 = tpu.vector_load_idx %arg9[%add3A_744, %broadcast_in_dim3A_733] : memref<64x512xf32, #tpu.memory_space<vmem>>[vector<16xi32>, vector<16xi32>], vector<16xf32>,
        %swap3A_746 = arith.constant 11 : i32
        %swap3A_747 = arith.index_cast %swap3A_746 : i32 to index
        %swap3A_748 = arith.constant 16 : index
        %swap3A_749 = tpu.vector_load %arg11[%swap3A_747, %swap3A_748] {strides = array<i32>} : memref<16x128xf32, #tpu.memory_space<vmem>>, vector<16xf32>,
        tpu.vector_store %arg11[%swap3A_747, %swap3A_748], %gather3A_745 {strides = array<i32>} : memref<16x128xf32, #tpu.memory_space<vmem>>, vector<16xf32>,
        %add3A_750 = arith.constant 32 : i32
        %add3A_751 = vector.broadcast %add3A_750 : i32 to vector<16xi32>
        %add3A_752 = arith.addi %iota3A, %add3A_751 : vector<16xi32>
        %gather3A_753 = tpu.vector_load_idx %arg9[%add3A_752, %broadcast_in_dim3A_733] : memref<64x512xf32, #tpu.memory_space<vmem>>[vector<16xi32>, vector<16xi32>], vector<16xf32>,
        %swap3A_754 = arith.constant 11 : i32
        %swap3A_755 = arith.index_cast %swap3A_754 : i32 to index
        %swap3A_756 = arith.constant 32 : index
        %swap3A_757 = tpu.vector_load %arg11[%swap3A_755, %swap3A_756] {strides = array<i32>} : memref<16x128xf32, #tpu.memory_space<vmem>>, vector<16xf32>,
        tpu.vector_store %arg11[%swap3A_755, %swap3A_756], %gather3A_753 {strides = array<i32>} : memref<16x128xf32, #tpu.memory_space<vmem>>, vector<16xf32>,
        %add3A_758 = arith.constant 48 : i32
        %add3A_759 = vector.broadcast %add3A_758 : i32 to vector<16xi32>
        %add3A_760 = arith.addi %iota3A, %add3A_759 : vector<16xi32>
        %gather3A_761 = tpu.vector_load_idx %arg9[%add3A_760, %broadcast_in_dim3A_733] : memref<64x512xf32, #tpu.memory_space<vmem>>[vector<16xi32>, vector<16xi32>], vector<16xf32>,
        %swap3A_762 = arith.constant 11 : i32
        %swap3A_763 = arith.index_cast %swap3A_762 : i32 to index
        %swap3A_764 = arith.constant 48 : index
        %swap3A_765 = tpu.vector_load %arg11[%swap3A_763, %swap3A_764] {strides = array<i32>} : memref<16x128xf32, #tpu.memory_space<vmem>>, vector<16xf32>,
        tpu.vector_store %arg11[%swap3A_763, %swap3A_764], %gather3A_761 {strides = array<i32>} : memref<16x128xf32, #tpu.memory_space<vmem>>, vector<16xf32>,
        %slice3A_766 = vector.extract_strided_slice %min3A_342 {offsets = [12], sizes = [1], strides = [1]} : vector<16xi32> to vector<1xi32>
        %squeeze3A_767 = vector.extract %slice3A_766[0] : i32 from vector<1xi32>
        %broadcast_in_dim3A_768 = vector.broadcast %squeeze3A_767 : i32 to vector<16xi32>
        %add3A_769 = arith.constant 0 : i32
        %add3A_770 = vector.broadcast %add3A_769 : i32 to vector<16xi32>
        %add3A_771 = arith.addi %iota3A, %add3A_770 : vector<16xi32>
        %gather3A_772 = tpu.vector_load_idx %arg9[%add3A_771, %broadcast_in_dim3A_768] : memref<64x512xf32, #tpu.memory_space<vmem>>[vector<16xi32>, vector<16xi32>], vector<16xf32>,
        %swap3A_773 = arith.constant 12 : i32
        %swap3A_774 = arith.index_cast %swap3A_773 : i32 to index
        %swap3A_775 = arith.constant 0 : index
        %swap3A_776 = tpu.vector_load %arg11[%swap3A_774, %swap3A_775] {strides = array<i32>} : memref<16x128xf32, #tpu.memory_space<vmem>>, vector<16xf32>,
        tpu.vector_store %arg11[%swap3A_774, %swap3A_775], %gather3A_772 {strides = array<i32>} : memref<16x128xf32, #tpu.memory_space<vmem>>, vector<16xf32>,
        %add3A_777 = arith.constant 16 : i32
        %add3A_778 = vector.broadcast %add3A_777 : i32 to vector<16xi32>
        %add3A_779 = arith.addi %iota3A, %add3A_778 : vector<16xi32>
        %gather3A_780 = tpu.vector_load_idx %arg9[%add3A_779, %broadcast_in_dim3A_768] : memref<64x512xf32, #tpu.memory_space<vmem>>[vector<16xi32>, vector<16xi32>], vector<16xf32>,
        %swap3A_781 = arith.constant 12 : i32
        %swap3A_782 = arith.index_cast %swap3A_781 : i32 to index
        %swap3A_783 = arith.constant 16 : index
        %swap3A_784 = tpu.vector_load %arg11[%swap3A_782, %swap3A_783] {strides = array<i32>} : memref<16x128xf32, #tpu.memory_space<vmem>>, vector<16xf32>,
        tpu.vector_store %arg11[%swap3A_782, %swap3A_783], %gather3A_780 {strides = array<i32>} : memref<16x128xf32, #tpu.memory_space<vmem>>, vector<16xf32>,
        %add3A_785 = arith.constant 32 : i32
        %add3A_786 = vector.broadcast %add3A_785 : i32 to vector<16xi32>
        %add3A_787 = arith.addi %iota3A, %add3A_786 : vector<16xi32>
        %gather3A_788 = tpu.vector_load_idx %arg9[%add3A_787, %broadcast_in_dim3A_768] : memref<64x512xf32, #tpu.memory_space<vmem>>[vector<16xi32>, vector<16xi32>], vector<16xf32>,
        %swap3A_789 = arith.constant 12 : i32
        %swap3A_790 = arith.index_cast %swap3A_789 : i32 to index
        %swap3A_791 = arith.constant 32 : index
        %swap3A_792 = tpu.vector_load %arg11[%swap3A_790, %swap3A_791] {strides = array<i32>} : memref<16x128xf32, #tpu.memory_space<vmem>>, vector<16xf32>,
        tpu.vector_store %arg11[%swap3A_790, %swap3A_791], %gather3A_788 {strides = array<i32>} : memref<16x128xf32, #tpu.memory_space<vmem>>, vector<16xf32>,
        %add3A_793 = arith.constant 48 : i32
        %add3A_794 = vector.broadcast %add3A_793 : i32 to vector<16xi32>
        %add3A_795 = arith.addi %iota3A, %add3A_794 : vector<16xi32>
        %gather3A_796 = tpu.vector_load_idx %arg9[%add3A_795, %broadcast_in_dim3A_768] : memref<64x512xf32, #tpu.memory_space<vmem>>[vector<16xi32>, vector<16xi32>], vector<16xf32>,
        %swap3A_797 = arith.constant 12 : i32
        %swap3A_798 = arith.index_cast %swap3A_797 : i32 to index
        %swap3A_799 = arith.constant 48 : index
        %swap3A_800 = tpu.vector_load %arg11[%swap3A_798, %swap3A_799] {strides = array<i32>} : memref<16x128xf32, #tpu.memory_space<vmem>>, vector<16xf32>,
        tpu.vector_store %arg11[%swap3A_798, %swap3A_799], %gather3A_796 {strides = array<i32>} : memref<16x128xf32, #tpu.memory_space<vmem>>, vector<16xf32>,
        %slice3A_801 = vector.extract_strided_slice %min3A_342 {offsets = [13], sizes = [1], strides = [1]} : vector<16xi32> to vector<1xi32>
        %squeeze3A_802 = vector.extract %slice3A_801[0] : i32 from vector<1xi32>
        %broadcast_in_dim3A_803 = vector.broadcast %squeeze3A_802 : i32 to vector<16xi32>
        %add3A_804 = arith.constant 0 : i32
        %add3A_805 = vector.broadcast %add3A_804 : i32 to vector<16xi32>
        %add3A_806 = arith.addi %iota3A, %add3A_805 : vector<16xi32>
        %gather3A_807 = tpu.vector_load_idx %arg9[%add3A_806, %broadcast_in_dim3A_803] : memref<64x512xf32, #tpu.memory_space<vmem>>[vector<16xi32>, vector<16xi32>], vector<16xf32>,
        %swap3A_808 = arith.constant 13 : i32
        %swap3A_809 = arith.index_cast %swap3A_808 : i32 to index
        %swap3A_810 = arith.constant 0 : index
        %swap3A_811 = tpu.vector_load %arg11[%swap3A_809, %swap3A_810] {strides = array<i32>} : memref<16x128xf32, #tpu.memory_space<vmem>>, vector<16xf32>,
        tpu.vector_store %arg11[%swap3A_809, %swap3A_810], %gather3A_807 {strides = array<i32>} : memref<16x128xf32, #tpu.memory_space<vmem>>, vector<16xf32>,
        %add3A_812 = arith.constant 16 : i32
        %add3A_813 = vector.broadcast %add3A_812 : i32 to vector<16xi32>
        %add3A_814 = arith.addi %iota3A, %add3A_813 : vector<16xi32>
        %gather3A_815 = tpu.vector_load_idx %arg9[%add3A_814, %broadcast_in_dim3A_803] : memref<64x512xf32, #tpu.memory_space<vmem>>[vector<16xi32>, vector<16xi32>], vector<16xf32>,
        %swap3A_816 = arith.constant 13 : i32
        %swap3A_817 = arith.index_cast %swap3A_816 : i32 to index
        %swap3A_818 = arith.constant 16 : index
        %swap3A_819 = tpu.vector_load %arg11[%swap3A_817, %swap3A_818] {strides = array<i32>} : memref<16x128xf32, #tpu.memory_space<vmem>>, vector<16xf32>,
        tpu.vector_store %arg11[%swap3A_817, %swap3A_818], %gather3A_815 {strides = array<i32>} : memref<16x128xf32, #tpu.memory_space<vmem>>, vector<16xf32>,
        %add3A_820 = arith.constant 32 : i32
        %add3A_821 = vector.broadcast %add3A_820 : i32 to vector<16xi32>
        %add3A_822 = arith.addi %iota3A, %add3A_821 : vector<16xi32>
        %gather3A_823 = tpu.vector_load_idx %arg9[%add3A_822, %broadcast_in_dim3A_803] : memref<64x512xf32, #tpu.memory_space<vmem>>[vector<16xi32>, vector<16xi32>], vector<16xf32>,
        %swap3A_824 = arith.constant 13 : i32
        %swap3A_825 = arith.index_cast %swap3A_824 : i32 to index
        %swap3A_826 = arith.constant 32 : index
        %swap3A_827 = tpu.vector_load %arg11[%swap3A_825, %swap3A_826] {strides = array<i32>} : memref<16x128xf32, #tpu.memory_space<vmem>>, vector<16xf32>,
        tpu.vector_store %arg11[%swap3A_825, %swap3A_826], %gather3A_823 {strides = array<i32>} : memref<16x128xf32, #tpu.memory_space<vmem>>, vector<16xf32>,
        %add3A_828 = arith.constant 48 : i32
        %add3A_829 = vector.broadcast %add3A_828 : i32 to vector<16xi32>
        %add3A_830 = arith.addi %iota3A, %add3A_829 : vector<16xi32>
        %gather3A_831 = tpu.vector_load_idx %arg9[%add3A_830, %broadcast_in_dim3A_803] : memref<64x512xf32, #tpu.memory_space<vmem>>[vector<16xi32>, vector<16xi32>], vector<16xf32>,
        %swap3A_832 = arith.constant 13 : i32
        %swap3A_833 = arith.index_cast %swap3A_832 : i32 to index
        %swap3A_834 = arith.constant 48 : index
        %swap3A_835 = tpu.vector_load %arg11[%swap3A_833, %swap3A_834] {strides = array<i32>} : memref<16x128xf32, #tpu.memory_space<vmem>>, vector<16xf32>,
        tpu.vector_store %arg11[%swap3A_833, %swap3A_834], %gather3A_831 {strides = array<i32>} : memref<16x128xf32, #tpu.memory_space<vmem>>, vector<16xf32>,
        %slice3A_836 = vector.extract_strided_slice %min3A_342 {offsets = [14], sizes = [1], strides = [1]} : vector<16xi32> to vector<1xi32>
        %squeeze3A_837 = vector.extract %slice3A_836[0] : i32 from vector<1xi32>
        %broadcast_in_dim3A_838 = vector.broadcast %squeeze3A_837 : i32 to vector<16xi32>
        %add3A_839 = arith.constant 0 : i32
        %add3A_840 = vector.broadcast %add3A_839 : i32 to vector<16xi32>
        %add3A_841 = arith.addi %iota3A, %add3A_840 : vector<16xi32>
        %gather3A_842 = tpu.vector_load_idx %arg9[%add3A_841, %broadcast_in_dim3A_838] : memref<64x512xf32, #tpu.memory_space<vmem>>[vector<16xi32>, vector<16xi32>], vector<16xf32>,
        %swap3A_843 = arith.constant 14 : i32
        %swap3A_844 = arith.index_cast %swap3A_843 : i32 to index
        %swap3A_845 = arith.constant 0 : index
        %swap3A_846 = tpu.vector_load %arg11[%swap3A_844, %swap3A_845] {strides = array<i32>} : memref<16x128xf32, #tpu.memory_space<vmem>>, vector<16xf32>,
        tpu.vector_store %arg11[%swap3A_844, %swap3A_845], %gather3A_842 {strides = array<i32>} : memref<16x128xf32, #tpu.memory_space<vmem>>, vector<16xf32>,
        %add3A_847 = arith.constant 16 : i32
        %add3A_848 = vector.broadcast %add3A_847 : i32 to vector<16xi32>
        %add3A_849 = arith.addi %iota3A, %add3A_848 : vector<16xi32>
        %gather3A_850 = tpu.vector_load_idx %arg9[%add3A_849, %broadcast_in_dim3A_838] : memref<64x512xf32, #tpu.memory_space<vmem>>[vector<16xi32>, vector<16xi32>], vector<16xf32>,
        %swap3A_851 = arith.constant 14 : i32
        %swap3A_852 = arith.index_cast %swap3A_851 : i32 to index
        %swap3A_853 = arith.constant 16 : index
        %swap3A_854 = tpu.vector_load %arg11[%swap3A_852, %swap3A_853] {strides = array<i32>} : memref<16x128xf32, #tpu.memory_space<vmem>>, vector<16xf32>,
        tpu.vector_store %arg11[%swap3A_852, %swap3A_853], %gather3A_850 {strides = array<i32>} : memref<16x128xf32, #tpu.memory_space<vmem>>, vector<16xf32>,
        %add3A_855 = arith.constant 32 : i32
        %add3A_856 = vector.broadcast %add3A_855 : i32 to vector<16xi32>
        %add3A_857 = arith.addi %iota3A, %add3A_856 : vector<16xi32>
        %gather3A_858 = tpu.vector_load_idx %arg9[%add3A_857, %broadcast_in_dim3A_838] : memref<64x512xf32, #tpu.memory_space<vmem>>[vector<16xi32>, vector<16xi32>], vector<16xf32>,
        %swap3A_859 = arith.constant 14 : i32
        %swap3A_860 = arith.index_cast %swap3A_859 : i32 to index
        %swap3A_861 = arith.constant 32 : index
        %swap3A_862 = tpu.vector_load %arg11[%swap3A_860, %swap3A_861] {strides = array<i32>} : memref<16x128xf32, #tpu.memory_space<vmem>>, vector<16xf32>,
        tpu.vector_store %arg11[%swap3A_860, %swap3A_861], %gather3A_858 {strides = array<i32>} : memref<16x128xf32, #tpu.memory_space<vmem>>, vector<16xf32>,
        %add3A_863 = arith.constant 48 : i32
        %add3A_864 = vector.broadcast %add3A_863 : i32 to vector<16xi32>
        %add3A_865 = arith.addi %iota3A, %add3A_864 : vector<16xi32>
        %gather3A_866 = tpu.vector_load_idx %arg9[%add3A_865, %broadcast_in_dim3A_838] : memref<64x512xf32, #tpu.memory_space<vmem>>[vector<16xi32>, vector<16xi32>], vector<16xf32>,
        %swap3A_867 = arith.constant 14 : i32
        %swap3A_868 = arith.index_cast %swap3A_867 : i32 to index
        %swap3A_869 = arith.constant 48 : index
        %swap3A_870 = tpu.vector_load %arg11[%swap3A_868, %swap3A_869] {strides = array<i32>} : memref<16x128xf32, #tpu.memory_space<vmem>>, vector<16xf32>,
        tpu.vector_store %arg11[%swap3A_868, %swap3A_869], %gather3A_866 {strides = array<i32>} : memref<16x128xf32, #tpu.memory_space<vmem>>, vector<16xf32>,
        %slice3A_871 = vector.extract_strided_slice %min3A_342 {offsets = [15], sizes = [1], strides = [1]} : vector<16xi32> to vector<1xi32>
        %squeeze3A_872 = vector.extract %slice3A_871[0] : i32 from vector<1xi32>
        %broadcast_in_dim3A_873 = vector.broadcast %squeeze3A_872 : i32 to vector<16xi32>
        %add3A_874 = arith.constant 0 : i32
        %add3A_875 = vector.broadcast %add3A_874 : i32 to vector<16xi32>
        %add3A_876 = arith.addi %iota3A, %add3A_875 : vector<16xi32>
        %gather3A_877 = tpu.vector_load_idx %arg9[%add3A_876, %broadcast_in_dim3A_873] : memref<64x512xf32, #tpu.memory_space<vmem>>[vector<16xi32>, vector<16xi32>], vector<16xf32>,
        %swap3A_878 = arith.constant 15 : i32
        %swap3A_879 = arith.index_cast %swap3A_878 : i32 to index
        %swap3A_880 = arith.constant 0 : index
        %swap3A_881 = tpu.vector_load %arg11[%swap3A_879, %swap3A_880] {strides = array<i32>} : memref<16x128xf32, #tpu.memory_space<vmem>>, vector<16xf32>,
        tpu.vector_store %arg11[%swap3A_879, %swap3A_880], %gather3A_877 {strides = array<i32>} : memref<16x128xf32, #tpu.memory_space<vmem>>, vector<16xf32>,
        %add3A_882 = arith.constant 16 : i32
        %add3A_883 = vector.broadcast %add3A_882 : i32 to vector<16xi32>
        %add3A_884 = arith.addi %iota3A, %add3A_883 : vector<16xi32>
        %gather3A_885 = tpu.vector_load_idx %arg9[%add3A_884, %broadcast_in_dim3A_873] : memref<64x512xf32, #tpu.memory_space<vmem>>[vector<16xi32>, vector<16xi32>], vector<16xf32>,
        %swap3A_886 = arith.constant 15 : i32
        %swap3A_887 = arith.index_cast %swap3A_886 : i32 to index
        %swap3A_888 = arith.constant 16 : index
        %swap3A_889 = tpu.vector_load %arg11[%swap3A_887, %swap3A_888] {strides = array<i32>} : memref<16x128xf32, #tpu.memory_space<vmem>>, vector<16xf32>,
        tpu.vector_store %arg11[%swap3A_887, %swap3A_888], %gather3A_885 {strides = array<i32>} : memref<16x128xf32, #tpu.memory_space<vmem>>, vector<16xf32>,
        %add3A_890 = arith.constant 32 : i32
        %add3A_891 = vector.broadcast %add3A_890 : i32 to vector<16xi32>
        %add3A_892 = arith.addi %iota3A, %add3A_891 : vector<16xi32>
        %gather3A_893 = tpu.vector_load_idx %arg9[%add3A_892, %broadcast_in_dim3A_873] : memref<64x512xf32, #tpu.memory_space<vmem>>[vector<16xi32>, vector<16xi32>], vector<16xf32>,
        %swap3A_894 = arith.constant 15 : i32
        %swap3A_895 = arith.index_cast %swap3A_894 : i32 to index
        %swap3A_896 = arith.constant 32 : index
        %swap3A_897 = tpu.vector_load %arg11[%swap3A_895, %swap3A_896] {strides = array<i32>} : memref<16x128xf32, #tpu.memory_space<vmem>>, vector<16xf32>,
        tpu.vector_store %arg11[%swap3A_895, %swap3A_896], %gather3A_893 {strides = array<i32>} : memref<16x128xf32, #tpu.memory_space<vmem>>, vector<16xf32>,
        %add3A_898 = arith.constant 48 : i32
        %add3A_899 = vector.broadcast %add3A_898 : i32 to vector<16xi32>
        %add3A_900 = arith.addi %iota3A, %add3A_899 : vector<16xi32>
        %gather3A_901 = tpu.vector_load_idx %arg9[%add3A_900, %broadcast_in_dim3A_873] : memref<64x512xf32, #tpu.memory_space<vmem>>[vector<16xi32>, vector<16xi32>], vector<16xf32>,
        %swap3A_902 = arith.constant 15 : i32
        %swap3A_903 = arith.index_cast %swap3A_902 : i32 to index
        %swap3A_904 = arith.constant 48 : index
        %swap3A_905 = tpu.vector_load %arg11[%swap3A_903, %swap3A_904] {strides = array<i32>} : memref<16x128xf32, #tpu.memory_space<vmem>>, vector<16xf32>,
        tpu.vector_store %arg11[%swap3A_903, %swap3A_904], %gather3A_901 {strides = array<i32>} : memref<16x128xf32, #tpu.memory_space<vmem>>, vector<16xf32>,
        %dma_start3A = arith.constant 0 : i32
        %dma_start3A_906 = arith.constant 0 : i32
        %dma_start3A_907 = tpu.memref_slice %arg5[%dma_start3A, %dma_start3A_906] : memref<16416x128xf32, #tpu.memory_space<hbm>> -> memref<16416x128xf32, #tpu.memory_space<hbm>>
        tpu.enqueue_indirect_dma source(%arg11 : memref<16x128xf32, #tpu.memory_space<vmem>>) target(%dma_start3A_907 : memref<16416x128xf32, #tpu.memory_space<hbm>>) offsets(%select_n3A_343 : vector<16xi32>) semaphore(%arg13 : memref<!tpu.dma_semaphore, #tpu.memory_space<semaphore_mem>>)
        %add3A_908 = arith.constant 1 : i32
        %add3A_909 = arith.addi %while3A_321, %add3A_908 : i32
        scf.yield %add3A_909 : i32
      }
      %add3A_180 = arith.constant 2 : i32
      %add3A_181 = arith.addi %mul3A_75, %add3A_180 : i32
      %eq3A_182 = arith.constant 31 : i32
      %eq3A_183 = arith.cmpi eq, %add3A, %eq3A_182 : i32
      %eq3A_184 = arith.cmpi eq, %add3A_181, %add3A_4 : i32
      %and3A_185 = arith.andi %eq3A_183, %eq3A_184 : i1
      %lt3A_186 = arith.cmpi slt, %add3A_181, %add3A_13 : i32
      %not3A_187 = arith.constant true
      %not3A_188 = arith.xori %and3A_185, %not3A_187 : i1
      %and3A_189 = arith.andi %lt3A_186, %not3A_188 : i1
      %convert_element_type3A_190 = arith.extui %and3A_189 : i1 to i32
      %cond3A_191 = arith.constant 0 : i32
      %cond3A_192 = arith.cmpi ne, %convert_element_type3A_190, %cond3A_191 : i32
      scf.if %cond3A_192 {
        %add3A_320 = arith.addi %add3A_8, %add3A_181 : i32
        %mul3A_321 = arith.constant 512 : i32
        %mul3A_322 = arith.muli %add3A_320, %mul3A_321 : i32
        %multiple_of3A = tpu.assume_multiple %mul3A_322, 512 : i32
        %dma_start3A = arith.constant 0 : i32
        %dma_start3A_323 = tpu.memref_slice %arg2[%dma_start3A, %multiple_of3A] : memref<64x1000000xf32, #tpu.memory_space<hbm>> -> memref<64x512xf32, #tpu.memory_space<hbm>>
        %dma_start3A_324 = arith.constant 0 : i32
        %dma_start3A_325 = tpu.memref_slice %arg2[%dma_start3A_324, %multiple_of3A] : memref<64x1000000xf32, #tpu.memory_space<hbm>> -> memref<64x512xf32, #tpu.memory_space<hbm>>
        tpu.enqueue_dma source(%dma_start3A_325 : memref<64x512xf32, #tpu.memory_space<hbm>>) target(%arg9 : memref<64x512xf32, #tpu.memory_space<vmem>>) target_semaphore(%arg12 : memref<!tpu.dma_semaphore, #tpu.memory_space<semaphore_mem>>)
      } else {
      }
      %convert_element_type3A_193 = arith.extui %and3A_185 : i1 to i32
      %cond3A_194 = arith.constant 0 : i32
      %cond3A_195 = arith.cmpi ne, %convert_element_type3A_193, %cond3A_194 : i32
      scf.if %cond3A_195 {
        %dma_start3A = arith.constant 0 : i32
        %dma_start3A_320 = arith.constant 0 : i32
        %dma_start3A_321 = tpu.memref_slice %arg9[%dma_start3A, %dma_start3A_320] : memref<64x512xf32, #tpu.memory_space<vmem>> -> memref<64x128xf32, #tpu.memory_space<vmem>>
        %dma_start3A_322 = arith.constant 0 : i32
        %dma_start3A_323 = arith.constant 0 : i32
        %dma_start3A_324 = tpu.memref_slice %arg9[%dma_start3A_322, %dma_start3A_323] : memref<64x512xf32, #tpu.memory_space<vmem>> -> memref<64x128xf32, #tpu.memory_space<vmem>>
        tpu.enqueue_dma source(%arg3 : memref<64x128xf32, #tpu.memory_space<hbm>>) target(%dma_start3A_324 : memref<64x128xf32, #tpu.memory_space<vmem>>) target_semaphore(%arg12 : memref<!tpu.dma_semaphore, #tpu.memory_space<semaphore_mem>>)
      } else {
      }
      %eq3A_196 = arith.constant 31 : i32
      %eq3A_197 = arith.cmpi eq, %add3A, %eq3A_196 : i32
      %eq3A_198 = arith.cmpi eq, %add3A_77, %add3A_4 : i32
      %and3A_199 = arith.andi %eq3A_197, %eq3A_198 : i1
      %lt3A_200 = arith.cmpi slt, %add3A_77, %add3A_13 : i32
      %not3A_201 = arith.constant true
      %not3A_202 = arith.xori %and3A_199, %not3A_201 : i1
      %and3A_203 = arith.andi %lt3A_200, %not3A_202 : i1
      %convert_element_type3A_204 = arith.extui %and3A_203 : i1 to i32
      %cond3A_205 = arith.constant 0 : i32
      %cond3A_206 = arith.cmpi ne, %convert_element_type3A_204, %cond3A_205 : i32
      scf.if %cond3A_206 {
        %dma_wait3A = arith.constant 0 : i32
        %dma_wait3A_320 = arith.constant 0 : i32
        %dma_wait3A_321 = tpu.memref_slice %arg2[%dma_wait3A, %dma_wait3A_320] : memref<64x1000000xf32, #tpu.memory_space<hbm>> -> memref<64x512xf32, #tpu.memory_space<hbm>>
        %dma_wait3A_322 = arith.constant 0 : i32
        %dma_wait3A_323 = arith.constant 0 : i32
        %dma_wait3A_324 = tpu.memref_slice %arg2[%dma_wait3A_322, %dma_wait3A_323] : memref<64x1000000xf32, #tpu.memory_space<hbm>> -> memref<64x512xf32, #tpu.memory_space<hbm>>
        tpu.wait_dma2 semaphore(%arg12 : memref<!tpu.dma_semaphore, #tpu.memory_space<semaphore_mem>>) src(%dma_wait3A_324 : memref<64x512xf32, #tpu.memory_space<hbm>>) dst(%arg9 : memref<64x512xf32, #tpu.memory_space<vmem>>)
      } else {
      }
      %convert_element_type3A_207 = arith.extui %and3A_199 : i1 to i32
      %cond3A_208 = arith.constant 0 : i32
      %cond3A_209 = arith.cmpi ne, %convert_element_type3A_207, %cond3A_208 : i32
      scf.if %cond3A_209 {
        %dma_wait3A = arith.constant 0 : i32
        %dma_wait3A_320 = arith.constant 0 : i32
        %dma_wait3A_321 = tpu.memref_slice %arg9[%dma_wait3A, %dma_wait3A_320] : memref<64x512xf32, #tpu.memory_space<vmem>> -> memref<64x128xf32, #tpu.memory_space<vmem>>
        %dma_wait3A_322 = arith.constant 0 : i32
        %dma_wait3A_323 = arith.constant 0 : i32
        %dma_wait3A_324 = tpu.memref_slice %arg9[%dma_wait3A_322, %dma_wait3A_323] : memref<64x512xf32, #tpu.memory_space<vmem>> -> memref<64x128xf32, #tpu.memory_space<vmem>>
        tpu.wait_dma2 semaphore(%arg12 : memref<!tpu.dma_semaphore, #tpu.memory_space<semaphore_mem>>) src(%arg3 : memref<64x128xf32, #tpu.memory_space<hbm>>) dst(%dma_wait3A_324 : memref<64x128xf32, #tpu.memory_space<vmem>>)
      } else {
      }
      %eq3A_210 = arith.constant 31 : i32
      %eq3A_211 = arith.cmpi eq, %add3A, %eq3A_210 : i32
      %eq3A_212 = arith.cmpi eq, %add3A_77, %add3A_4 : i32
      %and3A_213 = arith.andi %eq3A_211, %eq3A_212 : i1
      %add3A_214 = arith.addi %add3A_8, %add3A_77 : i32
      %mul3A_215 = arith.constant 512 : i32
      %mul3A_216 = arith.muli %add3A_214, %mul3A_215 : i32
      %jit3A_217 = arith.constant 999872 : i32
      %select_n3A_218 = arith.select %and3A_213, %jit3A_217, %mul3A_216 : i32
      %jit3A_219 = arith.constant 999936 : i32
      %select_n3A_220 = arith.select %and3A_213, %jit3A_219, %mul3A_216 : i32
      %add3A_221 = arith.constant 512 : i32
      %add3A_222 = arith.addi %mul3A_216, %add3A_221 : i32
      %jit3A_223 = arith.constant 1000000 : i32
      %select_n3A_224 = arith.select %and3A_213, %jit3A_223, %add3A_222 : i32
      %jit3A_225 = arith.constant 127 : i32
      %jit3A_226 = arith.constant 511 : i32
      %select_n3A_227 = arith.select %and3A_213, %jit3A_225, %jit3A_226 : i32
      %lt3A_228 = arith.cmpi slt, %add3A_77, %add3A_13 : i32
      %add3A_229 = arith.constant 15 : i32
      %add3A_230 = arith.addi %scan3A_59, %add3A_229 : i32
      %jit3A_231 = arith.constant 16 : i32
      %div3A_232 = arith.divsi %add3A_230, %jit3A_231 : i32
      %sign3A_233 = arith.constant 0 : i32
      %sign3A_234 = arith.cmpi sgt, %add3A_230, %sign3A_233 : i32
      %sign3A_235 = arith.extui %sign3A_234 : i1 to i32
      %sign3A_236 = arith.constant 0 : i32
      %sign3A_237 = arith.cmpi slt, %add3A_230, %sign3A_236 : i32
      %sign3A_238 = arith.extui %sign3A_237 : i1 to i32
      %sign3A_239 = arith.subi %sign3A_235, %sign3A_238 : i32
      %sign3A_240 = arith.constant 0 : i32
      %sign3A_241 = arith.cmpi sgt, %jit3A_231, %sign3A_240 : i32
      %sign3A_242 = arith.extui %sign3A_241 : i1 to i32
      %sign3A_243 = arith.constant 0 : i32
      %sign3A_244 = arith.cmpi slt, %jit3A_231, %sign3A_243 : i32
      %sign3A_245 = arith.extui %sign3A_244 : i1 to i32
      %sign3A_246 = arith.subi %sign3A_242, %sign3A_245 : i32
      %ne3A_247 = arith.cmpi ne, %sign3A_239, %sign3A_246 : i32
      %rem3A_248 = arith.remsi %add3A_230, %jit3A_231 : i32
      %ne3A_249 = arith.constant 0 : i32
      %ne3A_250 = arith.cmpi ne, %rem3A_248, %ne3A_249 : i32
      %and3A_251 = arith.andi %ne3A_247, %ne3A_250 : i1
      %sub3A_252 = arith.constant 1 : i32
      %sub3A_253 = arith.subi %div3A_232, %sub3A_252 : i32
      %select_n3A_254 = arith.select %and3A_251, %sub3A_253, %div3A_232 : i32
      %while3A_255 = arith.constant 0 : i32
      %while3A_256 = arith.constant 0 : i32
      %while3A_257 = arith.subi %select_n3A_254, %while3A_255 : i32
      %while3A_258 = arith.addi %while3A_255, %while3A_257 : i32
      %while3A_259 = arith.constant 1 : i32
      %while3A_260 = arith.divsi %while3A_257, %while3A_259 : i32
      %while3A_261 = arith.muli %while3A_260, %while3A_259 : i32
      %while3A_262 = arith.addi %while3A_255, %while3A_261 : i32
      %while3A_263 = arith.constant 1 : i32
      %while3A_264 = scf.for %while3A_320 = %while3A_255 to %while3A_262 step %while3A_263 iter_args(%while3A_321 = %while3A_256) -> (i32)  : i32 {
        %mul3A_322 = arith.constant 16 : i32
        %mul3A_323 = arith.muli %while3A_320, %mul3A_322 : i32
        %get3A = arith.index_cast %mul3A_323 : i32 to index
        %get3A_324 = tpu.vector_load %arg6[%get3A] {strides = array<i32>} : memref<16384xi32, #tpu.memory_space<vmem>>, vector<16xi32>,
        %mul3A_325 = arith.constant 16 : i32
        %mul3A_326 = arith.muli %while3A_320, %mul3A_325 : i32
        %sub3A_327 = arith.subi %scan3A_59, %mul3A_326 : i32
        %lt3A_328 = vector.broadcast %sub3A_327 : i32 to vector<16xi32>
        %lt3A_329 = arith.cmpi slt, %iota3A, %lt3A_328 : vector<16xi32>
        %ge3A = vector.broadcast %select_n3A_220 : i32 to vector<16xi32>
        %ge3A_330 = arith.cmpi sge, %get3A_324, %ge3A : vector<16xi32>
        %and3A_331 = arith.andi %lt3A_329, %ge3A_330 : vector<16xi1>
        %lt3A_332 = vector.broadcast %select_n3A_224 : i32 to vector<16xi32>
        %lt3A_333 = arith.cmpi slt, %get3A_324, %lt3A_332 : vector<16xi32>
        %and3A_334 = arith.andi %and3A_331, %lt3A_333 : vector<16xi1>
        %and3A_335 = vector.broadcast %lt3A_228 : i1 to vector<16xi1>
        %and3A_336 = arith.andi %and3A_334, %and3A_335 : vector<16xi1>
        %convert_element_type3A_337 = arith.extui %and3A_336 : vector<16xi1> to vector<16xi32>
        %broadcast_in_dim3A = arith.constant true
        %broadcast_in_dim3A_338 = vector.broadcast %broadcast_in_dim3A : i1 to vector<16xi1>
        %masked_cumsum3A = tpu.scan <sum>, %convert_element_type3A_337 masked %broadcast_in_dim3A_338 : vector<16xi32>, vector<16xi1> -> vector<16xi32>
        %add3A_339 = vector.broadcast %while3A_321 : i32 to vector<16xi32>
        %add3A_340 = arith.addi %add3A_339, %masked_cumsum3A : vector<16xi32>
        %sub3A_341 = arith.constant 1 : i32
        %sub3A_342 = vector.broadcast %sub3A_341 : i32 to vector<16xi32>
        %sub3A_343 = arith.subi %add3A_340, %sub3A_342 : vector<16xi32>
        %jit3A_344 = arith.constant 0 : i32
        %jit3A_345 = arith.constant 16383 : i32
        %max3A = vector.broadcast %jit3A_344 : i32 to vector<16xi32>
        %max3A_346 = arith.maxsi %max3A, %sub3A_343 : vector<16xi32>
        %min3A_347 = vector.broadcast %jit3A_345 : i32 to vector<16xi32>
        %min3A_348 = arith.minsi %min3A_347, %max3A_346 : vector<16xi32>
        %mul3A_349 = arith.constant 16 : i32
        %mul3A_350 = arith.muli %while3A_320, %mul3A_349 : i32
        %add3A_351 = vector.broadcast %mul3A_350 : i32 to vector<16xi32>
        %add3A_352 = arith.addi %iota3A, %add3A_351 : vector<16xi32>
        tpu.vector_store_idx %arg8[%min3A_348], %add3A_352 masked %and3A_336 : memref<16384xi32, #tpu.memory_space<vmem>>[vector<16xi32>], vector<16xi32>, vector<16xi1>
        %slice3A = vector.extract_strided_slice %masked_cumsum3A {offsets = [15], sizes = [1], strides = [1]} : vector<16xi32> to vector<1xi32>
        %squeeze3A = vector.extract %slice3A[0] : i32 from vector<1xi32>
        %add3A_353 = arith.addi %while3A_321, %squeeze3A : i32
        scf.yield %add3A_353 : i32
      }
      %while3A_265 = arith.constant 1 : i32
      %while3A_266 = scf.for %while3A_320 = %while3A_262 to %while3A_258 step %while3A_265 iter_args(%while3A_321 = %while3A_264) -> (i32)  : i32 {
        %mul3A_322 = arith.constant 16 : i32
        %mul3A_323 = arith.muli %while3A_320, %mul3A_322 : i32
        %get3A = arith.index_cast %mul3A_323 : i32 to index
        %get3A_324 = tpu.vector_load %arg6[%get3A] {strides = array<i32>} : memref<16384xi32, #tpu.memory_space<vmem>>, vector<16xi32>,
        %mul3A_325 = arith.constant 16 : i32
        %mul3A_326 = arith.muli %while3A_320, %mul3A_325 : i32
        %sub3A_327 = arith.subi %scan3A_59, %mul3A_326 : i32
        %lt3A_328 = vector.broadcast %sub3A_327 : i32 to vector<16xi32>
        %lt3A_329 = arith.cmpi slt, %iota3A, %lt3A_328 : vector<16xi32>
        %ge3A = vector.broadcast %select_n3A_220 : i32 to vector<16xi32>
        %ge3A_330 = arith.cmpi sge, %get3A_324, %ge3A : vector<16xi32>
        %and3A_331 = arith.andi %lt3A_329, %ge3A_330 : vector<16xi1>
        %lt3A_332 = vector.broadcast %select_n3A_224 : i32 to vector<16xi32>
        %lt3A_333 = arith.cmpi slt, %get3A_324, %lt3A_332 : vector<16xi32>
        %and3A_334 = arith.andi %and3A_331, %lt3A_333 : vector<16xi1>
        %and3A_335 = vector.broadcast %lt3A_228 : i1 to vector<16xi1>
        %and3A_336 = arith.andi %and3A_334, %and3A_335 : vector<16xi1>
        %convert_element_type3A_337 = arith.extui %and3A_336 : vector<16xi1> to vector<16xi32>
        %broadcast_in_dim3A = arith.constant true
        %broadcast_in_dim3A_338 = vector.broadcast %broadcast_in_dim3A : i1 to vector<16xi1>
        %masked_cumsum3A = tpu.scan <sum>, %convert_element_type3A_337 masked %broadcast_in_dim3A_338 : vector<16xi32>, vector<16xi1> -> vector<16xi32>
        %add3A_339 = vector.broadcast %while3A_321 : i32 to vector<16xi32>
        %add3A_340 = arith.addi %add3A_339, %masked_cumsum3A : vector<16xi32>
        %sub3A_341 = arith.constant 1 : i32
        %sub3A_342 = vector.broadcast %sub3A_341 : i32 to vector<16xi32>
        %sub3A_343 = arith.subi %add3A_340, %sub3A_342 : vector<16xi32>
        %jit3A_344 = arith.constant 0 : i32
        %jit3A_345 = arith.constant 16383 : i32
        %max3A = vector.broadcast %jit3A_344 : i32 to vector<16xi32>
        %max3A_346 = arith.maxsi %max3A, %sub3A_343 : vector<16xi32>
        %min3A_347 = vector.broadcast %jit3A_345 : i32 to vector<16xi32>
        %min3A_348 = arith.minsi %min3A_347, %max3A_346 : vector<16xi32>
        %mul3A_349 = arith.constant 16 : i32
        %mul3A_350 = arith.muli %while3A_320, %mul3A_349 : i32
        %add3A_351 = vector.broadcast %mul3A_350 : i32 to vector<16xi32>
        %add3A_352 = arith.addi %iota3A, %add3A_351 : vector<16xi32>
        tpu.vector_store_idx %arg8[%min3A_348], %add3A_352 masked %and3A_336 : memref<16384xi32, #tpu.memory_space<vmem>>[vector<16xi32>], vector<16xi32>, vector<16xi1>
        %slice3A = vector.extract_strided_slice %masked_cumsum3A {offsets = [15], sizes = [1], strides = [1]} : vector<16xi32> to vector<1xi32>
        %squeeze3A = vector.extract %slice3A[0] : i32 from vector<1xi32>
        %add3A_353 = arith.addi %while3A_321, %squeeze3A : i32
        scf.yield %add3A_353 : i32
      }
      %add3A_267 = arith.constant 15 : i32
      %add3A_268 = arith.addi %while3A_266, %add3A_267 : i32
      %jit3A_269 = arith.constant 16 : i32
      %div3A_270 = arith.divsi %add3A_268, %jit3A_269 : i32
      %sign3A_271 = arith.constant 0 : i32
      %sign3A_272 = arith.cmpi sgt, %add3A_268, %sign3A_271 : i32
      %sign3A_273 = arith.extui %sign3A_272 : i1 to i32
      %sign3A_274 = arith.constant 0 : i32
      %sign3A_275 = arith.cmpi slt, %add3A_268, %sign3A_274 : i32
      %sign3A_276 = arith.extui %sign3A_275 : i1 to i32
      %sign3A_277 = arith.subi %sign3A_273, %sign3A_276 : i32
      %sign3A_278 = arith.constant 0 : i32
      %sign3A_279 = arith.cmpi sgt, %jit3A_269, %sign3A_278 : i32
      %sign3A_280 = arith.extui %sign3A_279 : i1 to i32
      %sign3A_281 = arith.constant 0 : i32
      %sign3A_282 = arith.cmpi slt, %jit3A_269, %sign3A_281 : i32
      %sign3A_283 = arith.extui %sign3A_282 : i1 to i32
      %sign3A_284 = arith.subi %sign3A_280, %sign3A_283 : i32
      %ne3A_285 = arith.cmpi ne, %sign3A_277, %sign3A_284 : i32
      %rem3A_286 = arith.remsi %add3A_268, %jit3A_269 : i32
      %ne3A_287 = arith.constant 0 : i32
      %ne3A_288 = arith.cmpi ne, %rem3A_286, %ne3A_287 : i32
      %and3A_289 = arith.andi %ne3A_285, %ne3A_288 : i1
      %sub3A_290 = arith.constant 1 : i32
      %sub3A_291 = arith.subi %div3A_270, %sub3A_290 : i32
      %select_n3A_292 = arith.select %and3A_289, %sub3A_291, %div3A_270 : i32
      %while3A_293 = arith.constant 0 : i32
      %while3A_294 = arith.subi %select_n3A_292, %while3A_293 : i32
      %while3A_295 = arith.addi %while3A_293, %while3A_294 : i32
      %while3A_296 = arith.constant 1 : i32
      %while3A_297 = arith.divsi %while3A_294, %while3A_296 : i32
      %while3A_298 = arith.muli %while3A_297, %while3A_296 : i32
      %while3A_299 = arith.addi %while3A_293, %while3A_298 : i32
      %while3A_300 = arith.constant 1 : i32
      %while3A_301 = scf.for %while3A_320 = %while3A_293 to %while3A_299 step %while3A_300 iter_args(%while3A_321 = %while3A_179) -> (i32)  : i32 {
        %mul3A_322 = arith.constant 16 : i32
        %mul3A_323 = arith.muli %while3A_320, %mul3A_322 : i32
        %get3A = arith.index_cast %mul3A_323 : i32 to index
        %get3A_324 = tpu.vector_load %arg8[%get3A] {strides = array<i32>} : memref<16384xi32, #tpu.memory_space<vmem>>, vector<16xi32>,
        %jit3A_325 = arith.constant 0 : i32
        %jit3A_326 = arith.constant 16383 : i32
        %max3A = vector.broadcast %jit3A_325 : i32 to vector<16xi32>
        %max3A_327 = arith.maxsi %max3A, %get3A_324 : vector<16xi32>
        %min3A_328 = vector.broadcast %jit3A_326 : i32 to vector<16xi32>
        %min3A_329 = arith.minsi %min3A_328, %max3A_327 : vector<16xi32>
        %gather3A = tpu.vector_load_idx %arg6[%min3A_329] : memref<16384xi32, #tpu.memory_space<vmem>>[vector<16xi32>], vector<16xi32>,
        %gather3A_330 = tpu.vector_load_idx %arg7[%min3A_329] : memref<16384xi32, #tpu.memory_space<vmem>>[vector<16xi32>], vector<16xi32>,
        %mul3A_331 = arith.constant 16 : i32
        %mul3A_332 = arith.muli %while3A_320, %mul3A_331 : i32
        %sub3A_333 = arith.subi %while3A_266, %mul3A_332 : i32
        %lt3A_334 = vector.broadcast %sub3A_333 : i32 to vector<16xi32>
        %lt3A_335 = arith.cmpi slt, %iota3A, %lt3A_334 : vector<16xi32>
        %sub3A_336 = vector.broadcast %select_n3A_218 : i32 to vector<16xi32>
        %sub3A_337 = arith.subi %gather3A, %sub3A_336 : vector<16xi32>
        %jit3A_338 = arith.constant 0 : i32
        %max3A_339 = vector.broadcast %jit3A_338 : i32 to vector<16xi32>
        %max3A_340 = arith.maxsi %max3A_339, %sub3A_337 : vector<16xi32>
        %min3A_341 = vector.broadcast %select_n3A_227 : i32 to vector<16xi32>
        %min3A_342 = arith.minsi %min3A_341, %max3A_340 : vector<16xi32>
        %broadcast_in_dim3A = vector.broadcast %add3A_24 : i32 to vector<16xi32>
        %select_n3A_343 = arith.select %lt3A_335, %gather3A_330, %broadcast_in_dim3A : vector<16xi1>, vector<16xi32>
        %gt3A_344 = arith.constant 0 : i32
        %gt3A_345 = arith.cmpi sgt, %while3A_321, %gt3A_344 : i32
        %convert_element_type3A_346 = arith.extui %gt3A_345 : i1 to i32
        %cond3A_347 = arith.constant 0 : i32
        %cond3A_348 = arith.cmpi ne, %convert_element_type3A_346, %cond3A_347 : i32
        scf.if %cond3A_348 {
          %dma_wait3A = arith.constant 0 : i32
          %dma_wait3A_910 = arith.constant 0 : i32
          %dma_wait3A_911 = tpu.memref_slice %arg5[%dma_wait3A, %dma_wait3A_910] : memref<16416x128xf32, #tpu.memory_space<hbm>> -> memref<16x128xf32, #tpu.memory_space<hbm>>
          %dma_wait3A_912 = arith.constant 0 : i32
          %dma_wait3A_913 = arith.constant 0 : i32
          %dma_wait3A_914 = tpu.memref_slice %arg5[%dma_wait3A_912, %dma_wait3A_913] : memref<16416x128xf32, #tpu.memory_space<hbm>> -> memref<16x128xf32, #tpu.memory_space<hbm>>
          tpu.wait_dma2 semaphore(%arg13 : memref<!tpu.dma_semaphore, #tpu.memory_space<semaphore_mem>>) src(%arg11 : memref<16x128xf32, #tpu.memory_space<vmem>>) dst(%dma_wait3A_914 : memref<16x128xf32, #tpu.memory_space<hbm>>)
        } else {
        }
        %slice3A = vector.extract_strided_slice %min3A_342 {offsets = [0], sizes = [1], strides = [1]} : vector<16xi32> to vector<1xi32>
        %squeeze3A = vector.extract %slice3A[0] : i32 from vector<1xi32>
        %broadcast_in_dim3A_349 = vector.broadcast %squeeze3A : i32 to vector<16xi32>
        %add3A_350 = arith.constant 0 : i32
        %add3A_351 = vector.broadcast %add3A_350 : i32 to vector<16xi32>
        %add3A_352 = arith.addi %iota3A, %add3A_351 : vector<16xi32>
        %gather3A_353 = tpu.vector_load_idx %arg10[%add3A_352, %broadcast_in_dim3A_349] : memref<64x512xf32, #tpu.memory_space<vmem>>[vector<16xi32>, vector<16xi32>], vector<16xf32>,
        %swap3A = arith.constant 0 : i32
        %swap3A_354 = arith.index_cast %swap3A : i32 to index
        %swap3A_355 = arith.constant 0 : index
        %swap3A_356 = tpu.vector_load %arg11[%swap3A_354, %swap3A_355] {strides = array<i32>} : memref<16x128xf32, #tpu.memory_space<vmem>>, vector<16xf32>,
        tpu.vector_store %arg11[%swap3A_354, %swap3A_355], %gather3A_353 {strides = array<i32>} : memref<16x128xf32, #tpu.memory_space<vmem>>, vector<16xf32>,
        %add3A_357 = arith.constant 16 : i32
        %add3A_358 = vector.broadcast %add3A_357 : i32 to vector<16xi32>
        %add3A_359 = arith.addi %iota3A, %add3A_358 : vector<16xi32>
        %gather3A_360 = tpu.vector_load_idx %arg10[%add3A_359, %broadcast_in_dim3A_349] : memref<64x512xf32, #tpu.memory_space<vmem>>[vector<16xi32>, vector<16xi32>], vector<16xf32>,
        %swap3A_361 = arith.constant 0 : i32
        %swap3A_362 = arith.index_cast %swap3A_361 : i32 to index
        %swap3A_363 = arith.constant 16 : index
        %swap3A_364 = tpu.vector_load %arg11[%swap3A_362, %swap3A_363] {strides = array<i32>} : memref<16x128xf32, #tpu.memory_space<vmem>>, vector<16xf32>,
        tpu.vector_store %arg11[%swap3A_362, %swap3A_363], %gather3A_360 {strides = array<i32>} : memref<16x128xf32, #tpu.memory_space<vmem>>, vector<16xf32>,
        %add3A_365 = arith.constant 32 : i32
        %add3A_366 = vector.broadcast %add3A_365 : i32 to vector<16xi32>
        %add3A_367 = arith.addi %iota3A, %add3A_366 : vector<16xi32>
        %gather3A_368 = tpu.vector_load_idx %arg10[%add3A_367, %broadcast_in_dim3A_349] : memref<64x512xf32, #tpu.memory_space<vmem>>[vector<16xi32>, vector<16xi32>], vector<16xf32>,
        %swap3A_369 = arith.constant 0 : i32
        %swap3A_370 = arith.index_cast %swap3A_369 : i32 to index
        %swap3A_371 = arith.constant 32 : index
        %swap3A_372 = tpu.vector_load %arg11[%swap3A_370, %swap3A_371] {strides = array<i32>} : memref<16x128xf32, #tpu.memory_space<vmem>>, vector<16xf32>,
        tpu.vector_store %arg11[%swap3A_370, %swap3A_371], %gather3A_368 {strides = array<i32>} : memref<16x128xf32, #tpu.memory_space<vmem>>, vector<16xf32>,
        %add3A_373 = arith.constant 48 : i32
        %add3A_374 = vector.broadcast %add3A_373 : i32 to vector<16xi32>
        %add3A_375 = arith.addi %iota3A, %add3A_374 : vector<16xi32>
        %gather3A_376 = tpu.vector_load_idx %arg10[%add3A_375, %broadcast_in_dim3A_349] : memref<64x512xf32, #tpu.memory_space<vmem>>[vector<16xi32>, vector<16xi32>], vector<16xf32>,
        %swap3A_377 = arith.constant 0 : i32
        %swap3A_378 = arith.index_cast %swap3A_377 : i32 to index
        %swap3A_379 = arith.constant 48 : index
        %swap3A_380 = tpu.vector_load %arg11[%swap3A_378, %swap3A_379] {strides = array<i32>} : memref<16x128xf32, #tpu.memory_space<vmem>>, vector<16xf32>,
        tpu.vector_store %arg11[%swap3A_378, %swap3A_379], %gather3A_376 {strides = array<i32>} : memref<16x128xf32, #tpu.memory_space<vmem>>, vector<16xf32>,
        %slice3A_381 = vector.extract_strided_slice %min3A_342 {offsets = [1], sizes = [1], strides = [1]} : vector<16xi32> to vector<1xi32>
        %squeeze3A_382 = vector.extract %slice3A_381[0] : i32 from vector<1xi32>
        %broadcast_in_dim3A_383 = vector.broadcast %squeeze3A_382 : i32 to vector<16xi32>
        %add3A_384 = arith.constant 0 : i32
        %add3A_385 = vector.broadcast %add3A_384 : i32 to vector<16xi32>
        %add3A_386 = arith.addi %iota3A, %add3A_385 : vector<16xi32>
        %gather3A_387 = tpu.vector_load_idx %arg10[%add3A_386, %broadcast_in_dim3A_383] : memref<64x512xf32, #tpu.memory_space<vmem>>[vector<16xi32>, vector<16xi32>], vector<16xf32>,
        %swap3A_388 = arith.constant 1 : i32
        %swap3A_389 = arith.index_cast %swap3A_388 : i32 to index
        %swap3A_390 = arith.constant 0 : index
        %swap3A_391 = tpu.vector_load %arg11[%swap3A_389, %swap3A_390] {strides = array<i32>} : memref<16x128xf32, #tpu.memory_space<vmem>>, vector<16xf32>,
        tpu.vector_store %arg11[%swap3A_389, %swap3A_390], %gather3A_387 {strides = array<i32>} : memref<16x128xf32, #tpu.memory_space<vmem>>, vector<16xf32>,
        %add3A_392 = arith.constant 16 : i32
        %add3A_393 = vector.broadcast %add3A_392 : i32 to vector<16xi32>
        %add3A_394 = arith.addi %iota3A, %add3A_393 : vector<16xi32>
        %gather3A_395 = tpu.vector_load_idx %arg10[%add3A_394, %broadcast_in_dim3A_383] : memref<64x512xf32, #tpu.memory_space<vmem>>[vector<16xi32>, vector<16xi32>], vector<16xf32>,
        %swap3A_396 = arith.constant 1 : i32
        %swap3A_397 = arith.index_cast %swap3A_396 : i32 to index
        %swap3A_398 = arith.constant 16 : index
        %swap3A_399 = tpu.vector_load %arg11[%swap3A_397, %swap3A_398] {strides = array<i32>} : memref<16x128xf32, #tpu.memory_space<vmem>>, vector<16xf32>,
        tpu.vector_store %arg11[%swap3A_397, %swap3A_398], %gather3A_395 {strides = array<i32>} : memref<16x128xf32, #tpu.memory_space<vmem>>, vector<16xf32>,
        %add3A_400 = arith.constant 32 : i32
        %add3A_401 = vector.broadcast %add3A_400 : i32 to vector<16xi32>
        %add3A_402 = arith.addi %iota3A, %add3A_401 : vector<16xi32>
        %gather3A_403 = tpu.vector_load_idx %arg10[%add3A_402, %broadcast_in_dim3A_383] : memref<64x512xf32, #tpu.memory_space<vmem>>[vector<16xi32>, vector<16xi32>], vector<16xf32>,
        %swap3A_404 = arith.constant 1 : i32
        %swap3A_405 = arith.index_cast %swap3A_404 : i32 to index
        %swap3A_406 = arith.constant 32 : index
        %swap3A_407 = tpu.vector_load %arg11[%swap3A_405, %swap3A_406] {strides = array<i32>} : memref<16x128xf32, #tpu.memory_space<vmem>>, vector<16xf32>,
        tpu.vector_store %arg11[%swap3A_405, %swap3A_406], %gather3A_403 {strides = array<i32>} : memref<16x128xf32, #tpu.memory_space<vmem>>, vector<16xf32>,
        %add3A_408 = arith.constant 48 : i32
        %add3A_409 = vector.broadcast %add3A_408 : i32 to vector<16xi32>
        %add3A_410 = arith.addi %iota3A, %add3A_409 : vector<16xi32>
        %gather3A_411 = tpu.vector_load_idx %arg10[%add3A_410, %broadcast_in_dim3A_383] : memref<64x512xf32, #tpu.memory_space<vmem>>[vector<16xi32>, vector<16xi32>], vector<16xf32>,
        %swap3A_412 = arith.constant 1 : i32
        %swap3A_413 = arith.index_cast %swap3A_412 : i32 to index
        %swap3A_414 = arith.constant 48 : index
        %swap3A_415 = tpu.vector_load %arg11[%swap3A_413, %swap3A_414] {strides = array<i32>} : memref<16x128xf32, #tpu.memory_space<vmem>>, vector<16xf32>,
        tpu.vector_store %arg11[%swap3A_413, %swap3A_414], %gather3A_411 {strides = array<i32>} : memref<16x128xf32, #tpu.memory_space<vmem>>, vector<16xf32>,
        %slice3A_416 = vector.extract_strided_slice %min3A_342 {offsets = [2], sizes = [1], strides = [1]} : vector<16xi32> to vector<1xi32>
        %squeeze3A_417 = vector.extract %slice3A_416[0] : i32 from vector<1xi32>
        %broadcast_in_dim3A_418 = vector.broadcast %squeeze3A_417 : i32 to vector<16xi32>
        %add3A_419 = arith.constant 0 : i32
        %add3A_420 = vector.broadcast %add3A_419 : i32 to vector<16xi32>
        %add3A_421 = arith.addi %iota3A, %add3A_420 : vector<16xi32>
        %gather3A_422 = tpu.vector_load_idx %arg10[%add3A_421, %broadcast_in_dim3A_418] : memref<64x512xf32, #tpu.memory_space<vmem>>[vector<16xi32>, vector<16xi32>], vector<16xf32>,
        %swap3A_423 = arith.constant 2 : i32
        %swap3A_424 = arith.index_cast %swap3A_423 : i32 to index
        %swap3A_425 = arith.constant 0 : index
        %swap3A_426 = tpu.vector_load %arg11[%swap3A_424, %swap3A_425] {strides = array<i32>} : memref<16x128xf32, #tpu.memory_space<vmem>>, vector<16xf32>,
        tpu.vector_store %arg11[%swap3A_424, %swap3A_425], %gather3A_422 {strides = array<i32>} : memref<16x128xf32, #tpu.memory_space<vmem>>, vector<16xf32>,
        %add3A_427 = arith.constant 16 : i32
        %add3A_428 = vector.broadcast %add3A_427 : i32 to vector<16xi32>
        %add3A_429 = arith.addi %iota3A, %add3A_428 : vector<16xi32>
        %gather3A_430 = tpu.vector_load_idx %arg10[%add3A_429, %broadcast_in_dim3A_418] : memref<64x512xf32, #tpu.memory_space<vmem>>[vector<16xi32>, vector<16xi32>], vector<16xf32>,
        %swap3A_431 = arith.constant 2 : i32
        %swap3A_432 = arith.index_cast %swap3A_431 : i32 to index
        %swap3A_433 = arith.constant 16 : index
        %swap3A_434 = tpu.vector_load %arg11[%swap3A_432, %swap3A_433] {strides = array<i32>} : memref<16x128xf32, #tpu.memory_space<vmem>>, vector<16xf32>,
        tpu.vector_store %arg11[%swap3A_432, %swap3A_433], %gather3A_430 {strides = array<i32>} : memref<16x128xf32, #tpu.memory_space<vmem>>, vector<16xf32>,
        %add3A_435 = arith.constant 32 : i32
        %add3A_436 = vector.broadcast %add3A_435 : i32 to vector<16xi32>
        %add3A_437 = arith.addi %iota3A, %add3A_436 : vector<16xi32>
        %gather3A_438 = tpu.vector_load_idx %arg10[%add3A_437, %broadcast_in_dim3A_418] : memref<64x512xf32, #tpu.memory_space<vmem>>[vector<16xi32>, vector<16xi32>], vector<16xf32>,
        %swap3A_439 = arith.constant 2 : i32
        %swap3A_440 = arith.index_cast %swap3A_439 : i32 to index
        %swap3A_441 = arith.constant 32 : index
        %swap3A_442 = tpu.vector_load %arg11[%swap3A_440, %swap3A_441] {strides = array<i32>} : memref<16x128xf32, #tpu.memory_space<vmem>>, vector<16xf32>,
        tpu.vector_store %arg11[%swap3A_440, %swap3A_441], %gather3A_438 {strides = array<i32>} : memref<16x128xf32, #tpu.memory_space<vmem>>, vector<16xf32>,
        %add3A_443 = arith.constant 48 : i32
        %add3A_444 = vector.broadcast %add3A_443 : i32 to vector<16xi32>
        %add3A_445 = arith.addi %iota3A, %add3A_444 : vector<16xi32>
        %gather3A_446 = tpu.vector_load_idx %arg10[%add3A_445, %broadcast_in_dim3A_418] : memref<64x512xf32, #tpu.memory_space<vmem>>[vector<16xi32>, vector<16xi32>], vector<16xf32>,
        %swap3A_447 = arith.constant 2 : i32
        %swap3A_448 = arith.index_cast %swap3A_447 : i32 to index
        %swap3A_449 = arith.constant 48 : index
        %swap3A_450 = tpu.vector_load %arg11[%swap3A_448, %swap3A_449] {strides = array<i32>} : memref<16x128xf32, #tpu.memory_space<vmem>>, vector<16xf32>,
        tpu.vector_store %arg11[%swap3A_448, %swap3A_449], %gather3A_446 {strides = array<i32>} : memref<16x128xf32, #tpu.memory_space<vmem>>, vector<16xf32>,
        %slice3A_451 = vector.extract_strided_slice %min3A_342 {offsets = [3], sizes = [1], strides = [1]} : vector<16xi32> to vector<1xi32>
        %squeeze3A_452 = vector.extract %slice3A_451[0] : i32 from vector<1xi32>
        %broadcast_in_dim3A_453 = vector.broadcast %squeeze3A_452 : i32 to vector<16xi32>
        %add3A_454 = arith.constant 0 : i32
        %add3A_455 = vector.broadcast %add3A_454 : i32 to vector<16xi32>
        %add3A_456 = arith.addi %iota3A, %add3A_455 : vector<16xi32>
        %gather3A_457 = tpu.vector_load_idx %arg10[%add3A_456, %broadcast_in_dim3A_453] : memref<64x512xf32, #tpu.memory_space<vmem>>[vector<16xi32>, vector<16xi32>], vector<16xf32>,
        %swap3A_458 = arith.constant 3 : i32
        %swap3A_459 = arith.index_cast %swap3A_458 : i32 to index
        %swap3A_460 = arith.constant 0 : index
        %swap3A_461 = tpu.vector_load %arg11[%swap3A_459, %swap3A_460] {strides = array<i32>} : memref<16x128xf32, #tpu.memory_space<vmem>>, vector<16xf32>,
        tpu.vector_store %arg11[%swap3A_459, %swap3A_460], %gather3A_457 {strides = array<i32>} : memref<16x128xf32, #tpu.memory_space<vmem>>, vector<16xf32>,
        %add3A_462 = arith.constant 16 : i32
        %add3A_463 = vector.broadcast %add3A_462 : i32 to vector<16xi32>
        %add3A_464 = arith.addi %iota3A, %add3A_463 : vector<16xi32>
        %gather3A_465 = tpu.vector_load_idx %arg10[%add3A_464, %broadcast_in_dim3A_453] : memref<64x512xf32, #tpu.memory_space<vmem>>[vector<16xi32>, vector<16xi32>], vector<16xf32>,
        %swap3A_466 = arith.constant 3 : i32
        %swap3A_467 = arith.index_cast %swap3A_466 : i32 to index
        %swap3A_468 = arith.constant 16 : index
        %swap3A_469 = tpu.vector_load %arg11[%swap3A_467, %swap3A_468] {strides = array<i32>} : memref<16x128xf32, #tpu.memory_space<vmem>>, vector<16xf32>,
        tpu.vector_store %arg11[%swap3A_467, %swap3A_468], %gather3A_465 {strides = array<i32>} : memref<16x128xf32, #tpu.memory_space<vmem>>, vector<16xf32>,
        %add3A_470 = arith.constant 32 : i32
        %add3A_471 = vector.broadcast %add3A_470 : i32 to vector<16xi32>
        %add3A_472 = arith.addi %iota3A, %add3A_471 : vector<16xi32>
        %gather3A_473 = tpu.vector_load_idx %arg10[%add3A_472, %broadcast_in_dim3A_453] : memref<64x512xf32, #tpu.memory_space<vmem>>[vector<16xi32>, vector<16xi32>], vector<16xf32>,
        %swap3A_474 = arith.constant 3 : i32
        %swap3A_475 = arith.index_cast %swap3A_474 : i32 to index
        %swap3A_476 = arith.constant 32 : index
        %swap3A_477 = tpu.vector_load %arg11[%swap3A_475, %swap3A_476] {strides = array<i32>} : memref<16x128xf32, #tpu.memory_space<vmem>>, vector<16xf32>,
        tpu.vector_store %arg11[%swap3A_475, %swap3A_476], %gather3A_473 {strides = array<i32>} : memref<16x128xf32, #tpu.memory_space<vmem>>, vector<16xf32>,
        %add3A_478 = arith.constant 48 : i32
        %add3A_479 = vector.broadcast %add3A_478 : i32 to vector<16xi32>
        %add3A_480 = arith.addi %iota3A, %add3A_479 : vector<16xi32>
        %gather3A_481 = tpu.vector_load_idx %arg10[%add3A_480, %broadcast_in_dim3A_453] : memref<64x512xf32, #tpu.memory_space<vmem>>[vector<16xi32>, vector<16xi32>], vector<16xf32>,
        %swap3A_482 = arith.constant 3 : i32
        %swap3A_483 = arith.index_cast %swap3A_482 : i32 to index
        %swap3A_484 = arith.constant 48 : index
        %swap3A_485 = tpu.vector_load %arg11[%swap3A_483, %swap3A_484] {strides = array<i32>} : memref<16x128xf32, #tpu.memory_space<vmem>>, vector<16xf32>,
        tpu.vector_store %arg11[%swap3A_483, %swap3A_484], %gather3A_481 {strides = array<i32>} : memref<16x128xf32, #tpu.memory_space<vmem>>, vector<16xf32>,
        %slice3A_486 = vector.extract_strided_slice %min3A_342 {offsets = [4], sizes = [1], strides = [1]} : vector<16xi32> to vector<1xi32>
        %squeeze3A_487 = vector.extract %slice3A_486[0] : i32 from vector<1xi32>
        %broadcast_in_dim3A_488 = vector.broadcast %squeeze3A_487 : i32 to vector<16xi32>
        %add3A_489 = arith.constant 0 : i32
        %add3A_490 = vector.broadcast %add3A_489 : i32 to vector<16xi32>
        %add3A_491 = arith.addi %iota3A, %add3A_490 : vector<16xi32>
        %gather3A_492 = tpu.vector_load_idx %arg10[%add3A_491, %broadcast_in_dim3A_488] : memref<64x512xf32, #tpu.memory_space<vmem>>[vector<16xi32>, vector<16xi32>], vector<16xf32>,
        %swap3A_493 = arith.constant 4 : i32
        %swap3A_494 = arith.index_cast %swap3A_493 : i32 to index
        %swap3A_495 = arith.constant 0 : index
        %swap3A_496 = tpu.vector_load %arg11[%swap3A_494, %swap3A_495] {strides = array<i32>} : memref<16x128xf32, #tpu.memory_space<vmem>>, vector<16xf32>,
        tpu.vector_store %arg11[%swap3A_494, %swap3A_495], %gather3A_492 {strides = array<i32>} : memref<16x128xf32, #tpu.memory_space<vmem>>, vector<16xf32>,
        %add3A_497 = arith.constant 16 : i32
        %add3A_498 = vector.broadcast %add3A_497 : i32 to vector<16xi32>
        %add3A_499 = arith.addi %iota3A, %add3A_498 : vector<16xi32>
        %gather3A_500 = tpu.vector_load_idx %arg10[%add3A_499, %broadcast_in_dim3A_488] : memref<64x512xf32, #tpu.memory_space<vmem>>[vector<16xi32>, vector<16xi32>], vector<16xf32>,
        %swap3A_501 = arith.constant 4 : i32
        %swap3A_502 = arith.index_cast %swap3A_501 : i32 to index
        %swap3A_503 = arith.constant 16 : index
        %swap3A_504 = tpu.vector_load %arg11[%swap3A_502, %swap3A_503] {strides = array<i32>} : memref<16x128xf32, #tpu.memory_space<vmem>>, vector<16xf32>,
        tpu.vector_store %arg11[%swap3A_502, %swap3A_503], %gather3A_500 {strides = array<i32>} : memref<16x128xf32, #tpu.memory_space<vmem>>, vector<16xf32>,
        %add3A_505 = arith.constant 32 : i32
        %add3A_506 = vector.broadcast %add3A_505 : i32 to vector<16xi32>
        %add3A_507 = arith.addi %iota3A, %add3A_506 : vector<16xi32>
        %gather3A_508 = tpu.vector_load_idx %arg10[%add3A_507, %broadcast_in_dim3A_488] : memref<64x512xf32, #tpu.memory_space<vmem>>[vector<16xi32>, vector<16xi32>], vector<16xf32>,
        %swap3A_509 = arith.constant 4 : i32
        %swap3A_510 = arith.index_cast %swap3A_509 : i32 to index
        %swap3A_511 = arith.constant 32 : index
        %swap3A_512 = tpu.vector_load %arg11[%swap3A_510, %swap3A_511] {strides = array<i32>} : memref<16x128xf32, #tpu.memory_space<vmem>>, vector<16xf32>,
        tpu.vector_store %arg11[%swap3A_510, %swap3A_511], %gather3A_508 {strides = array<i32>} : memref<16x128xf32, #tpu.memory_space<vmem>>, vector<16xf32>,
        %add3A_513 = arith.constant 48 : i32
        %add3A_514 = vector.broadcast %add3A_513 : i32 to vector<16xi32>
        %add3A_515 = arith.addi %iota3A, %add3A_514 : vector<16xi32>
        %gather3A_516 = tpu.vector_load_idx %arg10[%add3A_515, %broadcast_in_dim3A_488] : memref<64x512xf32, #tpu.memory_space<vmem>>[vector<16xi32>, vector<16xi32>], vector<16xf32>,
        %swap3A_517 = arith.constant 4 : i32
        %swap3A_518 = arith.index_cast %swap3A_517 : i32 to index
        %swap3A_519 = arith.constant 48 : index
        %swap3A_520 = tpu.vector_load %arg11[%swap3A_518, %swap3A_519] {strides = array<i32>} : memref<16x128xf32, #tpu.memory_space<vmem>>, vector<16xf32>,
        tpu.vector_store %arg11[%swap3A_518, %swap3A_519], %gather3A_516 {strides = array<i32>} : memref<16x128xf32, #tpu.memory_space<vmem>>, vector<16xf32>,
        %slice3A_521 = vector.extract_strided_slice %min3A_342 {offsets = [5], sizes = [1], strides = [1]} : vector<16xi32> to vector<1xi32>
        %squeeze3A_522 = vector.extract %slice3A_521[0] : i32 from vector<1xi32>
        %broadcast_in_dim3A_523 = vector.broadcast %squeeze3A_522 : i32 to vector<16xi32>
        %add3A_524 = arith.constant 0 : i32
        %add3A_525 = vector.broadcast %add3A_524 : i32 to vector<16xi32>
        %add3A_526 = arith.addi %iota3A, %add3A_525 : vector<16xi32>
        %gather3A_527 = tpu.vector_load_idx %arg10[%add3A_526, %broadcast_in_dim3A_523] : memref<64x512xf32, #tpu.memory_space<vmem>>[vector<16xi32>, vector<16xi32>], vector<16xf32>,
        %swap3A_528 = arith.constant 5 : i32
        %swap3A_529 = arith.index_cast %swap3A_528 : i32 to index
        %swap3A_530 = arith.constant 0 : index
        %swap3A_531 = tpu.vector_load %arg11[%swap3A_529, %swap3A_530] {strides = array<i32>} : memref<16x128xf32, #tpu.memory_space<vmem>>, vector<16xf32>,
        tpu.vector_store %arg11[%swap3A_529, %swap3A_530], %gather3A_527 {strides = array<i32>} : memref<16x128xf32, #tpu.memory_space<vmem>>, vector<16xf32>,
        %add3A_532 = arith.constant 16 : i32
        %add3A_533 = vector.broadcast %add3A_532 : i32 to vector<16xi32>
        %add3A_534 = arith.addi %iota3A, %add3A_533 : vector<16xi32>
        %gather3A_535 = tpu.vector_load_idx %arg10[%add3A_534, %broadcast_in_dim3A_523] : memref<64x512xf32, #tpu.memory_space<vmem>>[vector<16xi32>, vector<16xi32>], vector<16xf32>,
        %swap3A_536 = arith.constant 5 : i32
        %swap3A_537 = arith.index_cast %swap3A_536 : i32 to index
        %swap3A_538 = arith.constant 16 : index
        %swap3A_539 = tpu.vector_load %arg11[%swap3A_537, %swap3A_538] {strides = array<i32>} : memref<16x128xf32, #tpu.memory_space<vmem>>, vector<16xf32>,
        tpu.vector_store %arg11[%swap3A_537, %swap3A_538], %gather3A_535 {strides = array<i32>} : memref<16x128xf32, #tpu.memory_space<vmem>>, vector<16xf32>,
        %add3A_540 = arith.constant 32 : i32
        %add3A_541 = vector.broadcast %add3A_540 : i32 to vector<16xi32>
        %add3A_542 = arith.addi %iota3A, %add3A_541 : vector<16xi32>
        %gather3A_543 = tpu.vector_load_idx %arg10[%add3A_542, %broadcast_in_dim3A_523] : memref<64x512xf32, #tpu.memory_space<vmem>>[vector<16xi32>, vector<16xi32>], vector<16xf32>,
        %swap3A_544 = arith.constant 5 : i32
        %swap3A_545 = arith.index_cast %swap3A_544 : i32 to index
        %swap3A_546 = arith.constant 32 : index
        %swap3A_547 = tpu.vector_load %arg11[%swap3A_545, %swap3A_546] {strides = array<i32>} : memref<16x128xf32, #tpu.memory_space<vmem>>, vector<16xf32>,
        tpu.vector_store %arg11[%swap3A_545, %swap3A_546], %gather3A_543 {strides = array<i32>} : memref<16x128xf32, #tpu.memory_space<vmem>>, vector<16xf32>,
        %add3A_548 = arith.constant 48 : i32
        %add3A_549 = vector.broadcast %add3A_548 : i32 to vector<16xi32>
        %add3A_550 = arith.addi %iota3A, %add3A_549 : vector<16xi32>
        %gather3A_551 = tpu.vector_load_idx %arg10[%add3A_550, %broadcast_in_dim3A_523] : memref<64x512xf32, #tpu.memory_space<vmem>>[vector<16xi32>, vector<16xi32>], vector<16xf32>,
        %swap3A_552 = arith.constant 5 : i32
        %swap3A_553 = arith.index_cast %swap3A_552 : i32 to index
        %swap3A_554 = arith.constant 48 : index
        %swap3A_555 = tpu.vector_load %arg11[%swap3A_553, %swap3A_554] {strides = array<i32>} : memref<16x128xf32, #tpu.memory_space<vmem>>, vector<16xf32>,
        tpu.vector_store %arg11[%swap3A_553, %swap3A_554], %gather3A_551 {strides = array<i32>} : memref<16x128xf32, #tpu.memory_space<vmem>>, vector<16xf32>,
        %slice3A_556 = vector.extract_strided_slice %min3A_342 {offsets = [6], sizes = [1], strides = [1]} : vector<16xi32> to vector<1xi32>
        %squeeze3A_557 = vector.extract %slice3A_556[0] : i32 from vector<1xi32>
        %broadcast_in_dim3A_558 = vector.broadcast %squeeze3A_557 : i32 to vector<16xi32>
        %add3A_559 = arith.constant 0 : i32
        %add3A_560 = vector.broadcast %add3A_559 : i32 to vector<16xi32>
        %add3A_561 = arith.addi %iota3A, %add3A_560 : vector<16xi32>
        %gather3A_562 = tpu.vector_load_idx %arg10[%add3A_561, %broadcast_in_dim3A_558] : memref<64x512xf32, #tpu.memory_space<vmem>>[vector<16xi32>, vector<16xi32>], vector<16xf32>,
        %swap3A_563 = arith.constant 6 : i32
        %swap3A_564 = arith.index_cast %swap3A_563 : i32 to index
        %swap3A_565 = arith.constant 0 : index
        %swap3A_566 = tpu.vector_load %arg11[%swap3A_564, %swap3A_565] {strides = array<i32>} : memref<16x128xf32, #tpu.memory_space<vmem>>, vector<16xf32>,
        tpu.vector_store %arg11[%swap3A_564, %swap3A_565], %gather3A_562 {strides = array<i32>} : memref<16x128xf32, #tpu.memory_space<vmem>>, vector<16xf32>,
        %add3A_567 = arith.constant 16 : i32
        %add3A_568 = vector.broadcast %add3A_567 : i32 to vector<16xi32>
        %add3A_569 = arith.addi %iota3A, %add3A_568 : vector<16xi32>
        %gather3A_570 = tpu.vector_load_idx %arg10[%add3A_569, %broadcast_in_dim3A_558] : memref<64x512xf32, #tpu.memory_space<vmem>>[vector<16xi32>, vector<16xi32>], vector<16xf32>,
        %swap3A_571 = arith.constant 6 : i32
        %swap3A_572 = arith.index_cast %swap3A_571 : i32 to index
        %swap3A_573 = arith.constant 16 : index
        %swap3A_574 = tpu.vector_load %arg11[%swap3A_572, %swap3A_573] {strides = array<i32>} : memref<16x128xf32, #tpu.memory_space<vmem>>, vector<16xf32>,
        tpu.vector_store %arg11[%swap3A_572, %swap3A_573], %gather3A_570 {strides = array<i32>} : memref<16x128xf32, #tpu.memory_space<vmem>>, vector<16xf32>,
        %add3A_575 = arith.constant 32 : i32
        %add3A_576 = vector.broadcast %add3A_575 : i32 to vector<16xi32>
        %add3A_577 = arith.addi %iota3A, %add3A_576 : vector<16xi32>
        %gather3A_578 = tpu.vector_load_idx %arg10[%add3A_577, %broadcast_in_dim3A_558] : memref<64x512xf32, #tpu.memory_space<vmem>>[vector<16xi32>, vector<16xi32>], vector<16xf32>,
        %swap3A_579 = arith.constant 6 : i32
        %swap3A_580 = arith.index_cast %swap3A_579 : i32 to index
        %swap3A_581 = arith.constant 32 : index
        %swap3A_582 = tpu.vector_load %arg11[%swap3A_580, %swap3A_581] {strides = array<i32>} : memref<16x128xf32, #tpu.memory_space<vmem>>, vector<16xf32>,
        tpu.vector_store %arg11[%swap3A_580, %swap3A_581], %gather3A_578 {strides = array<i32>} : memref<16x128xf32, #tpu.memory_space<vmem>>, vector<16xf32>,
        %add3A_583 = arith.constant 48 : i32
        %add3A_584 = vector.broadcast %add3A_583 : i32 to vector<16xi32>
        %add3A_585 = arith.addi %iota3A, %add3A_584 : vector<16xi32>
        %gather3A_586 = tpu.vector_load_idx %arg10[%add3A_585, %broadcast_in_dim3A_558] : memref<64x512xf32, #tpu.memory_space<vmem>>[vector<16xi32>, vector<16xi32>], vector<16xf32>,
        %swap3A_587 = arith.constant 6 : i32
        %swap3A_588 = arith.index_cast %swap3A_587 : i32 to index
        %swap3A_589 = arith.constant 48 : index
        %swap3A_590 = tpu.vector_load %arg11[%swap3A_588, %swap3A_589] {strides = array<i32>} : memref<16x128xf32, #tpu.memory_space<vmem>>, vector<16xf32>,
        tpu.vector_store %arg11[%swap3A_588, %swap3A_589], %gather3A_586 {strides = array<i32>} : memref<16x128xf32, #tpu.memory_space<vmem>>, vector<16xf32>,
        %slice3A_591 = vector.extract_strided_slice %min3A_342 {offsets = [7], sizes = [1], strides = [1]} : vector<16xi32> to vector<1xi32>
        %squeeze3A_592 = vector.extract %slice3A_591[0] : i32 from vector<1xi32>
        %broadcast_in_dim3A_593 = vector.broadcast %squeeze3A_592 : i32 to vector<16xi32>
        %add3A_594 = arith.constant 0 : i32
        %add3A_595 = vector.broadcast %add3A_594 : i32 to vector<16xi32>
        %add3A_596 = arith.addi %iota3A, %add3A_595 : vector<16xi32>
        %gather3A_597 = tpu.vector_load_idx %arg10[%add3A_596, %broadcast_in_dim3A_593] : memref<64x512xf32, #tpu.memory_space<vmem>>[vector<16xi32>, vector<16xi32>], vector<16xf32>,
        %swap3A_598 = arith.constant 7 : i32
        %swap3A_599 = arith.index_cast %swap3A_598 : i32 to index
        %swap3A_600 = arith.constant 0 : index
        %swap3A_601 = tpu.vector_load %arg11[%swap3A_599, %swap3A_600] {strides = array<i32>} : memref<16x128xf32, #tpu.memory_space<vmem>>, vector<16xf32>,
        tpu.vector_store %arg11[%swap3A_599, %swap3A_600], %gather3A_597 {strides = array<i32>} : memref<16x128xf32, #tpu.memory_space<vmem>>, vector<16xf32>,
        %add3A_602 = arith.constant 16 : i32
        %add3A_603 = vector.broadcast %add3A_602 : i32 to vector<16xi32>
        %add3A_604 = arith.addi %iota3A, %add3A_603 : vector<16xi32>
        %gather3A_605 = tpu.vector_load_idx %arg10[%add3A_604, %broadcast_in_dim3A_593] : memref<64x512xf32, #tpu.memory_space<vmem>>[vector<16xi32>, vector<16xi32>], vector<16xf32>,
        %swap3A_606 = arith.constant 7 : i32
        %swap3A_607 = arith.index_cast %swap3A_606 : i32 to index
        %swap3A_608 = arith.constant 16 : index
        %swap3A_609 = tpu.vector_load %arg11[%swap3A_607, %swap3A_608] {strides = array<i32>} : memref<16x128xf32, #tpu.memory_space<vmem>>, vector<16xf32>,
        tpu.vector_store %arg11[%swap3A_607, %swap3A_608], %gather3A_605 {strides = array<i32>} : memref<16x128xf32, #tpu.memory_space<vmem>>, vector<16xf32>,
        %add3A_610 = arith.constant 32 : i32
        %add3A_611 = vector.broadcast %add3A_610 : i32 to vector<16xi32>
        %add3A_612 = arith.addi %iota3A, %add3A_611 : vector<16xi32>
        %gather3A_613 = tpu.vector_load_idx %arg10[%add3A_612, %broadcast_in_dim3A_593] : memref<64x512xf32, #tpu.memory_space<vmem>>[vector<16xi32>, vector<16xi32>], vector<16xf32>,
        %swap3A_614 = arith.constant 7 : i32
        %swap3A_615 = arith.index_cast %swap3A_614 : i32 to index
        %swap3A_616 = arith.constant 32 : index
        %swap3A_617 = tpu.vector_load %arg11[%swap3A_615, %swap3A_616] {strides = array<i32>} : memref<16x128xf32, #tpu.memory_space<vmem>>, vector<16xf32>,
        tpu.vector_store %arg11[%swap3A_615, %swap3A_616], %gather3A_613 {strides = array<i32>} : memref<16x128xf32, #tpu.memory_space<vmem>>, vector<16xf32>,
        %add3A_618 = arith.constant 48 : i32
        %add3A_619 = vector.broadcast %add3A_618 : i32 to vector<16xi32>
        %add3A_620 = arith.addi %iota3A, %add3A_619 : vector<16xi32>
        %gather3A_621 = tpu.vector_load_idx %arg10[%add3A_620, %broadcast_in_dim3A_593] : memref<64x512xf32, #tpu.memory_space<vmem>>[vector<16xi32>, vector<16xi32>], vector<16xf32>,
        %swap3A_622 = arith.constant 7 : i32
        %swap3A_623 = arith.index_cast %swap3A_622 : i32 to index
        %swap3A_624 = arith.constant 48 : index
        %swap3A_625 = tpu.vector_load %arg11[%swap3A_623, %swap3A_624] {strides = array<i32>} : memref<16x128xf32, #tpu.memory_space<vmem>>, vector<16xf32>,
        tpu.vector_store %arg11[%swap3A_623, %swap3A_624], %gather3A_621 {strides = array<i32>} : memref<16x128xf32, #tpu.memory_space<vmem>>, vector<16xf32>,
        %slice3A_626 = vector.extract_strided_slice %min3A_342 {offsets = [8], sizes = [1], strides = [1]} : vector<16xi32> to vector<1xi32>
        %squeeze3A_627 = vector.extract %slice3A_626[0] : i32 from vector<1xi32>
        %broadcast_in_dim3A_628 = vector.broadcast %squeeze3A_627 : i32 to vector<16xi32>
        %add3A_629 = arith.constant 0 : i32
        %add3A_630 = vector.broadcast %add3A_629 : i32 to vector<16xi32>
        %add3A_631 = arith.addi %iota3A, %add3A_630 : vector<16xi32>
        %gather3A_632 = tpu.vector_load_idx %arg10[%add3A_631, %broadcast_in_dim3A_628] : memref<64x512xf32, #tpu.memory_space<vmem>>[vector<16xi32>, vector<16xi32>], vector<16xf32>,
        %swap3A_633 = arith.constant 8 : i32
        %swap3A_634 = arith.index_cast %swap3A_633 : i32 to index
        %swap3A_635 = arith.constant 0 : index
        %swap3A_636 = tpu.vector_load %arg11[%swap3A_634, %swap3A_635] {strides = array<i32>} : memref<16x128xf32, #tpu.memory_space<vmem>>, vector<16xf32>,
        tpu.vector_store %arg11[%swap3A_634, %swap3A_635], %gather3A_632 {strides = array<i32>} : memref<16x128xf32, #tpu.memory_space<vmem>>, vector<16xf32>,
        %add3A_637 = arith.constant 16 : i32
        %add3A_638 = vector.broadcast %add3A_637 : i32 to vector<16xi32>
        %add3A_639 = arith.addi %iota3A, %add3A_638 : vector<16xi32>
        %gather3A_640 = tpu.vector_load_idx %arg10[%add3A_639, %broadcast_in_dim3A_628] : memref<64x512xf32, #tpu.memory_space<vmem>>[vector<16xi32>, vector<16xi32>], vector<16xf32>,
        %swap3A_641 = arith.constant 8 : i32
        %swap3A_642 = arith.index_cast %swap3A_641 : i32 to index
        %swap3A_643 = arith.constant 16 : index
        %swap3A_644 = tpu.vector_load %arg11[%swap3A_642, %swap3A_643] {strides = array<i32>} : memref<16x128xf32, #tpu.memory_space<vmem>>, vector<16xf32>,
        tpu.vector_store %arg11[%swap3A_642, %swap3A_643], %gather3A_640 {strides = array<i32>} : memref<16x128xf32, #tpu.memory_space<vmem>>, vector<16xf32>,
        %add3A_645 = arith.constant 32 : i32
        %add3A_646 = vector.broadcast %add3A_645 : i32 to vector<16xi32>
        %add3A_647 = arith.addi %iota3A, %add3A_646 : vector<16xi32>
        %gather3A_648 = tpu.vector_load_idx %arg10[%add3A_647, %broadcast_in_dim3A_628] : memref<64x512xf32, #tpu.memory_space<vmem>>[vector<16xi32>, vector<16xi32>], vector<16xf32>,
        %swap3A_649 = arith.constant 8 : i32
        %swap3A_650 = arith.index_cast %swap3A_649 : i32 to index
        %swap3A_651 = arith.constant 32 : index
        %swap3A_652 = tpu.vector_load %arg11[%swap3A_650, %swap3A_651] {strides = array<i32>} : memref<16x128xf32, #tpu.memory_space<vmem>>, vector<16xf32>,
        tpu.vector_store %arg11[%swap3A_650, %swap3A_651], %gather3A_648 {strides = array<i32>} : memref<16x128xf32, #tpu.memory_space<vmem>>, vector<16xf32>,
        %add3A_653 = arith.constant 48 : i32
        %add3A_654 = vector.broadcast %add3A_653 : i32 to vector<16xi32>
        %add3A_655 = arith.addi %iota3A, %add3A_654 : vector<16xi32>
        %gather3A_656 = tpu.vector_load_idx %arg10[%add3A_655, %broadcast_in_dim3A_628] : memref<64x512xf32, #tpu.memory_space<vmem>>[vector<16xi32>, vector<16xi32>], vector<16xf32>,
        %swap3A_657 = arith.constant 8 : i32
        %swap3A_658 = arith.index_cast %swap3A_657 : i32 to index
        %swap3A_659 = arith.constant 48 : index
        %swap3A_660 = tpu.vector_load %arg11[%swap3A_658, %swap3A_659] {strides = array<i32>} : memref<16x128xf32, #tpu.memory_space<vmem>>, vector<16xf32>,
        tpu.vector_store %arg11[%swap3A_658, %swap3A_659], %gather3A_656 {strides = array<i32>} : memref<16x128xf32, #tpu.memory_space<vmem>>, vector<16xf32>,
        %slice3A_661 = vector.extract_strided_slice %min3A_342 {offsets = [9], sizes = [1], strides = [1]} : vector<16xi32> to vector<1xi32>
        %squeeze3A_662 = vector.extract %slice3A_661[0] : i32 from vector<1xi32>
        %broadcast_in_dim3A_663 = vector.broadcast %squeeze3A_662 : i32 to vector<16xi32>
        %add3A_664 = arith.constant 0 : i32
        %add3A_665 = vector.broadcast %add3A_664 : i32 to vector<16xi32>
        %add3A_666 = arith.addi %iota3A, %add3A_665 : vector<16xi32>
        %gather3A_667 = tpu.vector_load_idx %arg10[%add3A_666, %broadcast_in_dim3A_663] : memref<64x512xf32, #tpu.memory_space<vmem>>[vector<16xi32>, vector<16xi32>], vector<16xf32>,
        %swap3A_668 = arith.constant 9 : i32
        %swap3A_669 = arith.index_cast %swap3A_668 : i32 to index
        %swap3A_670 = arith.constant 0 : index
        %swap3A_671 = tpu.vector_load %arg11[%swap3A_669, %swap3A_670] {strides = array<i32>} : memref<16x128xf32, #tpu.memory_space<vmem>>, vector<16xf32>,
        tpu.vector_store %arg11[%swap3A_669, %swap3A_670], %gather3A_667 {strides = array<i32>} : memref<16x128xf32, #tpu.memory_space<vmem>>, vector<16xf32>,
        %add3A_672 = arith.constant 16 : i32
        %add3A_673 = vector.broadcast %add3A_672 : i32 to vector<16xi32>
        %add3A_674 = arith.addi %iota3A, %add3A_673 : vector<16xi32>
        %gather3A_675 = tpu.vector_load_idx %arg10[%add3A_674, %broadcast_in_dim3A_663] : memref<64x512xf32, #tpu.memory_space<vmem>>[vector<16xi32>, vector<16xi32>], vector<16xf32>,
        %swap3A_676 = arith.constant 9 : i32
        %swap3A_677 = arith.index_cast %swap3A_676 : i32 to index
        %swap3A_678 = arith.constant 16 : index
        %swap3A_679 = tpu.vector_load %arg11[%swap3A_677, %swap3A_678] {strides = array<i32>} : memref<16x128xf32, #tpu.memory_space<vmem>>, vector<16xf32>,
        tpu.vector_store %arg11[%swap3A_677, %swap3A_678], %gather3A_675 {strides = array<i32>} : memref<16x128xf32, #tpu.memory_space<vmem>>, vector<16xf32>,
        %add3A_680 = arith.constant 32 : i32
        %add3A_681 = vector.broadcast %add3A_680 : i32 to vector<16xi32>
        %add3A_682 = arith.addi %iota3A, %add3A_681 : vector<16xi32>
        %gather3A_683 = tpu.vector_load_idx %arg10[%add3A_682, %broadcast_in_dim3A_663] : memref<64x512xf32, #tpu.memory_space<vmem>>[vector<16xi32>, vector<16xi32>], vector<16xf32>,
        %swap3A_684 = arith.constant 9 : i32
        %swap3A_685 = arith.index_cast %swap3A_684 : i32 to index
        %swap3A_686 = arith.constant 32 : index
        %swap3A_687 = tpu.vector_load %arg11[%swap3A_685, %swap3A_686] {strides = array<i32>} : memref<16x128xf32, #tpu.memory_space<vmem>>, vector<16xf32>,
        tpu.vector_store %arg11[%swap3A_685, %swap3A_686], %gather3A_683 {strides = array<i32>} : memref<16x128xf32, #tpu.memory_space<vmem>>, vector<16xf32>,
        %add3A_688 = arith.constant 48 : i32
        %add3A_689 = vector.broadcast %add3A_688 : i32 to vector<16xi32>
        %add3A_690 = arith.addi %iota3A, %add3A_689 : vector<16xi32>
        %gather3A_691 = tpu.vector_load_idx %arg10[%add3A_690, %broadcast_in_dim3A_663] : memref<64x512xf32, #tpu.memory_space<vmem>>[vector<16xi32>, vector<16xi32>], vector<16xf32>,
        %swap3A_692 = arith.constant 9 : i32
        %swap3A_693 = arith.index_cast %swap3A_692 : i32 to index
        %swap3A_694 = arith.constant 48 : index
        %swap3A_695 = tpu.vector_load %arg11[%swap3A_693, %swap3A_694] {strides = array<i32>} : memref<16x128xf32, #tpu.memory_space<vmem>>, vector<16xf32>,
        tpu.vector_store %arg11[%swap3A_693, %swap3A_694], %gather3A_691 {strides = array<i32>} : memref<16x128xf32, #tpu.memory_space<vmem>>, vector<16xf32>,
        %slice3A_696 = vector.extract_strided_slice %min3A_342 {offsets = [10], sizes = [1], strides = [1]} : vector<16xi32> to vector<1xi32>
        %squeeze3A_697 = vector.extract %slice3A_696[0] : i32 from vector<1xi32>
        %broadcast_in_dim3A_698 = vector.broadcast %squeeze3A_697 : i32 to vector<16xi32>
        %add3A_699 = arith.constant 0 : i32
        %add3A_700 = vector.broadcast %add3A_699 : i32 to vector<16xi32>
        %add3A_701 = arith.addi %iota3A, %add3A_700 : vector<16xi32>
        %gather3A_702 = tpu.vector_load_idx %arg10[%add3A_701, %broadcast_in_dim3A_698] : memref<64x512xf32, #tpu.memory_space<vmem>>[vector<16xi32>, vector<16xi32>], vector<16xf32>,
        %swap3A_703 = arith.constant 10 : i32
        %swap3A_704 = arith.index_cast %swap3A_703 : i32 to index
        %swap3A_705 = arith.constant 0 : index
        %swap3A_706 = tpu.vector_load %arg11[%swap3A_704, %swap3A_705] {strides = array<i32>} : memref<16x128xf32, #tpu.memory_space<vmem>>, vector<16xf32>,
        tpu.vector_store %arg11[%swap3A_704, %swap3A_705], %gather3A_702 {strides = array<i32>} : memref<16x128xf32, #tpu.memory_space<vmem>>, vector<16xf32>,
        %add3A_707 = arith.constant 16 : i32
        %add3A_708 = vector.broadcast %add3A_707 : i32 to vector<16xi32>
        %add3A_709 = arith.addi %iota3A, %add3A_708 : vector<16xi32>
        %gather3A_710 = tpu.vector_load_idx %arg10[%add3A_709, %broadcast_in_dim3A_698] : memref<64x512xf32, #tpu.memory_space<vmem>>[vector<16xi32>, vector<16xi32>], vector<16xf32>,
        %swap3A_711 = arith.constant 10 : i32
        %swap3A_712 = arith.index_cast %swap3A_711 : i32 to index
        %swap3A_713 = arith.constant 16 : index
        %swap3A_714 = tpu.vector_load %arg11[%swap3A_712, %swap3A_713] {strides = array<i32>} : memref<16x128xf32, #tpu.memory_space<vmem>>, vector<16xf32>,
        tpu.vector_store %arg11[%swap3A_712, %swap3A_713], %gather3A_710 {strides = array<i32>} : memref<16x128xf32, #tpu.memory_space<vmem>>, vector<16xf32>,
        %add3A_715 = arith.constant 32 : i32
        %add3A_716 = vector.broadcast %add3A_715 : i32 to vector<16xi32>
        %add3A_717 = arith.addi %iota3A, %add3A_716 : vector<16xi32>
        %gather3A_718 = tpu.vector_load_idx %arg10[%add3A_717, %broadcast_in_dim3A_698] : memref<64x512xf32, #tpu.memory_space<vmem>>[vector<16xi32>, vector<16xi32>], vector<16xf32>,
        %swap3A_719 = arith.constant 10 : i32
        %swap3A_720 = arith.index_cast %swap3A_719 : i32 to index
        %swap3A_721 = arith.constant 32 : index
        %swap3A_722 = tpu.vector_load %arg11[%swap3A_720, %swap3A_721] {strides = array<i32>} : memref<16x128xf32, #tpu.memory_space<vmem>>, vector<16xf32>,
        tpu.vector_store %arg11[%swap3A_720, %swap3A_721], %gather3A_718 {strides = array<i32>} : memref<16x128xf32, #tpu.memory_space<vmem>>, vector<16xf32>,
        %add3A_723 = arith.constant 48 : i32
        %add3A_724 = vector.broadcast %add3A_723 : i32 to vector<16xi32>
        %add3A_725 = arith.addi %iota3A, %add3A_724 : vector<16xi32>
        %gather3A_726 = tpu.vector_load_idx %arg10[%add3A_725, %broadcast_in_dim3A_698] : memref<64x512xf32, #tpu.memory_space<vmem>>[vector<16xi32>, vector<16xi32>], vector<16xf32>,
        %swap3A_727 = arith.constant 10 : i32
        %swap3A_728 = arith.index_cast %swap3A_727 : i32 to index
        %swap3A_729 = arith.constant 48 : index
        %swap3A_730 = tpu.vector_load %arg11[%swap3A_728, %swap3A_729] {strides = array<i32>} : memref<16x128xf32, #tpu.memory_space<vmem>>, vector<16xf32>,
        tpu.vector_store %arg11[%swap3A_728, %swap3A_729], %gather3A_726 {strides = array<i32>} : memref<16x128xf32, #tpu.memory_space<vmem>>, vector<16xf32>,
        %slice3A_731 = vector.extract_strided_slice %min3A_342 {offsets = [11], sizes = [1], strides = [1]} : vector<16xi32> to vector<1xi32>
        %squeeze3A_732 = vector.extract %slice3A_731[0] : i32 from vector<1xi32>
        %broadcast_in_dim3A_733 = vector.broadcast %squeeze3A_732 : i32 to vector<16xi32>
        %add3A_734 = arith.constant 0 : i32
        %add3A_735 = vector.broadcast %add3A_734 : i32 to vector<16xi32>
        %add3A_736 = arith.addi %iota3A, %add3A_735 : vector<16xi32>
        %gather3A_737 = tpu.vector_load_idx %arg10[%add3A_736, %broadcast_in_dim3A_733] : memref<64x512xf32, #tpu.memory_space<vmem>>[vector<16xi32>, vector<16xi32>], vector<16xf32>,
        %swap3A_738 = arith.constant 11 : i32
        %swap3A_739 = arith.index_cast %swap3A_738 : i32 to index
        %swap3A_740 = arith.constant 0 : index
        %swap3A_741 = tpu.vector_load %arg11[%swap3A_739, %swap3A_740] {strides = array<i32>} : memref<16x128xf32, #tpu.memory_space<vmem>>, vector<16xf32>,
        tpu.vector_store %arg11[%swap3A_739, %swap3A_740], %gather3A_737 {strides = array<i32>} : memref<16x128xf32, #tpu.memory_space<vmem>>, vector<16xf32>,
        %add3A_742 = arith.constant 16 : i32
        %add3A_743 = vector.broadcast %add3A_742 : i32 to vector<16xi32>
        %add3A_744 = arith.addi %iota3A, %add3A_743 : vector<16xi32>
        %gather3A_745 = tpu.vector_load_idx %arg10[%add3A_744, %broadcast_in_dim3A_733] : memref<64x512xf32, #tpu.memory_space<vmem>>[vector<16xi32>, vector<16xi32>], vector<16xf32>,
        %swap3A_746 = arith.constant 11 : i32
        %swap3A_747 = arith.index_cast %swap3A_746 : i32 to index
        %swap3A_748 = arith.constant 16 : index
        %swap3A_749 = tpu.vector_load %arg11[%swap3A_747, %swap3A_748] {strides = array<i32>} : memref<16x128xf32, #tpu.memory_space<vmem>>, vector<16xf32>,
        tpu.vector_store %arg11[%swap3A_747, %swap3A_748], %gather3A_745 {strides = array<i32>} : memref<16x128xf32, #tpu.memory_space<vmem>>, vector<16xf32>,
        %add3A_750 = arith.constant 32 : i32
        %add3A_751 = vector.broadcast %add3A_750 : i32 to vector<16xi32>
        %add3A_752 = arith.addi %iota3A, %add3A_751 : vector<16xi32>
        %gather3A_753 = tpu.vector_load_idx %arg10[%add3A_752, %broadcast_in_dim3A_733] : memref<64x512xf32, #tpu.memory_space<vmem>>[vector<16xi32>, vector<16xi32>], vector<16xf32>,
        %swap3A_754 = arith.constant 11 : i32
        %swap3A_755 = arith.index_cast %swap3A_754 : i32 to index
        %swap3A_756 = arith.constant 32 : index
        %swap3A_757 = tpu.vector_load %arg11[%swap3A_755, %swap3A_756] {strides = array<i32>} : memref<16x128xf32, #tpu.memory_space<vmem>>, vector<16xf32>,
        tpu.vector_store %arg11[%swap3A_755, %swap3A_756], %gather3A_753 {strides = array<i32>} : memref<16x128xf32, #tpu.memory_space<vmem>>, vector<16xf32>,
        %add3A_758 = arith.constant 48 : i32
        %add3A_759 = vector.broadcast %add3A_758 : i32 to vector<16xi32>
        %add3A_760 = arith.addi %iota3A, %add3A_759 : vector<16xi32>
        %gather3A_761 = tpu.vector_load_idx %arg10[%add3A_760, %broadcast_in_dim3A_733] : memref<64x512xf32, #tpu.memory_space<vmem>>[vector<16xi32>, vector<16xi32>], vector<16xf32>,
        %swap3A_762 = arith.constant 11 : i32
        %swap3A_763 = arith.index_cast %swap3A_762 : i32 to index
        %swap3A_764 = arith.constant 48 : index
        %swap3A_765 = tpu.vector_load %arg11[%swap3A_763, %swap3A_764] {strides = array<i32>} : memref<16x128xf32, #tpu.memory_space<vmem>>, vector<16xf32>,
        tpu.vector_store %arg11[%swap3A_763, %swap3A_764], %gather3A_761 {strides = array<i32>} : memref<16x128xf32, #tpu.memory_space<vmem>>, vector<16xf32>,
        %slice3A_766 = vector.extract_strided_slice %min3A_342 {offsets = [12], sizes = [1], strides = [1]} : vector<16xi32> to vector<1xi32>
        %squeeze3A_767 = vector.extract %slice3A_766[0] : i32 from vector<1xi32>
        %broadcast_in_dim3A_768 = vector.broadcast %squeeze3A_767 : i32 to vector<16xi32>
        %add3A_769 = arith.constant 0 : i32
        %add3A_770 = vector.broadcast %add3A_769 : i32 to vector<16xi32>
        %add3A_771 = arith.addi %iota3A, %add3A_770 : vector<16xi32>
        %gather3A_772 = tpu.vector_load_idx %arg10[%add3A_771, %broadcast_in_dim3A_768] : memref<64x512xf32, #tpu.memory_space<vmem>>[vector<16xi32>, vector<16xi32>], vector<16xf32>,
        %swap3A_773 = arith.constant 12 : i32
        %swap3A_774 = arith.index_cast %swap3A_773 : i32 to index
        %swap3A_775 = arith.constant 0 : index
        %swap3A_776 = tpu.vector_load %arg11[%swap3A_774, %swap3A_775] {strides = array<i32>} : memref<16x128xf32, #tpu.memory_space<vmem>>, vector<16xf32>,
        tpu.vector_store %arg11[%swap3A_774, %swap3A_775], %gather3A_772 {strides = array<i32>} : memref<16x128xf32, #tpu.memory_space<vmem>>, vector<16xf32>,
        %add3A_777 = arith.constant 16 : i32
        %add3A_778 = vector.broadcast %add3A_777 : i32 to vector<16xi32>
        %add3A_779 = arith.addi %iota3A, %add3A_778 : vector<16xi32>
        %gather3A_780 = tpu.vector_load_idx %arg10[%add3A_779, %broadcast_in_dim3A_768] : memref<64x512xf32, #tpu.memory_space<vmem>>[vector<16xi32>, vector<16xi32>], vector<16xf32>,
        %swap3A_781 = arith.constant 12 : i32
        %swap3A_782 = arith.index_cast %swap3A_781 : i32 to index
        %swap3A_783 = arith.constant 16 : index
        %swap3A_784 = tpu.vector_load %arg11[%swap3A_782, %swap3A_783] {strides = array<i32>} : memref<16x128xf32, #tpu.memory_space<vmem>>, vector<16xf32>,
        tpu.vector_store %arg11[%swap3A_782, %swap3A_783], %gather3A_780 {strides = array<i32>} : memref<16x128xf32, #tpu.memory_space<vmem>>, vector<16xf32>,
        %add3A_785 = arith.constant 32 : i32
        %add3A_786 = vector.broadcast %add3A_785 : i32 to vector<16xi32>
        %add3A_787 = arith.addi %iota3A, %add3A_786 : vector<16xi32>
        %gather3A_788 = tpu.vector_load_idx %arg10[%add3A_787, %broadcast_in_dim3A_768] : memref<64x512xf32, #tpu.memory_space<vmem>>[vector<16xi32>, vector<16xi32>], vector<16xf32>,
        %swap3A_789 = arith.constant 12 : i32
        %swap3A_790 = arith.index_cast %swap3A_789 : i32 to index
        %swap3A_791 = arith.constant 32 : index
        %swap3A_792 = tpu.vector_load %arg11[%swap3A_790, %swap3A_791] {strides = array<i32>} : memref<16x128xf32, #tpu.memory_space<vmem>>, vector<16xf32>,
        tpu.vector_store %arg11[%swap3A_790, %swap3A_791], %gather3A_788 {strides = array<i32>} : memref<16x128xf32, #tpu.memory_space<vmem>>, vector<16xf32>,
        %add3A_793 = arith.constant 48 : i32
        %add3A_794 = vector.broadcast %add3A_793 : i32 to vector<16xi32>
        %add3A_795 = arith.addi %iota3A, %add3A_794 : vector<16xi32>
        %gather3A_796 = tpu.vector_load_idx %arg10[%add3A_795, %broadcast_in_dim3A_768] : memref<64x512xf32, #tpu.memory_space<vmem>>[vector<16xi32>, vector<16xi32>], vector<16xf32>,
        %swap3A_797 = arith.constant 12 : i32
        %swap3A_798 = arith.index_cast %swap3A_797 : i32 to index
        %swap3A_799 = arith.constant 48 : index
        %swap3A_800 = tpu.vector_load %arg11[%swap3A_798, %swap3A_799] {strides = array<i32>} : memref<16x128xf32, #tpu.memory_space<vmem>>, vector<16xf32>,
        tpu.vector_store %arg11[%swap3A_798, %swap3A_799], %gather3A_796 {strides = array<i32>} : memref<16x128xf32, #tpu.memory_space<vmem>>, vector<16xf32>,
        %slice3A_801 = vector.extract_strided_slice %min3A_342 {offsets = [13], sizes = [1], strides = [1]} : vector<16xi32> to vector<1xi32>
        %squeeze3A_802 = vector.extract %slice3A_801[0] : i32 from vector<1xi32>
        %broadcast_in_dim3A_803 = vector.broadcast %squeeze3A_802 : i32 to vector<16xi32>
        %add3A_804 = arith.constant 0 : i32
        %add3A_805 = vector.broadcast %add3A_804 : i32 to vector<16xi32>
        %add3A_806 = arith.addi %iota3A, %add3A_805 : vector<16xi32>
        %gather3A_807 = tpu.vector_load_idx %arg10[%add3A_806, %broadcast_in_dim3A_803] : memref<64x512xf32, #tpu.memory_space<vmem>>[vector<16xi32>, vector<16xi32>], vector<16xf32>,
        %swap3A_808 = arith.constant 13 : i32
        %swap3A_809 = arith.index_cast %swap3A_808 : i32 to index
        %swap3A_810 = arith.constant 0 : index
        %swap3A_811 = tpu.vector_load %arg11[%swap3A_809, %swap3A_810] {strides = array<i32>} : memref<16x128xf32, #tpu.memory_space<vmem>>, vector<16xf32>,
        tpu.vector_store %arg11[%swap3A_809, %swap3A_810], %gather3A_807 {strides = array<i32>} : memref<16x128xf32, #tpu.memory_space<vmem>>, vector<16xf32>,
        %add3A_812 = arith.constant 16 : i32
        %add3A_813 = vector.broadcast %add3A_812 : i32 to vector<16xi32>
        %add3A_814 = arith.addi %iota3A, %add3A_813 : vector<16xi32>
        %gather3A_815 = tpu.vector_load_idx %arg10[%add3A_814, %broadcast_in_dim3A_803] : memref<64x512xf32, #tpu.memory_space<vmem>>[vector<16xi32>, vector<16xi32>], vector<16xf32>,
        %swap3A_816 = arith.constant 13 : i32
        %swap3A_817 = arith.index_cast %swap3A_816 : i32 to index
        %swap3A_818 = arith.constant 16 : index
        %swap3A_819 = tpu.vector_load %arg11[%swap3A_817, %swap3A_818] {strides = array<i32>} : memref<16x128xf32, #tpu.memory_space<vmem>>, vector<16xf32>,
        tpu.vector_store %arg11[%swap3A_817, %swap3A_818], %gather3A_815 {strides = array<i32>} : memref<16x128xf32, #tpu.memory_space<vmem>>, vector<16xf32>,
        %add3A_820 = arith.constant 32 : i32
        %add3A_821 = vector.broadcast %add3A_820 : i32 to vector<16xi32>
        %add3A_822 = arith.addi %iota3A, %add3A_821 : vector<16xi32>
        %gather3A_823 = tpu.vector_load_idx %arg10[%add3A_822, %broadcast_in_dim3A_803] : memref<64x512xf32, #tpu.memory_space<vmem>>[vector<16xi32>, vector<16xi32>], vector<16xf32>,
        %swap3A_824 = arith.constant 13 : i32
        %swap3A_825 = arith.index_cast %swap3A_824 : i32 to index
        %swap3A_826 = arith.constant 32 : index
        %swap3A_827 = tpu.vector_load %arg11[%swap3A_825, %swap3A_826] {strides = array<i32>} : memref<16x128xf32, #tpu.memory_space<vmem>>, vector<16xf32>,
        tpu.vector_store %arg11[%swap3A_825, %swap3A_826], %gather3A_823 {strides = array<i32>} : memref<16x128xf32, #tpu.memory_space<vmem>>, vector<16xf32>,
        %add3A_828 = arith.constant 48 : i32
        %add3A_829 = vector.broadcast %add3A_828 : i32 to vector<16xi32>
        %add3A_830 = arith.addi %iota3A, %add3A_829 : vector<16xi32>
        %gather3A_831 = tpu.vector_load_idx %arg10[%add3A_830, %broadcast_in_dim3A_803] : memref<64x512xf32, #tpu.memory_space<vmem>>[vector<16xi32>, vector<16xi32>], vector<16xf32>,
        %swap3A_832 = arith.constant 13 : i32
        %swap3A_833 = arith.index_cast %swap3A_832 : i32 to index
        %swap3A_834 = arith.constant 48 : index
        %swap3A_835 = tpu.vector_load %arg11[%swap3A_833, %swap3A_834] {strides = array<i32>} : memref<16x128xf32, #tpu.memory_space<vmem>>, vector<16xf32>,
        tpu.vector_store %arg11[%swap3A_833, %swap3A_834], %gather3A_831 {strides = array<i32>} : memref<16x128xf32, #tpu.memory_space<vmem>>, vector<16xf32>,
        %slice3A_836 = vector.extract_strided_slice %min3A_342 {offsets = [14], sizes = [1], strides = [1]} : vector<16xi32> to vector<1xi32>
        %squeeze3A_837 = vector.extract %slice3A_836[0] : i32 from vector<1xi32>
        %broadcast_in_dim3A_838 = vector.broadcast %squeeze3A_837 : i32 to vector<16xi32>
        %add3A_839 = arith.constant 0 : i32
        %add3A_840 = vector.broadcast %add3A_839 : i32 to vector<16xi32>
        %add3A_841 = arith.addi %iota3A, %add3A_840 : vector<16xi32>
        %gather3A_842 = tpu.vector_load_idx %arg10[%add3A_841, %broadcast_in_dim3A_838] : memref<64x512xf32, #tpu.memory_space<vmem>>[vector<16xi32>, vector<16xi32>], vector<16xf32>,
        %swap3A_843 = arith.constant 14 : i32
        %swap3A_844 = arith.index_cast %swap3A_843 : i32 to index
        %swap3A_845 = arith.constant 0 : index
        %swap3A_846 = tpu.vector_load %arg11[%swap3A_844, %swap3A_845] {strides = array<i32>} : memref<16x128xf32, #tpu.memory_space<vmem>>, vector<16xf32>,
        tpu.vector_store %arg11[%swap3A_844, %swap3A_845], %gather3A_842 {strides = array<i32>} : memref<16x128xf32, #tpu.memory_space<vmem>>, vector<16xf32>,
        %add3A_847 = arith.constant 16 : i32
        %add3A_848 = vector.broadcast %add3A_847 : i32 to vector<16xi32>
        %add3A_849 = arith.addi %iota3A, %add3A_848 : vector<16xi32>
        %gather3A_850 = tpu.vector_load_idx %arg10[%add3A_849, %broadcast_in_dim3A_838] : memref<64x512xf32, #tpu.memory_space<vmem>>[vector<16xi32>, vector<16xi32>], vector<16xf32>,
        %swap3A_851 = arith.constant 14 : i32
        %swap3A_852 = arith.index_cast %swap3A_851 : i32 to index
        %swap3A_853 = arith.constant 16 : index
        %swap3A_854 = tpu.vector_load %arg11[%swap3A_852, %swap3A_853] {strides = array<i32>} : memref<16x128xf32, #tpu.memory_space<vmem>>, vector<16xf32>,
        tpu.vector_store %arg11[%swap3A_852, %swap3A_853], %gather3A_850 {strides = array<i32>} : memref<16x128xf32, #tpu.memory_space<vmem>>, vector<16xf32>,
        %add3A_855 = arith.constant 32 : i32
        %add3A_856 = vector.broadcast %add3A_855 : i32 to vector<16xi32>
        %add3A_857 = arith.addi %iota3A, %add3A_856 : vector<16xi32>
        %gather3A_858 = tpu.vector_load_idx %arg10[%add3A_857, %broadcast_in_dim3A_838] : memref<64x512xf32, #tpu.memory_space<vmem>>[vector<16xi32>, vector<16xi32>], vector<16xf32>,
        %swap3A_859 = arith.constant 14 : i32
        %swap3A_860 = arith.index_cast %swap3A_859 : i32 to index
        %swap3A_861 = arith.constant 32 : index
        %swap3A_862 = tpu.vector_load %arg11[%swap3A_860, %swap3A_861] {strides = array<i32>} : memref<16x128xf32, #tpu.memory_space<vmem>>, vector<16xf32>,
        tpu.vector_store %arg11[%swap3A_860, %swap3A_861], %gather3A_858 {strides = array<i32>} : memref<16x128xf32, #tpu.memory_space<vmem>>, vector<16xf32>,
        %add3A_863 = arith.constant 48 : i32
        %add3A_864 = vector.broadcast %add3A_863 : i32 to vector<16xi32>
        %add3A_865 = arith.addi %iota3A, %add3A_864 : vector<16xi32>
        %gather3A_866 = tpu.vector_load_idx %arg10[%add3A_865, %broadcast_in_dim3A_838] : memref<64x512xf32, #tpu.memory_space<vmem>>[vector<16xi32>, vector<16xi32>], vector<16xf32>,
        %swap3A_867 = arith.constant 14 : i32
        %swap3A_868 = arith.index_cast %swap3A_867 : i32 to index
        %swap3A_869 = arith.constant 48 : index
        %swap3A_870 = tpu.vector_load %arg11[%swap3A_868, %swap3A_869] {strides = array<i32>} : memref<16x128xf32, #tpu.memory_space<vmem>>, vector<16xf32>,
        tpu.vector_store %arg11[%swap3A_868, %swap3A_869], %gather3A_866 {strides = array<i32>} : memref<16x128xf32, #tpu.memory_space<vmem>>, vector<16xf32>,
        %slice3A_871 = vector.extract_strided_slice %min3A_342 {offsets = [15], sizes = [1], strides = [1]} : vector<16xi32> to vector<1xi32>
        %squeeze3A_872 = vector.extract %slice3A_871[0] : i32 from vector<1xi32>
        %broadcast_in_dim3A_873 = vector.broadcast %squeeze3A_872 : i32 to vector<16xi32>
        %add3A_874 = arith.constant 0 : i32
        %add3A_875 = vector.broadcast %add3A_874 : i32 to vector<16xi32>
        %add3A_876 = arith.addi %iota3A, %add3A_875 : vector<16xi32>
        %gather3A_877 = tpu.vector_load_idx %arg10[%add3A_876, %broadcast_in_dim3A_873] : memref<64x512xf32, #tpu.memory_space<vmem>>[vector<16xi32>, vector<16xi32>], vector<16xf32>,
        %swap3A_878 = arith.constant 15 : i32
        %swap3A_879 = arith.index_cast %swap3A_878 : i32 to index
        %swap3A_880 = arith.constant 0 : index
        %swap3A_881 = tpu.vector_load %arg11[%swap3A_879, %swap3A_880] {strides = array<i32>} : memref<16x128xf32, #tpu.memory_space<vmem>>, vector<16xf32>,
        tpu.vector_store %arg11[%swap3A_879, %swap3A_880], %gather3A_877 {strides = array<i32>} : memref<16x128xf32, #tpu.memory_space<vmem>>, vector<16xf32>,
        %add3A_882 = arith.constant 16 : i32
        %add3A_883 = vector.broadcast %add3A_882 : i32 to vector<16xi32>
        %add3A_884 = arith.addi %iota3A, %add3A_883 : vector<16xi32>
        %gather3A_885 = tpu.vector_load_idx %arg10[%add3A_884, %broadcast_in_dim3A_873] : memref<64x512xf32, #tpu.memory_space<vmem>>[vector<16xi32>, vector<16xi32>], vector<16xf32>,
        %swap3A_886 = arith.constant 15 : i32
        %swap3A_887 = arith.index_cast %swap3A_886 : i32 to index
        %swap3A_888 = arith.constant 16 : index
        %swap3A_889 = tpu.vector_load %arg11[%swap3A_887, %swap3A_888] {strides = array<i32>} : memref<16x128xf32, #tpu.memory_space<vmem>>, vector<16xf32>,
        tpu.vector_store %arg11[%swap3A_887, %swap3A_888], %gather3A_885 {strides = array<i32>} : memref<16x128xf32, #tpu.memory_space<vmem>>, vector<16xf32>,
        %add3A_890 = arith.constant 32 : i32
        %add3A_891 = vector.broadcast %add3A_890 : i32 to vector<16xi32>
        %add3A_892 = arith.addi %iota3A, %add3A_891 : vector<16xi32>
        %gather3A_893 = tpu.vector_load_idx %arg10[%add3A_892, %broadcast_in_dim3A_873] : memref<64x512xf32, #tpu.memory_space<vmem>>[vector<16xi32>, vector<16xi32>], vector<16xf32>,
        %swap3A_894 = arith.constant 15 : i32
        %swap3A_895 = arith.index_cast %swap3A_894 : i32 to index
        %swap3A_896 = arith.constant 32 : index
        %swap3A_897 = tpu.vector_load %arg11[%swap3A_895, %swap3A_896] {strides = array<i32>} : memref<16x128xf32, #tpu.memory_space<vmem>>, vector<16xf32>,
        tpu.vector_store %arg11[%swap3A_895, %swap3A_896], %gather3A_893 {strides = array<i32>} : memref<16x128xf32, #tpu.memory_space<vmem>>, vector<16xf32>,
        %add3A_898 = arith.constant 48 : i32
        %add3A_899 = vector.broadcast %add3A_898 : i32 to vector<16xi32>
        %add3A_900 = arith.addi %iota3A, %add3A_899 : vector<16xi32>
        %gather3A_901 = tpu.vector_load_idx %arg10[%add3A_900, %broadcast_in_dim3A_873] : memref<64x512xf32, #tpu.memory_space<vmem>>[vector<16xi32>, vector<16xi32>], vector<16xf32>,
        %swap3A_902 = arith.constant 15 : i32
        %swap3A_903 = arith.index_cast %swap3A_902 : i32 to index
        %swap3A_904 = arith.constant 48 : index
        %swap3A_905 = tpu.vector_load %arg11[%swap3A_903, %swap3A_904] {strides = array<i32>} : memref<16x128xf32, #tpu.memory_space<vmem>>, vector<16xf32>,
        tpu.vector_store %arg11[%swap3A_903, %swap3A_904], %gather3A_901 {strides = array<i32>} : memref<16x128xf32, #tpu.memory_space<vmem>>, vector<16xf32>,
        %dma_start3A = arith.constant 0 : i32
        %dma_start3A_906 = arith.constant 0 : i32
        %dma_start3A_907 = tpu.memref_slice %arg5[%dma_start3A, %dma_start3A_906] : memref<16416x128xf32, #tpu.memory_space<hbm>> -> memref<16416x128xf32, #tpu.memory_space<hbm>>
        tpu.enqueue_indirect_dma source(%arg11 : memref<16x128xf32, #tpu.memory_space<vmem>>) target(%dma_start3A_907 : memref<16416x128xf32, #tpu.memory_space<hbm>>) offsets(%select_n3A_343 : vector<16xi32>) semaphore(%arg13 : memref<!tpu.dma_semaphore, #tpu.memory_space<semaphore_mem>>)
        %add3A_908 = arith.constant 1 : i32
        %add3A_909 = arith.addi %while3A_321, %add3A_908 : i32
        scf.yield %add3A_909 : i32
      }
      %while3A_302 = arith.constant 1 : i32
      %while3A_303 = scf.for %while3A_320 = %while3A_299 to %while3A_295 step %while3A_302 iter_args(%while3A_321 = %while3A_301) -> (i32)  : i32 {
        %mul3A_322 = arith.constant 16 : i32
        %mul3A_323 = arith.muli %while3A_320, %mul3A_322 : i32
        %get3A = arith.index_cast %mul3A_323 : i32 to index
        %get3A_324 = tpu.vector_load %arg8[%get3A] {strides = array<i32>} : memref<16384xi32, #tpu.memory_space<vmem>>, vector<16xi32>,
        %jit3A_325 = arith.constant 0 : i32
        %jit3A_326 = arith.constant 16383 : i32
        %max3A = vector.broadcast %jit3A_325 : i32 to vector<16xi32>
        %max3A_327 = arith.maxsi %max3A, %get3A_324 : vector<16xi32>
        %min3A_328 = vector.broadcast %jit3A_326 : i32 to vector<16xi32>
        %min3A_329 = arith.minsi %min3A_328, %max3A_327 : vector<16xi32>
        %gather3A = tpu.vector_load_idx %arg6[%min3A_329] : memref<16384xi32, #tpu.memory_space<vmem>>[vector<16xi32>], vector<16xi32>,
        %gather3A_330 = tpu.vector_load_idx %arg7[%min3A_329] : memref<16384xi32, #tpu.memory_space<vmem>>[vector<16xi32>], vector<16xi32>,
        %mul3A_331 = arith.constant 16 : i32
        %mul3A_332 = arith.muli %while3A_320, %mul3A_331 : i32
        %sub3A_333 = arith.subi %while3A_266, %mul3A_332 : i32
        %lt3A_334 = vector.broadcast %sub3A_333 : i32 to vector<16xi32>
        %lt3A_335 = arith.cmpi slt, %iota3A, %lt3A_334 : vector<16xi32>
        %sub3A_336 = vector.broadcast %select_n3A_218 : i32 to vector<16xi32>
        %sub3A_337 = arith.subi %gather3A, %sub3A_336 : vector<16xi32>
        %jit3A_338 = arith.constant 0 : i32
        %max3A_339 = vector.broadcast %jit3A_338 : i32 to vector<16xi32>
        %max3A_340 = arith.maxsi %max3A_339, %sub3A_337 : vector<16xi32>
        %min3A_341 = vector.broadcast %select_n3A_227 : i32 to vector<16xi32>
        %min3A_342 = arith.minsi %min3A_341, %max3A_340 : vector<16xi32>
        %broadcast_in_dim3A = vector.broadcast %add3A_24 : i32 to vector<16xi32>
        %select_n3A_343 = arith.select %lt3A_335, %gather3A_330, %broadcast_in_dim3A : vector<16xi1>, vector<16xi32>
        %gt3A_344 = arith.constant 0 : i32
        %gt3A_345 = arith.cmpi sgt, %while3A_321, %gt3A_344 : i32
        %convert_element_type3A_346 = arith.extui %gt3A_345 : i1 to i32
        %cond3A_347 = arith.constant 0 : i32
        %cond3A_348 = arith.cmpi ne, %convert_element_type3A_346, %cond3A_347 : i32
        scf.if %cond3A_348 {
          %dma_wait3A = arith.constant 0 : i32
          %dma_wait3A_910 = arith.constant 0 : i32
          %dma_wait3A_911 = tpu.memref_slice %arg5[%dma_wait3A, %dma_wait3A_910] : memref<16416x128xf32, #tpu.memory_space<hbm>> -> memref<16x128xf32, #tpu.memory_space<hbm>>
          %dma_wait3A_912 = arith.constant 0 : i32
          %dma_wait3A_913 = arith.constant 0 : i32
          %dma_wait3A_914 = tpu.memref_slice %arg5[%dma_wait3A_912, %dma_wait3A_913] : memref<16416x128xf32, #tpu.memory_space<hbm>> -> memref<16x128xf32, #tpu.memory_space<hbm>>
          tpu.wait_dma2 semaphore(%arg13 : memref<!tpu.dma_semaphore, #tpu.memory_space<semaphore_mem>>) src(%arg11 : memref<16x128xf32, #tpu.memory_space<vmem>>) dst(%dma_wait3A_914 : memref<16x128xf32, #tpu.memory_space<hbm>>)
        } else {
        }
        %slice3A = vector.extract_strided_slice %min3A_342 {offsets = [0], sizes = [1], strides = [1]} : vector<16xi32> to vector<1xi32>
        %squeeze3A = vector.extract %slice3A[0] : i32 from vector<1xi32>
        %broadcast_in_dim3A_349 = vector.broadcast %squeeze3A : i32 to vector<16xi32>
        %add3A_350 = arith.constant 0 : i32
        %add3A_351 = vector.broadcast %add3A_350 : i32 to vector<16xi32>
        %add3A_352 = arith.addi %iota3A, %add3A_351 : vector<16xi32>
        %gather3A_353 = tpu.vector_load_idx %arg10[%add3A_352, %broadcast_in_dim3A_349] : memref<64x512xf32, #tpu.memory_space<vmem>>[vector<16xi32>, vector<16xi32>], vector<16xf32>,
        %swap3A = arith.constant 0 : i32
        %swap3A_354 = arith.index_cast %swap3A : i32 to index
        %swap3A_355 = arith.constant 0 : index
        %swap3A_356 = tpu.vector_load %arg11[%swap3A_354, %swap3A_355] {strides = array<i32>} : memref<16x128xf32, #tpu.memory_space<vmem>>, vector<16xf32>,
        tpu.vector_store %arg11[%swap3A_354, %swap3A_355], %gather3A_353 {strides = array<i32>} : memref<16x128xf32, #tpu.memory_space<vmem>>, vector<16xf32>,
        %add3A_357 = arith.constant 16 : i32
        %add3A_358 = vector.broadcast %add3A_357 : i32 to vector<16xi32>
        %add3A_359 = arith.addi %iota3A, %add3A_358 : vector<16xi32>
        %gather3A_360 = tpu.vector_load_idx %arg10[%add3A_359, %broadcast_in_dim3A_349] : memref<64x512xf32, #tpu.memory_space<vmem>>[vector<16xi32>, vector<16xi32>], vector<16xf32>,
        %swap3A_361 = arith.constant 0 : i32
        %swap3A_362 = arith.index_cast %swap3A_361 : i32 to index
        %swap3A_363 = arith.constant 16 : index
        %swap3A_364 = tpu.vector_load %arg11[%swap3A_362, %swap3A_363] {strides = array<i32>} : memref<16x128xf32, #tpu.memory_space<vmem>>, vector<16xf32>,
        tpu.vector_store %arg11[%swap3A_362, %swap3A_363], %gather3A_360 {strides = array<i32>} : memref<16x128xf32, #tpu.memory_space<vmem>>, vector<16xf32>,
        %add3A_365 = arith.constant 32 : i32
        %add3A_366 = vector.broadcast %add3A_365 : i32 to vector<16xi32>
        %add3A_367 = arith.addi %iota3A, %add3A_366 : vector<16xi32>
        %gather3A_368 = tpu.vector_load_idx %arg10[%add3A_367, %broadcast_in_dim3A_349] : memref<64x512xf32, #tpu.memory_space<vmem>>[vector<16xi32>, vector<16xi32>], vector<16xf32>,
        %swap3A_369 = arith.constant 0 : i32
        %swap3A_370 = arith.index_cast %swap3A_369 : i32 to index
        %swap3A_371 = arith.constant 32 : index
        %swap3A_372 = tpu.vector_load %arg11[%swap3A_370, %swap3A_371] {strides = array<i32>} : memref<16x128xf32, #tpu.memory_space<vmem>>, vector<16xf32>,
        tpu.vector_store %arg11[%swap3A_370, %swap3A_371], %gather3A_368 {strides = array<i32>} : memref<16x128xf32, #tpu.memory_space<vmem>>, vector<16xf32>,
        %add3A_373 = arith.constant 48 : i32
        %add3A_374 = vector.broadcast %add3A_373 : i32 to vector<16xi32>
        %add3A_375 = arith.addi %iota3A, %add3A_374 : vector<16xi32>
        %gather3A_376 = tpu.vector_load_idx %arg10[%add3A_375, %broadcast_in_dim3A_349] : memref<64x512xf32, #tpu.memory_space<vmem>>[vector<16xi32>, vector<16xi32>], vector<16xf32>,
        %swap3A_377 = arith.constant 0 : i32
        %swap3A_378 = arith.index_cast %swap3A_377 : i32 to index
        %swap3A_379 = arith.constant 48 : index
        %swap3A_380 = tpu.vector_load %arg11[%swap3A_378, %swap3A_379] {strides = array<i32>} : memref<16x128xf32, #tpu.memory_space<vmem>>, vector<16xf32>,
        tpu.vector_store %arg11[%swap3A_378, %swap3A_379], %gather3A_376 {strides = array<i32>} : memref<16x128xf32, #tpu.memory_space<vmem>>, vector<16xf32>,
        %slice3A_381 = vector.extract_strided_slice %min3A_342 {offsets = [1], sizes = [1], strides = [1]} : vector<16xi32> to vector<1xi32>
        %squeeze3A_382 = vector.extract %slice3A_381[0] : i32 from vector<1xi32>
        %broadcast_in_dim3A_383 = vector.broadcast %squeeze3A_382 : i32 to vector<16xi32>
        %add3A_384 = arith.constant 0 : i32
        %add3A_385 = vector.broadcast %add3A_384 : i32 to vector<16xi32>
        %add3A_386 = arith.addi %iota3A, %add3A_385 : vector<16xi32>
        %gather3A_387 = tpu.vector_load_idx %arg10[%add3A_386, %broadcast_in_dim3A_383] : memref<64x512xf32, #tpu.memory_space<vmem>>[vector<16xi32>, vector<16xi32>], vector<16xf32>,
        %swap3A_388 = arith.constant 1 : i32
        %swap3A_389 = arith.index_cast %swap3A_388 : i32 to index
        %swap3A_390 = arith.constant 0 : index
        %swap3A_391 = tpu.vector_load %arg11[%swap3A_389, %swap3A_390] {strides = array<i32>} : memref<16x128xf32, #tpu.memory_space<vmem>>, vector<16xf32>,
        tpu.vector_store %arg11[%swap3A_389, %swap3A_390], %gather3A_387 {strides = array<i32>} : memref<16x128xf32, #tpu.memory_space<vmem>>, vector<16xf32>,
        %add3A_392 = arith.constant 16 : i32
        %add3A_393 = vector.broadcast %add3A_392 : i32 to vector<16xi32>
        %add3A_394 = arith.addi %iota3A, %add3A_393 : vector<16xi32>
        %gather3A_395 = tpu.vector_load_idx %arg10[%add3A_394, %broadcast_in_dim3A_383] : memref<64x512xf32, #tpu.memory_space<vmem>>[vector<16xi32>, vector<16xi32>], vector<16xf32>,
        %swap3A_396 = arith.constant 1 : i32
        %swap3A_397 = arith.index_cast %swap3A_396 : i32 to index
        %swap3A_398 = arith.constant 16 : index
        %swap3A_399 = tpu.vector_load %arg11[%swap3A_397, %swap3A_398] {strides = array<i32>} : memref<16x128xf32, #tpu.memory_space<vmem>>, vector<16xf32>,
        tpu.vector_store %arg11[%swap3A_397, %swap3A_398], %gather3A_395 {strides = array<i32>} : memref<16x128xf32, #tpu.memory_space<vmem>>, vector<16xf32>,
        %add3A_400 = arith.constant 32 : i32
        %add3A_401 = vector.broadcast %add3A_400 : i32 to vector<16xi32>
        %add3A_402 = arith.addi %iota3A, %add3A_401 : vector<16xi32>
        %gather3A_403 = tpu.vector_load_idx %arg10[%add3A_402, %broadcast_in_dim3A_383] : memref<64x512xf32, #tpu.memory_space<vmem>>[vector<16xi32>, vector<16xi32>], vector<16xf32>,
        %swap3A_404 = arith.constant 1 : i32
        %swap3A_405 = arith.index_cast %swap3A_404 : i32 to index
        %swap3A_406 = arith.constant 32 : index
        %swap3A_407 = tpu.vector_load %arg11[%swap3A_405, %swap3A_406] {strides = array<i32>} : memref<16x128xf32, #tpu.memory_space<vmem>>, vector<16xf32>,
        tpu.vector_store %arg11[%swap3A_405, %swap3A_406], %gather3A_403 {strides = array<i32>} : memref<16x128xf32, #tpu.memory_space<vmem>>, vector<16xf32>,
        %add3A_408 = arith.constant 48 : i32
        %add3A_409 = vector.broadcast %add3A_408 : i32 to vector<16xi32>
        %add3A_410 = arith.addi %iota3A, %add3A_409 : vector<16xi32>
        %gather3A_411 = tpu.vector_load_idx %arg10[%add3A_410, %broadcast_in_dim3A_383] : memref<64x512xf32, #tpu.memory_space<vmem>>[vector<16xi32>, vector<16xi32>], vector<16xf32>,
        %swap3A_412 = arith.constant 1 : i32
        %swap3A_413 = arith.index_cast %swap3A_412 : i32 to index
        %swap3A_414 = arith.constant 48 : index
        %swap3A_415 = tpu.vector_load %arg11[%swap3A_413, %swap3A_414] {strides = array<i32>} : memref<16x128xf32, #tpu.memory_space<vmem>>, vector<16xf32>,
        tpu.vector_store %arg11[%swap3A_413, %swap3A_414], %gather3A_411 {strides = array<i32>} : memref<16x128xf32, #tpu.memory_space<vmem>>, vector<16xf32>,
        %slice3A_416 = vector.extract_strided_slice %min3A_342 {offsets = [2], sizes = [1], strides = [1]} : vector<16xi32> to vector<1xi32>
        %squeeze3A_417 = vector.extract %slice3A_416[0] : i32 from vector<1xi32>
        %broadcast_in_dim3A_418 = vector.broadcast %squeeze3A_417 : i32 to vector<16xi32>
        %add3A_419 = arith.constant 0 : i32
        %add3A_420 = vector.broadcast %add3A_419 : i32 to vector<16xi32>
        %add3A_421 = arith.addi %iota3A, %add3A_420 : vector<16xi32>
        %gather3A_422 = tpu.vector_load_idx %arg10[%add3A_421, %broadcast_in_dim3A_418] : memref<64x512xf32, #tpu.memory_space<vmem>>[vector<16xi32>, vector<16xi32>], vector<16xf32>,
        %swap3A_423 = arith.constant 2 : i32
        %swap3A_424 = arith.index_cast %swap3A_423 : i32 to index
        %swap3A_425 = arith.constant 0 : index
        %swap3A_426 = tpu.vector_load %arg11[%swap3A_424, %swap3A_425] {strides = array<i32>} : memref<16x128xf32, #tpu.memory_space<vmem>>, vector<16xf32>,
        tpu.vector_store %arg11[%swap3A_424, %swap3A_425], %gather3A_422 {strides = array<i32>} : memref<16x128xf32, #tpu.memory_space<vmem>>, vector<16xf32>,
        %add3A_427 = arith.constant 16 : i32
        %add3A_428 = vector.broadcast %add3A_427 : i32 to vector<16xi32>
        %add3A_429 = arith.addi %iota3A, %add3A_428 : vector<16xi32>
        %gather3A_430 = tpu.vector_load_idx %arg10[%add3A_429, %broadcast_in_dim3A_418] : memref<64x512xf32, #tpu.memory_space<vmem>>[vector<16xi32>, vector<16xi32>], vector<16xf32>,
        %swap3A_431 = arith.constant 2 : i32
        %swap3A_432 = arith.index_cast %swap3A_431 : i32 to index
        %swap3A_433 = arith.constant 16 : index
        %swap3A_434 = tpu.vector_load %arg11[%swap3A_432, %swap3A_433] {strides = array<i32>} : memref<16x128xf32, #tpu.memory_space<vmem>>, vector<16xf32>,
        tpu.vector_store %arg11[%swap3A_432, %swap3A_433], %gather3A_430 {strides = array<i32>} : memref<16x128xf32, #tpu.memory_space<vmem>>, vector<16xf32>,
        %add3A_435 = arith.constant 32 : i32
        %add3A_436 = vector.broadcast %add3A_435 : i32 to vector<16xi32>
        %add3A_437 = arith.addi %iota3A, %add3A_436 : vector<16xi32>
        %gather3A_438 = tpu.vector_load_idx %arg10[%add3A_437, %broadcast_in_dim3A_418] : memref<64x512xf32, #tpu.memory_space<vmem>>[vector<16xi32>, vector<16xi32>], vector<16xf32>,
        %swap3A_439 = arith.constant 2 : i32
        %swap3A_440 = arith.index_cast %swap3A_439 : i32 to index
        %swap3A_441 = arith.constant 32 : index
        %swap3A_442 = tpu.vector_load %arg11[%swap3A_440, %swap3A_441] {strides = array<i32>} : memref<16x128xf32, #tpu.memory_space<vmem>>, vector<16xf32>,
        tpu.vector_store %arg11[%swap3A_440, %swap3A_441], %gather3A_438 {strides = array<i32>} : memref<16x128xf32, #tpu.memory_space<vmem>>, vector<16xf32>,
        %add3A_443 = arith.constant 48 : i32
        %add3A_444 = vector.broadcast %add3A_443 : i32 to vector<16xi32>
        %add3A_445 = arith.addi %iota3A, %add3A_444 : vector<16xi32>
        %gather3A_446 = tpu.vector_load_idx %arg10[%add3A_445, %broadcast_in_dim3A_418] : memref<64x512xf32, #tpu.memory_space<vmem>>[vector<16xi32>, vector<16xi32>], vector<16xf32>,
        %swap3A_447 = arith.constant 2 : i32
        %swap3A_448 = arith.index_cast %swap3A_447 : i32 to index
        %swap3A_449 = arith.constant 48 : index
        %swap3A_450 = tpu.vector_load %arg11[%swap3A_448, %swap3A_449] {strides = array<i32>} : memref<16x128xf32, #tpu.memory_space<vmem>>, vector<16xf32>,
        tpu.vector_store %arg11[%swap3A_448, %swap3A_449], %gather3A_446 {strides = array<i32>} : memref<16x128xf32, #tpu.memory_space<vmem>>, vector<16xf32>,
        %slice3A_451 = vector.extract_strided_slice %min3A_342 {offsets = [3], sizes = [1], strides = [1]} : vector<16xi32> to vector<1xi32>
        %squeeze3A_452 = vector.extract %slice3A_451[0] : i32 from vector<1xi32>
        %broadcast_in_dim3A_453 = vector.broadcast %squeeze3A_452 : i32 to vector<16xi32>
        %add3A_454 = arith.constant 0 : i32
        %add3A_455 = vector.broadcast %add3A_454 : i32 to vector<16xi32>
        %add3A_456 = arith.addi %iota3A, %add3A_455 : vector<16xi32>
        %gather3A_457 = tpu.vector_load_idx %arg10[%add3A_456, %broadcast_in_dim3A_453] : memref<64x512xf32, #tpu.memory_space<vmem>>[vector<16xi32>, vector<16xi32>], vector<16xf32>,
        %swap3A_458 = arith.constant 3 : i32
        %swap3A_459 = arith.index_cast %swap3A_458 : i32 to index
        %swap3A_460 = arith.constant 0 : index
        %swap3A_461 = tpu.vector_load %arg11[%swap3A_459, %swap3A_460] {strides = array<i32>} : memref<16x128xf32, #tpu.memory_space<vmem>>, vector<16xf32>,
        tpu.vector_store %arg11[%swap3A_459, %swap3A_460], %gather3A_457 {strides = array<i32>} : memref<16x128xf32, #tpu.memory_space<vmem>>, vector<16xf32>,
        %add3A_462 = arith.constant 16 : i32
        %add3A_463 = vector.broadcast %add3A_462 : i32 to vector<16xi32>
        %add3A_464 = arith.addi %iota3A, %add3A_463 : vector<16xi32>
        %gather3A_465 = tpu.vector_load_idx %arg10[%add3A_464, %broadcast_in_dim3A_453] : memref<64x512xf32, #tpu.memory_space<vmem>>[vector<16xi32>, vector<16xi32>], vector<16xf32>,
        %swap3A_466 = arith.constant 3 : i32
        %swap3A_467 = arith.index_cast %swap3A_466 : i32 to index
        %swap3A_468 = arith.constant 16 : index
        %swap3A_469 = tpu.vector_load %arg11[%swap3A_467, %swap3A_468] {strides = array<i32>} : memref<16x128xf32, #tpu.memory_space<vmem>>, vector<16xf32>,
        tpu.vector_store %arg11[%swap3A_467, %swap3A_468], %gather3A_465 {strides = array<i32>} : memref<16x128xf32, #tpu.memory_space<vmem>>, vector<16xf32>,
        %add3A_470 = arith.constant 32 : i32
        %add3A_471 = vector.broadcast %add3A_470 : i32 to vector<16xi32>
        %add3A_472 = arith.addi %iota3A, %add3A_471 : vector<16xi32>
        %gather3A_473 = tpu.vector_load_idx %arg10[%add3A_472, %broadcast_in_dim3A_453] : memref<64x512xf32, #tpu.memory_space<vmem>>[vector<16xi32>, vector<16xi32>], vector<16xf32>,
        %swap3A_474 = arith.constant 3 : i32
        %swap3A_475 = arith.index_cast %swap3A_474 : i32 to index
        %swap3A_476 = arith.constant 32 : index
        %swap3A_477 = tpu.vector_load %arg11[%swap3A_475, %swap3A_476] {strides = array<i32>} : memref<16x128xf32, #tpu.memory_space<vmem>>, vector<16xf32>,
        tpu.vector_store %arg11[%swap3A_475, %swap3A_476], %gather3A_473 {strides = array<i32>} : memref<16x128xf32, #tpu.memory_space<vmem>>, vector<16xf32>,
        %add3A_478 = arith.constant 48 : i32
        %add3A_479 = vector.broadcast %add3A_478 : i32 to vector<16xi32>
        %add3A_480 = arith.addi %iota3A, %add3A_479 : vector<16xi32>
        %gather3A_481 = tpu.vector_load_idx %arg10[%add3A_480, %broadcast_in_dim3A_453] : memref<64x512xf32, #tpu.memory_space<vmem>>[vector<16xi32>, vector<16xi32>], vector<16xf32>,
        %swap3A_482 = arith.constant 3 : i32
        %swap3A_483 = arith.index_cast %swap3A_482 : i32 to index
        %swap3A_484 = arith.constant 48 : index
        %swap3A_485 = tpu.vector_load %arg11[%swap3A_483, %swap3A_484] {strides = array<i32>} : memref<16x128xf32, #tpu.memory_space<vmem>>, vector<16xf32>,
        tpu.vector_store %arg11[%swap3A_483, %swap3A_484], %gather3A_481 {strides = array<i32>} : memref<16x128xf32, #tpu.memory_space<vmem>>, vector<16xf32>,
        %slice3A_486 = vector.extract_strided_slice %min3A_342 {offsets = [4], sizes = [1], strides = [1]} : vector<16xi32> to vector<1xi32>
        %squeeze3A_487 = vector.extract %slice3A_486[0] : i32 from vector<1xi32>
        %broadcast_in_dim3A_488 = vector.broadcast %squeeze3A_487 : i32 to vector<16xi32>
        %add3A_489 = arith.constant 0 : i32
        %add3A_490 = vector.broadcast %add3A_489 : i32 to vector<16xi32>
        %add3A_491 = arith.addi %iota3A, %add3A_490 : vector<16xi32>
        %gather3A_492 = tpu.vector_load_idx %arg10[%add3A_491, %broadcast_in_dim3A_488] : memref<64x512xf32, #tpu.memory_space<vmem>>[vector<16xi32>, vector<16xi32>], vector<16xf32>,
        %swap3A_493 = arith.constant 4 : i32
        %swap3A_494 = arith.index_cast %swap3A_493 : i32 to index
        %swap3A_495 = arith.constant 0 : index
        %swap3A_496 = tpu.vector_load %arg11[%swap3A_494, %swap3A_495] {strides = array<i32>} : memref<16x128xf32, #tpu.memory_space<vmem>>, vector<16xf32>,
        tpu.vector_store %arg11[%swap3A_494, %swap3A_495], %gather3A_492 {strides = array<i32>} : memref<16x128xf32, #tpu.memory_space<vmem>>, vector<16xf32>,
        %add3A_497 = arith.constant 16 : i32
        %add3A_498 = vector.broadcast %add3A_497 : i32 to vector<16xi32>
        %add3A_499 = arith.addi %iota3A, %add3A_498 : vector<16xi32>
        %gather3A_500 = tpu.vector_load_idx %arg10[%add3A_499, %broadcast_in_dim3A_488] : memref<64x512xf32, #tpu.memory_space<vmem>>[vector<16xi32>, vector<16xi32>], vector<16xf32>,
        %swap3A_501 = arith.constant 4 : i32
        %swap3A_502 = arith.index_cast %swap3A_501 : i32 to index
        %swap3A_503 = arith.constant 16 : index
        %swap3A_504 = tpu.vector_load %arg11[%swap3A_502, %swap3A_503] {strides = array<i32>} : memref<16x128xf32, #tpu.memory_space<vmem>>, vector<16xf32>,
        tpu.vector_store %arg11[%swap3A_502, %swap3A_503], %gather3A_500 {strides = array<i32>} : memref<16x128xf32, #tpu.memory_space<vmem>>, vector<16xf32>,
        %add3A_505 = arith.constant 32 : i32
        %add3A_506 = vector.broadcast %add3A_505 : i32 to vector<16xi32>
        %add3A_507 = arith.addi %iota3A, %add3A_506 : vector<16xi32>
        %gather3A_508 = tpu.vector_load_idx %arg10[%add3A_507, %broadcast_in_dim3A_488] : memref<64x512xf32, #tpu.memory_space<vmem>>[vector<16xi32>, vector<16xi32>], vector<16xf32>,
        %swap3A_509 = arith.constant 4 : i32
        %swap3A_510 = arith.index_cast %swap3A_509 : i32 to index
        %swap3A_511 = arith.constant 32 : index
        %swap3A_512 = tpu.vector_load %arg11[%swap3A_510, %swap3A_511] {strides = array<i32>} : memref<16x128xf32, #tpu.memory_space<vmem>>, vector<16xf32>,
        tpu.vector_store %arg11[%swap3A_510, %swap3A_511], %gather3A_508 {strides = array<i32>} : memref<16x128xf32, #tpu.memory_space<vmem>>, vector<16xf32>,
        %add3A_513 = arith.constant 48 : i32
        %add3A_514 = vector.broadcast %add3A_513 : i32 to vector<16xi32>
        %add3A_515 = arith.addi %iota3A, %add3A_514 : vector<16xi32>
        %gather3A_516 = tpu.vector_load_idx %arg10[%add3A_515, %broadcast_in_dim3A_488] : memref<64x512xf32, #tpu.memory_space<vmem>>[vector<16xi32>, vector<16xi32>], vector<16xf32>,
        %swap3A_517 = arith.constant 4 : i32
        %swap3A_518 = arith.index_cast %swap3A_517 : i32 to index
        %swap3A_519 = arith.constant 48 : index
        %swap3A_520 = tpu.vector_load %arg11[%swap3A_518, %swap3A_519] {strides = array<i32>} : memref<16x128xf32, #tpu.memory_space<vmem>>, vector<16xf32>,
        tpu.vector_store %arg11[%swap3A_518, %swap3A_519], %gather3A_516 {strides = array<i32>} : memref<16x128xf32, #tpu.memory_space<vmem>>, vector<16xf32>,
        %slice3A_521 = vector.extract_strided_slice %min3A_342 {offsets = [5], sizes = [1], strides = [1]} : vector<16xi32> to vector<1xi32>
        %squeeze3A_522 = vector.extract %slice3A_521[0] : i32 from vector<1xi32>
        %broadcast_in_dim3A_523 = vector.broadcast %squeeze3A_522 : i32 to vector<16xi32>
        %add3A_524 = arith.constant 0 : i32
        %add3A_525 = vector.broadcast %add3A_524 : i32 to vector<16xi32>
        %add3A_526 = arith.addi %iota3A, %add3A_525 : vector<16xi32>
        %gather3A_527 = tpu.vector_load_idx %arg10[%add3A_526, %broadcast_in_dim3A_523] : memref<64x512xf32, #tpu.memory_space<vmem>>[vector<16xi32>, vector<16xi32>], vector<16xf32>,
        %swap3A_528 = arith.constant 5 : i32
        %swap3A_529 = arith.index_cast %swap3A_528 : i32 to index
        %swap3A_530 = arith.constant 0 : index
        %swap3A_531 = tpu.vector_load %arg11[%swap3A_529, %swap3A_530] {strides = array<i32>} : memref<16x128xf32, #tpu.memory_space<vmem>>, vector<16xf32>,
        tpu.vector_store %arg11[%swap3A_529, %swap3A_530], %gather3A_527 {strides = array<i32>} : memref<16x128xf32, #tpu.memory_space<vmem>>, vector<16xf32>,
        %add3A_532 = arith.constant 16 : i32
        %add3A_533 = vector.broadcast %add3A_532 : i32 to vector<16xi32>
        %add3A_534 = arith.addi %iota3A, %add3A_533 : vector<16xi32>
        %gather3A_535 = tpu.vector_load_idx %arg10[%add3A_534, %broadcast_in_dim3A_523] : memref<64x512xf32, #tpu.memory_space<vmem>>[vector<16xi32>, vector<16xi32>], vector<16xf32>,
        %swap3A_536 = arith.constant 5 : i32
        %swap3A_537 = arith.index_cast %swap3A_536 : i32 to index
        %swap3A_538 = arith.constant 16 : index
        %swap3A_539 = tpu.vector_load %arg11[%swap3A_537, %swap3A_538] {strides = array<i32>} : memref<16x128xf32, #tpu.memory_space<vmem>>, vector<16xf32>,
        tpu.vector_store %arg11[%swap3A_537, %swap3A_538], %gather3A_535 {strides = array<i32>} : memref<16x128xf32, #tpu.memory_space<vmem>>, vector<16xf32>,
        %add3A_540 = arith.constant 32 : i32
        %add3A_541 = vector.broadcast %add3A_540 : i32 to vector<16xi32>
        %add3A_542 = arith.addi %iota3A, %add3A_541 : vector<16xi32>
        %gather3A_543 = tpu.vector_load_idx %arg10[%add3A_542, %broadcast_in_dim3A_523] : memref<64x512xf32, #tpu.memory_space<vmem>>[vector<16xi32>, vector<16xi32>], vector<16xf32>,
        %swap3A_544 = arith.constant 5 : i32
        %swap3A_545 = arith.index_cast %swap3A_544 : i32 to index
        %swap3A_546 = arith.constant 32 : index
        %swap3A_547 = tpu.vector_load %arg11[%swap3A_545, %swap3A_546] {strides = array<i32>} : memref<16x128xf32, #tpu.memory_space<vmem>>, vector<16xf32>,
        tpu.vector_store %arg11[%swap3A_545, %swap3A_546], %gather3A_543 {strides = array<i32>} : memref<16x128xf32, #tpu.memory_space<vmem>>, vector<16xf32>,
        %add3A_548 = arith.constant 48 : i32
        %add3A_549 = vector.broadcast %add3A_548 : i32 to vector<16xi32>
        %add3A_550 = arith.addi %iota3A, %add3A_549 : vector<16xi32>
        %gather3A_551 = tpu.vector_load_idx %arg10[%add3A_550, %broadcast_in_dim3A_523] : memref<64x512xf32, #tpu.memory_space<vmem>>[vector<16xi32>, vector<16xi32>], vector<16xf32>,
        %swap3A_552 = arith.constant 5 : i32
        %swap3A_553 = arith.index_cast %swap3A_552 : i32 to index
        %swap3A_554 = arith.constant 48 : index
        %swap3A_555 = tpu.vector_load %arg11[%swap3A_553, %swap3A_554] {strides = array<i32>} : memref<16x128xf32, #tpu.memory_space<vmem>>, vector<16xf32>,
        tpu.vector_store %arg11[%swap3A_553, %swap3A_554], %gather3A_551 {strides = array<i32>} : memref<16x128xf32, #tpu.memory_space<vmem>>, vector<16xf32>,
        %slice3A_556 = vector.extract_strided_slice %min3A_342 {offsets = [6], sizes = [1], strides = [1]} : vector<16xi32> to vector<1xi32>
        %squeeze3A_557 = vector.extract %slice3A_556[0] : i32 from vector<1xi32>
        %broadcast_in_dim3A_558 = vector.broadcast %squeeze3A_557 : i32 to vector<16xi32>
        %add3A_559 = arith.constant 0 : i32
        %add3A_560 = vector.broadcast %add3A_559 : i32 to vector<16xi32>
        %add3A_561 = arith.addi %iota3A, %add3A_560 : vector<16xi32>
        %gather3A_562 = tpu.vector_load_idx %arg10[%add3A_561, %broadcast_in_dim3A_558] : memref<64x512xf32, #tpu.memory_space<vmem>>[vector<16xi32>, vector<16xi32>], vector<16xf32>,
        %swap3A_563 = arith.constant 6 : i32
        %swap3A_564 = arith.index_cast %swap3A_563 : i32 to index
        %swap3A_565 = arith.constant 0 : index
        %swap3A_566 = tpu.vector_load %arg11[%swap3A_564, %swap3A_565] {strides = array<i32>} : memref<16x128xf32, #tpu.memory_space<vmem>>, vector<16xf32>,
        tpu.vector_store %arg11[%swap3A_564, %swap3A_565], %gather3A_562 {strides = array<i32>} : memref<16x128xf32, #tpu.memory_space<vmem>>, vector<16xf32>,
        %add3A_567 = arith.constant 16 : i32
        %add3A_568 = vector.broadcast %add3A_567 : i32 to vector<16xi32>
        %add3A_569 = arith.addi %iota3A, %add3A_568 : vector<16xi32>
        %gather3A_570 = tpu.vector_load_idx %arg10[%add3A_569, %broadcast_in_dim3A_558] : memref<64x512xf32, #tpu.memory_space<vmem>>[vector<16xi32>, vector<16xi32>], vector<16xf32>,
        %swap3A_571 = arith.constant 6 : i32
        %swap3A_572 = arith.index_cast %swap3A_571 : i32 to index
        %swap3A_573 = arith.constant 16 : index
        %swap3A_574 = tpu.vector_load %arg11[%swap3A_572, %swap3A_573] {strides = array<i32>} : memref<16x128xf32, #tpu.memory_space<vmem>>, vector<16xf32>,
        tpu.vector_store %arg11[%swap3A_572, %swap3A_573], %gather3A_570 {strides = array<i32>} : memref<16x128xf32, #tpu.memory_space<vmem>>, vector<16xf32>,
        %add3A_575 = arith.constant 32 : i32
        %add3A_576 = vector.broadcast %add3A_575 : i32 to vector<16xi32>
        %add3A_577 = arith.addi %iota3A, %add3A_576 : vector<16xi32>
        %gather3A_578 = tpu.vector_load_idx %arg10[%add3A_577, %broadcast_in_dim3A_558] : memref<64x512xf32, #tpu.memory_space<vmem>>[vector<16xi32>, vector<16xi32>], vector<16xf32>,
        %swap3A_579 = arith.constant 6 : i32
        %swap3A_580 = arith.index_cast %swap3A_579 : i32 to index
        %swap3A_581 = arith.constant 32 : index
        %swap3A_582 = tpu.vector_load %arg11[%swap3A_580, %swap3A_581] {strides = array<i32>} : memref<16x128xf32, #tpu.memory_space<vmem>>, vector<16xf32>,
        tpu.vector_store %arg11[%swap3A_580, %swap3A_581], %gather3A_578 {strides = array<i32>} : memref<16x128xf32, #tpu.memory_space<vmem>>, vector<16xf32>,
        %add3A_583 = arith.constant 48 : i32
        %add3A_584 = vector.broadcast %add3A_583 : i32 to vector<16xi32>
        %add3A_585 = arith.addi %iota3A, %add3A_584 : vector<16xi32>
        %gather3A_586 = tpu.vector_load_idx %arg10[%add3A_585, %broadcast_in_dim3A_558] : memref<64x512xf32, #tpu.memory_space<vmem>>[vector<16xi32>, vector<16xi32>], vector<16xf32>,
        %swap3A_587 = arith.constant 6 : i32
        %swap3A_588 = arith.index_cast %swap3A_587 : i32 to index
        %swap3A_589 = arith.constant 48 : index
        %swap3A_590 = tpu.vector_load %arg11[%swap3A_588, %swap3A_589] {strides = array<i32>} : memref<16x128xf32, #tpu.memory_space<vmem>>, vector<16xf32>,
        tpu.vector_store %arg11[%swap3A_588, %swap3A_589], %gather3A_586 {strides = array<i32>} : memref<16x128xf32, #tpu.memory_space<vmem>>, vector<16xf32>,
        %slice3A_591 = vector.extract_strided_slice %min3A_342 {offsets = [7], sizes = [1], strides = [1]} : vector<16xi32> to vector<1xi32>
        %squeeze3A_592 = vector.extract %slice3A_591[0] : i32 from vector<1xi32>
        %broadcast_in_dim3A_593 = vector.broadcast %squeeze3A_592 : i32 to vector<16xi32>
        %add3A_594 = arith.constant 0 : i32
        %add3A_595 = vector.broadcast %add3A_594 : i32 to vector<16xi32>
        %add3A_596 = arith.addi %iota3A, %add3A_595 : vector<16xi32>
        %gather3A_597 = tpu.vector_load_idx %arg10[%add3A_596, %broadcast_in_dim3A_593] : memref<64x512xf32, #tpu.memory_space<vmem>>[vector<16xi32>, vector<16xi32>], vector<16xf32>,
        %swap3A_598 = arith.constant 7 : i32
        %swap3A_599 = arith.index_cast %swap3A_598 : i32 to index
        %swap3A_600 = arith.constant 0 : index
        %swap3A_601 = tpu.vector_load %arg11[%swap3A_599, %swap3A_600] {strides = array<i32>} : memref<16x128xf32, #tpu.memory_space<vmem>>, vector<16xf32>,
        tpu.vector_store %arg11[%swap3A_599, %swap3A_600], %gather3A_597 {strides = array<i32>} : memref<16x128xf32, #tpu.memory_space<vmem>>, vector<16xf32>,
        %add3A_602 = arith.constant 16 : i32
        %add3A_603 = vector.broadcast %add3A_602 : i32 to vector<16xi32>
        %add3A_604 = arith.addi %iota3A, %add3A_603 : vector<16xi32>
        %gather3A_605 = tpu.vector_load_idx %arg10[%add3A_604, %broadcast_in_dim3A_593] : memref<64x512xf32, #tpu.memory_space<vmem>>[vector<16xi32>, vector<16xi32>], vector<16xf32>,
        %swap3A_606 = arith.constant 7 : i32
        %swap3A_607 = arith.index_cast %swap3A_606 : i32 to index
        %swap3A_608 = arith.constant 16 : index
        %swap3A_609 = tpu.vector_load %arg11[%swap3A_607, %swap3A_608] {strides = array<i32>} : memref<16x128xf32, #tpu.memory_space<vmem>>, vector<16xf32>,
        tpu.vector_store %arg11[%swap3A_607, %swap3A_608], %gather3A_605 {strides = array<i32>} : memref<16x128xf32, #tpu.memory_space<vmem>>, vector<16xf32>,
        %add3A_610 = arith.constant 32 : i32
        %add3A_611 = vector.broadcast %add3A_610 : i32 to vector<16xi32>
        %add3A_612 = arith.addi %iota3A, %add3A_611 : vector<16xi32>
        %gather3A_613 = tpu.vector_load_idx %arg10[%add3A_612, %broadcast_in_dim3A_593] : memref<64x512xf32, #tpu.memory_space<vmem>>[vector<16xi32>, vector<16xi32>], vector<16xf32>,
        %swap3A_614 = arith.constant 7 : i32
        %swap3A_615 = arith.index_cast %swap3A_614 : i32 to index
        %swap3A_616 = arith.constant 32 : index
        %swap3A_617 = tpu.vector_load %arg11[%swap3A_615, %swap3A_616] {strides = array<i32>} : memref<16x128xf32, #tpu.memory_space<vmem>>, vector<16xf32>,
        tpu.vector_store %arg11[%swap3A_615, %swap3A_616], %gather3A_613 {strides = array<i32>} : memref<16x128xf32, #tpu.memory_space<vmem>>, vector<16xf32>,
        %add3A_618 = arith.constant 48 : i32
        %add3A_619 = vector.broadcast %add3A_618 : i32 to vector<16xi32>
        %add3A_620 = arith.addi %iota3A, %add3A_619 : vector<16xi32>
        %gather3A_621 = tpu.vector_load_idx %arg10[%add3A_620, %broadcast_in_dim3A_593] : memref<64x512xf32, #tpu.memory_space<vmem>>[vector<16xi32>, vector<16xi32>], vector<16xf32>,
        %swap3A_622 = arith.constant 7 : i32
        %swap3A_623 = arith.index_cast %swap3A_622 : i32 to index
        %swap3A_624 = arith.constant 48 : index
        %swap3A_625 = tpu.vector_load %arg11[%swap3A_623, %swap3A_624] {strides = array<i32>} : memref<16x128xf32, #tpu.memory_space<vmem>>, vector<16xf32>,
        tpu.vector_store %arg11[%swap3A_623, %swap3A_624], %gather3A_621 {strides = array<i32>} : memref<16x128xf32, #tpu.memory_space<vmem>>, vector<16xf32>,
        %slice3A_626 = vector.extract_strided_slice %min3A_342 {offsets = [8], sizes = [1], strides = [1]} : vector<16xi32> to vector<1xi32>
        %squeeze3A_627 = vector.extract %slice3A_626[0] : i32 from vector<1xi32>
        %broadcast_in_dim3A_628 = vector.broadcast %squeeze3A_627 : i32 to vector<16xi32>
        %add3A_629 = arith.constant 0 : i32
        %add3A_630 = vector.broadcast %add3A_629 : i32 to vector<16xi32>
        %add3A_631 = arith.addi %iota3A, %add3A_630 : vector<16xi32>
        %gather3A_632 = tpu.vector_load_idx %arg10[%add3A_631, %broadcast_in_dim3A_628] : memref<64x512xf32, #tpu.memory_space<vmem>>[vector<16xi32>, vector<16xi32>], vector<16xf32>,
        %swap3A_633 = arith.constant 8 : i32
        %swap3A_634 = arith.index_cast %swap3A_633 : i32 to index
        %swap3A_635 = arith.constant 0 : index
        %swap3A_636 = tpu.vector_load %arg11[%swap3A_634, %swap3A_635] {strides = array<i32>} : memref<16x128xf32, #tpu.memory_space<vmem>>, vector<16xf32>,
        tpu.vector_store %arg11[%swap3A_634, %swap3A_635], %gather3A_632 {strides = array<i32>} : memref<16x128xf32, #tpu.memory_space<vmem>>, vector<16xf32>,
        %add3A_637 = arith.constant 16 : i32
        %add3A_638 = vector.broadcast %add3A_637 : i32 to vector<16xi32>
        %add3A_639 = arith.addi %iota3A, %add3A_638 : vector<16xi32>
        %gather3A_640 = tpu.vector_load_idx %arg10[%add3A_639, %broadcast_in_dim3A_628] : memref<64x512xf32, #tpu.memory_space<vmem>>[vector<16xi32>, vector<16xi32>], vector<16xf32>,
        %swap3A_641 = arith.constant 8 : i32
        %swap3A_642 = arith.index_cast %swap3A_641 : i32 to index
        %swap3A_643 = arith.constant 16 : index
        %swap3A_644 = tpu.vector_load %arg11[%swap3A_642, %swap3A_643] {strides = array<i32>} : memref<16x128xf32, #tpu.memory_space<vmem>>, vector<16xf32>,
        tpu.vector_store %arg11[%swap3A_642, %swap3A_643], %gather3A_640 {strides = array<i32>} : memref<16x128xf32, #tpu.memory_space<vmem>>, vector<16xf32>,
        %add3A_645 = arith.constant 32 : i32
        %add3A_646 = vector.broadcast %add3A_645 : i32 to vector<16xi32>
        %add3A_647 = arith.addi %iota3A, %add3A_646 : vector<16xi32>
        %gather3A_648 = tpu.vector_load_idx %arg10[%add3A_647, %broadcast_in_dim3A_628] : memref<64x512xf32, #tpu.memory_space<vmem>>[vector<16xi32>, vector<16xi32>], vector<16xf32>,
        %swap3A_649 = arith.constant 8 : i32
        %swap3A_650 = arith.index_cast %swap3A_649 : i32 to index
        %swap3A_651 = arith.constant 32 : index
        %swap3A_652 = tpu.vector_load %arg11[%swap3A_650, %swap3A_651] {strides = array<i32>} : memref<16x128xf32, #tpu.memory_space<vmem>>, vector<16xf32>,
        tpu.vector_store %arg11[%swap3A_650, %swap3A_651], %gather3A_648 {strides = array<i32>} : memref<16x128xf32, #tpu.memory_space<vmem>>, vector<16xf32>,
        %add3A_653 = arith.constant 48 : i32
        %add3A_654 = vector.broadcast %add3A_653 : i32 to vector<16xi32>
        %add3A_655 = arith.addi %iota3A, %add3A_654 : vector<16xi32>
        %gather3A_656 = tpu.vector_load_idx %arg10[%add3A_655, %broadcast_in_dim3A_628] : memref<64x512xf32, #tpu.memory_space<vmem>>[vector<16xi32>, vector<16xi32>], vector<16xf32>,
        %swap3A_657 = arith.constant 8 : i32
        %swap3A_658 = arith.index_cast %swap3A_657 : i32 to index
        %swap3A_659 = arith.constant 48 : index
        %swap3A_660 = tpu.vector_load %arg11[%swap3A_658, %swap3A_659] {strides = array<i32>} : memref<16x128xf32, #tpu.memory_space<vmem>>, vector<16xf32>,
        tpu.vector_store %arg11[%swap3A_658, %swap3A_659], %gather3A_656 {strides = array<i32>} : memref<16x128xf32, #tpu.memory_space<vmem>>, vector<16xf32>,
        %slice3A_661 = vector.extract_strided_slice %min3A_342 {offsets = [9], sizes = [1], strides = [1]} : vector<16xi32> to vector<1xi32>
        %squeeze3A_662 = vector.extract %slice3A_661[0] : i32 from vector<1xi32>
        %broadcast_in_dim3A_663 = vector.broadcast %squeeze3A_662 : i32 to vector<16xi32>
        %add3A_664 = arith.constant 0 : i32
        %add3A_665 = vector.broadcast %add3A_664 : i32 to vector<16xi32>
        %add3A_666 = arith.addi %iota3A, %add3A_665 : vector<16xi32>
        %gather3A_667 = tpu.vector_load_idx %arg10[%add3A_666, %broadcast_in_dim3A_663] : memref<64x512xf32, #tpu.memory_space<vmem>>[vector<16xi32>, vector<16xi32>], vector<16xf32>,
        %swap3A_668 = arith.constant 9 : i32
        %swap3A_669 = arith.index_cast %swap3A_668 : i32 to index
        %swap3A_670 = arith.constant 0 : index
        %swap3A_671 = tpu.vector_load %arg11[%swap3A_669, %swap3A_670] {strides = array<i32>} : memref<16x128xf32, #tpu.memory_space<vmem>>, vector<16xf32>,
        tpu.vector_store %arg11[%swap3A_669, %swap3A_670], %gather3A_667 {strides = array<i32>} : memref<16x128xf32, #tpu.memory_space<vmem>>, vector<16xf32>,
        %add3A_672 = arith.constant 16 : i32
        %add3A_673 = vector.broadcast %add3A_672 : i32 to vector<16xi32>
        %add3A_674 = arith.addi %iota3A, %add3A_673 : vector<16xi32>
        %gather3A_675 = tpu.vector_load_idx %arg10[%add3A_674, %broadcast_in_dim3A_663] : memref<64x512xf32, #tpu.memory_space<vmem>>[vector<16xi32>, vector<16xi32>], vector<16xf32>,
        %swap3A_676 = arith.constant 9 : i32
        %swap3A_677 = arith.index_cast %swap3A_676 : i32 to index
        %swap3A_678 = arith.constant 16 : index
        %swap3A_679 = tpu.vector_load %arg11[%swap3A_677, %swap3A_678] {strides = array<i32>} : memref<16x128xf32, #tpu.memory_space<vmem>>, vector<16xf32>,
        tpu.vector_store %arg11[%swap3A_677, %swap3A_678], %gather3A_675 {strides = array<i32>} : memref<16x128xf32, #tpu.memory_space<vmem>>, vector<16xf32>,
        %add3A_680 = arith.constant 32 : i32
        %add3A_681 = vector.broadcast %add3A_680 : i32 to vector<16xi32>
        %add3A_682 = arith.addi %iota3A, %add3A_681 : vector<16xi32>
        %gather3A_683 = tpu.vector_load_idx %arg10[%add3A_682, %broadcast_in_dim3A_663] : memref<64x512xf32, #tpu.memory_space<vmem>>[vector<16xi32>, vector<16xi32>], vector<16xf32>,
        %swap3A_684 = arith.constant 9 : i32
        %swap3A_685 = arith.index_cast %swap3A_684 : i32 to index
        %swap3A_686 = arith.constant 32 : index
        %swap3A_687 = tpu.vector_load %arg11[%swap3A_685, %swap3A_686] {strides = array<i32>} : memref<16x128xf32, #tpu.memory_space<vmem>>, vector<16xf32>,
        tpu.vector_store %arg11[%swap3A_685, %swap3A_686], %gather3A_683 {strides = array<i32>} : memref<16x128xf32, #tpu.memory_space<vmem>>, vector<16xf32>,
        %add3A_688 = arith.constant 48 : i32
        %add3A_689 = vector.broadcast %add3A_688 : i32 to vector<16xi32>
        %add3A_690 = arith.addi %iota3A, %add3A_689 : vector<16xi32>
        %gather3A_691 = tpu.vector_load_idx %arg10[%add3A_690, %broadcast_in_dim3A_663] : memref<64x512xf32, #tpu.memory_space<vmem>>[vector<16xi32>, vector<16xi32>], vector<16xf32>,
        %swap3A_692 = arith.constant 9 : i32
        %swap3A_693 = arith.index_cast %swap3A_692 : i32 to index
        %swap3A_694 = arith.constant 48 : index
        %swap3A_695 = tpu.vector_load %arg11[%swap3A_693, %swap3A_694] {strides = array<i32>} : memref<16x128xf32, #tpu.memory_space<vmem>>, vector<16xf32>,
        tpu.vector_store %arg11[%swap3A_693, %swap3A_694], %gather3A_691 {strides = array<i32>} : memref<16x128xf32, #tpu.memory_space<vmem>>, vector<16xf32>,
        %slice3A_696 = vector.extract_strided_slice %min3A_342 {offsets = [10], sizes = [1], strides = [1]} : vector<16xi32> to vector<1xi32>
        %squeeze3A_697 = vector.extract %slice3A_696[0] : i32 from vector<1xi32>
        %broadcast_in_dim3A_698 = vector.broadcast %squeeze3A_697 : i32 to vector<16xi32>
        %add3A_699 = arith.constant 0 : i32
        %add3A_700 = vector.broadcast %add3A_699 : i32 to vector<16xi32>
        %add3A_701 = arith.addi %iota3A, %add3A_700 : vector<16xi32>
        %gather3A_702 = tpu.vector_load_idx %arg10[%add3A_701, %broadcast_in_dim3A_698] : memref<64x512xf32, #tpu.memory_space<vmem>>[vector<16xi32>, vector<16xi32>], vector<16xf32>,
        %swap3A_703 = arith.constant 10 : i32
        %swap3A_704 = arith.index_cast %swap3A_703 : i32 to index
        %swap3A_705 = arith.constant 0 : index
        %swap3A_706 = tpu.vector_load %arg11[%swap3A_704, %swap3A_705] {strides = array<i32>} : memref<16x128xf32, #tpu.memory_space<vmem>>, vector<16xf32>,
        tpu.vector_store %arg11[%swap3A_704, %swap3A_705], %gather3A_702 {strides = array<i32>} : memref<16x128xf32, #tpu.memory_space<vmem>>, vector<16xf32>,
        %add3A_707 = arith.constant 16 : i32
        %add3A_708 = vector.broadcast %add3A_707 : i32 to vector<16xi32>
        %add3A_709 = arith.addi %iota3A, %add3A_708 : vector<16xi32>
        %gather3A_710 = tpu.vector_load_idx %arg10[%add3A_709, %broadcast_in_dim3A_698] : memref<64x512xf32, #tpu.memory_space<vmem>>[vector<16xi32>, vector<16xi32>], vector<16xf32>,
        %swap3A_711 = arith.constant 10 : i32
        %swap3A_712 = arith.index_cast %swap3A_711 : i32 to index
        %swap3A_713 = arith.constant 16 : index
        %swap3A_714 = tpu.vector_load %arg11[%swap3A_712, %swap3A_713] {strides = array<i32>} : memref<16x128xf32, #tpu.memory_space<vmem>>, vector<16xf32>,
        tpu.vector_store %arg11[%swap3A_712, %swap3A_713], %gather3A_710 {strides = array<i32>} : memref<16x128xf32, #tpu.memory_space<vmem>>, vector<16xf32>,
        %add3A_715 = arith.constant 32 : i32
        %add3A_716 = vector.broadcast %add3A_715 : i32 to vector<16xi32>
        %add3A_717 = arith.addi %iota3A, %add3A_716 : vector<16xi32>
        %gather3A_718 = tpu.vector_load_idx %arg10[%add3A_717, %broadcast_in_dim3A_698] : memref<64x512xf32, #tpu.memory_space<vmem>>[vector<16xi32>, vector<16xi32>], vector<16xf32>,
        %swap3A_719 = arith.constant 10 : i32
        %swap3A_720 = arith.index_cast %swap3A_719 : i32 to index
        %swap3A_721 = arith.constant 32 : index
        %swap3A_722 = tpu.vector_load %arg11[%swap3A_720, %swap3A_721] {strides = array<i32>} : memref<16x128xf32, #tpu.memory_space<vmem>>, vector<16xf32>,
        tpu.vector_store %arg11[%swap3A_720, %swap3A_721], %gather3A_718 {strides = array<i32>} : memref<16x128xf32, #tpu.memory_space<vmem>>, vector<16xf32>,
        %add3A_723 = arith.constant 48 : i32
        %add3A_724 = vector.broadcast %add3A_723 : i32 to vector<16xi32>
        %add3A_725 = arith.addi %iota3A, %add3A_724 : vector<16xi32>
        %gather3A_726 = tpu.vector_load_idx %arg10[%add3A_725, %broadcast_in_dim3A_698] : memref<64x512xf32, #tpu.memory_space<vmem>>[vector<16xi32>, vector<16xi32>], vector<16xf32>,
        %swap3A_727 = arith.constant 10 : i32
        %swap3A_728 = arith.index_cast %swap3A_727 : i32 to index
        %swap3A_729 = arith.constant 48 : index
        %swap3A_730 = tpu.vector_load %arg11[%swap3A_728, %swap3A_729] {strides = array<i32>} : memref<16x128xf32, #tpu.memory_space<vmem>>, vector<16xf32>,
        tpu.vector_store %arg11[%swap3A_728, %swap3A_729], %gather3A_726 {strides = array<i32>} : memref<16x128xf32, #tpu.memory_space<vmem>>, vector<16xf32>,
        %slice3A_731 = vector.extract_strided_slice %min3A_342 {offsets = [11], sizes = [1], strides = [1]} : vector<16xi32> to vector<1xi32>
        %squeeze3A_732 = vector.extract %slice3A_731[0] : i32 from vector<1xi32>
        %broadcast_in_dim3A_733 = vector.broadcast %squeeze3A_732 : i32 to vector<16xi32>
        %add3A_734 = arith.constant 0 : i32
        %add3A_735 = vector.broadcast %add3A_734 : i32 to vector<16xi32>
        %add3A_736 = arith.addi %iota3A, %add3A_735 : vector<16xi32>
        %gather3A_737 = tpu.vector_load_idx %arg10[%add3A_736, %broadcast_in_dim3A_733] : memref<64x512xf32, #tpu.memory_space<vmem>>[vector<16xi32>, vector<16xi32>], vector<16xf32>,
        %swap3A_738 = arith.constant 11 : i32
        %swap3A_739 = arith.index_cast %swap3A_738 : i32 to index
        %swap3A_740 = arith.constant 0 : index
        %swap3A_741 = tpu.vector_load %arg11[%swap3A_739, %swap3A_740] {strides = array<i32>} : memref<16x128xf32, #tpu.memory_space<vmem>>, vector<16xf32>,
        tpu.vector_store %arg11[%swap3A_739, %swap3A_740], %gather3A_737 {strides = array<i32>} : memref<16x128xf32, #tpu.memory_space<vmem>>, vector<16xf32>,
        %add3A_742 = arith.constant 16 : i32
        %add3A_743 = vector.broadcast %add3A_742 : i32 to vector<16xi32>
        %add3A_744 = arith.addi %iota3A, %add3A_743 : vector<16xi32>
        %gather3A_745 = tpu.vector_load_idx %arg10[%add3A_744, %broadcast_in_dim3A_733] : memref<64x512xf32, #tpu.memory_space<vmem>>[vector<16xi32>, vector<16xi32>], vector<16xf32>,
        %swap3A_746 = arith.constant 11 : i32
        %swap3A_747 = arith.index_cast %swap3A_746 : i32 to index
        %swap3A_748 = arith.constant 16 : index
        %swap3A_749 = tpu.vector_load %arg11[%swap3A_747, %swap3A_748] {strides = array<i32>} : memref<16x128xf32, #tpu.memory_space<vmem>>, vector<16xf32>,
        tpu.vector_store %arg11[%swap3A_747, %swap3A_748], %gather3A_745 {strides = array<i32>} : memref<16x128xf32, #tpu.memory_space<vmem>>, vector<16xf32>,
        %add3A_750 = arith.constant 32 : i32
        %add3A_751 = vector.broadcast %add3A_750 : i32 to vector<16xi32>
        %add3A_752 = arith.addi %iota3A, %add3A_751 : vector<16xi32>
        %gather3A_753 = tpu.vector_load_idx %arg10[%add3A_752, %broadcast_in_dim3A_733] : memref<64x512xf32, #tpu.memory_space<vmem>>[vector<16xi32>, vector<16xi32>], vector<16xf32>,
        %swap3A_754 = arith.constant 11 : i32
        %swap3A_755 = arith.index_cast %swap3A_754 : i32 to index
        %swap3A_756 = arith.constant 32 : index
        %swap3A_757 = tpu.vector_load %arg11[%swap3A_755, %swap3A_756] {strides = array<i32>} : memref<16x128xf32, #tpu.memory_space<vmem>>, vector<16xf32>,
        tpu.vector_store %arg11[%swap3A_755, %swap3A_756], %gather3A_753 {strides = array<i32>} : memref<16x128xf32, #tpu.memory_space<vmem>>, vector<16xf32>,
        %add3A_758 = arith.constant 48 : i32
        %add3A_759 = vector.broadcast %add3A_758 : i32 to vector<16xi32>
        %add3A_760 = arith.addi %iota3A, %add3A_759 : vector<16xi32>
        %gather3A_761 = tpu.vector_load_idx %arg10[%add3A_760, %broadcast_in_dim3A_733] : memref<64x512xf32, #tpu.memory_space<vmem>>[vector<16xi32>, vector<16xi32>], vector<16xf32>,
        %swap3A_762 = arith.constant 11 : i32
        %swap3A_763 = arith.index_cast %swap3A_762 : i32 to index
        %swap3A_764 = arith.constant 48 : index
        %swap3A_765 = tpu.vector_load %arg11[%swap3A_763, %swap3A_764] {strides = array<i32>} : memref<16x128xf32, #tpu.memory_space<vmem>>, vector<16xf32>,
        tpu.vector_store %arg11[%swap3A_763, %swap3A_764], %gather3A_761 {strides = array<i32>} : memref<16x128xf32, #tpu.memory_space<vmem>>, vector<16xf32>,
        %slice3A_766 = vector.extract_strided_slice %min3A_342 {offsets = [12], sizes = [1], strides = [1]} : vector<16xi32> to vector<1xi32>
        %squeeze3A_767 = vector.extract %slice3A_766[0] : i32 from vector<1xi32>
        %broadcast_in_dim3A_768 = vector.broadcast %squeeze3A_767 : i32 to vector<16xi32>
        %add3A_769 = arith.constant 0 : i32
        %add3A_770 = vector.broadcast %add3A_769 : i32 to vector<16xi32>
        %add3A_771 = arith.addi %iota3A, %add3A_770 : vector<16xi32>
        %gather3A_772 = tpu.vector_load_idx %arg10[%add3A_771, %broadcast_in_dim3A_768] : memref<64x512xf32, #tpu.memory_space<vmem>>[vector<16xi32>, vector<16xi32>], vector<16xf32>,
        %swap3A_773 = arith.constant 12 : i32
        %swap3A_774 = arith.index_cast %swap3A_773 : i32 to index
        %swap3A_775 = arith.constant 0 : index
        %swap3A_776 = tpu.vector_load %arg11[%swap3A_774, %swap3A_775] {strides = array<i32>} : memref<16x128xf32, #tpu.memory_space<vmem>>, vector<16xf32>,
        tpu.vector_store %arg11[%swap3A_774, %swap3A_775], %gather3A_772 {strides = array<i32>} : memref<16x128xf32, #tpu.memory_space<vmem>>, vector<16xf32>,
        %add3A_777 = arith.constant 16 : i32
        %add3A_778 = vector.broadcast %add3A_777 : i32 to vector<16xi32>
        %add3A_779 = arith.addi %iota3A, %add3A_778 : vector<16xi32>
        %gather3A_780 = tpu.vector_load_idx %arg10[%add3A_779, %broadcast_in_dim3A_768] : memref<64x512xf32, #tpu.memory_space<vmem>>[vector<16xi32>, vector<16xi32>], vector<16xf32>,
        %swap3A_781 = arith.constant 12 : i32
        %swap3A_782 = arith.index_cast %swap3A_781 : i32 to index
        %swap3A_783 = arith.constant 16 : index
        %swap3A_784 = tpu.vector_load %arg11[%swap3A_782, %swap3A_783] {strides = array<i32>} : memref<16x128xf32, #tpu.memory_space<vmem>>, vector<16xf32>,
        tpu.vector_store %arg11[%swap3A_782, %swap3A_783], %gather3A_780 {strides = array<i32>} : memref<16x128xf32, #tpu.memory_space<vmem>>, vector<16xf32>,
        %add3A_785 = arith.constant 32 : i32
        %add3A_786 = vector.broadcast %add3A_785 : i32 to vector<16xi32>
        %add3A_787 = arith.addi %iota3A, %add3A_786 : vector<16xi32>
        %gather3A_788 = tpu.vector_load_idx %arg10[%add3A_787, %broadcast_in_dim3A_768] : memref<64x512xf32, #tpu.memory_space<vmem>>[vector<16xi32>, vector<16xi32>], vector<16xf32>,
        %swap3A_789 = arith.constant 12 : i32
        %swap3A_790 = arith.index_cast %swap3A_789 : i32 to index
        %swap3A_791 = arith.constant 32 : index
        %swap3A_792 = tpu.vector_load %arg11[%swap3A_790, %swap3A_791] {strides = array<i32>} : memref<16x128xf32, #tpu.memory_space<vmem>>, vector<16xf32>,
        tpu.vector_store %arg11[%swap3A_790, %swap3A_791], %gather3A_788 {strides = array<i32>} : memref<16x128xf32, #tpu.memory_space<vmem>>, vector<16xf32>,
        %add3A_793 = arith.constant 48 : i32
        %add3A_794 = vector.broadcast %add3A_793 : i32 to vector<16xi32>
        %add3A_795 = arith.addi %iota3A, %add3A_794 : vector<16xi32>
        %gather3A_796 = tpu.vector_load_idx %arg10[%add3A_795, %broadcast_in_dim3A_768] : memref<64x512xf32, #tpu.memory_space<vmem>>[vector<16xi32>, vector<16xi32>], vector<16xf32>,
        %swap3A_797 = arith.constant 12 : i32
        %swap3A_798 = arith.index_cast %swap3A_797 : i32 to index
        %swap3A_799 = arith.constant 48 : index
        %swap3A_800 = tpu.vector_load %arg11[%swap3A_798, %swap3A_799] {strides = array<i32>} : memref<16x128xf32, #tpu.memory_space<vmem>>, vector<16xf32>,
        tpu.vector_store %arg11[%swap3A_798, %swap3A_799], %gather3A_796 {strides = array<i32>} : memref<16x128xf32, #tpu.memory_space<vmem>>, vector<16xf32>,
        %slice3A_801 = vector.extract_strided_slice %min3A_342 {offsets = [13], sizes = [1], strides = [1]} : vector<16xi32> to vector<1xi32>
        %squeeze3A_802 = vector.extract %slice3A_801[0] : i32 from vector<1xi32>
        %broadcast_in_dim3A_803 = vector.broadcast %squeeze3A_802 : i32 to vector<16xi32>
        %add3A_804 = arith.constant 0 : i32
        %add3A_805 = vector.broadcast %add3A_804 : i32 to vector<16xi32>
        %add3A_806 = arith.addi %iota3A, %add3A_805 : vector<16xi32>
        %gather3A_807 = tpu.vector_load_idx %arg10[%add3A_806, %broadcast_in_dim3A_803] : memref<64x512xf32, #tpu.memory_space<vmem>>[vector<16xi32>, vector<16xi32>], vector<16xf32>,
        %swap3A_808 = arith.constant 13 : i32
        %swap3A_809 = arith.index_cast %swap3A_808 : i32 to index
        %swap3A_810 = arith.constant 0 : index
        %swap3A_811 = tpu.vector_load %arg11[%swap3A_809, %swap3A_810] {strides = array<i32>} : memref<16x128xf32, #tpu.memory_space<vmem>>, vector<16xf32>,
        tpu.vector_store %arg11[%swap3A_809, %swap3A_810], %gather3A_807 {strides = array<i32>} : memref<16x128xf32, #tpu.memory_space<vmem>>, vector<16xf32>,
        %add3A_812 = arith.constant 16 : i32
        %add3A_813 = vector.broadcast %add3A_812 : i32 to vector<16xi32>
        %add3A_814 = arith.addi %iota3A, %add3A_813 : vector<16xi32>
        %gather3A_815 = tpu.vector_load_idx %arg10[%add3A_814, %broadcast_in_dim3A_803] : memref<64x512xf32, #tpu.memory_space<vmem>>[vector<16xi32>, vector<16xi32>], vector<16xf32>,
        %swap3A_816 = arith.constant 13 : i32
        %swap3A_817 = arith.index_cast %swap3A_816 : i32 to index
        %swap3A_818 = arith.constant 16 : index
        %swap3A_819 = tpu.vector_load %arg11[%swap3A_817, %swap3A_818] {strides = array<i32>} : memref<16x128xf32, #tpu.memory_space<vmem>>, vector<16xf32>,
        tpu.vector_store %arg11[%swap3A_817, %swap3A_818], %gather3A_815 {strides = array<i32>} : memref<16x128xf32, #tpu.memory_space<vmem>>, vector<16xf32>,
        %add3A_820 = arith.constant 32 : i32
        %add3A_821 = vector.broadcast %add3A_820 : i32 to vector<16xi32>
        %add3A_822 = arith.addi %iota3A, %add3A_821 : vector<16xi32>
        %gather3A_823 = tpu.vector_load_idx %arg10[%add3A_822, %broadcast_in_dim3A_803] : memref<64x512xf32, #tpu.memory_space<vmem>>[vector<16xi32>, vector<16xi32>], vector<16xf32>,
        %swap3A_824 = arith.constant 13 : i32
        %swap3A_825 = arith.index_cast %swap3A_824 : i32 to index
        %swap3A_826 = arith.constant 32 : index
        %swap3A_827 = tpu.vector_load %arg11[%swap3A_825, %swap3A_826] {strides = array<i32>} : memref<16x128xf32, #tpu.memory_space<vmem>>, vector<16xf32>,
        tpu.vector_store %arg11[%swap3A_825, %swap3A_826], %gather3A_823 {strides = array<i32>} : memref<16x128xf32, #tpu.memory_space<vmem>>, vector<16xf32>,
        %add3A_828 = arith.constant 48 : i32
        %add3A_829 = vector.broadcast %add3A_828 : i32 to vector<16xi32>
        %add3A_830 = arith.addi %iota3A, %add3A_829 : vector<16xi32>
        %gather3A_831 = tpu.vector_load_idx %arg10[%add3A_830, %broadcast_in_dim3A_803] : memref<64x512xf32, #tpu.memory_space<vmem>>[vector<16xi32>, vector<16xi32>], vector<16xf32>,
        %swap3A_832 = arith.constant 13 : i32
        %swap3A_833 = arith.index_cast %swap3A_832 : i32 to index
        %swap3A_834 = arith.constant 48 : index
        %swap3A_835 = tpu.vector_load %arg11[%swap3A_833, %swap3A_834] {strides = array<i32>} : memref<16x128xf32, #tpu.memory_space<vmem>>, vector<16xf32>,
        tpu.vector_store %arg11[%swap3A_833, %swap3A_834], %gather3A_831 {strides = array<i32>} : memref<16x128xf32, #tpu.memory_space<vmem>>, vector<16xf32>,
        %slice3A_836 = vector.extract_strided_slice %min3A_342 {offsets = [14], sizes = [1], strides = [1]} : vector<16xi32> to vector<1xi32>
        %squeeze3A_837 = vector.extract %slice3A_836[0] : i32 from vector<1xi32>
        %broadcast_in_dim3A_838 = vector.broadcast %squeeze3A_837 : i32 to vector<16xi32>
        %add3A_839 = arith.constant 0 : i32
        %add3A_840 = vector.broadcast %add3A_839 : i32 to vector<16xi32>
        %add3A_841 = arith.addi %iota3A, %add3A_840 : vector<16xi32>
        %gather3A_842 = tpu.vector_load_idx %arg10[%add3A_841, %broadcast_in_dim3A_838] : memref<64x512xf32, #tpu.memory_space<vmem>>[vector<16xi32>, vector<16xi32>], vector<16xf32>,
        %swap3A_843 = arith.constant 14 : i32
        %swap3A_844 = arith.index_cast %swap3A_843 : i32 to index
        %swap3A_845 = arith.constant 0 : index
        %swap3A_846 = tpu.vector_load %arg11[%swap3A_844, %swap3A_845] {strides = array<i32>} : memref<16x128xf32, #tpu.memory_space<vmem>>, vector<16xf32>,
        tpu.vector_store %arg11[%swap3A_844, %swap3A_845], %gather3A_842 {strides = array<i32>} : memref<16x128xf32, #tpu.memory_space<vmem>>, vector<16xf32>,
        %add3A_847 = arith.constant 16 : i32
        %add3A_848 = vector.broadcast %add3A_847 : i32 to vector<16xi32>
        %add3A_849 = arith.addi %iota3A, %add3A_848 : vector<16xi32>
        %gather3A_850 = tpu.vector_load_idx %arg10[%add3A_849, %broadcast_in_dim3A_838] : memref<64x512xf32, #tpu.memory_space<vmem>>[vector<16xi32>, vector<16xi32>], vector<16xf32>,
        %swap3A_851 = arith.constant 14 : i32
        %swap3A_852 = arith.index_cast %swap3A_851 : i32 to index
        %swap3A_853 = arith.constant 16 : index
        %swap3A_854 = tpu.vector_load %arg11[%swap3A_852, %swap3A_853] {strides = array<i32>} : memref<16x128xf32, #tpu.memory_space<vmem>>, vector<16xf32>,
        tpu.vector_store %arg11[%swap3A_852, %swap3A_853], %gather3A_850 {strides = array<i32>} : memref<16x128xf32, #tpu.memory_space<vmem>>, vector<16xf32>,
        %add3A_855 = arith.constant 32 : i32
        %add3A_856 = vector.broadcast %add3A_855 : i32 to vector<16xi32>
        %add3A_857 = arith.addi %iota3A, %add3A_856 : vector<16xi32>
        %gather3A_858 = tpu.vector_load_idx %arg10[%add3A_857, %broadcast_in_dim3A_838] : memref<64x512xf32, #tpu.memory_space<vmem>>[vector<16xi32>, vector<16xi32>], vector<16xf32>,
        %swap3A_859 = arith.constant 14 : i32
        %swap3A_860 = arith.index_cast %swap3A_859 : i32 to index
        %swap3A_861 = arith.constant 32 : index
        %swap3A_862 = tpu.vector_load %arg11[%swap3A_860, %swap3A_861] {strides = array<i32>} : memref<16x128xf32, #tpu.memory_space<vmem>>, vector<16xf32>,
        tpu.vector_store %arg11[%swap3A_860, %swap3A_861], %gather3A_858 {strides = array<i32>} : memref<16x128xf32, #tpu.memory_space<vmem>>, vector<16xf32>,
        %add3A_863 = arith.constant 48 : i32
        %add3A_864 = vector.broadcast %add3A_863 : i32 to vector<16xi32>
        %add3A_865 = arith.addi %iota3A, %add3A_864 : vector<16xi32>
        %gather3A_866 = tpu.vector_load_idx %arg10[%add3A_865, %broadcast_in_dim3A_838] : memref<64x512xf32, #tpu.memory_space<vmem>>[vector<16xi32>, vector<16xi32>], vector<16xf32>,
        %swap3A_867 = arith.constant 14 : i32
        %swap3A_868 = arith.index_cast %swap3A_867 : i32 to index
        %swap3A_869 = arith.constant 48 : index
        %swap3A_870 = tpu.vector_load %arg11[%swap3A_868, %swap3A_869] {strides = array<i32>} : memref<16x128xf32, #tpu.memory_space<vmem>>, vector<16xf32>,
        tpu.vector_store %arg11[%swap3A_868, %swap3A_869], %gather3A_866 {strides = array<i32>} : memref<16x128xf32, #tpu.memory_space<vmem>>, vector<16xf32>,
        %slice3A_871 = vector.extract_strided_slice %min3A_342 {offsets = [15], sizes = [1], strides = [1]} : vector<16xi32> to vector<1xi32>
        %squeeze3A_872 = vector.extract %slice3A_871[0] : i32 from vector<1xi32>
        %broadcast_in_dim3A_873 = vector.broadcast %squeeze3A_872 : i32 to vector<16xi32>
        %add3A_874 = arith.constant 0 : i32
        %add3A_875 = vector.broadcast %add3A_874 : i32 to vector<16xi32>
        %add3A_876 = arith.addi %iota3A, %add3A_875 : vector<16xi32>
        %gather3A_877 = tpu.vector_load_idx %arg10[%add3A_876, %broadcast_in_dim3A_873] : memref<64x512xf32, #tpu.memory_space<vmem>>[vector<16xi32>, vector<16xi32>], vector<16xf32>,
        %swap3A_878 = arith.constant 15 : i32
        %swap3A_879 = arith.index_cast %swap3A_878 : i32 to index
        %swap3A_880 = arith.constant 0 : index
        %swap3A_881 = tpu.vector_load %arg11[%swap3A_879, %swap3A_880] {strides = array<i32>} : memref<16x128xf32, #tpu.memory_space<vmem>>, vector<16xf32>,
        tpu.vector_store %arg11[%swap3A_879, %swap3A_880], %gather3A_877 {strides = array<i32>} : memref<16x128xf32, #tpu.memory_space<vmem>>, vector<16xf32>,
        %add3A_882 = arith.constant 16 : i32
        %add3A_883 = vector.broadcast %add3A_882 : i32 to vector<16xi32>
        %add3A_884 = arith.addi %iota3A, %add3A_883 : vector<16xi32>
        %gather3A_885 = tpu.vector_load_idx %arg10[%add3A_884, %broadcast_in_dim3A_873] : memref<64x512xf32, #tpu.memory_space<vmem>>[vector<16xi32>, vector<16xi32>], vector<16xf32>,
        %swap3A_886 = arith.constant 15 : i32
        %swap3A_887 = arith.index_cast %swap3A_886 : i32 to index
        %swap3A_888 = arith.constant 16 : index
        %swap3A_889 = tpu.vector_load %arg11[%swap3A_887, %swap3A_888] {strides = array<i32>} : memref<16x128xf32, #tpu.memory_space<vmem>>, vector<16xf32>,
        tpu.vector_store %arg11[%swap3A_887, %swap3A_888], %gather3A_885 {strides = array<i32>} : memref<16x128xf32, #tpu.memory_space<vmem>>, vector<16xf32>,
        %add3A_890 = arith.constant 32 : i32
        %add3A_891 = vector.broadcast %add3A_890 : i32 to vector<16xi32>
        %add3A_892 = arith.addi %iota3A, %add3A_891 : vector<16xi32>
        %gather3A_893 = tpu.vector_load_idx %arg10[%add3A_892, %broadcast_in_dim3A_873] : memref<64x512xf32, #tpu.memory_space<vmem>>[vector<16xi32>, vector<16xi32>], vector<16xf32>,
        %swap3A_894 = arith.constant 15 : i32
        %swap3A_895 = arith.index_cast %swap3A_894 : i32 to index
        %swap3A_896 = arith.constant 32 : index
        %swap3A_897 = tpu.vector_load %arg11[%swap3A_895, %swap3A_896] {strides = array<i32>} : memref<16x128xf32, #tpu.memory_space<vmem>>, vector<16xf32>,
        tpu.vector_store %arg11[%swap3A_895, %swap3A_896], %gather3A_893 {strides = array<i32>} : memref<16x128xf32, #tpu.memory_space<vmem>>, vector<16xf32>,
        %add3A_898 = arith.constant 48 : i32
        %add3A_899 = vector.broadcast %add3A_898 : i32 to vector<16xi32>
        %add3A_900 = arith.addi %iota3A, %add3A_899 : vector<16xi32>
        %gather3A_901 = tpu.vector_load_idx %arg10[%add3A_900, %broadcast_in_dim3A_873] : memref<64x512xf32, #tpu.memory_space<vmem>>[vector<16xi32>, vector<16xi32>], vector<16xf32>,
        %swap3A_902 = arith.constant 15 : i32
        %swap3A_903 = arith.index_cast %swap3A_902 : i32 to index
        %swap3A_904 = arith.constant 48 : index
        %swap3A_905 = tpu.vector_load %arg11[%swap3A_903, %swap3A_904] {strides = array<i32>} : memref<16x128xf32, #tpu.memory_space<vmem>>, vector<16xf32>,
        tpu.vector_store %arg11[%swap3A_903, %swap3A_904], %gather3A_901 {strides = array<i32>} : memref<16x128xf32, #tpu.memory_space<vmem>>, vector<16xf32>,
        %dma_start3A = arith.constant 0 : i32
        %dma_start3A_906 = arith.constant 0 : i32
        %dma_start3A_907 = tpu.memref_slice %arg5[%dma_start3A, %dma_start3A_906] : memref<16416x128xf32, #tpu.memory_space<hbm>> -> memref<16416x128xf32, #tpu.memory_space<hbm>>
        tpu.enqueue_indirect_dma source(%arg11 : memref<16x128xf32, #tpu.memory_space<vmem>>) target(%dma_start3A_907 : memref<16416x128xf32, #tpu.memory_space<hbm>>) offsets(%select_n3A_343 : vector<16xi32>) semaphore(%arg13 : memref<!tpu.dma_semaphore, #tpu.memory_space<semaphore_mem>>)
        %add3A_908 = arith.constant 1 : i32
        %add3A_909 = arith.addi %while3A_321, %add3A_908 : i32
        scf.yield %add3A_909 : i32
      }
      %add3A_304 = arith.constant 2 : i32
      %add3A_305 = arith.addi %add3A_77, %add3A_304 : i32
      %eq3A_306 = arith.constant 31 : i32
      %eq3A_307 = arith.cmpi eq, %add3A, %eq3A_306 : i32
      %eq3A_308 = arith.cmpi eq, %add3A_305, %add3A_4 : i32
      %and3A_309 = arith.andi %eq3A_307, %eq3A_308 : i1
      %lt3A_310 = arith.cmpi slt, %add3A_305, %add3A_13 : i32
      %not3A_311 = arith.constant true
      %not3A_312 = arith.xori %and3A_309, %not3A_311 : i1
      %and3A_313 = arith.andi %lt3A_310, %not3A_312 : i1
      %convert_element_type3A_314 = arith.extui %and3A_313 : i1 to i32
      %cond3A_315 = arith.constant 0 : i32
      %cond3A_316 = arith.cmpi ne, %convert_element_type3A_314, %cond3A_315 : i32
      scf.if %cond3A_316 {
        %add3A_320 = arith.addi %add3A_8, %add3A_305 : i32
        %mul3A_321 = arith.constant 512 : i32
        %mul3A_322 = arith.muli %add3A_320, %mul3A_321 : i32
        %multiple_of3A = tpu.assume_multiple %mul3A_322, 512 : i32
        %dma_start3A = arith.constant 0 : i32
        %dma_start3A_323 = tpu.memref_slice %arg2[%dma_start3A, %multiple_of3A] : memref<64x1000000xf32, #tpu.memory_space<hbm>> -> memref<64x512xf32, #tpu.memory_space<hbm>>
        %dma_start3A_324 = arith.constant 0 : i32
        %dma_start3A_325 = tpu.memref_slice %arg2[%dma_start3A_324, %multiple_of3A] : memref<64x1000000xf32, #tpu.memory_space<hbm>> -> memref<64x512xf32, #tpu.memory_space<hbm>>
        tpu.enqueue_dma source(%dma_start3A_325 : memref<64x512xf32, #tpu.memory_space<hbm>>) target(%arg10 : memref<64x512xf32, #tpu.memory_space<vmem>>) target_semaphore(%arg12 : memref<!tpu.dma_semaphore, #tpu.memory_space<semaphore_mem>>)
      } else {
      }
      %convert_element_type3A_317 = arith.extui %and3A_309 : i1 to i32
      %cond3A_318 = arith.constant 0 : i32
      %cond3A_319 = arith.cmpi ne, %convert_element_type3A_317, %cond3A_318 : i32
      scf.if %cond3A_319 {
        %dma_start3A = arith.constant 0 : i32
        %dma_start3A_320 = arith.constant 0 : i32
        %dma_start3A_321 = tpu.memref_slice %arg10[%dma_start3A, %dma_start3A_320] : memref<64x512xf32, #tpu.memory_space<vmem>> -> memref<64x128xf32, #tpu.memory_space<vmem>>
        %dma_start3A_322 = arith.constant 0 : i32
        %dma_start3A_323 = arith.constant 0 : i32
        %dma_start3A_324 = tpu.memref_slice %arg10[%dma_start3A_322, %dma_start3A_323] : memref<64x512xf32, #tpu.memory_space<vmem>> -> memref<64x128xf32, #tpu.memory_space<vmem>>
        tpu.enqueue_dma source(%arg3 : memref<64x128xf32, #tpu.memory_space<hbm>>) target(%dma_start3A_324 : memref<64x128xf32, #tpu.memory_space<vmem>>) target_semaphore(%arg12 : memref<!tpu.dma_semaphore, #tpu.memory_space<semaphore_mem>>)
      } else {
      }
      scf.yield %while3A_303 : i32
    }
    %scan3A_67 = arith.constant 32 : i32
    %gt3A = arith.constant 0 : i32
    %gt3A_68 = arith.cmpi sgt, %scan3A_66, %gt3A : i32
    %convert_element_type3A_69 = arith.extui %gt3A_68 : i1 to i32
    %cond3A_70 = arith.constant 0 : i32
    %cond3A_71 = arith.cmpi ne, %convert_element_type3A_69, %cond3A_70 : i32
    scf.if %cond3A_71 {
      %dma_wait3A = arith.constant 0 : i32
      %dma_wait3A_72 = arith.constant 0 : i32
      %dma_wait3A_73 = tpu.memref_slice %arg5[%dma_wait3A, %dma_wait3A_72] : memref<16416x128xf32, #tpu.memory_space<hbm>> -> memref<16x128xf32, #tpu.memory_space<hbm>>
      %dma_wait3A_74 = arith.constant 0 : i32
      %dma_wait3A_75 = arith.constant 0 : i32
      %dma_wait3A_76 = tpu.memref_slice %arg5[%dma_wait3A_74, %dma_wait3A_75] : memref<16416x128xf32, #tpu.memory_space<hbm>> -> memref<16x128xf32, #tpu.memory_space<hbm>>
      tpu.wait_dma2 semaphore(%arg13 : memref<!tpu.dma_semaphore, #tpu.memory_space<semaphore_mem>>) src(%arg11 : memref<16x128xf32, #tpu.memory_space<vmem>>) dst(%dma_wait3A_76 : memref<16x128xf32, #tpu.memory_space<hbm>>)
    } else {
    }
    return
  }
}

</mosaic_0001>

<sc_bundles>
// kernel: kernel.3.cloned.1.call-start
scs
__scs_entry_jumppad:
0x0: {  	(pc) =	sbr.rel $0x88, $3  }
0x1: {  	(tag) =	ssettag $0x0;
	lr =	simm.s32 $0x1  }
0x2: {  	[smem:$0x3F9F] =	sst lr;
	_ =	strace $0xD0000000  }
0x3: {  	_ = 	snop  }
0x4: {  	_ = 	snop  }
0x5: {  	_ = 	snop  }
0x6: {  	_ = 	snop  }
0x7: {  	_ = 	snop  }
__scs_overlays_trampoline_lowered:
0x8: {  	[smem:$0x3FAE] =	sst s0  }
0x9: {  	[smem:$0x3FAF] =	sst s1  }
0xa: {  	[smem:$0x3FB0] =	sst s2  }
0xb: {  	[smem:$0x3FB1] =	sst s3  }
0xc: {  	[smem:$0x3FB2] =	sst s4  }
0xd: {  	[smem:$0x3FB3] =	sst s5  }
0xe: {  	[smem:$0x3FB4] =	sst s6  }
0xf: {  	[smem:$0x3FB5] =	sst s7  }
0x10: {  	[smem:$0x3FB6] =	sst s8  }
0x11: {  	[smem:$0x3FB7] =	sst s9;
	s0 =	simm.s32 @!p0 $0x0  }
0x12: {  	s1 =	sld [smem:$0x3F9D];
	s0 =	simm.s32 @p0 $0x1  }
0x13: {  	[smem:$0x3FB8] =	sst s0;
	s0 =	simm.s32 @!p1 $0x0  }
0x14: {  	s2 =	sld [smem:$0x3F9C];
	s0 =	simm.s32 @p1 $0x1  }
0x15: {  	[smem:$0x3FB9] =	sst s0;
	s0 =	simm.s32 @!p2 $0x0  }
0x16: {  	s3 =	sld [smem:$0x3FDB];
	s0 =	simm.s32 @p2 $0x1  }
0x17: {  	s4 =	simm.s32 $0x1BF5;
	[smem:$0x3FBB] =	sst s0  }
0x18: {  	s0 =	sld [smem:$0x3F9E];
	_ =	swait.ge [sflag:s4], $0x0  }
0x19: {  	s7 =	sld [smem:$0x3F9F]  }
0x1a: {  	s8 =	sadd.s32 $0xFFFFE003, lr  }
0x1b: {  	s9 =	sadd.s32 $0xFFFFFEF7, lr;
	s5 =	simm.s32 $0xFFFFFFFF;
	p2 =	slt.u32 s8, $0xFFFFF086  }
0x1c: {  	p1 =	slt.u32 s9, $0xF7A;
	s5 =	simm.s32 @!p2 $0x0  }
0x1d: {  	s5 =	simm.s32 @p1 $0x1;
	p0 =	seq.s32 s7, s2  }
0x1e: {  	s7 =	smul.u32 @!p0 $0xF7A, s2;
	p2 =	seq.s32 @!p0 s5, $0x0  }
0x1f: {  	s9 =	smul.u32 $0xF7A, s1;
	s8 =	simm.s32 @!p0 $0x1BF5;
	p2 =	por !p2, p0  }
0x20: {  	[sflag:s8] =	ssyncset.s32 @!p0 $0xFFFFF086;
	s6 =	sadd.s32 @!p0 s3, s7;
	s7 =	simm.s32 @!p0 $0x108  }
0x21: {  	s3 =	sadd.s32 s3, s9;
	s6 =	sadd.s32 @!p0 $0x88, s6;
	s7 =	simm.s32 @p2 $0x1082  }
0x22: {  	[simem:s7], [sflag:s8] =	dma.local @!p0 [hbm:s6], $0xF7A  }
0x23: {  	s9 =	sor.u32 $0xD0000000, s2;
	s6 =	simm.s32 $0x108;
	_ =	swait.ge @!p0 [sflag:s8], $0x0  }
0x24: {  	s3 =	sadd.s32 $0x88, s3;
	s6 =	simm.s32 @!p1 $0x1082;
	[sflag:s4] =	ssyncset.s32 $0xFFFFF086  }
0x25: {  	[simem:s6], [sflag:s4] =	dma.local [hbm:s3], $0xF7A  }
0x26: {  	[smem:$0x3F9F] =	sst s1;
	(tag) =	ssettag s2;
	_ =	strace s9  }
0x27: {  	s1 =	sld [smem:$0x3FAF]  }
0x28: {  	s2 =	sld [smem:$0x3FB0]  }
0x29: {  	s4 =	sld [smem:$0x3FB2]  }
0x2a: {  	p0 =	seq.s32 s5, $0x0;
	s5 =	sld [smem:$0x3FB3]  }
0x2b: {  	s6 =	sld [smem:$0x3FB4]  }
0x2c: {  	s7 =	sld [smem:$0x3FB5]  }
0x2d: {  	s3 =	simm.s32 $0x108;
	s8 =	sld [smem:$0x3FB6]  }
0x2e: {  	s3 =	simm.s32 @!p0 $0x1082;
	s9 =	sld [smem:$0x3FB7]  }
0x2f: {  	lr =	sadd.s32 s0, s3;
	s0 =	sld [smem:$0x3FAE]  }
0x30: {  	s3 =	sld [smem:$0x3FB1]  }
0x31: {  	[smem:$0x3FBA] =	sst s10  }
0x32: {  	s10 =	sld [smem:$0x3FB8];
	_ =	sdelay $0x3  }
0x33: {  	p0 =	seq.s32 s10, $0x1;
	s10 =	sld [smem:$0x3FBA];
	_ =	sdelay $0x3  }
0x34: {  	[smem:$0x3FBA] =	sst s10  }
0x35: {  	s10 =	sld [smem:$0x3FB9];
	_ =	sdelay $0x3  }
0x36: {  	p1 =	seq.s32 s10, $0x1;
	s10 =	sld [smem:$0x3FBA];
	_ =	sdelay $0x3  }
0x37: {  	[smem:$0x3FBA] =	sst s10  }
0x38: {  	s10 =	sld [smem:$0x3FBB]  }
0x39: {  	_ = 	snop;
	(pc) =	sbr.ind lr, $3  }
0x3a: {  	_ = 	snop  }
0x3b: {  	_ = 	snop  }
0x3c: {  	p2 =	seq.s32 s10, $0x1;
	s10 =	sld [smem:$0x3FBA]  }
0x3d: {  	_ =	shalt  }
0x3e: {  	_ =	shalt  }
0x3f: {  	_ =	shalt  }
0x40: {  	_ =	shalt  }
0x41: {  	_ =	shalt  }
0x42: {  	_ =	shalt  }
0x43: {  	_ =	shalt  }
0x44: {  	_ =	shalt  }
0x45: {  	_ =	shalt  }
0x46: {  	_ =	shalt  }
0x47: {  	_ =	shalt  }
0x48: {  	_ =	shalt  }
0x49: {  	_ =	shalt  }
0x4a: {  	_ =	shalt  }
0x4b: {  	_ =	shalt  }
0x4c: {  	_ =	shalt  }
0x4d: {  	_ =	shalt  }
0x4e: {  	_ =	shalt  }
0x4f: {  	_ =	shalt  }
0x50: {  	_ =	shalt  }
0x51: {  	_ =	shalt  }
0x52: {  	_ =	shalt  }
0x53: {  	_ =	shalt  }
0x54: {  	_ =	shalt  }
0x55: {  	_ =	shalt  }
0x56: {  	_ =	shalt  }
0x57: {  	_ =	shalt  }
0x58: {  	_ =	shalt  }
0x59: {  	_ =	shalt  }
0x5a: {  	_ =	shalt  }
0x5b: {  	_ =	shalt  }
0x5c: {  	_ =	shalt  }
0x5d: {  	_ =	shalt  }
0x5e: {  	_ =	shalt  }
0x5f: {  	_ =	shalt  }
0x60: {  	_ =	shalt  }
0x61: {  	_ =	shalt  }
0x62: {  	_ =	shalt  }
0x63: {  	_ =	shalt  }
0x64: {  	_ =	shalt  }
0x65: {  	_ =	shalt  }
0x66: {  	_ =	shalt  }
0x67: {  	_ =	shalt  }
0x68: {  	_ =	shalt  }
0x69: {  	_ =	shalt  }
0x6a: {  	_ =	shalt  }
0x6b: {  	_ =	shalt  }
0x6c: {  	_ =	shalt  }
0x6d: {  	_ =	shalt  }
0x6e: {  	_ =	shalt  }
0x6f: {  	_ =	shalt  }
0x70: {  	_ =	shalt  }
0x71: {  	_ =	shalt  }
0x72: {  	_ =	shalt  }
0x73: {  	_ =	shalt  }
0x74: {  	_ =	shalt  }
0x75: {  	_ =	shalt  }
0x76: {  	_ =	shalt  }
0x77: {  	_ =	shalt  }
0x78: {  	_ =	shalt  }
0x79: {  	_ =	shalt  }
0x7a: {  	_ =	shalt  }
0x7b: {  	_ =	shalt  }
0x7c: {  	_ =	shalt  }
0x7d: {  	_ =	shalt  }
0x7e: {  	_ =	shalt  }
0x7f: {  	_ =	shalt  }
0x80: {  	_ =	shalt  }
0x81: {  	_ =	shalt  }
0x82: {  	_ =	shalt  }
0x83: {  	_ =	shalt  }
0x84: {  	_ =	shalt  }
0x85: {  	_ =	shalt  }
0x86: {  	_ =	shalt  }
0x87: {  	_ =	shalt  }
.Lfunc_end0:
.L_simem_size_0:
called_computation_lowered:
.L_overlay_start_0:
0x88: {  	s2 =	sld [smem:$0x3FD9]  }
0x89: {  	s3 =	sld [smem:$0x3FFE];
	_ =	sdelay $0x1  }
0x8a: {  	s1 =	srdreg.scid  }
0x8b: {  	s0 =	sand.u32 $0x1, s1  }
0x8c: {  	s17 =	sshll.u32 s0, $0xA;
	s2 =	sadd.s32 s3, s2  }
0x8d: {  	s2 =	sadd.s32 s2, s17  }
0x8e: {  	[smem:$0x3FC6] =	sst s2  }
0x8f: {  	_ = 	snop  }
0x90: {  	s2 =	sld [smem:$0x3FC9]  }
0x91: {  	s18 =	sld [smem:$0x3FC8]  }
0x92: {  	s4 =	sld [smem:$0x3FD0];
	(tm) =	ssettm $0x1  }
0x93: {  	s5 =	sld [smem:$0x3FFB];
	_ =	sdelay $0x3  }
0x94: {  	_ =	strace s5  }
0x95: {  	s5 =	sld [smem:$0x3FFC];
	_ =	sdelay $0x3  }
0x96: {  	_ =	strace s5  }
0x97: {  	s5 =	sld [smem:$0x3FFD];
	_ =	sdelay $0x3  }
0x98: {  	_ =	strace s5  }
0x99: {  	_ =	strace $0x8FFFFFFF  }
0x9a: {  	s19 =	sld [smem:$0x3FDB];
	_ =	sdelay $0x1  }
0x9b: {  	s6 =	simm.s32 $_scs_section_size  }
0x9c: {  	s7 =	simm.s32 $_size__tile_overlayer_lowered;
	s8 =	simm.s32 $_tile_overlayer_lowered  }
0x9d: {  	s22 =	simm.s32 $0x1BFF;
	s21 =	sshll.u32 s8, $0x1;
	s5 =	sadd.s32 s6, s19  }
0x9e: {  	s9 =	simm.s32 $0x0;
	s20 =	sshll.u32 s7, $0x1;
	s7 =	sadd.s32 s21, s5  }
0x9f: {  	[timem:s9], [sflag:s22] =	dma.local [hbm:s7], s20  }
0xa0: {  	_ =	swait.ge [sflag:s22], s20  }
0xa1: {  	s6 =	ssub.s32 $0x0, s20;
	[sflag:s22] =	ssyncset.done $0x0  }
0xa2: {  	[sflag:s22] =	ssyncadd.s32 s6;
	_ =	sdelay $0x1  }
0xa3: {  	s23 =	simm.s32 $0x1B8B  }
0xa4: {  	_ =	swait.ge [sflag:s23], $0x1  }
0xa5: {  	[sflag:s23] =	ssyncset.done $0x0  }
0xa6: {  	s25 =	simm.s32 $0x1B8E;
	s24 =	sld [smem:$0x3FFE];
	[sflag:s23] =	ssyncadd.s32 $0xFFFFFFFF  }
0xa7: {  	s26 =	simm.s32 $execute0_lowered;
	[smem:$0x3FD2] =	sst s25  }
0xa8: {  	s7 =	sshll.u32 s26, $0x1;
	_ =	strace $0x80000046;
	[dreg:$0x1] =	wrdreg $0xFFFFFFFF  }
0xa9: {  	s28 =	simm.s32 $_size_execute0_lowered;
	s5 =	sadd.s32 s5, s7;
	[dreg:$0x0] =	wrdreg $0x0  }
0xaa: {  	s7 =	sshll.u32 s28, $0x1;
	[dreg:$0x2] =	wrdreg s5  }
0xab: {  	[dreg:$0x3] =	wrdreg s7  }
0xac: {  	[dreg:$0x4] =	wrdreg $0xC0  }
0xad: {  	_ =	task [dreg:s9], $0x5FFFF  }
0xae: {  	[dreg:$0x1] =	wrdreg $0xFFFFFFFF  }
0xaf: {  	[dreg:$0x0] =	wrdreg $0x60  }
0xb0: {  	[dreg:$0x2] =	wrdreg s18  }
0xb1: {  	[dreg:$0x3] =	wrdreg s4  }
0xb2: {  	[dreg:$0x4] =	wrdreg s2  }
0xb3: {  	[dreg:$0x5] =	wrdreg s24  }
0xb4: {  	[dreg:$0x6] =	wrdreg $0x9  }
0xb5: {  	_ =	task.clear_ibuf [dreg:s9], $0x7FFFF;
	_ =	strace $0x90000046  }
0xb6: {  	s29 =	simm.s32 $0x9;
	_ =	strace $0x80000048  }
0xb7: {  	_ =	swait.ge [sflag:s29], $0x1  }
0xb8: {  	[sflag:s29] =	ssyncadd.s32 $0xFFFFFFFF  }
0xb9: {  	_ =	strace $0x90000048  }
0xba: {  	_ =	sfence  }
0xbb: {  	s30 =	sld [smem:$0x0];
	_ =	sdelay $0x2  }
0xbc: {  	s31 =	sshll.u32 s1, $0xD;
	s1 =	sshrl.u32 s1, $0x2  }
0xbd: {  	s3 =	sand.u32 $0x4000, s31;
	s1 =	sadd.s32 s1, s30  }
0xbe: {  	s0 =	sor.u32 s3, s0;
	s1 =	sshll.u32 s1, $0x11  }
0xbf: {  	s0 =	sor.u32 s1, s0  }
0xc0: {  	s0 =	sadd.s32 $0x8F2B, s0  }
0xc1: {  	[sflag:s0] =	ssyncadd.remote.s32 $0x1  }
0xc2: {  	_ =	sfence.sel $0xFFFF  }
0xc3: {  	[dreg:$0x0] =	wrdreg $0xFFFFFFFF;
	(pc) =	sbr.abs _section_cstart, $3  }
0xc4: {  	[dreg:$0x1] =	wrdreg $0xFFFFFFFF  }
0xc5: {  	_ =	task.clear_ibuf [dreg:s9], $0x2FFFF;
	_ =	strace $0x9FFFFFFF  }
0xc6: {  	(tm) =	ssettm $0x7FFFFFFF  }
0xc7: {  	_ =	shalt  }
tec
execute0_lowered:
.L_overlay_start_1:
0x0: {  	(tag) =	ssettag $0x1  }
0x1: {  	v0 =	vimm.s32 $0x1380;
	vm0 =	vcmask $0x300  }
0x2: {  	vm1 =	vcmask $0x704;
	vm2 =	vcmask $0xB08;
	vm3 =	vcmask $0xF0C  }
0x3: {  	vm4 =	vcmask $0x1310;
	v1 =	vimm.s32 $0x3380;
	v2 =	vimm.s32 $0x5380  }
0x4: {  	v3 =	vimm.s32 $0x7380;
	v0 =	vsel vm0, $0x0, v0;
	v1 =	vsel vm0, $0x2000, v1  }
0x5: {  	v2 =	vsel vm0, $0x4000, v2;
	v3 =	vsel vm0, $0x6000, v3;
	vm0 =	vcmask $0x1714  }
0x6: {  	v0 =	vsel vm1, $0x80, v0;
	v1 =	vsel vm1, $0x2080, v1;
	v2 =	vsel vm1, $0x4080, v2  }
0x7: {  	v3 =	vsel vm1, $0x6080, v3;
	vm1 =	vcmask $0x1B18;
	v0 =	vsel vm2, $0x100, v0  }
0x8: {  	v1 =	vsel vm2, $0x2100, v1;
	v2 =	vsel vm2, $0x4100, v2;
	v3 =	vsel vm2, $0x6100, v3  }
0x9: {  	vm2 =	vcmask $0x1F1C;
	v0 =	vsel vm3, $0x180, v0;
	v1 =	vsel vm3, $0x2180, v1  }
0xa: {  	s0 =	srdreg.scid;
	s1 =	stileid.u32;
	v2 =	vsel vm3, $0x4180, v2;
	v3 =	vsel vm3, $0x6180, v3;
	v0 =	vsel vm4, $0x200, v0  }
0xb: {  	s0 =	sand.u32 $0x1, s0;
	s1 =	sshll.u32 s1, $0x1;
	v1 =	vsel vm4, $0x2200, v1;
	v2 =	vsel vm4, $0x4200, v2;
	v3 =	vsel vm4, $0x6200, v3  }
0xc: {  	s5 =	sor.u32 s0, s1;
	v0 =	vsel vm0, $0x280, v0;
	v1 =	vsel vm0, $0x2280, v1;
	v2 =	vsel vm0, $0x4280, v2  }
0xd: {  	s4 =	simm.s32 $0x1;
	s3 =	smul.u32 $0x3D, s5;
	p0 =	sne.s32 s5, $0x0;
	v3 =	vsel vm0, $0x6280, v3;
	vm0 =	vcmask $0x2320;
	v0 =	vsel vm1, $0x300, v0  }
0xe: {  	s1 =	simm.s32 $0x3E;
	s4 =	simm.s32 @!p0 $0x0;
	p0 =	seq.s32 s5, $0x0;
	v1 =	vsel vm1, $0x2300, v1;
	v2 =	vsel vm1, $0x4300, v2;
	v3 =	vsel vm1, $0x6300, v3  }
0xf: {  	s1 =	simm.s32 @!p0 $0x3D;
	s3 =	sadd.s32 s4, s3;
	vm1 =	vcmask $0x2724;
	v0 =	vsel vm2, $0x380, v0;
	v1 =	vsel vm2, $0x2380, v1  }
0x10: {  	s6 =	sshll.u32 s3, $0x9;
	s7 =	sadd.s32 s1, s3;
	v2 =	vsel vm2, $0x4380, v2;
	v3 =	vsel vm2, $0x6380, v3;
	vm2 =	vcmask $0x3B38  }
0x11: {  	s2 =	rddreg [dreg:$0x0];
	p0 =	seq.s32 s5, $0x1F;
	s8 =	sshll.u32 s7, $0x9;
	v4 =	vsel vm0, $0x1000, v0;
	v0 =	vmov s6;
	v5 =	vsel vm0, $0x3000, v1  }
0x12: {  	s29 =	rddreg [dreg:$0x1];
	s8 =	simm.s32 @p0 $0xF4240;
	v2 =	vsel vm0, $0x5000, v2;
	v3 =	vsel vm0, $0x7000, v3;
	vm0 =	vcmask $0x2B28  }
0x13: {  	s9 =	rddreg [dreg:$0x3];
	s10 =	simm.s32 $0x1;
	v1 =	vmov s8;
	v4 =	vsel vm1, $0x1080, v4;
	v5 =	vsel vm1, $0x3080, v5  }
0x14: {  	s23 =	simm.s32 $0xC000;
	s24 =	simm.s32 $0x14000;
	s5 =	sor.u32 $0x4000, s5;
	v6 =	vsel vm1, $0x5080, v2;
	v3 =	vsel vm1, $0x7080, v3;
	vm1 =	vcmask $0x2F2C  }
0x15: {  	s25 =	simm.s32 $0x4000;
	s26 =	simm.s32 $0x8000;
	s28 =	simm.s32 $0x1C000;
	v2 =	vmov s5;
	v4 =	vsel vm0, $0x1100, v4;
	v5 =	vsel vm0, $0x3100, v5  }
0x16: {  	s13 =	sadd.s32 $0x80, s29;
	s14 =	sadd.s32 $0x100, s29;
	s15 =	sadd.s32 $0x180, s29;
	v6 =	vsel vm0, $0x5100, v6;
	v7 =	vsel vm0, $0x7100, v3;
	vm0 =	vcmask $0x3330  }
0x17: {  	s16 =	sadd.s32 $0x200, s29;
	s17 =	sadd.s32 $0x280, s29;
	s0 =	ssub.s32 $0x2, s0;
	v3 =	vimm.s32 $0x0;
	v4 =	vsel vm1, $0x1180, v4;
	v5 =	vsel vm1, $0x3180, v5  }
0x18: {  	s18 =	sadd.s32 $0x300, s29;
	s19 =	sadd.s32 $0x380, s29;
	s30 =	sshrl.u32 s0, $0x1;
	v6 =	vsel vm1, $0x5180, v6;
	v7 =	vsel vm1, $0x7180, v7;
	vm1 =	vcmask $0x3734  }
.Ltmp0:
0x19: {  	s0 =	ssub.s32 s0, s30;
	s7 =	simm.s32 $0x0;
	v8 =	vsel vm0, $0x1200, v4;
	v4 =	vlaneseq.u32;
	v5 =	vsel vm0, $0x3200, v5;
	(pc) =	sbr.rel .LBB2_1-.Ltmp0, $4  }
0x1a: {  	s0 =	smax.u32 s0, $0x1;
	s31 =	sadd.s32 s2, s6;
	[smem:$0x7FF] =	sst s7;
	v6 =	vsel vm0, $0x5200, v6;
	v7 =	vsel vm0, $0x7200, v7;
	vm0 =	vmxor vm0, vm0  }
0x1b: {  	s10 =	simm.s32 @!p0 $0x0;
	_ =	strace $0x80000047;
	[dreg:$0x5] =	wrdreg s31;
	v8 =	vsel vm1, $0x1280, v8;
	v9 =	vsel vm1, $0x3280, v5;
	v10 =	vsel vm1, $0x5280, v6  }
0x1c: {  	s8 =	sadd.s32 $0x400, s9;
	[dreg:$0x7] =	wrdreg s0;
	s5 =	sadd.s32 $0x200, s31;
	v11 =	vsel vm1, $0x7280, v7;
	vm1 =	vmmov $0xffff;
	v5 =	vsel vm2, $0x1300, v8  }
0x1d: {  	s9 =	sadd.s32 s10, s1;
	[dreg:$0x6] =	wrdreg s5;
	s5 =	simm.s32 $0x0;
	v6 =	vsel vm2, $0x3300, v9;
	v7 =	vsel vm2, $0x5300, v10;
	v8 =	vsel vm2, $0x7300, v11  }
.LBB2_27:
0x1e: {  	p1 =	slt.s32 s20, $0x1  }
0x1f: {  	s0 =	simm.s32 @!p1 $0x2  }
0x20: {  	_ =	swait.ge @!p1 [sflag:s0], $0x800  }
0x21: {  	s5 =	rddreg [dreg:$0x8]  }
0x22: {  	s4 =	rddreg [dreg:$0x7];
	s5 =	sadd.s32 $0x1, s5  }
0x23: {  	p2 =	sne.s32 s5, s4  }
.Ltmp1:
0x24: {  	_ = 	snop;
	(pc) =	sbr.rel @!p2 .LBB2_28-.Ltmp1, $3  }
0x25: {  	_ =	sdelay $0x1  }
0x26: {  	[sflag:s0] =	ssyncset.done @!p1 $0x0  }
0x27: {  	[sflag:s0] =	ssyncadd.s32 @!p1 $0xFFFFF800  }
.LBB2_1:
0x28: {  	[dreg:$0x8] =	wrdreg s5  }
0x29: {  	s0 =	rddreg [dreg:$0x2];
	s22 =	simm.s32 $0x3  }
0x2a: {  	[tilespmem:s7], [sflag:$0x3] =	stream.linear.gather [hbm4b:s0+s7], $0x4000, $0x38;
	[tilespmem:$0x1C800] =	vst v63  }
0x2b: {  	_ =	swait.ge [sflag:s22], $0x4000  }
0x2c: {  	s4 =	simm.s32 $0x1000;
	[sflag:s22] =	ssyncset.done $0x0  }
0x2d: {  	s30 =	simm.s32 $0x7A1400;
	s29 =	rddreg [dreg:$0x5];
	[sflag:s22] =	ssyncadd.s32 $0xFFFFC000  }
0x2e: {  	[tilespmem:s23], [sflag:$0x1] =	stream.strided.gather [hbm4b:s29+s4], $0x8000, s30, s4, $0x38;
	[tilespmem:$0x1C800] =	vst v63  }
0x2f: {  	s31 =	rddreg [dreg:$0x6]  }
0x30: {  	[tilespmem:s24], [sflag:$0x1] =	stream.strided.gather [hbm4b:s31+s4], $0x8000, s30, s4, $0x38;
	[tilespmem:$0x1C800] =	vst v63  }
0x31: {  	v9 =	vld [tilespmem:s7+$0x0];
	_ =	sdelay $0x4  }
0x32: {  	vm2 =	vge.s32 v9, v0;
	vm3 =	vlt.s32 v9, v1  }
0x33: {  	vm2 =	vmand vm2, vm3  }
0x34: {  	v10 =	vsel vm2, $0x1, v3  }
0x35: {  	(xrf0) =	vadd.scan.msk.s32 $0xffff, v10;
	_ =	sdelay $0x2  }
0x36: {  	v10 =	vmov s7  }
0x37: {  	v10 =	vadd.s32 $0xFFFFFFFF, v10  }
0x38: {  	v10 =	vbroadcast v10, $0x0  }
0x39: {  	v11, _, _ =	vpop (xrf0)  }
0x3a: {  	v10 =	vadd.s32 v11, v10;
	(v2sf) =	vpush v11, $0xF  }
0x3b: {  	vm3 =	vgt.s32 v10, $0x0  }
0x3c: {  	v10 =	vnsel vm3, $0x0, v10  }
0x3d: {  	v10 =	vmin.u32 v10, $0x3FFF;
	_ =	sdelay $0x4  }
0x3e: {  	[tilespmem:v10+s7+$0x0] =	vst.idx.msk vm2, v9;
	v9 =	vor.u32 s7, v4  }
0x3f: {  	s0 =	simm.s32 $0x10;
	[tilespmem:v10+s25+$0x0] =	vst.idx.msk vm2, v9  }
0x40: {  	s6 =	simm.s32 $0x20;
	s5 =	simm.s32 $0x0;
	s10 =	simm.s32 $0x10;
	v9 =	vld [tilespmem:s0+$0x0]  }
.LBB2_2:
0x41: {  	p1 =	seq.s32 s6, $0x3FF0;
	_ =	sdelay $0x3  }
0x42: {  	vm2 =	vge.s32 v9, v0;
	vm3 =	vlt.s32 v9, v1;
	s11 =	spop (v2sf)  }
0x43: {  	vm2 =	vmand vm2, vm3;
	s5 =	sadd.s32 s5, s11  }
0x44: {  	v10 =	vsel vm2, $0x1, v3;
	v11 =	vmov s5  }
0x45: {  	v11 =	vadd.s32 $0xFFFFFFFF, v11;
	(xrf0) =	vadd.scan.msk.s32 $0xffff, v10  }
0x46: {  	v10 =	vbroadcast v11, $0x0;
	_ =	sdelay $0x4  }
0x47: {  	v11, _, _ =	vpop (xrf0)  }
0x48: {  	v10 =	vadd.s32 v11, v10;
	(v2sf) =	vpush v11, $0xF  }
0x49: {  	vm3 =	vgt.s32 v10, $0x0  }
0x4a: {  	v10 =	vnsel vm3, $0x0, v10  }
0x4b: {  	v10 =	vmin.u32 v10, $0x3FFF;
	_ =	sdelay $0x2  }
.Ltmp2:
0x4c: {  	(pc) =	sbr.rel @!p1 .LBB2_2-.Ltmp2, $4  }
0x4d: {  	_ = 	snop  }
0x4e: {  	[tilespmem:v10+s7+$0x0] =	vst.idx.msk vm2, v9;
	v9 =	vor.u32 s0, v4;
	s0 =	smov.u32 s6  }
0x4f: {  	s10 =	sadd.s32 $0x10, s10;
	[tilespmem:v10+s25+$0x0] =	vst.idx.msk vm2, v9  }
0x50: {  	s6 =	sadd.s32 $0x10, s6;
	v9 =	vld [tilespmem:s10+$0x0]  }
0x51: {  	_ =	sdelay $0x3  }
0x52: {  	vm2 =	vge.s32 v9, v0;
	vm3 =	vlt.s32 v9, v1  }
0x53: {  	vm2 =	vmand vm2, vm3  }
0x54: {  	v10 =	vsel vm2, $0x1, v3  }
0x55: {  	(xrf0) =	vadd.scan.msk.s32 $0xffff, v10;
	_ =	sdelay $0x5  }
0x56: {  	v10, _, _ =	vpop (xrf0)  }
0x57: {  	(v2sf) =	vpush v10, $0xF;
	_ =	sdelay $0x2  }
0x58: {  	s6 =	spop (v2sf)  }
0x59: {  	s5 =	sadd.s32 s5, s6  }
0x5a: {  	v11 =	vmov s5  }
0x5b: {  	v11 =	vadd.s32 $0xFFFFFFFF, v11  }
0x5c: {  	v11 =	vbroadcast v11, $0x0;
	_ =	sdelay $0x1  }
0x5d: {  	v10 =	vadd.s32 v10, v11  }
0x5e: {  	vm3 =	vgt.s32 v10, $0x0  }
0x5f: {  	v10 =	vnsel vm3, $0x0, v10  }
0x60: {  	v10 =	vmin.u32 v10, $0x3FFF;
	_ =	sdelay $0x2  }
0x61: {  	s20 =	spop (v2sf)  }
0x62: {  	s30 =	sadd.s32 s5, s20  }
0x63: {  	[tilespmem:v10+s7+$0x0] =	vst.idx.msk vm2, v9;
	v9 =	vor.u32 s0, v4;
	s0 =	sadd.s32 $0xF, s30  }
0x64: {  	s21 =	sand.u32 $0xF, s0  }
0x65: {  	s22 =	sshra.s32 s0, $0x1F;
	p1 =	slt.s32 s0, $0x1;
	p2 =	sne.s32 s21, $0x0  }
.Ltmp3:
0x66: {  	s29 =	sshrl.u32 s22, $0x1C;
	p1 =	por !p1, !p2;
	(pc) =	sbr.rel .LBB2_4-.Ltmp3, $4  }
0x67: {  	s5 =	simm.s32 $0x1;
	s0 =	sadd.s32 s29, s0;
	p1 =	por !p1, !p1  }
0x68: {  	s0 =	sshra.s32 s0, $0x4;
	s5 =	simm.s32 @!p1 $0x0  }
0x69: {  	s31 =	ssub.s32 s0, s5  }
0x6a: {  	[tilespmem:v10+s25+$0x0] =	vst.idx.msk vm2, v9;
	s20 =	simm.s32 $0x0;
	s0 =	simm.s32 $0x0;
	p1 =	slt.s32 s31, $0x1  }
.LBB2_26:
0x6b: {  	s4 =	sadd.s32 $0x3, s5  }
0x6c: {  	p2 =	seq.s32 s4, s1  }
0x6d: {  	p2 =	por !p0, !p2  }
0x6e: {  	p3 =	sge.u32 s4, s9;
	p2 =	por !p2, !p2  }
0x6f: {  	p3 =	por p2, p3  }
0x70: {  	s4 =	sadd.s32 @!p3 s3, s4  }
0x71: {  	s4 =	sshll.u32 @!p3 s4, $0x9  }
0x72: {  	s5 =	simm.s32 @!p3 $0x1000;
	s4 =	sand.u32 @!p3 $0x1FFFFE00, s4  }
0x73: {  	s6 =	simm.s32 @!p3 $0x7A1400;
	s10 =	simm.s32 @!p3 $0x14000;
	s4 =	sadd.s32 @!p3 s2, s4  }
0x74: {  	[tilespmem:s10], [sflag:$0x1] =	stream.strided.gather @!p3 [hbm4b:s4+s5], $0x8000, s6, s5, $0x38;
	[tilespmem:$0x1C800] =	vst v63  }
0x75: {  	s4 =	simm.s32 @p2 $0x0;
	s5 =	simm.s32 @p2 $0x14000;
	s6 =	rddreg [dreg:$0x1]  }
0x76: {  	[tilespmem:s5], [sflag:$0x1] =	stream.linear.gather @p2 [hbm4b:s6+s4], $0x400, $0x38;
	[tilespmem:$0x1C800] =	vst v63  }
0x77: {  	s5 =	simm.s32 @p2 $0x15000  }
0x78: {  	[tilespmem:s5], [sflag:$0x1] =	stream.linear.gather @p2 [hbm4b:s13+s4], $0x400, $0x38;
	[tilespmem:$0x1C800] =	vst v63  }
0x79: {  	s5 =	simm.s32 @p2 $0x16000  }
0x7a: {  	[tilespmem:s5], [sflag:$0x1] =	stream.linear.gather @p2 [hbm4b:s14+s4], $0x400, $0x38;
	[tilespmem:$0x1C800] =	vst v63  }
0x7b: {  	s5 =	simm.s32 @p2 $0x17000  }
0x7c: {  	[tilespmem:s5], [sflag:$0x1] =	stream.linear.gather @p2 [hbm4b:s15+s4], $0x400, $0x38;
	[tilespmem:$0x1C800] =	vst v63  }
0x7d: {  	s5 =	simm.s32 @p2 $0x18000  }
0x7e: {  	[tilespmem:s5], [sflag:$0x1] =	stream.linear.gather @p2 [hbm4b:s16+s4], $0x400, $0x38;
	[tilespmem:$0x1C800] =	vst v63  }
0x7f: {  	s5 =	simm.s32 @p2 $0x19000  }
0x80: {  	[tilespmem:s5], [sflag:$0x1] =	stream.linear.gather @p2 [hbm4b:s17+s4], $0x400, $0x38;
	[tilespmem:$0x1C800] =	vst v63  }
0x81: {  	s5 =	simm.s32 @p2 $0x1A000  }
0x82: {  	[tilespmem:s5], [sflag:$0x1] =	stream.linear.gather @p2 [hbm4b:s18+s4], $0x400, $0x38;
	[tilespmem:$0x1C800] =	vst v63  }
0x83: {  	s0 =	sadd.s32 $0x1, s0;
	s5 =	simm.s32 @p2 $0x1B000  }
0x84: {  	[tilespmem:s5], [sflag:$0x1] =	stream.linear.gather @p2 [hbm4b:s19+s4], $0x400, $0x38;
	[tilespmem:$0x1C800] =	vst v63  }
0x85: {  	p2 =	sne.s32 s0, $0x20  }
.Ltmp4:
0x86: {  	_ = 	snop;
	(pc) =	sbr.rel @!p2 .LBB2_27-.Ltmp4, $1  }
0x87: {  	_ =	sdelay $0x3  }
.LBB2_4:
0x88: {  	s5 =	sshll.u32 s0, $0x1  }
.Ltmp5:
0x89: {  	p2 =	sge.u32 s5, s9;
	(pc) =	sbr.rel @p1 .LBB2_11-.Ltmp5, $4  }
0x8a: {  	s10 =	simm.s32 @!p2 $0x1  }
0x8b: {  	s6 =	sadd.s32 s3, s5;
	_ =	swait.ge @!p2 [sflag:s10], $0x8000  }
0x8c: {  	s6 =	sshll.u32 s6, $0x9;
	[sflag:s10] =	ssyncset.done @!p2 $0x0  }
0x8d: {  	s11 =	simm.s32 $0x0;
	v9 =	vmov s6;
	[sflag:s10] =	ssyncadd.s32 @!p2 $0xFFFF8000  }
0x8e: {  	p3 =	sne.s32 s31, $0x1  }
.Ltmp6:
0x8f: {  	_ = 	snop;
	(pc) =	sbr.rel @!p3 .LBB2_6-.Ltmp6, $3  }
0x90: {  	_ =	sdelay $0x1  }
0x91: {  	p2 =	slt.u32 s5, s9;
	s10 =	sadd.s32 $0x200, s6;
	vm2 =	vmmov vm0;
	s6 =	simm.s32 $0x0  }
0x92: {  	v10 =	vmov s10;
	vm2 =	vmneg @p2 vm2;
	v11 =	vld [tilespmem:s6+$0x0];
	s10 =	sadd.s32 $0xFFFFFFFF, s31;
	p2 =	por $0x0, $0x0  }
0x93: {  	_ =	sdelay $0x2  }
0x94: {  	v12 =	vmov s30  }
0x95: {  	vm3 =	vgt.s32 v12, v4;
	vm4 =	vge.s32 v11, v9  }
0x96: {  	vm14 =	vlt.s32 v11, v10;
	vm3 =	vmand vm3, vm4  }
0x97: {  	vm3 =	vmand vm14, vm3  }
0x98: {  	vm3 =	vmand vm2, vm3  }
0x99: {  	v11 =	vsel vm3, $0x1, v3  }
0x9a: {  	(xrf0) =	vadd.scan.msk.s32 $0xffff, v11;
	_ =	sdelay $0x2  }
0x9b: {  	v11 =	vmov s6  }
0x9c: {  	v11 =	vadd.s32 $0xFFFFFFFF, v11  }
0x9d: {  	v11 =	vbroadcast v11, $0x0  }
0x9e: {  	v63, _, _ =	vpop (xrf0)  }
0x9f: {  	v11 =	vadd.s32 v63, v11;
	(v2sf) =	vpush v63, $0xF  }
0xa0: {  	vm15 =	vgt.s32 v11, $0x0  }
0xa1: {  	v11 =	vnsel vm15, $0x0, v11  }
0xa2: {  	v11 =	vmin.u32 v11, $0x3FFF  }
0xa3: {  	p3 =	sne.s32 s10, $0x1  }
.Ltmp7:
0xa4: {  	_ = 	snop;
	(pc) =	sbr.rel @!p3 .LBB2_8-.Ltmp7, $4  }
0xa5: {  	_ = 	snop  }
0xa6: {  	v13 =	vor.u32 s6, v4  }
0xa7: {  	s21 =	simm.s32 $0x10;
	s22 =	sadd.s32 $0xFFFFFFFF, s10;
	p2 =	por $0x1, $0x1;
	[tilespmem:v11+s26+$0x0] =	vst.idx.msk vm3, v13  }
0xa8: {  	s12 =	smov.u32 s30;
	s11 =	simm.s32 $0x0;
	s10 =	simm.s32 $0x0;
	v11 =	vld [tilespmem:s21+$0x0]  }
.LBB2_9:
0xa9: {  	p3 =	sne.s32 s22, $0x1;
	_ =	sdelay $0x1  }
0xaa: {  	s12 =	sadd.s32 $0xFFFFFFF0, s12  }
0xab: {  	v12 =	vmov s12  }
0xac: {  	vm3 =	vgt.s32 v12, v4;
	vm4 =	vge.s32 v11, v9  }
0xad: {  	vm3 =	vmand vm3, vm4;
	vm4 =	vlt.s32 v11, v10;
	s29 =	spop (v2sf)  }
0xae: {  	vm3 =	vmand vm4, vm3;
	s11 =	sadd.s32 s11, s29  }
0xaf: {  	vm3 =	vmand vm2, vm3;
	v11 =	vmov s11  }
0xb0: {  	v12 =	vsel vm3, $0x1, v3;
	v11 =	vadd.s32 $0xFFFFFFFF, v11  }
0xb1: {  	v11 =	vbroadcast v11, $0x0;
	(xrf0) =	vadd.scan.msk.s32 $0xffff, v12;
	_ =	sdelay $0x5  }
0xb2: {  	v12, _, _ =	vpop (xrf0)  }
0xb3: {  	v11 =	vadd.s32 v12, v11;
	(v2sf) =	vpush v12, $0xF  }
0xb4: {  	vm4 =	vgt.s32 v11, $0x0  }
0xb5: {  	v11 =	vnsel vm4, $0x0, v11  }
0xb6: {  	v11 =	vmin.u32 v11, $0x3FFF;
	_ =	sdelay $0x1  }
.Ltmp8:
0xb7: {  	(pc) =	sbr.rel @p3 .LBB2_9-.Ltmp8, $4  }
0xb8: {  	s10 =	sadd.s32 $0x10, s10  }
0xb9: {  	v12 =	vor.u32 s10, v4  }
0xba: {  	s21 =	sadd.s32 $0x10, s21;
	[tilespmem:v11+s26+$0x0] =	vst.idx.msk vm3, v12  }
0xbb: {  	s22 =	sadd.s32 $0xFFFFFFFF, s22;
	v11 =	vld [tilespmem:s21+$0x0]  }
.LBB2_10:
0xbc: {  	_ = 	snop  }
0xbd: {  	s12 =	sadd.s32 @p2 $0xFFFFFFF0, s12;
	s21 =	smov.u32 s30  }
0xbe: {  	s21 =	smov.u32 @p2 s12  }
0xbf: {  	v12 =	vmov s21  }
0xc0: {  	vm3 =	vgt.s32 v12, v4;
	vm4 =	vge.s32 v11, v9  }
0xc1: {  	vm15 =	vlt.s32 v11, v10;
	vm3 =	vmand vm3, vm4  }
0xc2: {  	vm3 =	vmand vm15, vm3  }
0xc3: {  	vm2 =	vmand vm2, vm3  }
0xc4: {  	v10 =	vsel vm2, $0x1, v3  }
0xc5: {  	(xrf0) =	vadd.scan.msk.s32 $0xffff, v10;
	_ =	sdelay $0x5  }
0xc6: {  	v10, _, _ =	vpop (xrf0)  }
0xc7: {  	(v2sf) =	vpush v10, $0xF  }
0xc8: {  	s12 =	spop @p2 (v2sf)  }
0xc9: {  	s11 =	sadd.s32 @p2 s11, s12;
	s12 =	simm.s32 $0x0  }
0xca: {  	s12 =	smov.u32 @p2 s11  }
0xcb: {  	v11 =	vmov s12  }
0xcc: {  	v11 =	vadd.s32 $0xFFFFFFFF, v11  }
0xcd: {  	v11 =	vbroadcast v11, $0x0;
	_ =	sdelay $0x1  }
0xce: {  	v10 =	vadd.s32 v10, v11  }
0xcf: {  	vm3 =	vgt.s32 v10, $0x0  }
0xd0: {  	v10 =	vnsel vm3, $0x0, v10  }
0xd1: {  	v10 =	vmin.u32 v10, $0x3FFF;
	_ =	sdelay $0x1  }
0xd2: {  	s10 =	sadd.s32 @p2 $0x10, s10  }
0xd3: {  	s6 =	smov.u32 @p2 s10  }
0xd4: {  	v11 =	vor.u32 s6, v4;
	s29 =	spop (v2sf)  }
0xd5: {  	[tilespmem:v10+s26+$0x0] =	vst.idx.msk vm2, v11;
	s11 =	sadd.s32 s12, s29  }
.LBB2_11:
0xd6: {  	s6 =	sadd.s32 $0xF, s11  }
0xd7: {  	s10 =	sand.u32 $0xF, s6  }
0xd8: {  	s12 =	sshra.s32 s6, $0x1F;
	p2 =	slt.s32 s6, $0x1;
	p3 =	sne.s32 s10, $0x0  }
0xd9: {  	s29 =	sshrl.u32 s12, $0x1C;
	p2 =	por !p2, !p3  }
0xda: {  	s10 =	simm.s32 $0x1;
	s6 =	sadd.s32 s29, s6;
	p2 =	por !p2, !p2  }
0xdb: {  	s21 =	sshra.s32 s6, $0x4;
	s10 =	simm.s32 @!p2 $0x0  }
0xdc: {  	s12 =	ssub.s32 s21, s10  }
0xdd: {  	p3 =	slt.s32 s12, $0x1  }
.Ltmp9:
0xde: {  	_ = 	snop;
	(pc) =	sbr.rel @p3 .LBB2_15-.Ltmp9, $1  }
0xdf: {  	_ =	sdelay $0x3  }
0xe0: {  	s22 =	simm.s32 $0xFFFFFFFF  }
0xe1: {  	s10 =	simm.s32 $0x8000;
	s6 =	smov.u32 s20;
	s22 =	simm.s32 @!p2 $0x0  }
.LBB2_13:
0xe2: {  	v10 =	vld [tilespmem:s10+$0x0];
	_ =	sdelay $0x4  }
0xe3: {  	vm2 =	vgt.s32 v10, $0x0  }
0xe4: {  	v10 =	vnsel vm2, $0x0, v10  }
0xe5: {  	v10 =	vmin.u32 v10, $0x3FFF;
	_ =	sdelay $0x4  }
0xe6: {  	v11 =	vld.idx.msk [tilespmem:v10+s7+$0x0], $0xffff;
	_ =	sdelay $0x4  }
0xe7: {  	v11 =	vsub.s32 v11, v9  }
0xe8: {  	vm2 =	vgt.s32 v11, $0x0  }
0xe9: {  	v11 =	vnsel vm2, $0x0, v11  }
0xea: {  	v11 =	vmin.u32 v11, $0x1FF  }
0xeb: {  	v12 =	vbroadcast v11, $0x0;
	_ =	sdelay $0x1  }
0xec: {  	v13 =	vshll.u32 v12, $0x3  }
0xed: {  	v12 =	vand.u32 $0x7F, v12;
	v13 =	vand.u32 $0xC00, v13  }
0xee: {  	v12 =	vor.u32 v12, v13  }
0xef: {  	p2 =	slt.s32 s6, $0x1;
	v13 =	vor.u32 v5, v12  }
0xf0: {  	s29 =	simm.s32 @!p2 $0x2  }
0xf1: {  	v10 =	vld.idx.msk [tilespmem:v10+s25+$0x0], $0xffff;
	_ =	swait.ge @!p2 [sflag:s29], $0x800  }
0xf2: {  	[sflag:s29] =	ssyncset.done @!p2 $0x0  }
0xf3: {  	[sflag:s29] =	ssyncadd.s32 @!p2 $0xFFFFF800  }
0xf4: {  	v13 =	vld.idx.msk [tilespmem:v13+s23+$0x0], $0xffff  }
0xf5: {  	v14 =	vor.u32 v6, v12;
	_ =	sdelay $0x3  }
0xf6: {  	[tilespmem:$0x1C000] =	vst v13  }
0xf7: {  	v13 =	vld.idx.msk [tilespmem:v14+s23+$0x0], $0xffff  }
0xf8: {  	v21 =	vor.u32 v7, v12;
	_ =	sdelay $0x3  }
0xf9: {  	[tilespmem:$0x1C010] =	vst v13  }
0xfa: {  	v13 =	vld.idx.msk [tilespmem:v21+s23+$0x0], $0xffff  }
0xfb: {  	v12 =	vor.u32 v8, v12  }
0xfc: {  	v22 =	vbroadcast v11, $0x1;
	_ =	sdelay $0x1  }
0xfd: {  	v15 =	vshll.u32 v22, $0x3  }
0xfe: {  	v23 =	vand.u32 $0x7F, v22;
	v24 =	vand.u32 $0xC00, v15;
	[tilespmem:$0x1C020] =	vst v13  }
0xff: {  	v13 =	vor.u32 v23, v24;
	v12 =	vld.idx.msk [tilespmem:v12+s23+$0x0], $0xffff  }
0x100: {  	v14 =	vor.u32 v5, v13;
	_ =	sdelay $0x3  }
0x101: {  	[tilespmem:$0x1C030] =	vst v12  }
0x102: {  	v12 =	vld.idx.msk [tilespmem:v14+s23+$0x0], $0xffff  }
0x103: {  	v25 =	vor.u32 v6, v13;
	_ =	sdelay $0x3  }
0x104: {  	[tilespmem:$0x1C080] =	vst v12  }
0x105: {  	v12 =	vld.idx.msk [tilespmem:v25+s23+$0x0], $0xffff  }
0x106: {  	v26 =	vor.u32 v7, v13;
	_ =	sdelay $0x3  }
0x107: {  	[tilespmem:$0x1C090] =	vst v12  }
0x108: {  	v12 =	vld.idx.msk [tilespmem:v26+s23+$0x0], $0xffff  }
0x109: {  	v13 =	vor.u32 v8, v13  }
0x10a: {  	v27 =	vbroadcast v11, $0x2;
	_ =	sdelay $0x1  }
0x10b: {  	v28 =	vshll.u32 v27, $0x3  }
0x10c: {  	v29 =	vand.u32 $0x7F, v27;
	v30 =	vand.u32 $0xC00, v28;
	[tilespmem:$0x1C0A0] =	vst v12  }
0x10d: {  	v12 =	vor.u32 v29, v30;
	v13 =	vld.idx.msk [tilespmem:v13+s23+$0x0], $0xffff  }
0x10e: {  	v14 =	vor.u32 v5, v12;
	_ =	sdelay $0x3  }
0x10f: {  	[tilespmem:$0x1C0B0] =	vst v13  }
0x110: {  	v13 =	vld.idx.msk [tilespmem:v14+s23+$0x0], $0xffff  }
0x111: {  	v31 =	vor.u32 v6, v12;
	_ =	sdelay $0x3  }
0x112: {  	[tilespmem:$0x1C100] =	vst v13  }
0x113: {  	v13 =	vld.idx.msk [tilespmem:v31+s23+$0x0], $0xffff  }
0x114: {  	v32 =	vor.u32 v7, v12;
	_ =	sdelay $0x3  }
0x115: {  	[tilespmem:$0x1C110] =	vst v13  }
0x116: {  	v13 =	vld.idx.msk [tilespmem:v32+s23+$0x0], $0xffff  }
0x117: {  	v12 =	vor.u32 v8, v12  }
0x118: {  	v33 =	vbroadcast v11, $0x3;
	_ =	sdelay $0x1  }
0x119: {  	v34 =	vshll.u32 v33, $0x3  }
0x11a: {  	v35 =	vand.u32 $0x7F, v33;
	v36 =	vand.u32 $0xC00, v34;
	[tilespmem:$0x1C120] =	vst v13  }
0x11b: {  	v13 =	vor.u32 v35, v36;
	v12 =	vld.idx.msk [tilespmem:v12+s23+$0x0], $0xffff  }
0x11c: {  	v14 =	vor.u32 v5, v13;
	_ =	sdelay $0x3  }
0x11d: {  	[tilespmem:$0x1C130] =	vst v12  }
0x11e: {  	v12 =	vld.idx.msk [tilespmem:v14+s23+$0x0], $0xffff  }
0x11f: {  	v37 =	vor.u32 v6, v13;
	_ =	sdelay $0x3  }
0x120: {  	[tilespmem:$0x1C180] =	vst v12  }
0x121: {  	v12 =	vld.idx.msk [tilespmem:v37+s23+$0x0], $0xffff  }
0x122: {  	v38 =	vor.u32 v7, v13;
	_ =	sdelay $0x3  }
0x123: {  	[tilespmem:$0x1C190] =	vst v12  }
0x124: {  	v12 =	vld.idx.msk [tilespmem:v38+s23+$0x0], $0xffff  }
0x125: {  	v13 =	vor.u32 v8, v13  }
0x126: {  	v39 =	vbroadcast v11, $0x4;
	_ =	sdelay $0x1  }
0x127: {  	v40 =	vshll.u32 v39, $0x3  }
0x128: {  	v41 =	vand.u32 $0x7F, v39;
	v42 =	vand.u32 $0xC00, v40;
	[tilespmem:$0x1C1A0] =	vst v12  }
0x129: {  	v12 =	vor.u32 v41, v42;
	v13 =	vld.idx.msk [tilespmem:v13+s23+$0x0], $0xffff  }
0x12a: {  	v14 =	vor.u32 v5, v12;
	_ =	sdelay $0x3  }
0x12b: {  	[tilespmem:$0x1C1B0] =	vst v13  }
0x12c: {  	v13 =	vld.idx.msk [tilespmem:v14+s23+$0x0], $0xffff  }
0x12d: {  	v43 =	vor.u32 v6, v12;
	_ =	sdelay $0x3  }
0x12e: {  	[tilespmem:$0x1C200] =	vst v13  }
0x12f: {  	v13 =	vld.idx.msk [tilespmem:v43+s23+$0x0], $0xffff  }
0x130: {  	v44 =	vor.u32 v7, v12;
	_ =	sdelay $0x3  }
0x131: {  	[tilespmem:$0x1C210] =	vst v13  }
0x132: {  	v13 =	vld.idx.msk [tilespmem:v44+s23+$0x0], $0xffff  }
0x133: {  	v12 =	vor.u32 v8, v12  }
0x134: {  	v45 =	vbroadcast v11, $0x5;
	_ =	sdelay $0x1  }
0x135: {  	v46 =	vshll.u32 v45, $0x3  }
0x136: {  	v47 =	vand.u32 $0x7F, v45;
	v48 =	vand.u32 $0xC00, v46;
	[tilespmem:$0x1C220] =	vst v13  }
0x137: {  	v13 =	vor.u32 v47, v48;
	v12 =	vld.idx.msk [tilespmem:v12+s23+$0x0], $0xffff  }
0x138: {  	v14 =	vor.u32 v5, v13;
	_ =	sdelay $0x3  }
0x139: {  	[tilespmem:$0x1C230] =	vst v12  }
0x13a: {  	v12 =	vld.idx.msk [tilespmem:v14+s23+$0x0], $0xffff  }
0x13b: {  	v49 =	vor.u32 v6, v13;
	_ =	sdelay $0x3  }
0x13c: {  	[tilespmem:$0x1C280] =	vst v12  }
0x13d: {  	v12 =	vld.idx.msk [tilespmem:v49+s23+$0x0], $0xffff  }
0x13e: {  	v50 =	vor.u32 v7, v13;
	_ =	sdelay $0x3  }
0x13f: {  	[tilespmem:$0x1C290] =	vst v12  }
0x140: {  	v12 =	vld.idx.msk [tilespmem:v50+s23+$0x0], $0xffff  }
0x141: {  	v13 =	vor.u32 v8, v13  }
0x142: {  	v51 =	vbroadcast v11, $0x6;
	_ =	sdelay $0x1  }
0x143: {  	v52 =	vshll.u32 v51, $0x3  }
0x144: {  	v53 =	vand.u32 $0x7F, v51;
	v54 =	vand.u32 $0xC00, v52;
	[tilespmem:$0x1C2A0] =	vst v12  }
0x145: {  	v12 =	vor.u32 v53, v54;
	v13 =	vld.idx.msk [tilespmem:v13+s23+$0x0], $0xffff  }
0x146: {  	v14 =	vor.u32 v5, v12;
	_ =	sdelay $0x3  }
0x147: {  	[tilespmem:$0x1C2B0] =	vst v13  }
0x148: {  	v13 =	vld.idx.msk [tilespmem:v14+s23+$0x0], $0xffff  }
0x149: {  	v55 =	vor.u32 v6, v12;
	_ =	sdelay $0x3  }
0x14a: {  	[tilespmem:$0x1C300] =	vst v13  }
0x14b: {  	v13 =	vld.idx.msk [tilespmem:v55+s23+$0x0], $0xffff  }
0x14c: {  	v56 =	vor.u32 v7, v12;
	_ =	sdelay $0x3  }
0x14d: {  	[tilespmem:$0x1C310] =	vst v13  }
0x14e: {  	v13 =	vld.idx.msk [tilespmem:v56+s23+$0x0], $0xffff  }
0x14f: {  	v12 =	vor.u32 v8, v12  }
0x150: {  	v57 =	vbroadcast v11, $0x7;
	_ =	sdelay $0x1  }
0x151: {  	v58 =	vshll.u32 v57, $0x3  }
0x152: {  	v59 =	vand.u32 $0x7F, v57;
	v60 =	vand.u32 $0xC00, v58;
	[tilespmem:$0x1C320] =	vst v13  }
0x153: {  	v13 =	vor.u32 v59, v60;
	v12 =	vld.idx.msk [tilespmem:v12+s23+$0x0], $0xffff  }
0x154: {  	v14 =	vor.u32 v5, v13;
	_ =	sdelay $0x3  }
0x155: {  	[tilespmem:$0x1C330] =	vst v12  }
0x156: {  	v12 =	vld.idx.msk [tilespmem:v14+s23+$0x0], $0xffff  }
0x157: {  	v61 =	vor.u32 v6, v13;
	_ =	sdelay $0x3  }
0x158: {  	[tilespmem:$0x1C380] =	vst v12  }
0x159: {  	v12 =	vld.idx.msk [tilespmem:v61+s23+$0x0], $0xffff  }
0x15a: {  	v62 =	vor.u32 v7, v13;
	_ =	sdelay $0x3  }
0x15b: {  	[tilespmem:$0x1C390] =	vst v12  }
0x15c: {  	v12 =	vld.idx.msk [tilespmem:v62+s23+$0x0], $0xffff  }
0x15d: {  	v13 =	vor.u32 v8, v13  }
0x15e: {  	v63 =	vbroadcast v11, $0x8;
	_ =	sdelay $0x1  }
0x15f: {  	v18 =	vshll.u32 v63, $0x3  }
0x160: {  	v19 =	vand.u32 $0x7F, v63;
	v20 =	vand.u32 $0xC00, v18;
	[tilespmem:$0x1C3A0] =	vst v12  }
0x161: {  	v12 =	vor.u32 v19, v20;
	v13 =	vld.idx.msk [tilespmem:v13+s23+$0x0], $0xffff  }
0x162: {  	v14 =	vor.u32 v5, v12;
	_ =	sdelay $0x3  }
0x163: {  	[tilespmem:$0x1C3B0] =	vst v13  }
0x164: {  	v13 =	vld.idx.msk [tilespmem:v14+s23+$0x0], $0xffff  }
0x165: {  	v21 =	vor.u32 v6, v12;
	_ =	sdelay $0x3  }
0x166: {  	[tilespmem:$0x1C400] =	vst v13  }
0x167: {  	v13 =	vld.idx.msk [tilespmem:v21+s23+$0x0], $0xffff  }
0x168: {  	v22 =	vor.u32 v7, v12;
	_ =	sdelay $0x3  }
0x169: {  	[tilespmem:$0x1C410] =	vst v13  }
0x16a: {  	v13 =	vld.idx.msk [tilespmem:v22+s23+$0x0], $0xffff  }
0x16b: {  	v12 =	vor.u32 v8, v12  }
0x16c: {  	v23 =	vbroadcast v11, $0x9;
	_ =	sdelay $0x1  }
0x16d: {  	v24 =	vshll.u32 v23, $0x3  }
0x16e: {  	v25 =	vand.u32 $0x7F, v23;
	v26 =	vand.u32 $0xC00, v24;
	[tilespmem:$0x1C420] =	vst v13  }
0x16f: {  	v13 =	vor.u32 v25, v26;
	v12 =	vld.idx.msk [tilespmem:v12+s23+$0x0], $0xffff  }
0x170: {  	v14 =	vor.u32 v5, v13;
	_ =	sdelay $0x3  }
0x171: {  	[tilespmem:$0x1C430] =	vst v12  }
0x172: {  	v12 =	vld.idx.msk [tilespmem:v14+s23+$0x0], $0xffff  }
0x173: {  	v27 =	vor.u32 v6, v13;
	_ =	sdelay $0x3  }
0x174: {  	[tilespmem:$0x1C480] =	vst v12  }
0x175: {  	v12 =	vld.idx.msk [tilespmem:v27+s23+$0x0], $0xffff  }
0x176: {  	v28 =	vor.u32 v7, v13;
	_ =	sdelay $0x3  }
0x177: {  	[tilespmem:$0x1C490] =	vst v12  }
0x178: {  	v12 =	vld.idx.msk [tilespmem:v28+s23+$0x0], $0xffff  }
0x179: {  	v13 =	vor.u32 v8, v13  }
0x17a: {  	v29 =	vbroadcast v11, $0xA;
	_ =	sdelay $0x1  }
0x17b: {  	v30 =	vshll.u32 v29, $0x3  }
0x17c: {  	v31 =	vand.u32 $0x7F, v29;
	v32 =	vand.u32 $0xC00, v30;
	[tilespmem:$0x1C4A0] =	vst v12  }
0x17d: {  	v12 =	vor.u32 v31, v32;
	v13 =	vld.idx.msk [tilespmem:v13+s23+$0x0], $0xffff  }
0x17e: {  	v14 =	vor.u32 v5, v12;
	_ =	sdelay $0x3  }
0x17f: {  	[tilespmem:$0x1C4B0] =	vst v13  }
0x180: {  	v13 =	vld.idx.msk [tilespmem:v14+s23+$0x0], $0xffff  }
0x181: {  	v33 =	vor.u32 v6, v12;
	_ =	sdelay $0x3  }
0x182: {  	[tilespmem:$0x1C500] =	vst v13  }
0x183: {  	v13 =	vld.idx.msk [tilespmem:v33+s23+$0x0], $0xffff  }
0x184: {  	v34 =	vor.u32 v7, v12;
	_ =	sdelay $0x3  }
0x185: {  	[tilespmem:$0x1C510] =	vst v13  }
0x186: {  	v13 =	vld.idx.msk [tilespmem:v34+s23+$0x0], $0xffff  }
0x187: {  	v12 =	vor.u32 v8, v12  }
0x188: {  	v35 =	vbroadcast v11, $0xB;
	_ =	sdelay $0x1  }
0x189: {  	v36 =	vshll.u32 v35, $0x3  }
0x18a: {  	v37 =	vand.u32 $0x7F, v35;
	v38 =	vand.u32 $0xC00, v36;
	[tilespmem:$0x1C520] =	vst v13  }
0x18b: {  	v13 =	vor.u32 v37, v38;
	v12 =	vld.idx.msk [tilespmem:v12+s23+$0x0], $0xffff  }
0x18c: {  	v14 =	vor.u32 v5, v13;
	_ =	sdelay $0x3  }
0x18d: {  	[tilespmem:$0x1C530] =	vst v12  }
0x18e: {  	v12 =	vld.idx.msk [tilespmem:v14+s23+$0x0], $0xffff  }
0x18f: {  	v39 =	vor.u32 v6, v13;
	_ =	sdelay $0x3  }
0x190: {  	[tilespmem:$0x1C580] =	vst v12  }
0x191: {  	v12 =	vld.idx.msk [tilespmem:v39+s23+$0x0], $0xffff  }
0x192: {  	v40 =	vor.u32 v7, v13;
	_ =	sdelay $0x3  }
0x193: {  	[tilespmem:$0x1C590] =	vst v12  }
0x194: {  	v12 =	vld.idx.msk [tilespmem:v40+s23+$0x0], $0xffff  }
0x195: {  	v13 =	vor.u32 v8, v13  }
0x196: {  	v41 =	vbroadcast v11, $0xC;
	_ =	sdelay $0x1  }
0x197: {  	v42 =	vshll.u32 v41, $0x3  }
0x198: {  	v43 =	vand.u32 $0x7F, v41;
	v44 =	vand.u32 $0xC00, v42;
	[tilespmem:$0x1C5A0] =	vst v12  }
0x199: {  	v12 =	vor.u32 v43, v44;
	v13 =	vld.idx.msk [tilespmem:v13+s23+$0x0], $0xffff  }
0x19a: {  	v14 =	vor.u32 v5, v12;
	_ =	sdelay $0x3  }
0x19b: {  	[tilespmem:$0x1C5B0] =	vst v13  }
0x19c: {  	v13 =	vld.idx.msk [tilespmem:v14+s23+$0x0], $0xffff  }
0x19d: {  	v45 =	vor.u32 v6, v12;
	_ =	sdelay $0x3  }
0x19e: {  	[tilespmem:$0x1C600] =	vst v13  }
0x19f: {  	v13 =	vld.idx.msk [tilespmem:v45+s23+$0x0], $0xffff  }
0x1a0: {  	v46 =	vor.u32 v7, v12;
	_ =	sdelay $0x3  }
0x1a1: {  	[tilespmem:$0x1C610] =	vst v13  }
0x1a2: {  	v13 =	vld.idx.msk [tilespmem:v46+s23+$0x0], $0xffff  }
0x1a3: {  	v12 =	vor.u32 v8, v12  }
0x1a4: {  	v47 =	vbroadcast v11, $0xD;
	_ =	sdelay $0x1  }
0x1a5: {  	v48 =	vshll.u32 v47, $0x3  }
0x1a6: {  	v49 =	vand.u32 $0x7F, v47;
	v50 =	vand.u32 $0xC00, v48;
	[tilespmem:$0x1C620] =	vst v13  }
0x1a7: {  	v13 =	vor.u32 v49, v50;
	v12 =	vld.idx.msk [tilespmem:v12+s23+$0x0], $0xffff  }
0x1a8: {  	v14 =	vor.u32 v5, v13;
	_ =	sdelay $0x3  }
0x1a9: {  	[tilespmem:$0x1C630] =	vst v12  }
0x1aa: {  	v12 =	vld.idx.msk [tilespmem:v14+s23+$0x0], $0xffff  }
0x1ab: {  	v51 =	vor.u32 v6, v13;
	_ =	sdelay $0x3  }
0x1ac: {  	[tilespmem:$0x1C680] =	vst v12  }
0x1ad: {  	v12 =	vld.idx.msk [tilespmem:v51+s23+$0x0], $0xffff  }
0x1ae: {  	v52 =	vor.u32 v7, v13;
	_ =	sdelay $0x3  }
0x1af: {  	[tilespmem:$0x1C690] =	vst v12  }
0x1b0: {  	v12 =	vld.idx.msk [tilespmem:v52+s23+$0x0], $0xffff  }
0x1b1: {  	v13 =	vor.u32 v8, v13  }
0x1b2: {  	v53 =	vbroadcast v11, $0xE;
	_ =	sdelay $0x1  }
0x1b3: {  	v54 =	vshll.u32 v53, $0x3  }
0x1b4: {  	v55 =	vand.u32 $0x7F, v53;
	v56 =	vand.u32 $0xC00, v54;
	[tilespmem:$0x1C6A0] =	vst v12  }
0x1b5: {  	v12 =	vor.u32 v55, v56;
	v13 =	vld.idx.msk [tilespmem:v13+s23+$0x0], $0xffff  }
0x1b6: {  	v14 =	vor.u32 v5, v12;
	_ =	sdelay $0x3  }
0x1b7: {  	[tilespmem:$0x1C6B0] =	vst v13  }
0x1b8: {  	v13 =	vld.idx.msk [tilespmem:v14+s23+$0x0], $0xffff  }
0x1b9: {  	v57 =	vor.u32 v6, v12;
	_ =	sdelay $0x3  }
0x1ba: {  	[tilespmem:$0x1C700] =	vst v13  }
0x1bb: {  	v13 =	vld.idx.msk [tilespmem:v57+s23+$0x0], $0xffff  }
0x1bc: {  	v58 =	vor.u32 v7, v12;
	_ =	sdelay $0x3  }
0x1bd: {  	[tilespmem:$0x1C710] =	vst v13  }
0x1be: {  	v13 =	vld.idx.msk [tilespmem:v58+s23+$0x0], $0xffff  }
0x1bf: {  	v12 =	vor.u32 v8, v12  }
0x1c0: {  	v11 =	vbroadcast v11, $0xF;
	_ =	sdelay $0x1  }
0x1c1: {  	v59 =	vshll.u32 v11, $0x3  }
0x1c2: {  	v11 =	vand.u32 $0x7F, v11;
	v60 =	vand.u32 $0xC00, v59;
	[tilespmem:$0x1C720] =	vst v13  }
0x1c3: {  	v11 =	vor.u32 v11, v60;
	v12 =	vld.idx.msk [tilespmem:v12+s23+$0x0], $0xffff  }
0x1c4: {  	v13 =	vor.u32 v5, v11;
	_ =	sdelay $0x3  }
0x1c5: {  	[tilespmem:$0x1C730] =	vst v12  }
0x1c6: {  	v12 =	vld.idx.msk [tilespmem:v13+s23+$0x0], $0xffff  }
0x1c7: {  	v61 =	vor.u32 v6, v11;
	_ =	sdelay $0x3  }
0x1c8: {  	[tilespmem:$0x1C780] =	vst v12  }
0x1c9: {  	v12 =	vld.idx.msk [tilespmem:v61+s23+$0x0], $0xffff  }
0x1ca: {  	v62 =	vor.u32 v7, v11;
	_ =	sdelay $0x3  }
0x1cb: {  	[tilespmem:$0x1C790] =	vst v12  }
0x1cc: {  	v12 =	vld.idx.msk [tilespmem:v62+s23+$0x0], $0xffff  }
0x1cd: {  	v11 =	vor.u32 v8, v11;
	_ =	sdelay $0x3  }
0x1ce: {  	v63 =	vmov s11;
	[tilespmem:$0x1C7A0] =	vst v12  }
0x1cf: {  	s12 =	sadd.s32 $0xFFFFFFFF, s12;
	vm2 =	vgt.s32 v63, v4;
	v11 =	vld.idx.msk [tilespmem:v11+s23+$0x0], $0xffff  }
0x1d0: {  	p2 =	sne.s32 s12, $0x0;
	v10 =	vsel vm2, v10, v2  }
.Ltmp10:
0x1d1: {  	_ = 	snop;
	(pc) =	sbr.rel @p2 .LBB2_13-.Ltmp10, $3  }
0x1d2: {  	_ =	sdelay $0x1  }
0x1d3: {  	s6 =	sadd.s32 $0x1, s6;
	s10 =	sadd.s32 $0x10, s10;
	s11 =	sadd.s32 $0xFFFFFFF0, s11;
	[tilespmem:$0x1C7B0] =	vst v11  }
0x1d4: {  	[hbm4b:s8+s7] =	stream.indirect_vreg.scatter [tilespmem:s28], [sflag:$0x2], $0x80, v10, vm1, $0xb8;
	[tilespmem:$0x1C800] =	vst v63  }
0x1d5: {  	s6 =	sadd.s32 s21, s20  }
0x1d6: {  	s20 =	sadd.s32 s22, s6  }
.LBB2_15:
0x1d7: {  	s6 =	sadd.s32 $0x2, s5  }
0x1d8: {  	p2 =	sge.u32 s6, s9  }
0x1d9: {  	s6 =	sadd.s32 @!p2 s3, s6  }
0x1da: {  	s10 =	sshllo.u32 s0, $0x1;
	s6 =	sshll.u32 @!p2 s6, $0x9  }
0x1db: {  	p6 =	seq.s32 s10, s1;
	s11 =	simm.s32 @!p2 $0x1000;
	s6 =	sand.u32 @!p2 $0x1FFFFE00, s6  }
0x1dc: {  	s12 =	simm.s32 @!p2 $0x7A1400;
	s21 =	simm.s32 @!p2 $0xC000;
	s6 =	sadd.s32 @!p2 s2, s6  }
0x1dd: {  	[tilespmem:s21], [sflag:$0x1] =	stream.strided.gather @!p2 [hbm4b:s6+s11], $0x8000, s12, s11, $0x38;
	[tilespmem:$0x1C800] =	vst v63  }
0x1de: {  	p2 =	por !p0, !p6  }
0x1df: {  	p3 =	sge.u32 s10, s9;
	p2 =	por !p2, !p2  }
0x1e0: {  	s6 =	simm.s32 @!p3 $0x1;
	p4 =	por !p2, p3  }
0x1e1: {  	s6 =	simm.s32 @p4 $0x0  }
0x1e2: {  	p4 =	seq.s32 @!p3 s6, $0x1  }
0x1e3: {  	p3 =	por p4, p3  }
0x1e4: {  	s6 =	simm.s32 @!p3 $0x1  }
0x1e5: {  	_ =	swait.ge @!p3 [sflag:s6], $0x8000  }
.Ltmp11:
0x1e6: {  	[sflag:s6] =	ssyncset.done @!p3 $0x0;
	(pc) =	sbr.rel @p1 .LBB2_16-.Ltmp11, $4  }
0x1e7: {  	[sflag:s6] =	ssyncadd.s32 @!p3 $0xFFFF8000;
	s6 =	simm.s32 @p2 $0x1  }
0x1e8: {  	_ =	swait.ge @p2 [sflag:s6], $0x2000  }
0x1e9: {  	s29 =	sadd.s32 s3, s10;
	[sflag:s6] =	ssyncset.done @p2 $0x0  }
0x1ea: {  	[sflag:s6] =	ssyncadd.s32 @p2 $0xFFFFE000;
	s6 =	sshll.u32 s29, $0x9  }
0x1eb: {  	p4 =	sne.s32 s31, $0x1  }
.Ltmp12:
0x1ec: {  	_ = 	snop;
	(pc) =	sbr.rel @!p4 .LBB2_18-.Ltmp12, $4  }
0x1ed: {  	_ = 	snop  }
0x1ee: {  	s11 =	sadd.s32 $0x200, s6;
	p3 =	slt.u32 s10, s9;
	s12 =	smov.u32 s6  }
0x1ef: {  	vm2 =	vmmov vm0;
	s10 =	simm.s32 $0x0;
	s11 =	simm.s32 @p2 $0xF4240;
	s12 =	simm.s32 @p2 $0xF4200  }
0x1f0: {  	vm2 =	vmneg @p3 vm2;
	v11 =	vld [tilespmem:s10+$0x0];
	p3 =	por $0x0, $0x0;
	v10 =	vmov s12;
	v9 =	vmov s11;
	s11 =	sadd.s32 $0xFFFFFFFF, s31  }
0x1f1: {  	_ =	sdelay $0x2  }
0x1f2: {  	v12 =	vmov s30  }
0x1f3: {  	vm3 =	vgt.s32 v12, v4;
	vm4 =	vge.s32 v11, v10  }
0x1f4: {  	vm14 =	vlt.s32 v11, v9;
	vm3 =	vmand vm3, vm4  }
0x1f5: {  	vm3 =	vmand vm14, vm3  }
0x1f6: {  	vm3 =	vmand vm2, vm3  }
0x1f7: {  	v11 =	vsel vm3, $0x1, v3  }
0x1f8: {  	(xrf0) =	vadd.scan.msk.s32 $0xffff, v11;
	_ =	sdelay $0x2  }
0x1f9: {  	v11 =	vmov s10  }
0x1fa: {  	v11 =	vadd.s32 $0xFFFFFFFF, v11  }
0x1fb: {  	v11 =	vbroadcast v11, $0x0  }
0x1fc: {  	v63, _, _ =	vpop (xrf0)  }
0x1fd: {  	v11 =	vadd.s32 v63, v11;
	(v2sf) =	vpush v63, $0xF  }
0x1fe: {  	vm15 =	vgt.s32 v11, $0x0  }
0x1ff: {  	v11 =	vnsel vm15, $0x0, v11  }
0x200: {  	v11 =	vmin.u32 v11, $0x3FFF  }
0x201: {  	p4 =	sne.s32 s11, $0x1  }
.Ltmp13:
0x202: {  	_ = 	snop;
	(pc) =	sbr.rel @!p4 .LBB2_20-.Ltmp13, $4  }
0x203: {  	_ = 	snop  }
0x204: {  	v13 =	vor.u32 s10, v4  }
0x205: {  	s22 =	simm.s32 $0x10;
	s29 =	sadd.s32 $0xFFFFFFFF, s11;
	p3 =	por $0x1, $0x1;
	[tilespmem:v11+s26+$0x0] =	vst.idx.msk vm3, v13  }
0x206: {  	s21 =	smov.u32 s30;
	s12 =	simm.s32 $0x0;
	s11 =	simm.s32 $0x0;
	v11 =	vld [tilespmem:s22+$0x0]  }
.LBB2_21:
0x207: {  	p4 =	sne.s32 s29, $0x1;
	_ =	sdelay $0x1  }
0x208: {  	s21 =	sadd.s32 $0xFFFFFFF0, s21  }
0x209: {  	v12 =	vmov s21  }
0x20a: {  	vm3 =	vgt.s32 v12, v4;
	vm4 =	vge.s32 v11, v10  }
0x20b: {  	vm3 =	vmand vm3, vm4;
	vm4 =	vlt.s32 v11, v9;
	s4 =	spop (v2sf)  }
0x20c: {  	vm3 =	vmand vm4, vm3;
	s12 =	sadd.s32 s12, s4  }
0x20d: {  	vm3 =	vmand vm2, vm3;
	v11 =	vmov s12  }
0x20e: {  	v12 =	vsel vm3, $0x1, v3;
	v11 =	vadd.s32 $0xFFFFFFFF, v11  }
0x20f: {  	v11 =	vbroadcast v11, $0x0;
	(xrf0) =	vadd.scan.msk.s32 $0xffff, v12;
	_ =	sdelay $0x5  }
0x210: {  	v12, _, _ =	vpop (xrf0)  }
0x211: {  	v11 =	vadd.s32 v12, v11;
	(v2sf) =	vpush v12, $0xF  }
0x212: {  	vm4 =	vgt.s32 v11, $0x0  }
0x213: {  	v11 =	vnsel vm4, $0x0, v11  }
0x214: {  	v11 =	vmin.u32 v11, $0x3FFF;
	_ =	sdelay $0x1  }
.Ltmp14:
0x215: {  	(pc) =	sbr.rel @p4 .LBB2_21-.Ltmp14, $4  }
0x216: {  	s11 =	sadd.s32 $0x10, s11  }
0x217: {  	v12 =	vor.u32 s11, v4  }
0x218: {  	s22 =	sadd.s32 $0x10, s22;
	[tilespmem:v11+s26+$0x0] =	vst.idx.msk vm3, v12  }
0x219: {  	s29 =	sadd.s32 $0xFFFFFFFF, s29;
	v11 =	vld [tilespmem:s22+$0x0]  }
.LBB2_22:
0x21a: {  	_ = 	snop  }
0x21b: {  	s4 =	sadd.s32 @p3 $0xFFFFFFF0, s21;
	s21 =	smov.u32 s30  }
0x21c: {  	s21 =	smov.u32 @p3 s4  }
0x21d: {  	v12 =	vmov s21  }
0x21e: {  	vm3 =	vgt.s32 v12, v4;
	vm4 =	vge.s32 v11, v10  }
0x21f: {  	vm15 =	vlt.s32 v11, v9;
	vm3 =	vmand vm3, vm4  }
0x220: {  	vm3 =	vmand vm15, vm3  }
0x221: {  	vm2 =	vmand vm2, vm3  }
0x222: {  	v9 =	vsel vm2, $0x1, v3  }
0x223: {  	(xrf0) =	vadd.scan.msk.s32 $0xffff, v9;
	_ =	sdelay $0x5  }
0x224: {  	v9, _, _ =	vpop (xrf0)  }
0x225: {  	(v2sf) =	vpush v9, $0xF  }
0x226: {  	s4 =	spop @p3 (v2sf)  }
0x227: {  	s4 =	sadd.s32 @p3 s12, s4;
	s12 =	simm.s32 $0x0  }
0x228: {  	s12 =	smov.u32 @p3 s4  }
0x229: {  	v10 =	vmov s12  }
0x22a: {  	v10 =	vadd.s32 $0xFFFFFFFF, v10  }
0x22b: {  	v10 =	vbroadcast v10, $0x0;
	_ =	sdelay $0x1  }
0x22c: {  	v9 =	vadd.s32 v9, v10  }
0x22d: {  	vm3 =	vgt.s32 v9, $0x0  }
0x22e: {  	v9 =	vnsel vm3, $0x0, v9  }
0x22f: {  	v9 =	vmin.u32 v9, $0x3FFF  }
.Ltmp15:
0x230: {  	_ = 	snop;
	(pc) =	sbr.rel .LBB2_23-.Ltmp15, $4  }
0x231: {  	s4 =	sadd.s32 @p3 $0x10, s11  }
0x232: {  	s10 =	smov.u32 @p3 s4  }
0x233: {  	v10 =	vor.u32 s10, v4;
	s29 =	spop (v2sf)  }
0x234: {  	[tilespmem:v9+s26+$0x0] =	vst.idx.msk vm2, v10;
	s11 =	sadd.s32 s12, s29  }
.LBB2_16:
0x235: {  	s11 =	simm.s32 $0x0  }
.LBB2_23:
0x236: {  	s4 =	sadd.s32 $0xF, s11  }
0x237: {  	s10 =	sand.u32 $0xF, s4  }
0x238: {  	s12 =	sshra.s32 s4, $0x1F;
	p3 =	slt.s32 s4, $0x1;
	p4 =	sne.s32 s10, $0x0  }
0x239: {  	s29 =	sshrl.u32 s12, $0x1C;
	p3 =	por !p3, !p4  }
0x23a: {  	s10 =	simm.s32 $0x1;
	s4 =	sadd.s32 s29, s4;
	p3 =	por !p3, !p3  }
0x23b: {  	s4 =	sshra.s32 s4, $0x4;
	s10 =	simm.s32 @!p3 $0x0  }
0x23c: {  	s21 =	ssub.s32 s4, s10  }
0x23d: {  	p3 =	slt.s32 s21, $0x1  }
.Ltmp16:
0x23e: {  	_ = 	snop;
	(pc) =	sbr.rel @p3 .LBB2_26-.Ltmp16, $1  }
0x23f: {  	_ =	sdelay $0x3  }
0x240: {  	s4 =	simm.s32 $0x1FF  }
0x241: {  	s6 =	simm.s32 @p2 $0xF41C0;
	s4 =	simm.s32 @p2 $0x7F  }
0x242: {  	v9 =	vmov s6;
	s6 =	simm.s32 $0x8000;
	v10 =	vmov s4  }
.LBB2_25:
0x243: {  	v11 =	vld [tilespmem:s6+$0x0];
	_ =	sdelay $0x4  }
0x244: {  	vm2 =	vgt.s32 v11, $0x0  }
0x245: {  	v11 =	vnsel vm2, $0x0, v11  }
0x246: {  	v11 =	vmin.u32 v11, $0x3FFF;
	_ =	sdelay $0x4  }
0x247: {  	v12 =	vld.idx.msk [tilespmem:v11+s7+$0x0], $0xffff;
	_ =	sdelay $0x4  }
0x248: {  	v12 =	vsub.s32 v12, v9  }
0x249: {  	vm2 =	vgt.s32 v12, $0x0  }
0x24a: {  	v12 =	vnsel vm2, $0x0, v12  }
0x24b: {  	v12 =	vmin.u32 v10, v12  }
0x24c: {  	v13 =	vbroadcast v12, $0x0;
	_ =	sdelay $0x1  }
0x24d: {  	v14 =	vshll.u32 v13, $0x3  }
0x24e: {  	v13 =	vand.u32 $0x7F, v13;
	v14 =	vand.u32 $0x7FFFFC00, v14  }
0x24f: {  	v13 =	vor.u32 v13, v14  }
0x250: {  	p2 =	slt.s32 s20, $0x1;
	v14 =	vor.u32 v5, v13  }
0x251: {  	s4 =	simm.s32 @!p2 $0x2  }
0x252: {  	v11 =	vld.idx.msk [tilespmem:v11+s25+$0x0], $0xffff;
	_ =	swait.ge @!p2 [sflag:s4], $0x800  }
0x253: {  	[sflag:s4] =	ssyncset.done @!p2 $0x0  }
0x254: {  	[sflag:s4] =	ssyncadd.s32 @!p2 $0xFFFFF800  }
0x255: {  	v14 =	vld.idx.msk [tilespmem:v14+s24+$0x0], $0xffff  }
0x256: {  	v15 =	vor.u32 v6, v13;
	_ =	sdelay $0x3  }
0x257: {  	[tilespmem:$0x1C000] =	vst v14  }
0x258: {  	v14 =	vld.idx.msk [tilespmem:v15+s24+$0x0], $0xffff  }
0x259: {  	v20 =	vor.u32 v7, v13;
	_ =	sdelay $0x3  }
0x25a: {  	[tilespmem:$0x1C010] =	vst v14  }
0x25b: {  	v14 =	vld.idx.msk [tilespmem:v20+s24+$0x0], $0xffff  }
0x25c: {  	v13 =	vor.u32 v8, v13  }
0x25d: {  	v21 =	vbroadcast v12, $0x1;
	_ =	sdelay $0x1  }
0x25e: {  	v16 =	vshll.u32 v21, $0x3  }
0x25f: {  	v22 =	vand.u32 $0x7F, v21;
	v23 =	vand.u32 $0x7FFFFC00, v16;
	[tilespmem:$0x1C020] =	vst v14  }
0x260: {  	v14 =	vor.u32 v22, v23;
	v13 =	vld.idx.msk [tilespmem:v13+s24+$0x0], $0xffff  }
0x261: {  	v15 =	vor.u32 v5, v14;
	_ =	sdelay $0x3  }
0x262: {  	[tilespmem:$0x1C030] =	vst v13  }
0x263: {  	v13 =	vld.idx.msk [tilespmem:v15+s24+$0x0], $0xffff  }
0x264: {  	v24 =	vor.u32 v6, v14;
	_ =	sdelay $0x3  }
0x265: {  	[tilespmem:$0x1C080] =	vst v13  }
0x266: {  	v13 =	vld.idx.msk [tilespmem:v24+s24+$0x0], $0xffff  }
0x267: {  	v25 =	vor.u32 v7, v14;
	_ =	sdelay $0x3  }
0x268: {  	[tilespmem:$0x1C090] =	vst v13  }
0x269: {  	v13 =	vld.idx.msk [tilespmem:v25+s24+$0x0], $0xffff  }
0x26a: {  	v14 =	vor.u32 v8, v14  }
0x26b: {  	v26 =	vbroadcast v12, $0x2;
	_ =	sdelay $0x1  }
0x26c: {  	v27 =	vshll.u32 v26, $0x3  }
0x26d: {  	v28 =	vand.u32 $0x7F, v26;
	v29 =	vand.u32 $0x7FFFFC00, v27;
	[tilespmem:$0x1C0A0] =	vst v13  }
0x26e: {  	v13 =	vor.u32 v28, v29;
	v14 =	vld.idx.msk [tilespmem:v14+s24+$0x0], $0xffff  }
0x26f: {  	v15 =	vor.u32 v5, v13;
	_ =	sdelay $0x3  }
0x270: {  	[tilespmem:$0x1C0B0] =	vst v14  }
0x271: {  	v14 =	vld.idx.msk [tilespmem:v15+s24+$0x0], $0xffff  }
0x272: {  	v30 =	vor.u32 v6, v13;
	_ =	sdelay $0x3  }
0x273: {  	[tilespmem:$0x1C100] =	vst v14  }
0x274: {  	v14 =	vld.idx.msk [tilespmem:v30+s24+$0x0], $0xffff  }
0x275: {  	v31 =	vor.u32 v7, v13;
	_ =	sdelay $0x3  }
0x276: {  	[tilespmem:$0x1C110] =	vst v14  }
0x277: {  	v14 =	vld.idx.msk [tilespmem:v31+s24+$0x0], $0xffff  }
0x278: {  	v13 =	vor.u32 v8, v13  }
0x279: {  	v32 =	vbroadcast v12, $0x3;
	_ =	sdelay $0x1  }
0x27a: {  	v33 =	vshll.u32 v32, $0x3  }
0x27b: {  	v34 =	vand.u32 $0x7F, v32;
	v35 =	vand.u32 $0x7FFFFC00, v33;
	[tilespmem:$0x1C120] =	vst v14  }
0x27c: {  	v14 =	vor.u32 v34, v35;
	v13 =	vld.idx.msk [tilespmem:v13+s24+$0x0], $0xffff  }
0x27d: {  	v15 =	vor.u32 v5, v14;
	_ =	sdelay $0x3  }
0x27e: {  	[tilespmem:$0x1C130] =	vst v13  }
0x27f: {  	v13 =	vld.idx.msk [tilespmem:v15+s24+$0x0], $0xffff  }
0x280: {  	v36 =	vor.u32 v6, v14;
	_ =	sdelay $0x3  }
0x281: {  	[tilespmem:$0x1C180] =	vst v13  }
0x282: {  	v13 =	vld.idx.msk [tilespmem:v36+s24+$0x0], $0xffff  }
0x283: {  	v37 =	vor.u32 v7, v14;
	_ =	sdelay $0x3  }
0x284: {  	[tilespmem:$0x1C190] =	vst v13  }
0x285: {  	v13 =	vld.idx.msk [tilespmem:v37+s24+$0x0], $0xffff  }
0x286: {  	v14 =	vor.u32 v8, v14  }
0x287: {  	v38 =	vbroadcast v12, $0x4;
	_ =	sdelay $0x1  }
0x288: {  	v39 =	vshll.u32 v38, $0x3  }
0x289: {  	v40 =	vand.u32 $0x7F, v38;
	v41 =	vand.u32 $0x7FFFFC00, v39;
	[tilespmem:$0x1C1A0] =	vst v13  }
0x28a: {  	v13 =	vor.u32 v40, v41;
	v14 =	vld.idx.msk [tilespmem:v14+s24+$0x0], $0xffff  }
0x28b: {  	v15 =	vor.u32 v5, v13;
	_ =	sdelay $0x3  }
0x28c: {  	[tilespmem:$0x1C1B0] =	vst v14  }
0x28d: {  	v14 =	vld.idx.msk [tilespmem:v15+s24+$0x0], $0xffff  }
0x28e: {  	v42 =	vor.u32 v6, v13;
	_ =	sdelay $0x3  }
0x28f: {  	[tilespmem:$0x1C200] =	vst v14  }
0x290: {  	v14 =	vld.idx.msk [tilespmem:v42+s24+$0x0], $0xffff  }
0x291: {  	v43 =	vor.u32 v7, v13;
	_ =	sdelay $0x3  }
0x292: {  	[tilespmem:$0x1C210] =	vst v14  }
0x293: {  	v14 =	vld.idx.msk [tilespmem:v43+s24+$0x0], $0xffff  }
0x294: {  	v13 =	vor.u32 v8, v13  }
0x295: {  	v44 =	vbroadcast v12, $0x5;
	_ =	sdelay $0x1  }
0x296: {  	v45 =	vshll.u32 v44, $0x3  }
0x297: {  	v46 =	vand.u32 $0x7F, v44;
	v47 =	vand.u32 $0x7FFFFC00, v45;
	[tilespmem:$0x1C220] =	vst v14  }
0x298: {  	v14 =	vor.u32 v46, v47;
	v13 =	vld.idx.msk [tilespmem:v13+s24+$0x0], $0xffff  }
0x299: {  	v15 =	vor.u32 v5, v14;
	_ =	sdelay $0x3  }
0x29a: {  	[tilespmem:$0x1C230] =	vst v13  }
0x29b: {  	v13 =	vld.idx.msk [tilespmem:v15+s24+$0x0], $0xffff  }
0x29c: {  	v48 =	vor.u32 v6, v14;
	_ =	sdelay $0x3  }
0x29d: {  	[tilespmem:$0x1C280] =	vst v13  }
0x29e: {  	v13 =	vld.idx.msk [tilespmem:v48+s24+$0x0], $0xffff  }
0x29f: {  	v49 =	vor.u32 v7, v14;
	_ =	sdelay $0x3  }
0x2a0: {  	[tilespmem:$0x1C290] =	vst v13  }
0x2a1: {  	v13 =	vld.idx.msk [tilespmem:v49+s24+$0x0], $0xffff  }
0x2a2: {  	v14 =	vor.u32 v8, v14  }
0x2a3: {  	v50 =	vbroadcast v12, $0x6;
	_ =	sdelay $0x1  }
0x2a4: {  	v51 =	vshll.u32 v50, $0x3  }
0x2a5: {  	v52 =	vand.u32 $0x7F, v50;
	v53 =	vand.u32 $0x7FFFFC00, v51;
	[tilespmem:$0x1C2A0] =	vst v13  }
0x2a6: {  	v13 =	vor.u32 v52, v53;
	v14 =	vld.idx.msk [tilespmem:v14+s24+$0x0], $0xffff  }
0x2a7: {  	v15 =	vor.u32 v5, v13;
	_ =	sdelay $0x3  }
0x2a8: {  	[tilespmem:$0x1C2B0] =	vst v14  }
0x2a9: {  	v14 =	vld.idx.msk [tilespmem:v15+s24+$0x0], $0xffff  }
0x2aa: {  	v54 =	vor.u32 v6, v13;
	_ =	sdelay $0x3  }
0x2ab: {  	[tilespmem:$0x1C300] =	vst v14  }
0x2ac: {  	v14 =	vld.idx.msk [tilespmem:v54+s24+$0x0], $0xffff  }
0x2ad: {  	v55 =	vor.u32 v7, v13;
	_ =	sdelay $0x3  }
0x2ae: {  	[tilespmem:$0x1C310] =	vst v14  }
0x2af: {  	v14 =	vld.idx.msk [tilespmem:v55+s24+$0x0], $0xffff  }
0x2b0: {  	v13 =	vor.u32 v8, v13  }
0x2b1: {  	v56 =	vbroadcast v12, $0x7;
	_ =	sdelay $0x1  }
0x2b2: {  	v57 =	vshll.u32 v56, $0x3  }
0x2b3: {  	v58 =	vand.u32 $0x7F, v56;
	v59 =	vand.u32 $0x7FFFFC00, v57;
	[tilespmem:$0x1C320] =	vst v14  }
0x2b4: {  	v14 =	vor.u32 v58, v59;
	v13 =	vld.idx.msk [tilespmem:v13+s24+$0x0], $0xffff  }
0x2b5: {  	v15 =	vor.u32 v5, v14;
	_ =	sdelay $0x3  }
0x2b6: {  	[tilespmem:$0x1C330] =	vst v13  }
0x2b7: {  	v13 =	vld.idx.msk [tilespmem:v15+s24+$0x0], $0xffff  }
0x2b8: {  	v60 =	vor.u32 v6, v14;
	_ =	sdelay $0x3  }
0x2b9: {  	[tilespmem:$0x1C380] =	vst v13  }
0x2ba: {  	v13 =	vld.idx.msk [tilespmem:v60+s24+$0x0], $0xffff  }
0x2bb: {  	v61 =	vor.u32 v7, v14;
	_ =	sdelay $0x3  }
0x2bc: {  	[tilespmem:$0x1C390] =	vst v13  }
0x2bd: {  	v13 =	vld.idx.msk [tilespmem:v61+s24+$0x0], $0xffff  }
0x2be: {  	v14 =	vor.u32 v8, v14  }
0x2bf: {  	v62 =	vbroadcast v12, $0x8;
	_ =	sdelay $0x1  }
0x2c0: {  	v63 =	vshll.u32 v62, $0x3  }
0x2c1: {  	v19 =	vand.u32 $0x7F, v62;
	v20 =	vand.u32 $0x7FFFFC00, v63;
	[tilespmem:$0x1C3A0] =	vst v13  }
0x2c2: {  	v13 =	vor.u32 v19, v20;
	v14 =	vld.idx.msk [tilespmem:v14+s24+$0x0], $0xffff  }
0x2c3: {  	v15 =	vor.u32 v5, v13;
	_ =	sdelay $0x3  }
0x2c4: {  	[tilespmem:$0x1C3B0] =	vst v14  }
0x2c5: {  	v14 =	vld.idx.msk [tilespmem:v15+s24+$0x0], $0xffff  }
0x2c6: {  	v21 =	vor.u32 v6, v13;
	_ =	sdelay $0x3  }
0x2c7: {  	[tilespmem:$0x1C400] =	vst v14  }
0x2c8: {  	v14 =	vld.idx.msk [tilespmem:v21+s24+$0x0], $0xffff  }
0x2c9: {  	v22 =	vor.u32 v7, v13;
	_ =	sdelay $0x3  }
0x2ca: {  	[tilespmem:$0x1C410] =	vst v14  }
0x2cb: {  	v14 =	vld.idx.msk [tilespmem:v22+s24+$0x0], $0xffff  }
0x2cc: {  	v13 =	vor.u32 v8, v13  }
0x2cd: {  	v23 =	vbroadcast v12, $0x9;
	_ =	sdelay $0x1  }
0x2ce: {  	v24 =	vshll.u32 v23, $0x3  }
0x2cf: {  	v26 =	vand.u32 $0x7FFFFC00, v24;
	v25 =	vand.u32 $0x7F, v23;
	[tilespmem:$0x1C420] =	vst v14  }
0x2d0: {  	v14 =	vor.u32 v25, v26;
	v13 =	vld.idx.msk [tilespmem:v13+s24+$0x0], $0xffff  }
0x2d1: {  	v15 =	vor.u32 v5, v14;
	_ =	sdelay $0x3  }
0x2d2: {  	[tilespmem:$0x1C430] =	vst v13  }
0x2d3: {  	v13 =	vld.idx.msk [tilespmem:v15+s24+$0x0], $0xffff  }
0x2d4: {  	v27 =	vor.u32 v6, v14;
	_ =	sdelay $0x3  }
0x2d5: {  	[tilespmem:$0x1C480] =	vst v13  }
0x2d6: {  	v13 =	vld.idx.msk [tilespmem:v27+s24+$0x0], $0xffff  }
0x2d7: {  	v28 =	vor.u32 v7, v14;
	_ =	sdelay $0x3  }
0x2d8: {  	[tilespmem:$0x1C490] =	vst v13  }
0x2d9: {  	v13 =	vld.idx.msk [tilespmem:v28+s24+$0x0], $0xffff  }
0x2da: {  	v14 =	vor.u32 v8, v14  }
0x2db: {  	v29 =	vbroadcast v12, $0xA;
	_ =	sdelay $0x1  }
0x2dc: {  	v30 =	vshll.u32 v29, $0x3  }
0x2dd: {  	v32 =	vand.u32 $0x7FFFFC00, v30;
	v31 =	vand.u32 $0x7F, v29;
	[tilespmem:$0x1C4A0] =	vst v13  }
0x2de: {  	v13 =	vor.u32 v31, v32;
	v14 =	vld.idx.msk [tilespmem:v14+s24+$0x0], $0xffff  }
0x2df: {  	v15 =	vor.u32 v5, v13;
	_ =	sdelay $0x3  }
0x2e0: {  	[tilespmem:$0x1C4B0] =	vst v14  }
0x2e1: {  	v14 =	vld.idx.msk [tilespmem:v15+s24+$0x0], $0xffff  }
0x2e2: {  	v33 =	vor.u32 v6, v13;
	_ =	sdelay $0x3  }
0x2e3: {  	[tilespmem:$0x1C500] =	vst v14  }
0x2e4: {  	v14 =	vld.idx.msk [tilespmem:v33+s24+$0x0], $0xffff  }
0x2e5: {  	v34 =	vor.u32 v7, v13;
	_ =	sdelay $0x3  }
0x2e6: {  	[tilespmem:$0x1C510] =	vst v14  }
0x2e7: {  	v14 =	vld.idx.msk [tilespmem:v34+s24+$0x0], $0xffff  }
0x2e8: {  	v13 =	vor.u32 v8, v13  }
0x2e9: {  	v35 =	vbroadcast v12, $0xB;
	_ =	sdelay $0x1  }
0x2ea: {  	v36 =	vshll.u32 v35, $0x3  }
0x2eb: {  	v38 =	vand.u32 $0x7FFFFC00, v36;
	v37 =	vand.u32 $0x7F, v35;
	[tilespmem:$0x1C520] =	vst v14  }
0x2ec: {  	v14 =	vor.u32 v37, v38;
	v13 =	vld.idx.msk [tilespmem:v13+s24+$0x0], $0xffff  }
0x2ed: {  	v15 =	vor.u32 v5, v14;
	_ =	sdelay $0x3  }
0x2ee: {  	[tilespmem:$0x1C530] =	vst v13  }
0x2ef: {  	v13 =	vld.idx.msk [tilespmem:v15+s24+$0x0], $0xffff  }
0x2f0: {  	v39 =	vor.u32 v6, v14;
	_ =	sdelay $0x3  }
0x2f1: {  	[tilespmem:$0x1C580] =	vst v13  }
0x2f2: {  	v13 =	vld.idx.msk [tilespmem:v39+s24+$0x0], $0xffff  }
0x2f3: {  	v40 =	vor.u32 v7, v14;
	_ =	sdelay $0x3  }
0x2f4: {  	[tilespmem:$0x1C590] =	vst v13  }
0x2f5: {  	v13 =	vld.idx.msk [tilespmem:v40+s24+$0x0], $0xffff  }
0x2f6: {  	v14 =	vor.u32 v8, v14  }
0x2f7: {  	v41 =	vbroadcast v12, $0xC;
	_ =	sdelay $0x1  }
0x2f8: {  	v42 =	vshll.u32 v41, $0x3  }
0x2f9: {  	v44 =	vand.u32 $0x7FFFFC00, v42;
	v43 =	vand.u32 $0x7F, v41;
	[tilespmem:$0x1C5A0] =	vst v13  }
0x2fa: {  	v13 =	vor.u32 v43, v44;
	v14 =	vld.idx.msk [tilespmem:v14+s24+$0x0], $0xffff  }
0x2fb: {  	v15 =	vor.u32 v5, v13;
	_ =	sdelay $0x3  }
0x2fc: {  	[tilespmem:$0x1C5B0] =	vst v14  }
0x2fd: {  	v14 =	vld.idx.msk [tilespmem:v15+s24+$0x0], $0xffff  }
0x2fe: {  	v45 =	vor.u32 v6, v13;
	_ =	sdelay $0x3  }
0x2ff: {  	[tilespmem:$0x1C600] =	vst v14  }
0x300: {  	v14 =	vld.idx.msk [tilespmem:v45+s24+$0x0], $0xffff  }
0x301: {  	v46 =	vor.u32 v7, v13;
	_ =	sdelay $0x3  }
0x302: {  	[tilespmem:$0x1C610] =	vst v14  }
0x303: {  	v14 =	vld.idx.msk [tilespmem:v46+s24+$0x0], $0xffff  }
0x304: {  	v13 =	vor.u32 v8, v13  }
0x305: {  	v47 =	vbroadcast v12, $0xD;
	_ =	sdelay $0x1  }
0x306: {  	v48 =	vshll.u32 v47, $0x3  }
0x307: {  	v50 =	vand.u32 $0x7FFFFC00, v48;
	v49 =	vand.u32 $0x7F, v47;
	[tilespmem:$0x1C620] =	vst v14  }
0x308: {  	v14 =	vor.u32 v49, v50;
	v13 =	vld.idx.msk [tilespmem:v13+s24+$0x0], $0xffff  }
0x309: {  	v15 =	vor.u32 v5, v14;
	_ =	sdelay $0x3  }
0x30a: {  	[tilespmem:$0x1C630] =	vst v13  }
0x30b: {  	v13 =	vld.idx.msk [tilespmem:v15+s24+$0x0], $0xffff  }
0x30c: {  	v51 =	vor.u32 v6, v14;
	_ =	sdelay $0x3  }
0x30d: {  	[tilespmem:$0x1C680] =	vst v13  }
0x30e: {  	v13 =	vld.idx.msk [tilespmem:v51+s24+$0x0], $0xffff  }
0x30f: {  	v52 =	vor.u32 v7, v14;
	_ =	sdelay $0x3  }
0x310: {  	[tilespmem:$0x1C690] =	vst v13  }
0x311: {  	v13 =	vld.idx.msk [tilespmem:v52+s24+$0x0], $0xffff  }
0x312: {  	v14 =	vor.u32 v8, v14  }
0x313: {  	v53 =	vbroadcast v12, $0xE;
	_ =	sdelay $0x1  }
0x314: {  	v54 =	vshll.u32 v53, $0x3  }
0x315: {  	v56 =	vand.u32 $0x7FFFFC00, v54;
	v55 =	vand.u32 $0x7F, v53;
	[tilespmem:$0x1C6A0] =	vst v13  }
0x316: {  	v13 =	vor.u32 v55, v56;
	v14 =	vld.idx.msk [tilespmem:v14+s24+$0x0], $0xffff  }
0x317: {  	v15 =	vor.u32 v5, v13;
	_ =	sdelay $0x3  }
0x318: {  	[tilespmem:$0x1C6B0] =	vst v14  }
0x319: {  	v14 =	vld.idx.msk [tilespmem:v15+s24+$0x0], $0xffff  }
0x31a: {  	v57 =	vor.u32 v6, v13;
	_ =	sdelay $0x3  }
0x31b: {  	[tilespmem:$0x1C700] =	vst v14  }
0x31c: {  	v14 =	vld.idx.msk [tilespmem:v57+s24+$0x0], $0xffff  }
0x31d: {  	v58 =	vor.u32 v7, v13;
	_ =	sdelay $0x3  }
0x31e: {  	[tilespmem:$0x1C710] =	vst v14  }
0x31f: {  	v14 =	vld.idx.msk [tilespmem:v58+s24+$0x0], $0xffff  }
0x320: {  	v13 =	vor.u32 v8, v13  }
0x321: {  	v12 =	vbroadcast v12, $0xF;
	_ =	sdelay $0x1  }
0x322: {  	v59 =	vshll.u32 v12, $0x3  }
0x323: {  	v12 =	vand.u32 $0x7F, v12;
	v60 =	vand.u32 $0x7FFFFC00, v59;
	[tilespmem:$0x1C720] =	vst v14  }
0x324: {  	v12 =	vor.u32 v12, v60;
	v13 =	vld.idx.msk [tilespmem:v13+s24+$0x0], $0xffff  }
0x325: {  	v14 =	vor.u32 v5, v12;
	_ =	sdelay $0x3  }
0x326: {  	[tilespmem:$0x1C730] =	vst v13  }
0x327: {  	v13 =	vld.idx.msk [tilespmem:v14+s24+$0x0], $0xffff  }
0x328: {  	v61 =	vor.u32 v6, v12;
	_ =	sdelay $0x3  }
0x329: {  	[tilespmem:$0x1C780] =	vst v13  }
0x32a: {  	v13 =	vld.idx.msk [tilespmem:v61+s24+$0x0], $0xffff  }
0x32b: {  	v62 =	vor.u32 v7, v12;
	_ =	sdelay $0x3  }
0x32c: {  	[tilespmem:$0x1C790] =	vst v13  }
0x32d: {  	v13 =	vld.idx.msk [tilespmem:v62+s24+$0x0], $0xffff  }
0x32e: {  	v12 =	vor.u32 v8, v12;
	_ =	sdelay $0x3  }
0x32f: {  	v63 =	vmov s11;
	[tilespmem:$0x1C7A0] =	vst v13  }
0x330: {  	s21 =	sadd.s32 $0xFFFFFFFF, s21;
	vm2 =	vgt.s32 v63, v4;
	v12 =	vld.idx.msk [tilespmem:v12+s24+$0x0], $0xffff  }
0x331: {  	p2 =	sne.s32 s21, $0x0;
	v11 =	vsel vm2, v11, v2  }
.Ltmp17:
0x332: {  	_ = 	snop;
	(pc) =	sbr.rel @p2 .LBB2_25-.Ltmp17, $3  }
0x333: {  	_ =	sdelay $0x1  }
0x334: {  	s20 =	sadd.s32 $0x1, s20;
	s6 =	sadd.s32 $0x10, s6;
	s11 =	sadd.s32 $0xFFFFFFF0, s11;
	[tilespmem:$0x1C7B0] =	vst v12  }
0x335: {  	[hbm4b:s8+s7] =	stream.indirect_vreg.scatter [tilespmem:s28], [sflag:$0x2], $0x80, v11, vm1, $0xb8;
	[tilespmem:$0x1C800] =	vst v63  }
.Ltmp18:
0x336: {  	_ = 	snop;
	(pc) =	sbr.rel .LBB2_26-.Ltmp18, $1  }
0x337: {  	_ =	sdelay $0x3  }
.LBB2_6:
.Ltmp19:
0x338: {  	(pc) =	sbr.rel .LBB2_10-.Ltmp19, $2  }
0x339: {  	_ =	sdelay $0x2  }
0x33a: {  	s12 =	smov.u32 s30;
	s11 =	simm.s32 $0x0;
	s10 =	simm.s32 $0x0  }
.LBB2_18:
.Ltmp20:
0x33b: {  	(pc) =	sbr.rel .LBB2_22-.Ltmp20, $2  }
0x33c: {  	_ =	sdelay $0x2  }
0x33d: {  	s21 =	smov.u32 s30;
	s12 =	simm.s32 $0x0;
	s11 =	simm.s32 $0x0  }
.LBB2_8:
.Ltmp21:
0x33e: {  	(pc) =	sbr.rel .LBB2_10-.Ltmp21, $2  }
0x33f: {  	_ =	sdelay $0x2  }
0x340: {  	s12 =	smov.u32 s30;
	s11 =	simm.s32 $0x0;
	s10 =	simm.s32 $0x0  }
.LBB2_20:
.Ltmp22:
0x341: {  	(pc) =	sbr.rel .LBB2_22-.Ltmp22, $2  }
0x342: {  	_ =	sdelay $0x2  }
0x343: {  	s21 =	smov.u32 s30;
	s12 =	simm.s32 $0x0;
	s11 =	simm.s32 $0x0  }
.LBB2_28:
0x344: {  	_ =	sfence.sel $0x180000  }
0x345: {  	[bflag:$0x0] =	sbarrier.arrive $0xFFFF  }
0x346: {  	_ =	strace $0x90000047  }
0x347: {  	s0 =	stileid.u32;
	[bflag:$0x2] =	sbarrier.arrive $0xFFFF  }
0x348: {  	p0 =	sne.s32 s0, $0x0;
	s0 =	rddreg [dreg:$0x4]  }
0x349: {  	s0 =	sadd.s32 @!p0 $0x100000, s0  }
0x34a: {  	[sflag:s0] =	ssyncadd.tile.s32 @!p0 $0x1;
	_ =	shalt  }
.Lfunc_end2:
_tile_overlayer_lowered:
.L_overlay_start_2:
0x34b: {  	(tag) =	ssettag $0x2  }
0x34c: {  	s0 =	rddreg [dreg:$0x0];
	s2 =	stileid.u32  }
0x34d: {  	s1 =	rddreg [dreg:$0x1];
	p0 =	sne.s32 s2, $0x0  }
0x34e: {  	s3 =	rddreg [dreg:$0x2];
	[bflag:$0x3] =	sbarrier.arrive $0xFFFF;
	s2 =	simm.s32 @!p0 $0x1C03  }
0x34f: {  	[timem:s3], [sflag:s2] =	dma.local @!p0 [hbm:s0], s1  }
0x350: {  	s0 =	simm.s32 @!p0 $0x3  }
0x351: {  	_ =	swait.ge @!p0 [sflag:s0], s1  }
0x352: {  	s1 =	ssub.s32 @!p0 $0x0, s1;
	[sflag:s0] =	ssyncset.done @!p0 $0x0  }
0x353: {  	[sflag:s0] =	ssyncadd.s32 @!p0 s1  }
0x354: {  	[bflag:$0x3] =	sbarrier.arrive $0xFFFF  }
0x355: {  	_ =	shalt  }

</sc_bundles>
